<compile_context>
chip_gen: v7x
topology: tpu7x:2x2x1
jax: 0.10.2.dev20260603
libtpu: 0.0.44.dev20260713+nightly
codegen_flags: <defaults>
</compile_context>

<pallas_src>
import functools

import jax
import jax.numpy as jnp
from jax import lax
from jax.experimental import pallas as pl
from jax.experimental.pallas import tpu as pltpu
from jax.experimental.pallas import tpu_sc as plsc

B = 4096
F = 26
V = 100000
E = 16
VID = 128
L = 50
D1, D2 = 32, 32

PK = 12544
S2 = PK * 8
N2ROWS = F * S2
T1R = F * V // E

NC, NS = 2, 16
NW = NC * NS
SPW = B // NW
CH = 64
G2 = CH * F // 128
GT = CH * L // 128
N2C = CH * F
NTC = CH * L


@functools.lru_cache(maxsize=None)
def _make_sc_gather():
    mesh = plsc.VectorSubcoreMesh(
        core_axis_name="c", subcore_axis_name="s",
        num_cores=NC, num_subcores=NS)

    @functools.partial(
        pl.kernel,
        out_type=(
            jax.ShapeDtypeStruct((B * F, E), jnp.float32),
            jax.ShapeDtypeStruct((B * L, E), jnp.float32),
            jax.ShapeDtypeStruct((B * F, E), jnp.float32),
        ),
        mesh=mesh,
        compiler_params=pltpu.CompilerParams(use_tc_tiling_on_sc=False),
        scratch_types=(
            pltpu.VMEM((N2C,), jnp.int32),
            pltpu.VMEM((N2C,), jnp.int32),
            pltpu.VMEM((NTC,), jnp.int32),
            pltpu.VMEM((N2C, E), jnp.float32),
            pltpu.VMEM((NTC, E), jnp.float32),
            pltpu.VMEM((N2C, E), jnp.float32),
            pltpu.SemaphoreType.DMA,
        ),
    )
    def _sc_gather(idx2_hbm, idx1_hbm, tidx_hbm, t2_hbm, t1_hbm, tt_hbm,
                   out2_hbm, outt_hbm, out1_hbm,
                   idx2_v, idx1_v, tidx_v, rows2_v, trows_v, rows1_v, sem):
        wid = lax.axis_index("s") * NC + lax.axis_index("c")
        for ch in range(SPW // CH):
            s0 = wid * SPW + ch * CH
            pltpu.sync_copy(idx2_hbm.at[pl.ds(s0 * F, N2C)], idx2_v)
            pltpu.sync_copy(idx1_hbm.at[pl.ds(s0 * F, N2C)], idx1_v)
            pltpu.sync_copy(tidx_hbm.at[pl.ds(s0 * L, NTC)], tidx_v)
            copies = []
            for g in range(G2):
                copies.append(pltpu.async_copy(
                    t2_hbm.at[idx2_v.at[pl.ds(g * 128, 128)]],
                    rows2_v.at[pl.ds(g * 128, 128)], sem))
            for g in range(GT):
                copies.append(pltpu.async_copy(
                    tt_hbm.at[tidx_v.at[pl.ds(g * 128, 128)]],
                    trows_v.at[pl.ds(g * 128, 128)], sem))
            for g in range(G2):
                copies.append(pltpu.async_copy(
                    t1_hbm.at[idx1_v.at[pl.ds(g * 128, 128)]],
                    rows1_v.at[pl.ds(g * 128, 128)], sem))
            for c in copies:
                c.wait()
            pltpu.sync_copy(rows2_v, out2_hbm.at[pl.ds(s0 * F, N2C)])
            pltpu.sync_copy(trows_v, outt_hbm.at[pl.ds(s0 * L, NTC)])
            pltpu.sync_copy(rows1_v, out1_hbm.at[pl.ds(s0 * F, N2C)])

    return _sc_gather


_CW = 896


def _pack_store(load_cols, store_rows):
    for c in range(PK // _CW):
        r0 = _CW * c
        pieces = []
        for t in range(8):
            c0 = PK * t + r0
            if c0 + _CW <= V:
                pieces.append(load_cols(c0, _CW))
            elif c0 >= V:
                pieces.append(jnp.zeros((E, _CW), jnp.float32))
            else:
                valid = V - c0
                pieces.append(jnp.concatenate(
                    [load_cols(c0, valid),
                     jnp.zeros((E, _CW - valid), jnp.float32)], axis=1))
        xs = jnp.concatenate(pieces, axis=0)
        store_rows(r0, _CW, jnp.swapaxes(xs, 0, 1))


def _relayout2_body(in_ref, out_ref):
    _pack_store(lambda c0, nc: in_ref[0, :, pl.ds(c0, nc)],
                lambda r0, nr, v: out_ref.__setitem__(
                    (pl.ds(r0, nr), slice(None)), v))


def _relayout_t_body(in_ref, out_ref):
    _pack_store(lambda c0, nc: in_ref[:, pl.ds(c0, nc)],
                lambda r0, nr, v: out_ref.__setitem__(
                    (pl.ds(r0, nr), slice(None)), v))


def _relayout_tables(t2T, ttT):
    t2p = pl.pallas_call(
        _relayout2_body,
        grid=(F,),
        in_specs=[pl.BlockSpec((1, E, V), lambda i: (i, 0, 0))],
        out_specs=pl.BlockSpec((PK, 128), lambda i: (i, 0)),
        out_shape=jax.ShapeDtypeStruct((F * PK, 128), jnp.float32),
    )(t2T)
    ttp = pl.pallas_call(
        _relayout_t_body,
        grid=(1,),
        in_specs=[pl.BlockSpec((E, V), lambda j: (0, 0))],
        out_specs=pl.BlockSpec((PK, 128), lambda j: (0, 0)),
        out_shape=jax.ShapeDtypeStruct((PK, 128), jnp.float32),
    )(ttT)
    return t2p, ttp


BB = 512


def _tc_body(sec_ref, title_ref, first_ref, xim_ref, xv_ref, tv_ref, vid_ref,
             vWT_ref, vb_ref, W1aT_ref, W1bT_ref, W1cT_ref, b1_ref,
             W2T_ref, b2_ref, R26_ref, S26_ref, R50_ref, S50_ref, iota_ref,
             bias_ref, out_ref):
    hi = lax.Precision.HIGHEST
    f32 = jnp.float32
    xv = xv_ref[...]
    xvE = jnp.dot(xv, R26_ref[...], precision=hi, preferred_element_type=f32)
    ximE = jnp.dot(xim_ref[...], R26_ref[...], precision=hi,
                   preferred_element_type=f32)
    sel = jnp.where(ximE == iota_ref[...], first_ref[...], 0.0)
    fm1 = jnp.sum(sel * xvE, axis=1)
    sec = sec_ref[...] * xvE
    tvE = jnp.dot(tv_ref[...], R50_ref[...], precision=hi,
                  preferred_element_type=f32)
    temb = jnp.dot(title_ref[...] * tvE, S50_ref[...], precision=hi,
                   preferred_element_type=f32)
    vemb = jnp.dot(vid_ref[...], vWT_ref[...], precision=hi,
                   preferred_element_type=f32) + vb_ref[...]
    se = jnp.dot(sec, S26_ref[...], precision=hi,
                 preferred_element_type=f32) + temb + vemb
    sq = jnp.dot(sec * sec, S26_ref[...], precision=hi,
                 preferred_element_type=f32) + temb * temb + vemb * vemb
    fm2 = 0.5 * jnp.sum(se * se - sq, axis=1)
    x = jnp.dot(sec, W1aT_ref[...], precision=hi, preferred_element_type=f32)
    x = x + jnp.dot(temb, W1bT_ref[...], precision=hi,
                    preferred_element_type=f32)
    x = x + jnp.dot(vemb, W1cT_ref[...], precision=hi,
                    preferred_element_type=f32)
    x = jnp.maximum(x + b1_ref[...], 0.0)
    x = jnp.maximum(jnp.dot(x, W2T_ref[...], precision=hi,
                            preferred_element_type=f32) + b2_ref[...], 0.0)
    out_ref[...] = fm1 + fm2 + jnp.sum(x, axis=1) + bias_ref[0, 0]


def _row_spec(w):
    return pl.BlockSpec((BB, w), lambda i: (i, 0))


def _full_spec(h, w):
    return pl.BlockSpec((h, w), lambda i: (0, 0))


def kernel(Xi, Xv, video_feature, title_feature, title_value,
           fm_first_tables, fm_second_tables, title_table,
           video_W, video_b, W1, b1, W2, b2, bias):
    f32 = jnp.float32
    Xi32 = Xi[:, :, 0].astype(jnp.int32)
    pack16 = (Xi32 % PK) * 8 + Xi32 // PK
    offs2 = jnp.arange(F, dtype=jnp.int32)[None, :] * S2
    idx2 = (pack16 + offs2).reshape(B * F)
    offs1 = jnp.arange(F, dtype=jnp.int32)[None, :] * (V // E)
    idx1 = ((Xi32 >> 4) + offs1).reshape(B * F)
    xim = (Xi32 & 15).astype(f32)
    t32 = title_feature.astype(jnp.int32)
    tidx = ((t32 % PK) * 8 + t32 // PK).reshape(B * L)
    t2T = jnp.transpose(fm_second_tables, (0, 2, 1))
    ttT = jnp.transpose(title_table, (1, 0))
    t2p, ttp = _relayout_tables(t2T, ttT)
    t2 = t2p.reshape(N2ROWS, E)
    tt = ttp.reshape(S2, E)
    t1 = fm_first_tables.reshape(T1R, E)

    sec_raw, title_raw, first_raw = _make_sc_gather()(
        idx2, idx1, tidx, t2, t1, tt)
    sec_raw = sec_raw.reshape(B, F * E)
    title_raw = title_raw.reshape(B, L * E)
    first_raw = first_raw.reshape(B, F * E)

    eyeE = jnp.eye(E, dtype=f32)
    R26 = jnp.repeat(jnp.eye(F, dtype=f32), E, axis=1)
    S26 = jnp.tile(eyeE, (F, 1))
    R50 = jnp.repeat(jnp.eye(L, dtype=f32), E, axis=1)
    S50 = jnp.tile(eyeE, (L, 1))
    iota416 = jnp.tile(jnp.arange(E, dtype=f32), F)[None, :]
    W1aT = W1[:, :F * E].T
    W1bT = W1[:, F * E:(F + 1) * E].T
    W1cT = W1[:, (F + 1) * E:].T

    out = pl.pallas_call(
        _tc_body,
        grid=(B // BB,),
        in_specs=[
            _row_spec(F * E), _row_spec(L * E), _row_spec(F * E),
            _row_spec(F), _row_spec(F), _row_spec(L), _row_spec(VID),
            _full_spec(VID, E), _full_spec(1, E),
            _full_spec(F * E, D1), _full_spec(E, D1), _full_spec(E, D1),
            _full_spec(1, D1), _full_spec(D1, D2), _full_spec(1, D2),
            _full_spec(F, F * E), _full_spec(F * E, E),
            _full_spec(L, L * E), _full_spec(L * E, E),
            _full_spec(1, F * E), _full_spec(1, 1),
        ],
        out_specs=pl.BlockSpec((BB,), lambda i: (i,)),
        out_shape=jax.ShapeDtypeStruct((B,), f32),
    )(sec_raw, title_raw, first_raw, xim, Xv, title_value, video_feature,
      video_W.T, video_b[None, :], W1aT, W1bT, W1cT, b1[None, :],
      W2.T, b2[None, :], R26, S26, R50, S50, iota416, bias[None, :])
    return out

# --- scband reference (transcript-rebuilt; emitter-appended) ---
"""Pipeline reference for scband-deep-fm-45208825757783 (READ-ONLY COPY).

The authoritative reference and input builder live on the scoring server;
editing this copy changes nothing except your own understanding.
"""

import jax, jax.numpy as jnp
import numpy as np

B = 4096
F = 26
V = 100000
E = 16
VID = 128
L = 50
D1, D2 = 32, 32
DEEP_IN = (F + 2) * E


def setup_inputs(seed: int = 0) -> dict:
    key = jax.random.key(seed)
    ks = jax.random.split(key, 16)
    Xi = jax.random.randint(ks[0], (B, F, 1), 0, V)
    Xv = jax.random.uniform(ks[1], (B, F), dtype=jnp.float32)
    video_feature = jax.random.normal(ks[2], (B, VID), dtype=jnp.float32)
    title_feature = jax.random.randint(ks[3], (B, L), 0, V)
    title_value = jax.random.uniform(ks[4], (B, L), dtype=jnp.float32)
    # learned parameters
    fm_first_tables = jax.random.normal(ks[5], (F, V, 1), dtype=jnp.float32) * 0.01
    fm_second_tables = jax.random.normal(ks[6], (F, V, E), dtype=jnp.float32) * 0.01
    title_table = jax.random.normal(ks[7], (V, E), dtype=jnp.float32) * 0.01
    video_W = jax.random.normal(ks[8], (E, VID), dtype=jnp.float32) * (1.0 / np.sqrt(VID))
    video_b = jnp.zeros((E,), dtype=jnp.float32)
    W1 = jax.random.normal(ks[9], (D1, DEEP_IN), dtype=jnp.float32) * (1.0 / np.sqrt(DEEP_IN))
    b1 = jnp.zeros((D1,), dtype=jnp.float32)
    W2 = jax.random.normal(ks[10], (D2, D1), dtype=jnp.float32) * (1.0 / np.sqrt(D1))
    b2 = jnp.zeros((D2,), dtype=jnp.float32)
    bias = jax.random.normal(ks[11], (1,), dtype=jnp.float32)
    return {"Xi": Xi, "Xv": Xv, "video_feature": video_feature,
            "title_feature": title_feature, "title_value": title_value,
            "fm_first_tables": fm_first_tables, "fm_second_tables": fm_second_tables,
            "title_table": title_table, "video_W": video_W, "video_b": video_b,
            "W1": W1, "b1": b1, "W2": W2, "b2": b2, "bias": bias}


def reference(Xi, Xv, video_feature, title_feature, title_value,
              fm_first_tables, fm_second_tables, title_table,
              video_W, video_b, W1, b1, W2, b2, bias):
    # fm first order: per-field 1-dim embedding lookup, weighted by Xv
    first = []
    for i in range(F):
        e = fm_first_tables[i][Xi[:, i, :]]        # B x 1 x 1 (gather)
        first.append(jnp.sum(e, axis=1) * Xv[:, i:i + 1])  # B x 1
    fm_first_order = jnp.concatenate(first, axis=1)  # B x F
    # fm second order embeddings per field
    second = []
    for i in range(F):
        e = fm_second_tables[i][Xi[:, i, :]]       # B x 1 x E (gather)
        second.append(jnp.sum(e, axis=1) * Xv[:, i:i + 1])  # B x E
    # title: weighted bag-of-words embedding
    title_emb = jnp.sum(title_table[title_feature] * title_value[:, :, None], axis=1)  # B x E
    # video: dense projection
    video_emb = video_feature @ video_W.T + video_b  # B x E
    second.append(title_emb)
    second.append(video_emb)
    # 2xy = (x+y)^2 - x^2 - y^2 trick
    sum_emb = second[0]
    for e in second[1:]:
        sum_emb = sum_emb + e
    sum_emb_square = sum_emb * sum_emb
    square_sum = second[0] * second[0]
    for e in second[1:]:
        square_sum = square_sum + e * e
    fm_second_order = (sum_emb_square - square_sum) * 0.5  # B x E
    # deep part
    deep_emb = jnp.concatenate(second, axis=1)  # B x (F+2)*E
    x = jax.nn.relu(deep_emb @ W1.T + b1)
    x = jax.nn.relu(x @ W2.T + b2)
    total_sum = jnp.sum(fm_first_order, axis=1) + jnp.sum(fm_second_order, axis=1) + jnp.sum(x, axis=1) + bias[0]
    return total_sum

if __name__ == "__main__":
    import jax
    _d = setup_inputs()
    print(jax.jit(kernel)(*tuple(_d.values())))

</pallas_src>

<mosaic_0001>
#map = affine_map<(d0, d1) -> (0)>
#map1 = affine_map<(d0, d1) -> (0, 0)>
module attributes {stable_mosaic.version = 14 : i64} {
  func.func @_sc_gather(%arg0: i32, %arg1: i32, %arg2: memref<106496xi32, #tpu.memory_space<hbm>>, %arg3: memref<106496xi32, #tpu.memory_space<hbm>>, %arg4: memref<204800xi32, #tpu.memory_space<hbm>>, %arg5: memref<2609152x16xf32, #tpu.memory_space<hbm>>, %arg6: memref<162500x16xf32, #tpu.memory_space<hbm>>, %arg7: memref<100352x16xf32, #tpu.memory_space<hbm>>, %arg8: memref<106496x16xf32, #tpu.memory_space<hbm>>, %arg9: memref<204800x16xf32, #tpu.memory_space<hbm>>, %arg10: memref<106496x16xf32, #tpu.memory_space<hbm>>, %arg11: memref<1664xi32, #tpu.memory_space<vmem>>, %arg12: memref<1664xi32, #tpu.memory_space<vmem>>, %arg13: memref<3200xi32, #tpu.memory_space<vmem>>, %arg14: memref<1664x16xf32, #tpu.memory_space<vmem>>, %arg15: memref<3200x16xf32, #tpu.memory_space<vmem>>, %arg16: memref<1664x16xf32, #tpu.memory_space<vmem>>, %arg17: memref<!tpu.dma_semaphore, #tpu.memory_space<semaphore_mem>>) attributes {dimension_semantics = [#tpu.dimension_semantics<core_parallel>, #tpu.dimension_semantics<subcore_parallel>], iteration_bounds = array<i64: 2, 16>, scalar_prefetch = 0 : i64, scratch_operands = 7 : i64, tpu.core_type = #tpu.core_type<sc_vector_subcore>, window_params = [{transform_indices = #map}, {transform_indices = #map}, {transform_indices = #map}, {transform_indices = #map1}, {transform_indices = #map1}, {transform_indices = #map1}, {transform_indices = #map1}, {transform_indices = #map1}, {transform_indices = #map1}]} {
    %mul3A = arith.constant 2 : i32
    %mul3A_0 = arith.muli %arg1, %mul3A : i32
    %add3A = arith.addi %mul3A_0, %arg0 : i32
    %mul3A_1 = arith.constant 128 : i32
    %mul3A_2 = arith.muli %add3A, %mul3A_1 : i32
    %add3A_3 = arith.constant 0 : i32
    %add3A_4 = arith.addi %mul3A_2, %add3A_3 : i32
    %mul3A_5 = arith.constant 26 : i32
    %mul3A_6 = arith.muli %add3A_4, %mul3A_5 : i32
    "tpu.region"() ({
      %run_scoped3A = tpu.sem_alloc : memref<!tpu.dma_semaphore, #tpu.memory_space<semaphore_mem>>
      %dma_start3A_1663 = tpu.memref_slice %arg2[%mul3A_6] : memref<106496xi32, #tpu.memory_space<hbm>> -> memref<1664xi32, #tpu.memory_space<hbm>>
      %dma_start3A_1664 = tpu.memref_slice %arg2[%mul3A_6] : memref<106496xi32, #tpu.memory_space<hbm>> -> memref<1664xi32, #tpu.memory_space<hbm>>
      tpu.enqueue_dma source(%dma_start3A_1664 : memref<1664xi32, #tpu.memory_space<hbm>>) target(%arg11 : memref<1664xi32, #tpu.memory_space<vmem>>) target_semaphore(%run_scoped3A : memref<!tpu.dma_semaphore, #tpu.memory_space<semaphore_mem>>)
      %dma_wait3A_1665 = tpu.memref_slice %arg2[%mul3A_6] : memref<106496xi32, #tpu.memory_space<hbm>> -> memref<1664xi32, #tpu.memory_space<hbm>>
      %dma_wait3A_1666 = tpu.memref_slice %arg2[%mul3A_6] : memref<106496xi32, #tpu.memory_space<hbm>> -> memref<1664xi32, #tpu.memory_space<hbm>>
      tpu.wait_dma2 semaphore(%run_scoped3A : memref<!tpu.dma_semaphore, #tpu.memory_space<semaphore_mem>>) src(%dma_wait3A_1666 : memref<1664xi32, #tpu.memory_space<hbm>>) dst(%arg11 : memref<1664xi32, #tpu.memory_space<vmem>>)
      tpu.yield
    }) : () -> ()
    %mul3A_7 = arith.constant 26 : i32
    %mul3A_8 = arith.muli %add3A_4, %mul3A_7 : i32
    "tpu.region"() ({
      %run_scoped3A = tpu.sem_alloc : memref<!tpu.dma_semaphore, #tpu.memory_space<semaphore_mem>>
      %dma_start3A_1663 = tpu.memref_slice %arg3[%mul3A_8] : memref<106496xi32, #tpu.memory_space<hbm>> -> memref<1664xi32, #tpu.memory_space<hbm>>
      %dma_start3A_1664 = tpu.memref_slice %arg3[%mul3A_8] : memref<106496xi32, #tpu.memory_space<hbm>> -> memref<1664xi32, #tpu.memory_space<hbm>>
      tpu.enqueue_dma source(%dma_start3A_1664 : memref<1664xi32, #tpu.memory_space<hbm>>) target(%arg12 : memref<1664xi32, #tpu.memory_space<vmem>>) target_semaphore(%run_scoped3A : memref<!tpu.dma_semaphore, #tpu.memory_space<semaphore_mem>>)
      %dma_wait3A_1665 = tpu.memref_slice %arg3[%mul3A_8] : memref<106496xi32, #tpu.memory_space<hbm>> -> memref<1664xi32, #tpu.memory_space<hbm>>
      %dma_wait3A_1666 = tpu.memref_slice %arg3[%mul3A_8] : memref<106496xi32, #tpu.memory_space<hbm>> -> memref<1664xi32, #tpu.memory_space<hbm>>
      tpu.wait_dma2 semaphore(%run_scoped3A : memref<!tpu.dma_semaphore, #tpu.memory_space<semaphore_mem>>) src(%dma_wait3A_1666 : memref<1664xi32, #tpu.memory_space<hbm>>) dst(%arg12 : memref<1664xi32, #tpu.memory_space<vmem>>)
      tpu.yield
    }) : () -> ()
    %mul3A_9 = arith.constant 50 : i32
    %mul3A_10 = arith.muli %add3A_4, %mul3A_9 : i32
    "tpu.region"() ({
      %run_scoped3A = tpu.sem_alloc : memref<!tpu.dma_semaphore, #tpu.memory_space<semaphore_mem>>
      %dma_start3A_1663 = tpu.memref_slice %arg4[%mul3A_10] : memref<204800xi32, #tpu.memory_space<hbm>> -> memref<3200xi32, #tpu.memory_space<hbm>>
      %dma_start3A_1664 = tpu.memref_slice %arg4[%mul3A_10] : memref<204800xi32, #tpu.memory_space<hbm>> -> memref<3200xi32, #tpu.memory_space<hbm>>
      tpu.enqueue_dma source(%dma_start3A_1664 : memref<3200xi32, #tpu.memory_space<hbm>>) target(%arg13 : memref<3200xi32, #tpu.memory_space<vmem>>) target_semaphore(%run_scoped3A : memref<!tpu.dma_semaphore, #tpu.memory_space<semaphore_mem>>)
      %dma_wait3A_1665 = tpu.memref_slice %arg4[%mul3A_10] : memref<204800xi32, #tpu.memory_space<hbm>> -> memref<3200xi32, #tpu.memory_space<hbm>>
      %dma_wait3A_1666 = tpu.memref_slice %arg4[%mul3A_10] : memref<204800xi32, #tpu.memory_space<hbm>> -> memref<3200xi32, #tpu.memory_space<hbm>>
      tpu.wait_dma2 semaphore(%run_scoped3A : memref<!tpu.dma_semaphore, #tpu.memory_space<semaphore_mem>>) src(%dma_wait3A_1666 : memref<3200xi32, #tpu.memory_space<hbm>>) dst(%arg13 : memref<3200xi32, #tpu.memory_space<vmem>>)
      tpu.yield
    }) : () -> ()
    %dma_start3A = arith.constant 0 : i32
    %dma_start3A_11 = arith.constant 0 : i32
    %dma_start3A_12 = tpu.memref_slice %arg14[%dma_start3A, %dma_start3A_11] : memref<1664x16xf32, #tpu.memory_space<vmem>> -> memref<128x16xf32, #tpu.memory_space<vmem>>
    %dma_start3A_13 = arith.constant 0 : i32
    %dma_start3A_14 = tpu.memref_slice %arg11[%dma_start3A_13] : memref<1664xi32, #tpu.memory_space<vmem>> -> memref<128xi32, #tpu.memory_space<vmem>>
    %dma_start3A_15 = arith.constant 0 : i32
    %dma_start3A_16 = arith.constant 0 : i32
    %dma_start3A_17 = tpu.memref_slice %arg5[%dma_start3A_15, %dma_start3A_16] : memref<2609152x16xf32, #tpu.memory_space<hbm>> -> memref<2609152x16xf32, #tpu.memory_space<hbm>>
    tpu.enqueue_indirect_dma source(%dma_start3A_17 : memref<2609152x16xf32, #tpu.memory_space<hbm>>) target(%dma_start3A_12 : memref<128x16xf32, #tpu.memory_space<vmem>>) offsets(%dma_start3A_14 : memref<128xi32, #tpu.memory_space<vmem>>) semaphore(%arg17 : memref<!tpu.dma_semaphore, #tpu.memory_space<semaphore_mem>>)
    %dma_start3A_18 = arith.constant 128 : i32
    %dma_start3A_19 = arith.constant 0 : i32
    %dma_start3A_20 = tpu.memref_slice %arg14[%dma_start3A_18, %dma_start3A_19] : memref<1664x16xf32, #tpu.memory_space<vmem>> -> memref<128x16xf32, #tpu.memory_space<vmem>>
    %dma_start3A_21 = arith.constant 128 : i32
    %dma_start3A_22 = tpu.memref_slice %arg11[%dma_start3A_21] : memref<1664xi32, #tpu.memory_space<vmem>> -> memref<128xi32, #tpu.memory_space<vmem>>
    %dma_start3A_23 = arith.constant 0 : i32
    %dma_start3A_24 = arith.constant 0 : i32
    %dma_start3A_25 = tpu.memref_slice %arg5[%dma_start3A_23, %dma_start3A_24] : memref<2609152x16xf32, #tpu.memory_space<hbm>> -> memref<2609152x16xf32, #tpu.memory_space<hbm>>
    tpu.enqueue_indirect_dma source(%dma_start3A_25 : memref<2609152x16xf32, #tpu.memory_space<hbm>>) target(%dma_start3A_20 : memref<128x16xf32, #tpu.memory_space<vmem>>) offsets(%dma_start3A_22 : memref<128xi32, #tpu.memory_space<vmem>>) semaphore(%arg17 : memref<!tpu.dma_semaphore, #tpu.memory_space<semaphore_mem>>)
    %dma_start3A_26 = arith.constant 256 : i32
    %dma_start3A_27 = arith.constant 0 : i32
    %dma_start3A_28 = tpu.memref_slice %arg14[%dma_start3A_26, %dma_start3A_27] : memref<1664x16xf32, #tpu.memory_space<vmem>> -> memref<128x16xf32, #tpu.memory_space<vmem>>
    %dma_start3A_29 = arith.constant 256 : i32
    %dma_start3A_30 = tpu.memref_slice %arg11[%dma_start3A_29] : memref<1664xi32, #tpu.memory_space<vmem>> -> memref<128xi32, #tpu.memory_space<vmem>>
    %dma_start3A_31 = arith.constant 0 : i32
    %dma_start3A_32 = arith.constant 0 : i32
    %dma_start3A_33 = tpu.memref_slice %arg5[%dma_start3A_31, %dma_start3A_32] : memref<2609152x16xf32, #tpu.memory_space<hbm>> -> memref<2609152x16xf32, #tpu.memory_space<hbm>>
    tpu.enqueue_indirect_dma source(%dma_start3A_33 : memref<2609152x16xf32, #tpu.memory_space<hbm>>) target(%dma_start3A_28 : memref<128x16xf32, #tpu.memory_space<vmem>>) offsets(%dma_start3A_30 : memref<128xi32, #tpu.memory_space<vmem>>) semaphore(%arg17 : memref<!tpu.dma_semaphore, #tpu.memory_space<semaphore_mem>>)
    %dma_start3A_34 = arith.constant 384 : i32
    %dma_start3A_35 = arith.constant 0 : i32
    %dma_start3A_36 = tpu.memref_slice %arg14[%dma_start3A_34, %dma_start3A_35] : memref<1664x16xf32, #tpu.memory_space<vmem>> -> memref<128x16xf32, #tpu.memory_space<vmem>>
    %dma_start3A_37 = arith.constant 384 : i32
    %dma_start3A_38 = tpu.memref_slice %arg11[%dma_start3A_37] : memref<1664xi32, #tpu.memory_space<vmem>> -> memref<128xi32, #tpu.memory_space<vmem>>
    %dma_start3A_39 = arith.constant 0 : i32
    %dma_start3A_40 = arith.constant 0 : i32
    %dma_start3A_41 = tpu.memref_slice %arg5[%dma_start3A_39, %dma_start3A_40] : memref<2609152x16xf32, #tpu.memory_space<hbm>> -> memref<2609152x16xf32, #tpu.memory_space<hbm>>
    tpu.enqueue_indirect_dma source(%dma_start3A_41 : memref<2609152x16xf32, #tpu.memory_space<hbm>>) target(%dma_start3A_36 : memref<128x16xf32, #tpu.memory_space<vmem>>) offsets(%dma_start3A_38 : memref<128xi32, #tpu.memory_space<vmem>>) semaphore(%arg17 : memref<!tpu.dma_semaphore, #tpu.memory_space<semaphore_mem>>)
    %dma_start3A_42 = arith.constant 512 : i32
    %dma_start3A_43 = arith.constant 0 : i32
    %dma_start3A_44 = tpu.memref_slice %arg14[%dma_start3A_42, %dma_start3A_43] : memref<1664x16xf32, #tpu.memory_space<vmem>> -> memref<128x16xf32, #tpu.memory_space<vmem>>
    %dma_start3A_45 = arith.constant 512 : i32
    %dma_start3A_46 = tpu.memref_slice %arg11[%dma_start3A_45] : memref<1664xi32, #tpu.memory_space<vmem>> -> memref<128xi32, #tpu.memory_space<vmem>>
    %dma_start3A_47 = arith.constant 0 : i32
    %dma_start3A_48 = arith.constant 0 : i32
    %dma_start3A_49 = tpu.memref_slice %arg5[%dma_start3A_47, %dma_start3A_48] : memref<2609152x16xf32, #tpu.memory_space<hbm>> -> memref<2609152x16xf32, #tpu.memory_space<hbm>>
    tpu.enqueue_indirect_dma source(%dma_start3A_49 : memref<2609152x16xf32, #tpu.memory_space<hbm>>) target(%dma_start3A_44 : memref<128x16xf32, #tpu.memory_space<vmem>>) offsets(%dma_start3A_46 : memref<128xi32, #tpu.memory_space<vmem>>) semaphore(%arg17 : memref<!tpu.dma_semaphore, #tpu.memory_space<semaphore_mem>>)
    %dma_start3A_50 = arith.constant 640 : i32
    %dma_start3A_51 = arith.constant 0 : i32
    %dma_start3A_52 = tpu.memref_slice %arg14[%dma_start3A_50, %dma_start3A_51] : memref<1664x16xf32, #tpu.memory_space<vmem>> -> memref<128x16xf32, #tpu.memory_space<vmem>>
    %dma_start3A_53 = arith.constant 640 : i32
    %dma_start3A_54 = tpu.memref_slice %arg11[%dma_start3A_53] : memref<1664xi32, #tpu.memory_space<vmem>> -> memref<128xi32, #tpu.memory_space<vmem>>
    %dma_start3A_55 = arith.constant 0 : i32
    %dma_start3A_56 = arith.constant 0 : i32
    %dma_start3A_57 = tpu.memref_slice %arg5[%dma_start3A_55, %dma_start3A_56] : memref<2609152x16xf32, #tpu.memory_space<hbm>> -> memref<2609152x16xf32, #tpu.memory_space<hbm>>
    tpu.enqueue_indirect_dma source(%dma_start3A_57 : memref<2609152x16xf32, #tpu.memory_space<hbm>>) target(%dma_start3A_52 : memref<128x16xf32, #tpu.memory_space<vmem>>) offsets(%dma_start3A_54 : memref<128xi32, #tpu.memory_space<vmem>>) semaphore(%arg17 : memref<!tpu.dma_semaphore, #tpu.memory_space<semaphore_mem>>)
    %dma_start3A_58 = arith.constant 768 : i32
    %dma_start3A_59 = arith.constant 0 : i32
    %dma_start3A_60 = tpu.memref_slice %arg14[%dma_start3A_58, %dma_start3A_59] : memref<1664x16xf32, #tpu.memory_space<vmem>> -> memref<128x16xf32, #tpu.memory_space<vmem>>
    %dma_start3A_61 = arith.constant 768 : i32
    %dma_start3A_62 = tpu.memref_slice %arg11[%dma_start3A_61] : memref<1664xi32, #tpu.memory_space<vmem>> -> memref<128xi32, #tpu.memory_space<vmem>>
    %dma_start3A_63 = arith.constant 0 : i32
    %dma_start3A_64 = arith.constant 0 : i32
    %dma_start3A_65 = tpu.memref_slice %arg5[%dma_start3A_63, %dma_start3A_64] : memref<2609152x16xf32, #tpu.memory_space<hbm>> -> memref<2609152x16xf32, #tpu.memory_space<hbm>>
    tpu.enqueue_indirect_dma source(%dma_start3A_65 : memref<2609152x16xf32, #tpu.memory_space<hbm>>) target(%dma_start3A_60 : memref<128x16xf32, #tpu.memory_space<vmem>>) offsets(%dma_start3A_62 : memref<128xi32, #tpu.memory_space<vmem>>) semaphore(%arg17 : memref<!tpu.dma_semaphore, #tpu.memory_space<semaphore_mem>>)
    %dma_start3A_66 = arith.constant 896 : i32
    %dma_start3A_67 = arith.constant 0 : i32
    %dma_start3A_68 = tpu.memref_slice %arg14[%dma_start3A_66, %dma_start3A_67] : memref<1664x16xf32, #tpu.memory_space<vmem>> -> memref<128x16xf32, #tpu.memory_space<vmem>>
    %dma_start3A_69 = arith.constant 896 : i32
    %dma_start3A_70 = tpu.memref_slice %arg11[%dma_start3A_69] : memref<1664xi32, #tpu.memory_space<vmem>> -> memref<128xi32, #tpu.memory_space<vmem>>
    %dma_start3A_71 = arith.constant 0 : i32
    %dma_start3A_72 = arith.constant 0 : i32
    %dma_start3A_73 = tpu.memref_slice %arg5[%dma_start3A_71, %dma_start3A_72] : memref<2609152x16xf32, #tpu.memory_space<hbm>> -> memref<2609152x16xf32, #tpu.memory_space<hbm>>
    tpu.enqueue_indirect_dma source(%dma_start3A_73 : memref<2609152x16xf32, #tpu.memory_space<hbm>>) target(%dma_start3A_68 : memref<128x16xf32, #tpu.memory_space<vmem>>) offsets(%dma_start3A_70 : memref<128xi32, #tpu.memory_space<vmem>>) semaphore(%arg17 : memref<!tpu.dma_semaphore, #tpu.memory_space<semaphore_mem>>)
    %dma_start3A_74 = arith.constant 1024 : i32
    %dma_start3A_75 = arith.constant 0 : i32
    %dma_start3A_76 = tpu.memref_slice %arg14[%dma_start3A_74, %dma_start3A_75] : memref<1664x16xf32, #tpu.memory_space<vmem>> -> memref<128x16xf32, #tpu.memory_space<vmem>>
    %dma_start3A_77 = arith.constant 1024 : i32
    %dma_start3A_78 = tpu.memref_slice %arg11[%dma_start3A_77] : memref<1664xi32, #tpu.memory_space<vmem>> -> memref<128xi32, #tpu.memory_space<vmem>>
    %dma_start3A_79 = arith.constant 0 : i32
    %dma_start3A_80 = arith.constant 0 : i32
    %dma_start3A_81 = tpu.memref_slice %arg5[%dma_start3A_79, %dma_start3A_80] : memref<2609152x16xf32, #tpu.memory_space<hbm>> -> memref<2609152x16xf32, #tpu.memory_space<hbm>>
    tpu.enqueue_indirect_dma source(%dma_start3A_81 : memref<2609152x16xf32, #tpu.memory_space<hbm>>) target(%dma_start3A_76 : memref<128x16xf32, #tpu.memory_space<vmem>>) offsets(%dma_start3A_78 : memref<128xi32, #tpu.memory_space<vmem>>) semaphore(%arg17 : memref<!tpu.dma_semaphore, #tpu.memory_space<semaphore_mem>>)
    %dma_start3A_82 = arith.constant 1152 : i32
    %dma_start3A_83 = arith.constant 0 : i32
    %dma_start3A_84 = tpu.memref_slice %arg14[%dma_start3A_82, %dma_start3A_83] : memref<1664x16xf32, #tpu.memory_space<vmem>> -> memref<128x16xf32, #tpu.memory_space<vmem>>
    %dma_start3A_85 = arith.constant 1152 : i32
    %dma_start3A_86 = tpu.memref_slice %arg11[%dma_start3A_85] : memref<1664xi32, #tpu.memory_space<vmem>> -> memref<128xi32, #tpu.memory_space<vmem>>
    %dma_start3A_87 = arith.constant 0 : i32
    %dma_start3A_88 = arith.constant 0 : i32
    %dma_start3A_89 = tpu.memref_slice %arg5[%dma_start3A_87, %dma_start3A_88] : memref<2609152x16xf32, #tpu.memory_space<hbm>> -> memref<2609152x16xf32, #tpu.memory_space<hbm>>
    tpu.enqueue_indirect_dma source(%dma_start3A_89 : memref<2609152x16xf32, #tpu.memory_space<hbm>>) target(%dma_start3A_84 : memref<128x16xf32, #tpu.memory_space<vmem>>) offsets(%dma_start3A_86 : memref<128xi32, #tpu.memory_space<vmem>>) semaphore(%arg17 : memref<!tpu.dma_semaphore, #tpu.memory_space<semaphore_mem>>)
    %dma_start3A_90 = arith.constant 1280 : i32
    %dma_start3A_91 = arith.constant 0 : i32
    %dma_start3A_92 = tpu.memref_slice %arg14[%dma_start3A_90, %dma_start3A_91] : memref<1664x16xf32, #tpu.memory_space<vmem>> -> memref<128x16xf32, #tpu.memory_space<vmem>>
    %dma_start3A_93 = arith.constant 1280 : i32
    %dma_start3A_94 = tpu.memref_slice %arg11[%dma_start3A_93] : memref<1664xi32, #tpu.memory_space<vmem>> -> memref<128xi32, #tpu.memory_space<vmem>>
    %dma_start3A_95 = arith.constant 0 : i32
    %dma_start3A_96 = arith.constant 0 : i32
    %dma_start3A_97 = tpu.memref_slice %arg5[%dma_start3A_95, %dma_start3A_96] : memref<2609152x16xf32, #tpu.memory_space<hbm>> -> memref<2609152x16xf32, #tpu.memory_space<hbm>>
    tpu.enqueue_indirect_dma source(%dma_start3A_97 : memref<2609152x16xf32, #tpu.memory_space<hbm>>) target(%dma_start3A_92 : memref<128x16xf32, #tpu.memory_space<vmem>>) offsets(%dma_start3A_94 : memref<128xi32, #tpu.memory_space<vmem>>) semaphore(%arg17 : memref<!tpu.dma_semaphore, #tpu.memory_space<semaphore_mem>>)
    %dma_start3A_98 = arith.constant 1408 : i32
    %dma_start3A_99 = arith.constant 0 : i32
    %dma_start3A_100 = tpu.memref_slice %arg14[%dma_start3A_98, %dma_start3A_99] : memref<1664x16xf32, #tpu.memory_space<vmem>> -> memref<128x16xf32, #tpu.memory_space<vmem>>
    %dma_start3A_101 = arith.constant 1408 : i32
    %dma_start3A_102 = tpu.memref_slice %arg11[%dma_start3A_101] : memref<1664xi32, #tpu.memory_space<vmem>> -> memref<128xi32, #tpu.memory_space<vmem>>
    %dma_start3A_103 = arith.constant 0 : i32
    %dma_start3A_104 = arith.constant 0 : i32
    %dma_start3A_105 = tpu.memref_slice %arg5[%dma_start3A_103, %dma_start3A_104] : memref<2609152x16xf32, #tpu.memory_space<hbm>> -> memref<2609152x16xf32, #tpu.memory_space<hbm>>
    tpu.enqueue_indirect_dma source(%dma_start3A_105 : memref<2609152x16xf32, #tpu.memory_space<hbm>>) target(%dma_start3A_100 : memref<128x16xf32, #tpu.memory_space<vmem>>) offsets(%dma_start3A_102 : memref<128xi32, #tpu.memory_space<vmem>>) semaphore(%arg17 : memref<!tpu.dma_semaphore, #tpu.memory_space<semaphore_mem>>)
    %dma_start3A_106 = arith.constant 1536 : i32
    %dma_start3A_107 = arith.constant 0 : i32
    %dma_start3A_108 = tpu.memref_slice %arg14[%dma_start3A_106, %dma_start3A_107] : memref<1664x16xf32, #tpu.memory_space<vmem>> -> memref<128x16xf32, #tpu.memory_space<vmem>>
    %dma_start3A_109 = arith.constant 1536 : i32
    %dma_start3A_110 = tpu.memref_slice %arg11[%dma_start3A_109] : memref<1664xi32, #tpu.memory_space<vmem>> -> memref<128xi32, #tpu.memory_space<vmem>>
    %dma_start3A_111 = arith.constant 0 : i32
    %dma_start3A_112 = arith.constant 0 : i32
    %dma_start3A_113 = tpu.memref_slice %arg5[%dma_start3A_111, %dma_start3A_112] : memref<2609152x16xf32, #tpu.memory_space<hbm>> -> memref<2609152x16xf32, #tpu.memory_space<hbm>>
    tpu.enqueue_indirect_dma source(%dma_start3A_113 : memref<2609152x16xf32, #tpu.memory_space<hbm>>) target(%dma_start3A_108 : memref<128x16xf32, #tpu.memory_space<vmem>>) offsets(%dma_start3A_110 : memref<128xi32, #tpu.memory_space<vmem>>) semaphore(%arg17 : memref<!tpu.dma_semaphore, #tpu.memory_space<semaphore_mem>>)
    %dma_start3A_114 = arith.constant 0 : i32
    %dma_start3A_115 = arith.constant 0 : i32
    %dma_start3A_116 = tpu.memref_slice %arg15[%dma_start3A_114, %dma_start3A_115] : memref<3200x16xf32, #tpu.memory_space<vmem>> -> memref<128x16xf32, #tpu.memory_space<vmem>>
    %dma_start3A_117 = arith.constant 0 : i32
    %dma_start3A_118 = tpu.memref_slice %arg13[%dma_start3A_117] : memref<3200xi32, #tpu.memory_space<vmem>> -> memref<128xi32, #tpu.memory_space<vmem>>
    %dma_start3A_119 = arith.constant 0 : i32
    %dma_start3A_120 = arith.constant 0 : i32
    %dma_start3A_121 = tpu.memref_slice %arg7[%dma_start3A_119, %dma_start3A_120] : memref<100352x16xf32, #tpu.memory_space<hbm>> -> memref<100352x16xf32, #tpu.memory_space<hbm>>
    tpu.enqueue_indirect_dma source(%dma_start3A_121 : memref<100352x16xf32, #tpu.memory_space<hbm>>) target(%dma_start3A_116 : memref<128x16xf32, #tpu.memory_space<vmem>>) offsets(%dma_start3A_118 : memref<128xi32, #tpu.memory_space<vmem>>) semaphore(%arg17 : memref<!tpu.dma_semaphore, #tpu.memory_space<semaphore_mem>>)
    %dma_start3A_122 = arith.constant 128 : i32
    %dma_start3A_123 = arith.constant 0 : i32
    %dma_start3A_124 = tpu.memref_slice %arg15[%dma_start3A_122, %dma_start3A_123] : memref<3200x16xf32, #tpu.memory_space<vmem>> -> memref<128x16xf32, #tpu.memory_space<vmem>>
    %dma_start3A_125 = arith.constant 128 : i32
    %dma_start3A_126 = tpu.memref_slice %arg13[%dma_start3A_125] : memref<3200xi32, #tpu.memory_space<vmem>> -> memref<128xi32, #tpu.memory_space<vmem>>
    %dma_start3A_127 = arith.constant 0 : i32
    %dma_start3A_128 = arith.constant 0 : i32
    %dma_start3A_129 = tpu.memref_slice %arg7[%dma_start3A_127, %dma_start3A_128] : memref<100352x16xf32, #tpu.memory_space<hbm>> -> memref<100352x16xf32, #tpu.memory_space<hbm>>
    tpu.enqueue_indirect_dma source(%dma_start3A_129 : memref<100352x16xf32, #tpu.memory_space<hbm>>) target(%dma_start3A_124 : memref<128x16xf32, #tpu.memory_space<vmem>>) offsets(%dma_start3A_126 : memref<128xi32, #tpu.memory_space<vmem>>) semaphore(%arg17 : memref<!tpu.dma_semaphore, #tpu.memory_space<semaphore_mem>>)
    %dma_start3A_130 = arith.constant 256 : i32
    %dma_start3A_131 = arith.constant 0 : i32
    %dma_start3A_132 = tpu.memref_slice %arg15[%dma_start3A_130, %dma_start3A_131] : memref<3200x16xf32, #tpu.memory_space<vmem>> -> memref<128x16xf32, #tpu.memory_space<vmem>>
    %dma_start3A_133 = arith.constant 256 : i32
    %dma_start3A_134 = tpu.memref_slice %arg13[%dma_start3A_133] : memref<3200xi32, #tpu.memory_space<vmem>> -> memref<128xi32, #tpu.memory_space<vmem>>
    %dma_start3A_135 = arith.constant 0 : i32
    %dma_start3A_136 = arith.constant 0 : i32
    %dma_start3A_137 = tpu.memref_slice %arg7[%dma_start3A_135, %dma_start3A_136] : memref<100352x16xf32, #tpu.memory_space<hbm>> -> memref<100352x16xf32, #tpu.memory_space<hbm>>
    tpu.enqueue_indirect_dma source(%dma_start3A_137 : memref<100352x16xf32, #tpu.memory_space<hbm>>) target(%dma_start3A_132 : memref<128x16xf32, #tpu.memory_space<vmem>>) offsets(%dma_start3A_134 : memref<128xi32, #tpu.memory_space<vmem>>) semaphore(%arg17 : memref<!tpu.dma_semaphore, #tpu.memory_space<semaphore_mem>>)
    %dma_start3A_138 = arith.constant 384 : i32
    %dma_start3A_139 = arith.constant 0 : i32
    %dma_start3A_140 = tpu.memref_slice %arg15[%dma_start3A_138, %dma_start3A_139] : memref<3200x16xf32, #tpu.memory_space<vmem>> -> memref<128x16xf32, #tpu.memory_space<vmem>>
    %dma_start3A_141 = arith.constant 384 : i32
    %dma_start3A_142 = tpu.memref_slice %arg13[%dma_start3A_141] : memref<3200xi32, #tpu.memory_space<vmem>> -> memref<128xi32, #tpu.memory_space<vmem>>
    %dma_start3A_143 = arith.constant 0 : i32
    %dma_start3A_144 = arith.constant 0 : i32
    %dma_start3A_145 = tpu.memref_slice %arg7[%dma_start3A_143, %dma_start3A_144] : memref<100352x16xf32, #tpu.memory_space<hbm>> -> memref<100352x16xf32, #tpu.memory_space<hbm>>
    tpu.enqueue_indirect_dma source(%dma_start3A_145 : memref<100352x16xf32, #tpu.memory_space<hbm>>) target(%dma_start3A_140 : memref<128x16xf32, #tpu.memory_space<vmem>>) offsets(%dma_start3A_142 : memref<128xi32, #tpu.memory_space<vmem>>) semaphore(%arg17 : memref<!tpu.dma_semaphore, #tpu.memory_space<semaphore_mem>>)
    %dma_start3A_146 = arith.constant 512 : i32
    %dma_start3A_147 = arith.constant 0 : i32
    %dma_start3A_148 = tpu.memref_slice %arg15[%dma_start3A_146, %dma_start3A_147] : memref<3200x16xf32, #tpu.memory_space<vmem>> -> memref<128x16xf32, #tpu.memory_space<vmem>>
    %dma_start3A_149 = arith.constant 512 : i32
    %dma_start3A_150 = tpu.memref_slice %arg13[%dma_start3A_149] : memref<3200xi32, #tpu.memory_space<vmem>> -> memref<128xi32, #tpu.memory_space<vmem>>
    %dma_start3A_151 = arith.constant 0 : i32
    %dma_start3A_152 = arith.constant 0 : i32
    %dma_start3A_153 = tpu.memref_slice %arg7[%dma_start3A_151, %dma_start3A_152] : memref<100352x16xf32, #tpu.memory_space<hbm>> -> memref<100352x16xf32, #tpu.memory_space<hbm>>
    tpu.enqueue_indirect_dma source(%dma_start3A_153 : memref<100352x16xf32, #tpu.memory_space<hbm>>) target(%dma_start3A_148 : memref<128x16xf32, #tpu.memory_space<vmem>>) offsets(%dma_start3A_150 : memref<128xi32, #tpu.memory_space<vmem>>) semaphore(%arg17 : memref<!tpu.dma_semaphore, #tpu.memory_space<semaphore_mem>>)
    %dma_start3A_154 = arith.constant 640 : i32
    %dma_start3A_155 = arith.constant 0 : i32
    %dma_start3A_156 = tpu.memref_slice %arg15[%dma_start3A_154, %dma_start3A_155] : memref<3200x16xf32, #tpu.memory_space<vmem>> -> memref<128x16xf32, #tpu.memory_space<vmem>>
    %dma_start3A_157 = arith.constant 640 : i32
    %dma_start3A_158 = tpu.memref_slice %arg13[%dma_start3A_157] : memref<3200xi32, #tpu.memory_space<vmem>> -> memref<128xi32, #tpu.memory_space<vmem>>
    %dma_start3A_159 = arith.constant 0 : i32
    %dma_start3A_160 = arith.constant 0 : i32
    %dma_start3A_161 = tpu.memref_slice %arg7[%dma_start3A_159, %dma_start3A_160] : memref<100352x16xf32, #tpu.memory_space<hbm>> -> memref<100352x16xf32, #tpu.memory_space<hbm>>
    tpu.enqueue_indirect_dma source(%dma_start3A_161 : memref<100352x16xf32, #tpu.memory_space<hbm>>) target(%dma_start3A_156 : memref<128x16xf32, #tpu.memory_space<vmem>>) offsets(%dma_start3A_158 : memref<128xi32, #tpu.memory_space<vmem>>) semaphore(%arg17 : memref<!tpu.dma_semaphore, #tpu.memory_space<semaphore_mem>>)
    %dma_start3A_162 = arith.constant 768 : i32
    %dma_start3A_163 = arith.constant 0 : i32
    %dma_start3A_164 = tpu.memref_slice %arg15[%dma_start3A_162, %dma_start3A_163] : memref<3200x16xf32, #tpu.memory_space<vmem>> -> memref<128x16xf32, #tpu.memory_space<vmem>>
    %dma_start3A_165 = arith.constant 768 : i32
    %dma_start3A_166 = tpu.memref_slice %arg13[%dma_start3A_165] : memref<3200xi32, #tpu.memory_space<vmem>> -> memref<128xi32, #tpu.memory_space<vmem>>
    %dma_start3A_167 = arith.constant 0 : i32
    %dma_start3A_168 = arith.constant 0 : i32
    %dma_start3A_169 = tpu.memref_slice %arg7[%dma_start3A_167, %dma_start3A_168] : memref<100352x16xf32, #tpu.memory_space<hbm>> -> memref<100352x16xf32, #tpu.memory_space<hbm>>
    tpu.enqueue_indirect_dma source(%dma_start3A_169 : memref<100352x16xf32, #tpu.memory_space<hbm>>) target(%dma_start3A_164 : memref<128x16xf32, #tpu.memory_space<vmem>>) offsets(%dma_start3A_166 : memref<128xi32, #tpu.memory_space<vmem>>) semaphore(%arg17 : memref<!tpu.dma_semaphore, #tpu.memory_space<semaphore_mem>>)
    %dma_start3A_170 = arith.constant 896 : i32
    %dma_start3A_171 = arith.constant 0 : i32
    %dma_start3A_172 = tpu.memref_slice %arg15[%dma_start3A_170, %dma_start3A_171] : memref<3200x16xf32, #tpu.memory_space<vmem>> -> memref<128x16xf32, #tpu.memory_space<vmem>>
    %dma_start3A_173 = arith.constant 896 : i32
    %dma_start3A_174 = tpu.memref_slice %arg13[%dma_start3A_173] : memref<3200xi32, #tpu.memory_space<vmem>> -> memref<128xi32, #tpu.memory_space<vmem>>
    %dma_start3A_175 = arith.constant 0 : i32
    %dma_start3A_176 = arith.constant 0 : i32
    %dma_start3A_177 = tpu.memref_slice %arg7[%dma_start3A_175, %dma_start3A_176] : memref<100352x16xf32, #tpu.memory_space<hbm>> -> memref<100352x16xf32, #tpu.memory_space<hbm>>
    tpu.enqueue_indirect_dma source(%dma_start3A_177 : memref<100352x16xf32, #tpu.memory_space<hbm>>) target(%dma_start3A_172 : memref<128x16xf32, #tpu.memory_space<vmem>>) offsets(%dma_start3A_174 : memref<128xi32, #tpu.memory_space<vmem>>) semaphore(%arg17 : memref<!tpu.dma_semaphore, #tpu.memory_space<semaphore_mem>>)
    %dma_start3A_178 = arith.constant 1024 : i32
    %dma_start3A_179 = arith.constant 0 : i32
    %dma_start3A_180 = tpu.memref_slice %arg15[%dma_start3A_178, %dma_start3A_179] : memref<3200x16xf32, #tpu.memory_space<vmem>> -> memref<128x16xf32, #tpu.memory_space<vmem>>
    %dma_start3A_181 = arith.constant 1024 : i32
    %dma_start3A_182 = tpu.memref_slice %arg13[%dma_start3A_181] : memref<3200xi32, #tpu.memory_space<vmem>> -> memref<128xi32, #tpu.memory_space<vmem>>
    %dma_start3A_183 = arith.constant 0 : i32
    %dma_start3A_184 = arith.constant 0 : i32
    %dma_start3A_185 = tpu.memref_slice %arg7[%dma_start3A_183, %dma_start3A_184] : memref<100352x16xf32, #tpu.memory_space<hbm>> -> memref<100352x16xf32, #tpu.memory_space<hbm>>
    tpu.enqueue_indirect_dma source(%dma_start3A_185 : memref<100352x16xf32, #tpu.memory_space<hbm>>) target(%dma_start3A_180 : memref<128x16xf32, #tpu.memory_space<vmem>>) offsets(%dma_start3A_182 : memref<128xi32, #tpu.memory_space<vmem>>) semaphore(%arg17 : memref<!tpu.dma_semaphore, #tpu.memory_space<semaphore_mem>>)
    %dma_start3A_186 = arith.constant 1152 : i32
    %dma_start3A_187 = arith.constant 0 : i32
    %dma_start3A_188 = tpu.memref_slice %arg15[%dma_start3A_186, %dma_start3A_187] : memref<3200x16xf32, #tpu.memory_space<vmem>> -> memref<128x16xf32, #tpu.memory_space<vmem>>
    %dma_start3A_189 = arith.constant 1152 : i32
    %dma_start3A_190 = tpu.memref_slice %arg13[%dma_start3A_189] : memref<3200xi32, #tpu.memory_space<vmem>> -> memref<128xi32, #tpu.memory_space<vmem>>
    %dma_start3A_191 = arith.constant 0 : i32
    %dma_start3A_192 = arith.constant 0 : i32
    %dma_start3A_193 = tpu.memref_slice %arg7[%dma_start3A_191, %dma_start3A_192] : memref<100352x16xf32, #tpu.memory_space<hbm>> -> memref<100352x16xf32, #tpu.memory_space<hbm>>
    tpu.enqueue_indirect_dma source(%dma_start3A_193 : memref<100352x16xf32, #tpu.memory_space<hbm>>) target(%dma_start3A_188 : memref<128x16xf32, #tpu.memory_space<vmem>>) offsets(%dma_start3A_190 : memref<128xi32, #tpu.memory_space<vmem>>) semaphore(%arg17 : memref<!tpu.dma_semaphore, #tpu.memory_space<semaphore_mem>>)
    %dma_start3A_194 = arith.constant 1280 : i32
    %dma_start3A_195 = arith.constant 0 : i32
    %dma_start3A_196 = tpu.memref_slice %arg15[%dma_start3A_194, %dma_start3A_195] : memref<3200x16xf32, #tpu.memory_space<vmem>> -> memref<128x16xf32, #tpu.memory_space<vmem>>
    %dma_start3A_197 = arith.constant 1280 : i32
    %dma_start3A_198 = tpu.memref_slice %arg13[%dma_start3A_197] : memref<3200xi32, #tpu.memory_space<vmem>> -> memref<128xi32, #tpu.memory_space<vmem>>
    %dma_start3A_199 = arith.constant 0 : i32
    %dma_start3A_200 = arith.constant 0 : i32
    %dma_start3A_201 = tpu.memref_slice %arg7[%dma_start3A_199, %dma_start3A_200] : memref<100352x16xf32, #tpu.memory_space<hbm>> -> memref<100352x16xf32, #tpu.memory_space<hbm>>
    tpu.enqueue_indirect_dma source(%dma_start3A_201 : memref<100352x16xf32, #tpu.memory_space<hbm>>) target(%dma_start3A_196 : memref<128x16xf32, #tpu.memory_space<vmem>>) offsets(%dma_start3A_198 : memref<128xi32, #tpu.memory_space<vmem>>) semaphore(%arg17 : memref<!tpu.dma_semaphore, #tpu.memory_space<semaphore_mem>>)
    %dma_start3A_202 = arith.constant 1408 : i32
    %dma_start3A_203 = arith.constant 0 : i32
    %dma_start3A_204 = tpu.memref_slice %arg15[%dma_start3A_202, %dma_start3A_203] : memref<3200x16xf32, #tpu.memory_space<vmem>> -> memref<128x16xf32, #tpu.memory_space<vmem>>
    %dma_start3A_205 = arith.constant 1408 : i32
    %dma_start3A_206 = tpu.memref_slice %arg13[%dma_start3A_205] : memref<3200xi32, #tpu.memory_space<vmem>> -> memref<128xi32, #tpu.memory_space<vmem>>
    %dma_start3A_207 = arith.constant 0 : i32
    %dma_start3A_208 = arith.constant 0 : i32
    %dma_start3A_209 = tpu.memref_slice %arg7[%dma_start3A_207, %dma_start3A_208] : memref<100352x16xf32, #tpu.memory_space<hbm>> -> memref<100352x16xf32, #tpu.memory_space<hbm>>
    tpu.enqueue_indirect_dma source(%dma_start3A_209 : memref<100352x16xf32, #tpu.memory_space<hbm>>) target(%dma_start3A_204 : memref<128x16xf32, #tpu.memory_space<vmem>>) offsets(%dma_start3A_206 : memref<128xi32, #tpu.memory_space<vmem>>) semaphore(%arg17 : memref<!tpu.dma_semaphore, #tpu.memory_space<semaphore_mem>>)
    %dma_start3A_210 = arith.constant 1536 : i32
    %dma_start3A_211 = arith.constant 0 : i32
    %dma_start3A_212 = tpu.memref_slice %arg15[%dma_start3A_210, %dma_start3A_211] : memref<3200x16xf32, #tpu.memory_space<vmem>> -> memref<128x16xf32, #tpu.memory_space<vmem>>
    %dma_start3A_213 = arith.constant 1536 : i32
    %dma_start3A_214 = tpu.memref_slice %arg13[%dma_start3A_213] : memref<3200xi32, #tpu.memory_space<vmem>> -> memref<128xi32, #tpu.memory_space<vmem>>
    %dma_start3A_215 = arith.constant 0 : i32
    %dma_start3A_216 = arith.constant 0 : i32
    %dma_start3A_217 = tpu.memref_slice %arg7[%dma_start3A_215, %dma_start3A_216] : memref<100352x16xf32, #tpu.memory_space<hbm>> -> memref<100352x16xf32, #tpu.memory_space<hbm>>
    tpu.enqueue_indirect_dma source(%dma_start3A_217 : memref<100352x16xf32, #tpu.memory_space<hbm>>) target(%dma_start3A_212 : memref<128x16xf32, #tpu.memory_space<vmem>>) offsets(%dma_start3A_214 : memref<128xi32, #tpu.memory_space<vmem>>) semaphore(%arg17 : memref<!tpu.dma_semaphore, #tpu.memory_space<semaphore_mem>>)
    %dma_start3A_218 = arith.constant 1664 : i32
    %dma_start3A_219 = arith.constant 0 : i32
    %dma_start3A_220 = tpu.memref_slice %arg15[%dma_start3A_218, %dma_start3A_219] : memref<3200x16xf32, #tpu.memory_space<vmem>> -> memref<128x16xf32, #tpu.memory_space<vmem>>
    %dma_start3A_221 = arith.constant 1664 : i32
    %dma_start3A_222 = tpu.memref_slice %arg13[%dma_start3A_221] : memref<3200xi32, #tpu.memory_space<vmem>> -> memref<128xi32, #tpu.memory_space<vmem>>
    %dma_start3A_223 = arith.constant 0 : i32
    %dma_start3A_224 = arith.constant 0 : i32
    %dma_start3A_225 = tpu.memref_slice %arg7[%dma_start3A_223, %dma_start3A_224] : memref<100352x16xf32, #tpu.memory_space<hbm>> -> memref<100352x16xf32, #tpu.memory_space<hbm>>
    tpu.enqueue_indirect_dma source(%dma_start3A_225 : memref<100352x16xf32, #tpu.memory_space<hbm>>) target(%dma_start3A_220 : memref<128x16xf32, #tpu.memory_space<vmem>>) offsets(%dma_start3A_222 : memref<128xi32, #tpu.memory_space<vmem>>) semaphore(%arg17 : memref<!tpu.dma_semaphore, #tpu.memory_space<semaphore_mem>>)
    %dma_start3A_226 = arith.constant 1792 : i32
    %dma_start3A_227 = arith.constant 0 : i32
    %dma_start3A_228 = tpu.memref_slice %arg15[%dma_start3A_226, %dma_start3A_227] : memref<3200x16xf32, #tpu.memory_space<vmem>> -> memref<128x16xf32, #tpu.memory_space<vmem>>
    %dma_start3A_229 = arith.constant 1792 : i32
    %dma_start3A_230 = tpu.memref_slice %arg13[%dma_start3A_229] : memref<3200xi32, #tpu.memory_space<vmem>> -> memref<128xi32, #tpu.memory_space<vmem>>
    %dma_start3A_231 = arith.constant 0 : i32
    %dma_start3A_232 = arith.constant 0 : i32
    %dma_start3A_233 = tpu.memref_slice %arg7[%dma_start3A_231, %dma_start3A_232] : memref<100352x16xf32, #tpu.memory_space<hbm>> -> memref<100352x16xf32, #tpu.memory_space<hbm>>
    tpu.enqueue_indirect_dma source(%dma_start3A_233 : memref<100352x16xf32, #tpu.memory_space<hbm>>) target(%dma_start3A_228 : memref<128x16xf32, #tpu.memory_space<vmem>>) offsets(%dma_start3A_230 : memref<128xi32, #tpu.memory_space<vmem>>) semaphore(%arg17 : memref<!tpu.dma_semaphore, #tpu.memory_space<semaphore_mem>>)
    %dma_start3A_234 = arith.constant 1920 : i32
    %dma_start3A_235 = arith.constant 0 : i32
    %dma_start3A_236 = tpu.memref_slice %arg15[%dma_start3A_234, %dma_start3A_235] : memref<3200x16xf32, #tpu.memory_space<vmem>> -> memref<128x16xf32, #tpu.memory_space<vmem>>
    %dma_start3A_237 = arith.constant 1920 : i32
    %dma_start3A_238 = tpu.memref_slice %arg13[%dma_start3A_237] : memref<3200xi32, #tpu.memory_space<vmem>> -> memref<128xi32, #tpu.memory_space<vmem>>
    %dma_start3A_239 = arith.constant 0 : i32
    %dma_start3A_240 = arith.constant 0 : i32
    %dma_start3A_241 = tpu.memref_slice %arg7[%dma_start3A_239, %dma_start3A_240] : memref<100352x16xf32, #tpu.memory_space<hbm>> -> memref<100352x16xf32, #tpu.memory_space<hbm>>
    tpu.enqueue_indirect_dma source(%dma_start3A_241 : memref<100352x16xf32, #tpu.memory_space<hbm>>) target(%dma_start3A_236 : memref<128x16xf32, #tpu.memory_space<vmem>>) offsets(%dma_start3A_238 : memref<128xi32, #tpu.memory_space<vmem>>) semaphore(%arg17 : memref<!tpu.dma_semaphore, #tpu.memory_space<semaphore_mem>>)
    %dma_start3A_242 = arith.constant 2048 : i32
    %dma_start3A_243 = arith.constant 0 : i32
    %dma_start3A_244 = tpu.memref_slice %arg15[%dma_start3A_242, %dma_start3A_243] : memref<3200x16xf32, #tpu.memory_space<vmem>> -> memref<128x16xf32, #tpu.memory_space<vmem>>
    %dma_start3A_245 = arith.constant 2048 : i32
    %dma_start3A_246 = tpu.memref_slice %arg13[%dma_start3A_245] : memref<3200xi32, #tpu.memory_space<vmem>> -> memref<128xi32, #tpu.memory_space<vmem>>
    %dma_start3A_247 = arith.constant 0 : i32
    %dma_start3A_248 = arith.constant 0 : i32
    %dma_start3A_249 = tpu.memref_slice %arg7[%dma_start3A_247, %dma_start3A_248] : memref<100352x16xf32, #tpu.memory_space<hbm>> -> memref<100352x16xf32, #tpu.memory_space<hbm>>
    tpu.enqueue_indirect_dma source(%dma_start3A_249 : memref<100352x16xf32, #tpu.memory_space<hbm>>) target(%dma_start3A_244 : memref<128x16xf32, #tpu.memory_space<vmem>>) offsets(%dma_start3A_246 : memref<128xi32, #tpu.memory_space<vmem>>) semaphore(%arg17 : memref<!tpu.dma_semaphore, #tpu.memory_space<semaphore_mem>>)
    %dma_start3A_250 = arith.constant 2176 : i32
    %dma_start3A_251 = arith.constant 0 : i32
    %dma_start3A_252 = tpu.memref_slice %arg15[%dma_start3A_250, %dma_start3A_251] : memref<3200x16xf32, #tpu.memory_space<vmem>> -> memref<128x16xf32, #tpu.memory_space<vmem>>
    %dma_start3A_253 = arith.constant 2176 : i32
    %dma_start3A_254 = tpu.memref_slice %arg13[%dma_start3A_253] : memref<3200xi32, #tpu.memory_space<vmem>> -> memref<128xi32, #tpu.memory_space<vmem>>
    %dma_start3A_255 = arith.constant 0 : i32
    %dma_start3A_256 = arith.constant 0 : i32
    %dma_start3A_257 = tpu.memref_slice %arg7[%dma_start3A_255, %dma_start3A_256] : memref<100352x16xf32, #tpu.memory_space<hbm>> -> memref<100352x16xf32, #tpu.memory_space<hbm>>
    tpu.enqueue_indirect_dma source(%dma_start3A_257 : memref<100352x16xf32, #tpu.memory_space<hbm>>) target(%dma_start3A_252 : memref<128x16xf32, #tpu.memory_space<vmem>>) offsets(%dma_start3A_254 : memref<128xi32, #tpu.memory_space<vmem>>) semaphore(%arg17 : memref<!tpu.dma_semaphore, #tpu.memory_space<semaphore_mem>>)
    %dma_start3A_258 = arith.constant 2304 : i32
    %dma_start3A_259 = arith.constant 0 : i32
    %dma_start3A_260 = tpu.memref_slice %arg15[%dma_start3A_258, %dma_start3A_259] : memref<3200x16xf32, #tpu.memory_space<vmem>> -> memref<128x16xf32, #tpu.memory_space<vmem>>
    %dma_start3A_261 = arith.constant 2304 : i32
    %dma_start3A_262 = tpu.memref_slice %arg13[%dma_start3A_261] : memref<3200xi32, #tpu.memory_space<vmem>> -> memref<128xi32, #tpu.memory_space<vmem>>
    %dma_start3A_263 = arith.constant 0 : i32
    %dma_start3A_264 = arith.constant 0 : i32
    %dma_start3A_265 = tpu.memref_slice %arg7[%dma_start3A_263, %dma_start3A_264] : memref<100352x16xf32, #tpu.memory_space<hbm>> -> memref<100352x16xf32, #tpu.memory_space<hbm>>
    tpu.enqueue_indirect_dma source(%dma_start3A_265 : memref<100352x16xf32, #tpu.memory_space<hbm>>) target(%dma_start3A_260 : memref<128x16xf32, #tpu.memory_space<vmem>>) offsets(%dma_start3A_262 : memref<128xi32, #tpu.memory_space<vmem>>) semaphore(%arg17 : memref<!tpu.dma_semaphore, #tpu.memory_space<semaphore_mem>>)
    %dma_start3A_266 = arith.constant 2432 : i32
    %dma_start3A_267 = arith.constant 0 : i32
    %dma_start3A_268 = tpu.memref_slice %arg15[%dma_start3A_266, %dma_start3A_267] : memref<3200x16xf32, #tpu.memory_space<vmem>> -> memref<128x16xf32, #tpu.memory_space<vmem>>
    %dma_start3A_269 = arith.constant 2432 : i32
    %dma_start3A_270 = tpu.memref_slice %arg13[%dma_start3A_269] : memref<3200xi32, #tpu.memory_space<vmem>> -> memref<128xi32, #tpu.memory_space<vmem>>
    %dma_start3A_271 = arith.constant 0 : i32
    %dma_start3A_272 = arith.constant 0 : i32
    %dma_start3A_273 = tpu.memref_slice %arg7[%dma_start3A_271, %dma_start3A_272] : memref<100352x16xf32, #tpu.memory_space<hbm>> -> memref<100352x16xf32, #tpu.memory_space<hbm>>
    tpu.enqueue_indirect_dma source(%dma_start3A_273 : memref<100352x16xf32, #tpu.memory_space<hbm>>) target(%dma_start3A_268 : memref<128x16xf32, #tpu.memory_space<vmem>>) offsets(%dma_start3A_270 : memref<128xi32, #tpu.memory_space<vmem>>) semaphore(%arg17 : memref<!tpu.dma_semaphore, #tpu.memory_space<semaphore_mem>>)
    %dma_start3A_274 = arith.constant 2560 : i32
    %dma_start3A_275 = arith.constant 0 : i32
    %dma_start3A_276 = tpu.memref_slice %arg15[%dma_start3A_274, %dma_start3A_275] : memref<3200x16xf32, #tpu.memory_space<vmem>> -> memref<128x16xf32, #tpu.memory_space<vmem>>
    %dma_start3A_277 = arith.constant 2560 : i32
    %dma_start3A_278 = tpu.memref_slice %arg13[%dma_start3A_277] : memref<3200xi32, #tpu.memory_space<vmem>> -> memref<128xi32, #tpu.memory_space<vmem>>
    %dma_start3A_279 = arith.constant 0 : i32
    %dma_start3A_280 = arith.constant 0 : i32
    %dma_start3A_281 = tpu.memref_slice %arg7[%dma_start3A_279, %dma_start3A_280] : memref<100352x16xf32, #tpu.memory_space<hbm>> -> memref<100352x16xf32, #tpu.memory_space<hbm>>
    tpu.enqueue_indirect_dma source(%dma_start3A_281 : memref<100352x16xf32, #tpu.memory_space<hbm>>) target(%dma_start3A_276 : memref<128x16xf32, #tpu.memory_space<vmem>>) offsets(%dma_start3A_278 : memref<128xi32, #tpu.memory_space<vmem>>) semaphore(%arg17 : memref<!tpu.dma_semaphore, #tpu.memory_space<semaphore_mem>>)
    %dma_start3A_282 = arith.constant 2688 : i32
    %dma_start3A_283 = arith.constant 0 : i32
    %dma_start3A_284 = tpu.memref_slice %arg15[%dma_start3A_282, %dma_start3A_283] : memref<3200x16xf32, #tpu.memory_space<vmem>> -> memref<128x16xf32, #tpu.memory_space<vmem>>
    %dma_start3A_285 = arith.constant 2688 : i32
    %dma_start3A_286 = tpu.memref_slice %arg13[%dma_start3A_285] : memref<3200xi32, #tpu.memory_space<vmem>> -> memref<128xi32, #tpu.memory_space<vmem>>
    %dma_start3A_287 = arith.constant 0 : i32
    %dma_start3A_288 = arith.constant 0 : i32
    %dma_start3A_289 = tpu.memref_slice %arg7[%dma_start3A_287, %dma_start3A_288] : memref<100352x16xf32, #tpu.memory_space<hbm>> -> memref<100352x16xf32, #tpu.memory_space<hbm>>
    tpu.enqueue_indirect_dma source(%dma_start3A_289 : memref<100352x16xf32, #tpu.memory_space<hbm>>) target(%dma_start3A_284 : memref<128x16xf32, #tpu.memory_space<vmem>>) offsets(%dma_start3A_286 : memref<128xi32, #tpu.memory_space<vmem>>) semaphore(%arg17 : memref<!tpu.dma_semaphore, #tpu.memory_space<semaphore_mem>>)
    %dma_start3A_290 = arith.constant 2816 : i32
    %dma_start3A_291 = arith.constant 0 : i32
    %dma_start3A_292 = tpu.memref_slice %arg15[%dma_start3A_290, %dma_start3A_291] : memref<3200x16xf32, #tpu.memory_space<vmem>> -> memref<128x16xf32, #tpu.memory_space<vmem>>
    %dma_start3A_293 = arith.constant 2816 : i32
    %dma_start3A_294 = tpu.memref_slice %arg13[%dma_start3A_293] : memref<3200xi32, #tpu.memory_space<vmem>> -> memref<128xi32, #tpu.memory_space<vmem>>
    %dma_start3A_295 = arith.constant 0 : i32
    %dma_start3A_296 = arith.constant 0 : i32
    %dma_start3A_297 = tpu.memref_slice %arg7[%dma_start3A_295, %dma_start3A_296] : memref<100352x16xf32, #tpu.memory_space<hbm>> -> memref<100352x16xf32, #tpu.memory_space<hbm>>
    tpu.enqueue_indirect_dma source(%dma_start3A_297 : memref<100352x16xf32, #tpu.memory_space<hbm>>) target(%dma_start3A_292 : memref<128x16xf32, #tpu.memory_space<vmem>>) offsets(%dma_start3A_294 : memref<128xi32, #tpu.memory_space<vmem>>) semaphore(%arg17 : memref<!tpu.dma_semaphore, #tpu.memory_space<semaphore_mem>>)
    %dma_start3A_298 = arith.constant 2944 : i32
    %dma_start3A_299 = arith.constant 0 : i32
    %dma_start3A_300 = tpu.memref_slice %arg15[%dma_start3A_298, %dma_start3A_299] : memref<3200x16xf32, #tpu.memory_space<vmem>> -> memref<128x16xf32, #tpu.memory_space<vmem>>
    %dma_start3A_301 = arith.constant 2944 : i32
    %dma_start3A_302 = tpu.memref_slice %arg13[%dma_start3A_301] : memref<3200xi32, #tpu.memory_space<vmem>> -> memref<128xi32, #tpu.memory_space<vmem>>
    %dma_start3A_303 = arith.constant 0 : i32
    %dma_start3A_304 = arith.constant 0 : i32
    %dma_start3A_305 = tpu.memref_slice %arg7[%dma_start3A_303, %dma_start3A_304] : memref<100352x16xf32, #tpu.memory_space<hbm>> -> memref<100352x16xf32, #tpu.memory_space<hbm>>
    tpu.enqueue_indirect_dma source(%dma_start3A_305 : memref<100352x16xf32, #tpu.memory_space<hbm>>) target(%dma_start3A_300 : memref<128x16xf32, #tpu.memory_space<vmem>>) offsets(%dma_start3A_302 : memref<128xi32, #tpu.memory_space<vmem>>) semaphore(%arg17 : memref<!tpu.dma_semaphore, #tpu.memory_space<semaphore_mem>>)
    %dma_start3A_306 = arith.constant 3072 : i32
    %dma_start3A_307 = arith.constant 0 : i32
    %dma_start3A_308 = tpu.memref_slice %arg15[%dma_start3A_306, %dma_start3A_307] : memref<3200x16xf32, #tpu.memory_space<vmem>> -> memref<128x16xf32, #tpu.memory_space<vmem>>
    %dma_start3A_309 = arith.constant 3072 : i32
    %dma_start3A_310 = tpu.memref_slice %arg13[%dma_start3A_309] : memref<3200xi32, #tpu.memory_space<vmem>> -> memref<128xi32, #tpu.memory_space<vmem>>
    %dma_start3A_311 = arith.constant 0 : i32
    %dma_start3A_312 = arith.constant 0 : i32
    %dma_start3A_313 = tpu.memref_slice %arg7[%dma_start3A_311, %dma_start3A_312] : memref<100352x16xf32, #tpu.memory_space<hbm>> -> memref<100352x16xf32, #tpu.memory_space<hbm>>
    tpu.enqueue_indirect_dma source(%dma_start3A_313 : memref<100352x16xf32, #tpu.memory_space<hbm>>) target(%dma_start3A_308 : memref<128x16xf32, #tpu.memory_space<vmem>>) offsets(%dma_start3A_310 : memref<128xi32, #tpu.memory_space<vmem>>) semaphore(%arg17 : memref<!tpu.dma_semaphore, #tpu.memory_space<semaphore_mem>>)
    %dma_start3A_314 = arith.constant 0 : i32
    %dma_start3A_315 = arith.constant 0 : i32
    %dma_start3A_316 = tpu.memref_slice %arg16[%dma_start3A_314, %dma_start3A_315] : memref<1664x16xf32, #tpu.memory_space<vmem>> -> memref<128x16xf32, #tpu.memory_space<vmem>>
    %dma_start3A_317 = arith.constant 0 : i32
    %dma_start3A_318 = tpu.memref_slice %arg12[%dma_start3A_317] : memref<1664xi32, #tpu.memory_space<vmem>> -> memref<128xi32, #tpu.memory_space<vmem>>
    %dma_start3A_319 = arith.constant 0 : i32
    %dma_start3A_320 = arith.constant 0 : i32
    %dma_start3A_321 = tpu.memref_slice %arg6[%dma_start3A_319, %dma_start3A_320] : memref<162500x16xf32, #tpu.memory_space<hbm>> -> memref<162500x16xf32, #tpu.memory_space<hbm>>
    tpu.enqueue_indirect_dma source(%dma_start3A_321 : memref<162500x16xf32, #tpu.memory_space<hbm>>) target(%dma_start3A_316 : memref<128x16xf32, #tpu.memory_space<vmem>>) offsets(%dma_start3A_318 : memref<128xi32, #tpu.memory_space<vmem>>) semaphore(%arg17 : memref<!tpu.dma_semaphore, #tpu.memory_space<semaphore_mem>>)
    %dma_start3A_322 = arith.constant 128 : i32
    %dma_start3A_323 = arith.constant 0 : i32
    %dma_start3A_324 = tpu.memref_slice %arg16[%dma_start3A_322, %dma_start3A_323] : memref<1664x16xf32, #tpu.memory_space<vmem>> -> memref<128x16xf32, #tpu.memory_space<vmem>>
    %dma_start3A_325 = arith.constant 128 : i32
    %dma_start3A_326 = tpu.memref_slice %arg12[%dma_start3A_325] : memref<1664xi32, #tpu.memory_space<vmem>> -> memref<128xi32, #tpu.memory_space<vmem>>
    %dma_start3A_327 = arith.constant 0 : i32
    %dma_start3A_328 = arith.constant 0 : i32
    %dma_start3A_329 = tpu.memref_slice %arg6[%dma_start3A_327, %dma_start3A_328] : memref<162500x16xf32, #tpu.memory_space<hbm>> -> memref<162500x16xf32, #tpu.memory_space<hbm>>
    tpu.enqueue_indirect_dma source(%dma_start3A_329 : memref<162500x16xf32, #tpu.memory_space<hbm>>) target(%dma_start3A_324 : memref<128x16xf32, #tpu.memory_space<vmem>>) offsets(%dma_start3A_326 : memref<128xi32, #tpu.memory_space<vmem>>) semaphore(%arg17 : memref<!tpu.dma_semaphore, #tpu.memory_space<semaphore_mem>>)
    %dma_start3A_330 = arith.constant 256 : i32
    %dma_start3A_331 = arith.constant 0 : i32
    %dma_start3A_332 = tpu.memref_slice %arg16[%dma_start3A_330, %dma_start3A_331] : memref<1664x16xf32, #tpu.memory_space<vmem>> -> memref<128x16xf32, #tpu.memory_space<vmem>>
    %dma_start3A_333 = arith.constant 256 : i32
    %dma_start3A_334 = tpu.memref_slice %arg12[%dma_start3A_333] : memref<1664xi32, #tpu.memory_space<vmem>> -> memref<128xi32, #tpu.memory_space<vmem>>
    %dma_start3A_335 = arith.constant 0 : i32
    %dma_start3A_336 = arith.constant 0 : i32
    %dma_start3A_337 = tpu.memref_slice %arg6[%dma_start3A_335, %dma_start3A_336] : memref<162500x16xf32, #tpu.memory_space<hbm>> -> memref<162500x16xf32, #tpu.memory_space<hbm>>
    tpu.enqueue_indirect_dma source(%dma_start3A_337 : memref<162500x16xf32, #tpu.memory_space<hbm>>) target(%dma_start3A_332 : memref<128x16xf32, #tpu.memory_space<vmem>>) offsets(%dma_start3A_334 : memref<128xi32, #tpu.memory_space<vmem>>) semaphore(%arg17 : memref<!tpu.dma_semaphore, #tpu.memory_space<semaphore_mem>>)
    %dma_start3A_338 = arith.constant 384 : i32
    %dma_start3A_339 = arith.constant 0 : i32
    %dma_start3A_340 = tpu.memref_slice %arg16[%dma_start3A_338, %dma_start3A_339] : memref<1664x16xf32, #tpu.memory_space<vmem>> -> memref<128x16xf32, #tpu.memory_space<vmem>>
    %dma_start3A_341 = arith.constant 384 : i32
    %dma_start3A_342 = tpu.memref_slice %arg12[%dma_start3A_341] : memref<1664xi32, #tpu.memory_space<vmem>> -> memref<128xi32, #tpu.memory_space<vmem>>
    %dma_start3A_343 = arith.constant 0 : i32
    %dma_start3A_344 = arith.constant 0 : i32
    %dma_start3A_345 = tpu.memref_slice %arg6[%dma_start3A_343, %dma_start3A_344] : memref<162500x16xf32, #tpu.memory_space<hbm>> -> memref<162500x16xf32, #tpu.memory_space<hbm>>
    tpu.enqueue_indirect_dma source(%dma_start3A_345 : memref<162500x16xf32, #tpu.memory_space<hbm>>) target(%dma_start3A_340 : memref<128x16xf32, #tpu.memory_space<vmem>>) offsets(%dma_start3A_342 : memref<128xi32, #tpu.memory_space<vmem>>) semaphore(%arg17 : memref<!tpu.dma_semaphore, #tpu.memory_space<semaphore_mem>>)
    %dma_start3A_346 = arith.constant 512 : i32
    %dma_start3A_347 = arith.constant 0 : i32
    %dma_start3A_348 = tpu.memref_slice %arg16[%dma_start3A_346, %dma_start3A_347] : memref<1664x16xf32, #tpu.memory_space<vmem>> -> memref<128x16xf32, #tpu.memory_space<vmem>>
    %dma_start3A_349 = arith.constant 512 : i32
    %dma_start3A_350 = tpu.memref_slice %arg12[%dma_start3A_349] : memref<1664xi32, #tpu.memory_space<vmem>> -> memref<128xi32, #tpu.memory_space<vmem>>
    %dma_start3A_351 = arith.constant 0 : i32
    %dma_start3A_352 = arith.constant 0 : i32
    %dma_start3A_353 = tpu.memref_slice %arg6[%dma_start3A_351, %dma_start3A_352] : memref<162500x16xf32, #tpu.memory_space<hbm>> -> memref<162500x16xf32, #tpu.memory_space<hbm>>
    tpu.enqueue_indirect_dma source(%dma_start3A_353 : memref<162500x16xf32, #tpu.memory_space<hbm>>) target(%dma_start3A_348 : memref<128x16xf32, #tpu.memory_space<vmem>>) offsets(%dma_start3A_350 : memref<128xi32, #tpu.memory_space<vmem>>) semaphore(%arg17 : memref<!tpu.dma_semaphore, #tpu.memory_space<semaphore_mem>>)
    %dma_start3A_354 = arith.constant 640 : i32
    %dma_start3A_355 = arith.constant 0 : i32
    %dma_start3A_356 = tpu.memref_slice %arg16[%dma_start3A_354, %dma_start3A_355] : memref<1664x16xf32, #tpu.memory_space<vmem>> -> memref<128x16xf32, #tpu.memory_space<vmem>>
    %dma_start3A_357 = arith.constant 640 : i32
    %dma_start3A_358 = tpu.memref_slice %arg12[%dma_start3A_357] : memref<1664xi32, #tpu.memory_space<vmem>> -> memref<128xi32, #tpu.memory_space<vmem>>
    %dma_start3A_359 = arith.constant 0 : i32
    %dma_start3A_360 = arith.constant 0 : i32
    %dma_start3A_361 = tpu.memref_slice %arg6[%dma_start3A_359, %dma_start3A_360] : memref<162500x16xf32, #tpu.memory_space<hbm>> -> memref<162500x16xf32, #tpu.memory_space<hbm>>
    tpu.enqueue_indirect_dma source(%dma_start3A_361 : memref<162500x16xf32, #tpu.memory_space<hbm>>) target(%dma_start3A_356 : memref<128x16xf32, #tpu.memory_space<vmem>>) offsets(%dma_start3A_358 : memref<128xi32, #tpu.memory_space<vmem>>) semaphore(%arg17 : memref<!tpu.dma_semaphore, #tpu.memory_space<semaphore_mem>>)
    %dma_start3A_362 = arith.constant 768 : i32
    %dma_start3A_363 = arith.constant 0 : i32
    %dma_start3A_364 = tpu.memref_slice %arg16[%dma_start3A_362, %dma_start3A_363] : memref<1664x16xf32, #tpu.memory_space<vmem>> -> memref<128x16xf32, #tpu.memory_space<vmem>>
    %dma_start3A_365 = arith.constant 768 : i32
    %dma_start3A_366 = tpu.memref_slice %arg12[%dma_start3A_365] : memref<1664xi32, #tpu.memory_space<vmem>> -> memref<128xi32, #tpu.memory_space<vmem>>
    %dma_start3A_367 = arith.constant 0 : i32
    %dma_start3A_368 = arith.constant 0 : i32
    %dma_start3A_369 = tpu.memref_slice %arg6[%dma_start3A_367, %dma_start3A_368] : memref<162500x16xf32, #tpu.memory_space<hbm>> -> memref<162500x16xf32, #tpu.memory_space<hbm>>
    tpu.enqueue_indirect_dma source(%dma_start3A_369 : memref<162500x16xf32, #tpu.memory_space<hbm>>) target(%dma_start3A_364 : memref<128x16xf32, #tpu.memory_space<vmem>>) offsets(%dma_start3A_366 : memref<128xi32, #tpu.memory_space<vmem>>) semaphore(%arg17 : memref<!tpu.dma_semaphore, #tpu.memory_space<semaphore_mem>>)
    %dma_start3A_370 = arith.constant 896 : i32
    %dma_start3A_371 = arith.constant 0 : i32
    %dma_start3A_372 = tpu.memref_slice %arg16[%dma_start3A_370, %dma_start3A_371] : memref<1664x16xf32, #tpu.memory_space<vmem>> -> memref<128x16xf32, #tpu.memory_space<vmem>>
    %dma_start3A_373 = arith.constant 896 : i32
    %dma_start3A_374 = tpu.memref_slice %arg12[%dma_start3A_373] : memref<1664xi32, #tpu.memory_space<vmem>> -> memref<128xi32, #tpu.memory_space<vmem>>
    %dma_start3A_375 = arith.constant 0 : i32
    %dma_start3A_376 = arith.constant 0 : i32
    %dma_start3A_377 = tpu.memref_slice %arg6[%dma_start3A_375, %dma_start3A_376] : memref<162500x16xf32, #tpu.memory_space<hbm>> -> memref<162500x16xf32, #tpu.memory_space<hbm>>
    tpu.enqueue_indirect_dma source(%dma_start3A_377 : memref<162500x16xf32, #tpu.memory_space<hbm>>) target(%dma_start3A_372 : memref<128x16xf32, #tpu.memory_space<vmem>>) offsets(%dma_start3A_374 : memref<128xi32, #tpu.memory_space<vmem>>) semaphore(%arg17 : memref<!tpu.dma_semaphore, #tpu.memory_space<semaphore_mem>>)
    %dma_start3A_378 = arith.constant 1024 : i32
    %dma_start3A_379 = arith.constant 0 : i32
    %dma_start3A_380 = tpu.memref_slice %arg16[%dma_start3A_378, %dma_start3A_379] : memref<1664x16xf32, #tpu.memory_space<vmem>> -> memref<128x16xf32, #tpu.memory_space<vmem>>
    %dma_start3A_381 = arith.constant 1024 : i32
    %dma_start3A_382 = tpu.memref_slice %arg12[%dma_start3A_381] : memref<1664xi32, #tpu.memory_space<vmem>> -> memref<128xi32, #tpu.memory_space<vmem>>
    %dma_start3A_383 = arith.constant 0 : i32
    %dma_start3A_384 = arith.constant 0 : i32
    %dma_start3A_385 = tpu.memref_slice %arg6[%dma_start3A_383, %dma_start3A_384] : memref<162500x16xf32, #tpu.memory_space<hbm>> -> memref<162500x16xf32, #tpu.memory_space<hbm>>
    tpu.enqueue_indirect_dma source(%dma_start3A_385 : memref<162500x16xf32, #tpu.memory_space<hbm>>) target(%dma_start3A_380 : memref<128x16xf32, #tpu.memory_space<vmem>>) offsets(%dma_start3A_382 : memref<128xi32, #tpu.memory_space<vmem>>) semaphore(%arg17 : memref<!tpu.dma_semaphore, #tpu.memory_space<semaphore_mem>>)
    %dma_start3A_386 = arith.constant 1152 : i32
    %dma_start3A_387 = arith.constant 0 : i32
    %dma_start3A_388 = tpu.memref_slice %arg16[%dma_start3A_386, %dma_start3A_387] : memref<1664x16xf32, #tpu.memory_space<vmem>> -> memref<128x16xf32, #tpu.memory_space<vmem>>
    %dma_start3A_389 = arith.constant 1152 : i32
    %dma_start3A_390 = tpu.memref_slice %arg12[%dma_start3A_389] : memref<1664xi32, #tpu.memory_space<vmem>> -> memref<128xi32, #tpu.memory_space<vmem>>
    %dma_start3A_391 = arith.constant 0 : i32
    %dma_start3A_392 = arith.constant 0 : i32
    %dma_start3A_393 = tpu.memref_slice %arg6[%dma_start3A_391, %dma_start3A_392] : memref<162500x16xf32, #tpu.memory_space<hbm>> -> memref<162500x16xf32, #tpu.memory_space<hbm>>
    tpu.enqueue_indirect_dma source(%dma_start3A_393 : memref<162500x16xf32, #tpu.memory_space<hbm>>) target(%dma_start3A_388 : memref<128x16xf32, #tpu.memory_space<vmem>>) offsets(%dma_start3A_390 : memref<128xi32, #tpu.memory_space<vmem>>) semaphore(%arg17 : memref<!tpu.dma_semaphore, #tpu.memory_space<semaphore_mem>>)
    %dma_start3A_394 = arith.constant 1280 : i32
    %dma_start3A_395 = arith.constant 0 : i32
    %dma_start3A_396 = tpu.memref_slice %arg16[%dma_start3A_394, %dma_start3A_395] : memref<1664x16xf32, #tpu.memory_space<vmem>> -> memref<128x16xf32, #tpu.memory_space<vmem>>
    %dma_start3A_397 = arith.constant 1280 : i32
    %dma_start3A_398 = tpu.memref_slice %arg12[%dma_start3A_397] : memref<1664xi32, #tpu.memory_space<vmem>> -> memref<128xi32, #tpu.memory_space<vmem>>
    %dma_start3A_399 = arith.constant 0 : i32
    %dma_start3A_400 = arith.constant 0 : i32
    %dma_start3A_401 = tpu.memref_slice %arg6[%dma_start3A_399, %dma_start3A_400] : memref<162500x16xf32, #tpu.memory_space<hbm>> -> memref<162500x16xf32, #tpu.memory_space<hbm>>
    tpu.enqueue_indirect_dma source(%dma_start3A_401 : memref<162500x16xf32, #tpu.memory_space<hbm>>) target(%dma_start3A_396 : memref<128x16xf32, #tpu.memory_space<vmem>>) offsets(%dma_start3A_398 : memref<128xi32, #tpu.memory_space<vmem>>) semaphore(%arg17 : memref<!tpu.dma_semaphore, #tpu.memory_space<semaphore_mem>>)
    %dma_start3A_402 = arith.constant 1408 : i32
    %dma_start3A_403 = arith.constant 0 : i32
    %dma_start3A_404 = tpu.memref_slice %arg16[%dma_start3A_402, %dma_start3A_403] : memref<1664x16xf32, #tpu.memory_space<vmem>> -> memref<128x16xf32, #tpu.memory_space<vmem>>
    %dma_start3A_405 = arith.constant 1408 : i32
    %dma_start3A_406 = tpu.memref_slice %arg12[%dma_start3A_405] : memref<1664xi32, #tpu.memory_space<vmem>> -> memref<128xi32, #tpu.memory_space<vmem>>
    %dma_start3A_407 = arith.constant 0 : i32
    %dma_start3A_408 = arith.constant 0 : i32
    %dma_start3A_409 = tpu.memref_slice %arg6[%dma_start3A_407, %dma_start3A_408] : memref<162500x16xf32, #tpu.memory_space<hbm>> -> memref<162500x16xf32, #tpu.memory_space<hbm>>
    tpu.enqueue_indirect_dma source(%dma_start3A_409 : memref<162500x16xf32, #tpu.memory_space<hbm>>) target(%dma_start3A_404 : memref<128x16xf32, #tpu.memory_space<vmem>>) offsets(%dma_start3A_406 : memref<128xi32, #tpu.memory_space<vmem>>) semaphore(%arg17 : memref<!tpu.dma_semaphore, #tpu.memory_space<semaphore_mem>>)
    %dma_start3A_410 = arith.constant 1536 : i32
    %dma_start3A_411 = arith.constant 0 : i32
    %dma_start3A_412 = tpu.memref_slice %arg16[%dma_start3A_410, %dma_start3A_411] : memref<1664x16xf32, #tpu.memory_space<vmem>> -> memref<128x16xf32, #tpu.memory_space<vmem>>
    %dma_start3A_413 = arith.constant 1536 : i32
    %dma_start3A_414 = tpu.memref_slice %arg12[%dma_start3A_413] : memref<1664xi32, #tpu.memory_space<vmem>> -> memref<128xi32, #tpu.memory_space<vmem>>
    %dma_start3A_415 = arith.constant 0 : i32
    %dma_start3A_416 = arith.constant 0 : i32
    %dma_start3A_417 = tpu.memref_slice %arg6[%dma_start3A_415, %dma_start3A_416] : memref<162500x16xf32, #tpu.memory_space<hbm>> -> memref<162500x16xf32, #tpu.memory_space<hbm>>
    tpu.enqueue_indirect_dma source(%dma_start3A_417 : memref<162500x16xf32, #tpu.memory_space<hbm>>) target(%dma_start3A_412 : memref<128x16xf32, #tpu.memory_space<vmem>>) offsets(%dma_start3A_414 : memref<128xi32, #tpu.memory_space<vmem>>) semaphore(%arg17 : memref<!tpu.dma_semaphore, #tpu.memory_space<semaphore_mem>>)
    %dma_wait3A = arith.constant 0 : i32
    %dma_wait3A_418 = arith.constant 0 : i32
    %dma_wait3A_419 = tpu.memref_slice %arg14[%dma_wait3A, %dma_wait3A_418] : memref<1664x16xf32, #tpu.memory_space<vmem>> -> memref<128x16xf32, #tpu.memory_space<vmem>>
    %dma_wait3A_420 = arith.constant 0 : i32
    %dma_wait3A_421 = tpu.memref_slice %arg11[%dma_wait3A_420] : memref<1664xi32, #tpu.memory_space<vmem>> -> memref<128xi32, #tpu.memory_space<vmem>>
    %dma_wait3A_422 = arith.constant 0 : i32
    %dma_wait3A_423 = arith.constant 0 : i32
    %dma_wait3A_424 = tpu.memref_slice %arg5[%dma_wait3A_422, %dma_wait3A_423] : memref<2609152x16xf32, #tpu.memory_space<hbm>> -> memref<2609152x16xf32, #tpu.memory_space<hbm>>
    tpu.wait_indirect_dma semaphore(%arg17 : memref<!tpu.dma_semaphore, #tpu.memory_space<semaphore_mem>>) src(%dma_wait3A_424 : memref<2609152x16xf32, #tpu.memory_space<hbm>>) dst(%dma_wait3A_419 : memref<128x16xf32, #tpu.memory_space<vmem>>)
    %dma_wait3A_425 = arith.constant 128 : i32
    %dma_wait3A_426 = arith.constant 0 : i32
    %dma_wait3A_427 = tpu.memref_slice %arg14[%dma_wait3A_425, %dma_wait3A_426] : memref<1664x16xf32, #tpu.memory_space<vmem>> -> memref<128x16xf32, #tpu.memory_space<vmem>>
    %dma_wait3A_428 = arith.constant 128 : i32
    %dma_wait3A_429 = tpu.memref_slice %arg11[%dma_wait3A_428] : memref<1664xi32, #tpu.memory_space<vmem>> -> memref<128xi32, #tpu.memory_space<vmem>>
    %dma_wait3A_430 = arith.constant 0 : i32
    %dma_wait3A_431 = arith.constant 0 : i32
    %dma_wait3A_432 = tpu.memref_slice %arg5[%dma_wait3A_430, %dma_wait3A_431] : memref<2609152x16xf32, #tpu.memory_space<hbm>> -> memref<2609152x16xf32, #tpu.memory_space<hbm>>
    tpu.wait_indirect_dma semaphore(%arg17 : memref<!tpu.dma_semaphore, #tpu.memory_space<semaphore_mem>>) src(%dma_wait3A_432 : memref<2609152x16xf32, #tpu.memory_space<hbm>>) dst(%dma_wait3A_427 : memref<128x16xf32, #tpu.memory_space<vmem>>)
    %dma_wait3A_433 = arith.constant 256 : i32
    %dma_wait3A_434 = arith.constant 0 : i32
    %dma_wait3A_435 = tpu.memref_slice %arg14[%dma_wait3A_433, %dma_wait3A_434] : memref<1664x16xf32, #tpu.memory_space<vmem>> -> memref<128x16xf32, #tpu.memory_space<vmem>>
    %dma_wait3A_436 = arith.constant 256 : i32
    %dma_wait3A_437 = tpu.memref_slice %arg11[%dma_wait3A_436] : memref<1664xi32, #tpu.memory_space<vmem>> -> memref<128xi32, #tpu.memory_space<vmem>>
    %dma_wait3A_438 = arith.constant 0 : i32
    %dma_wait3A_439 = arith.constant 0 : i32
    %dma_wait3A_440 = tpu.memref_slice %arg5[%dma_wait3A_438, %dma_wait3A_439] : memref<2609152x16xf32, #tpu.memory_space<hbm>> -> memref<2609152x16xf32, #tpu.memory_space<hbm>>
    tpu.wait_indirect_dma semaphore(%arg17 : memref<!tpu.dma_semaphore, #tpu.memory_space<semaphore_mem>>) src(%dma_wait3A_440 : memref<2609152x16xf32, #tpu.memory_space<hbm>>) dst(%dma_wait3A_435 : memref<128x16xf32, #tpu.memory_space<vmem>>)
    %dma_wait3A_441 = arith.constant 384 : i32
    %dma_wait3A_442 = arith.constant 0 : i32
    %dma_wait3A_443 = tpu.memref_slice %arg14[%dma_wait3A_441, %dma_wait3A_442] : memref<1664x16xf32, #tpu.memory_space<vmem>> -> memref<128x16xf32, #tpu.memory_space<vmem>>
    %dma_wait3A_444 = arith.constant 384 : i32
    %dma_wait3A_445 = tpu.memref_slice %arg11[%dma_wait3A_444] : memref<1664xi32, #tpu.memory_space<vmem>> -> memref<128xi32, #tpu.memory_space<vmem>>
    %dma_wait3A_446 = arith.constant 0 : i32
    %dma_wait3A_447 = arith.constant 0 : i32
    %dma_wait3A_448 = tpu.memref_slice %arg5[%dma_wait3A_446, %dma_wait3A_447] : memref<2609152x16xf32, #tpu.memory_space<hbm>> -> memref<2609152x16xf32, #tpu.memory_space<hbm>>
    tpu.wait_indirect_dma semaphore(%arg17 : memref<!tpu.dma_semaphore, #tpu.memory_space<semaphore_mem>>) src(%dma_wait3A_448 : memref<2609152x16xf32, #tpu.memory_space<hbm>>) dst(%dma_wait3A_443 : memref<128x16xf32, #tpu.memory_space<vmem>>)
    %dma_wait3A_449 = arith.constant 512 : i32
    %dma_wait3A_450 = arith.constant 0 : i32
    %dma_wait3A_451 = tpu.memref_slice %arg14[%dma_wait3A_449, %dma_wait3A_450] : memref<1664x16xf32, #tpu.memory_space<vmem>> -> memref<128x16xf32, #tpu.memory_space<vmem>>
    %dma_wait3A_452 = arith.constant 512 : i32
    %dma_wait3A_453 = tpu.memref_slice %arg11[%dma_wait3A_452] : memref<1664xi32, #tpu.memory_space<vmem>> -> memref<128xi32, #tpu.memory_space<vmem>>
    %dma_wait3A_454 = arith.constant 0 : i32
    %dma_wait3A_455 = arith.constant 0 : i32
    %dma_wait3A_456 = tpu.memref_slice %arg5[%dma_wait3A_454, %dma_wait3A_455] : memref<2609152x16xf32, #tpu.memory_space<hbm>> -> memref<2609152x16xf32, #tpu.memory_space<hbm>>
    tpu.wait_indirect_dma semaphore(%arg17 : memref<!tpu.dma_semaphore, #tpu.memory_space<semaphore_mem>>) src(%dma_wait3A_456 : memref<2609152x16xf32, #tpu.memory_space<hbm>>) dst(%dma_wait3A_451 : memref<128x16xf32, #tpu.memory_space<vmem>>)
    %dma_wait3A_457 = arith.constant 640 : i32
    %dma_wait3A_458 = arith.constant 0 : i32
    %dma_wait3A_459 = tpu.memref_slice %arg14[%dma_wait3A_457, %dma_wait3A_458] : memref<1664x16xf32, #tpu.memory_space<vmem>> -> memref<128x16xf32, #tpu.memory_space<vmem>>
    %dma_wait3A_460 = arith.constant 640 : i32
    %dma_wait3A_461 = tpu.memref_slice %arg11[%dma_wait3A_460] : memref<1664xi32, #tpu.memory_space<vmem>> -> memref<128xi32, #tpu.memory_space<vmem>>
    %dma_wait3A_462 = arith.constant 0 : i32
    %dma_wait3A_463 = arith.constant 0 : i32
    %dma_wait3A_464 = tpu.memref_slice %arg5[%dma_wait3A_462, %dma_wait3A_463] : memref<2609152x16xf32, #tpu.memory_space<hbm>> -> memref<2609152x16xf32, #tpu.memory_space<hbm>>
    tpu.wait_indirect_dma semaphore(%arg17 : memref<!tpu.dma_semaphore, #tpu.memory_space<semaphore_mem>>) src(%dma_wait3A_464 : memref<2609152x16xf32, #tpu.memory_space<hbm>>) dst(%dma_wait3A_459 : memref<128x16xf32, #tpu.memory_space<vmem>>)
    %dma_wait3A_465 = arith.constant 768 : i32
    %dma_wait3A_466 = arith.constant 0 : i32
    %dma_wait3A_467 = tpu.memref_slice %arg14[%dma_wait3A_465, %dma_wait3A_466] : memref<1664x16xf32, #tpu.memory_space<vmem>> -> memref<128x16xf32, #tpu.memory_space<vmem>>
    %dma_wait3A_468 = arith.constant 768 : i32
    %dma_wait3A_469 = tpu.memref_slice %arg11[%dma_wait3A_468] : memref<1664xi32, #tpu.memory_space<vmem>> -> memref<128xi32, #tpu.memory_space<vmem>>
    %dma_wait3A_470 = arith.constant 0 : i32
    %dma_wait3A_471 = arith.constant 0 : i32
    %dma_wait3A_472 = tpu.memref_slice %arg5[%dma_wait3A_470, %dma_wait3A_471] : memref<2609152x16xf32, #tpu.memory_space<hbm>> -> memref<2609152x16xf32, #tpu.memory_space<hbm>>
    tpu.wait_indirect_dma semaphore(%arg17 : memref<!tpu.dma_semaphore, #tpu.memory_space<semaphore_mem>>) src(%dma_wait3A_472 : memref<2609152x16xf32, #tpu.memory_space<hbm>>) dst(%dma_wait3A_467 : memref<128x16xf32, #tpu.memory_space<vmem>>)
    %dma_wait3A_473 = arith.constant 896 : i32
    %dma_wait3A_474 = arith.constant 0 : i32
    %dma_wait3A_475 = tpu.memref_slice %arg14[%dma_wait3A_473, %dma_wait3A_474] : memref<1664x16xf32, #tpu.memory_space<vmem>> -> memref<128x16xf32, #tpu.memory_space<vmem>>
    %dma_wait3A_476 = arith.constant 896 : i32
    %dma_wait3A_477 = tpu.memref_slice %arg11[%dma_wait3A_476] : memref<1664xi32, #tpu.memory_space<vmem>> -> memref<128xi32, #tpu.memory_space<vmem>>
    %dma_wait3A_478 = arith.constant 0 : i32
    %dma_wait3A_479 = arith.constant 0 : i32
    %dma_wait3A_480 = tpu.memref_slice %arg5[%dma_wait3A_478, %dma_wait3A_479] : memref<2609152x16xf32, #tpu.memory_space<hbm>> -> memref<2609152x16xf32, #tpu.memory_space<hbm>>
    tpu.wait_indirect_dma semaphore(%arg17 : memref<!tpu.dma_semaphore, #tpu.memory_space<semaphore_mem>>) src(%dma_wait3A_480 : memref<2609152x16xf32, #tpu.memory_space<hbm>>) dst(%dma_wait3A_475 : memref<128x16xf32, #tpu.memory_space<vmem>>)
    %dma_wait3A_481 = arith.constant 1024 : i32
    %dma_wait3A_482 = arith.constant 0 : i32
    %dma_wait3A_483 = tpu.memref_slice %arg14[%dma_wait3A_481, %dma_wait3A_482] : memref<1664x16xf32, #tpu.memory_space<vmem>> -> memref<128x16xf32, #tpu.memory_space<vmem>>
    %dma_wait3A_484 = arith.constant 1024 : i32
    %dma_wait3A_485 = tpu.memref_slice %arg11[%dma_wait3A_484] : memref<1664xi32, #tpu.memory_space<vmem>> -> memref<128xi32, #tpu.memory_space<vmem>>
    %dma_wait3A_486 = arith.constant 0 : i32
    %dma_wait3A_487 = arith.constant 0 : i32
    %dma_wait3A_488 = tpu.memref_slice %arg5[%dma_wait3A_486, %dma_wait3A_487] : memref<2609152x16xf32, #tpu.memory_space<hbm>> -> memref<2609152x16xf32, #tpu.memory_space<hbm>>
    tpu.wait_indirect_dma semaphore(%arg17 : memref<!tpu.dma_semaphore, #tpu.memory_space<semaphore_mem>>) src(%dma_wait3A_488 : memref<2609152x16xf32, #tpu.memory_space<hbm>>) dst(%dma_wait3A_483 : memref<128x16xf32, #tpu.memory_space<vmem>>)
    %dma_wait3A_489 = arith.constant 1152 : i32
    %dma_wait3A_490 = arith.constant 0 : i32
    %dma_wait3A_491 = tpu.memref_slice %arg14[%dma_wait3A_489, %dma_wait3A_490] : memref<1664x16xf32, #tpu.memory_space<vmem>> -> memref<128x16xf32, #tpu.memory_space<vmem>>
    %dma_wait3A_492 = arith.constant 1152 : i32
    %dma_wait3A_493 = tpu.memref_slice %arg11[%dma_wait3A_492] : memref<1664xi32, #tpu.memory_space<vmem>> -> memref<128xi32, #tpu.memory_space<vmem>>
    %dma_wait3A_494 = arith.constant 0 : i32
    %dma_wait3A_495 = arith.constant 0 : i32
    %dma_wait3A_496 = tpu.memref_slice %arg5[%dma_wait3A_494, %dma_wait3A_495] : memref<2609152x16xf32, #tpu.memory_space<hbm>> -> memref<2609152x16xf32, #tpu.memory_space<hbm>>
    tpu.wait_indirect_dma semaphore(%arg17 : memref<!tpu.dma_semaphore, #tpu.memory_space<semaphore_mem>>) src(%dma_wait3A_496 : memref<2609152x16xf32, #tpu.memory_space<hbm>>) dst(%dma_wait3A_491 : memref<128x16xf32, #tpu.memory_space<vmem>>)
    %dma_wait3A_497 = arith.constant 1280 : i32
    %dma_wait3A_498 = arith.constant 0 : i32
    %dma_wait3A_499 = tpu.memref_slice %arg14[%dma_wait3A_497, %dma_wait3A_498] : memref<1664x16xf32, #tpu.memory_space<vmem>> -> memref<128x16xf32, #tpu.memory_space<vmem>>
    %dma_wait3A_500 = arith.constant 1280 : i32
    %dma_wait3A_501 = tpu.memref_slice %arg11[%dma_wait3A_500] : memref<1664xi32, #tpu.memory_space<vmem>> -> memref<128xi32, #tpu.memory_space<vmem>>
    %dma_wait3A_502 = arith.constant 0 : i32
    %dma_wait3A_503 = arith.constant 0 : i32
    %dma_wait3A_504 = tpu.memref_slice %arg5[%dma_wait3A_502, %dma_wait3A_503] : memref<2609152x16xf32, #tpu.memory_space<hbm>> -> memref<2609152x16xf32, #tpu.memory_space<hbm>>
    tpu.wait_indirect_dma semaphore(%arg17 : memref<!tpu.dma_semaphore, #tpu.memory_space<semaphore_mem>>) src(%dma_wait3A_504 : memref<2609152x16xf32, #tpu.memory_space<hbm>>) dst(%dma_wait3A_499 : memref<128x16xf32, #tpu.memory_space<vmem>>)
    %dma_wait3A_505 = arith.constant 1408 : i32
    %dma_wait3A_506 = arith.constant 0 : i32
    %dma_wait3A_507 = tpu.memref_slice %arg14[%dma_wait3A_505, %dma_wait3A_506] : memref<1664x16xf32, #tpu.memory_space<vmem>> -> memref<128x16xf32, #tpu.memory_space<vmem>>
    %dma_wait3A_508 = arith.constant 1408 : i32
    %dma_wait3A_509 = tpu.memref_slice %arg11[%dma_wait3A_508] : memref<1664xi32, #tpu.memory_space<vmem>> -> memref<128xi32, #tpu.memory_space<vmem>>
    %dma_wait3A_510 = arith.constant 0 : i32
    %dma_wait3A_511 = arith.constant 0 : i32
    %dma_wait3A_512 = tpu.memref_slice %arg5[%dma_wait3A_510, %dma_wait3A_511] : memref<2609152x16xf32, #tpu.memory_space<hbm>> -> memref<2609152x16xf32, #tpu.memory_space<hbm>>
    tpu.wait_indirect_dma semaphore(%arg17 : memref<!tpu.dma_semaphore, #tpu.memory_space<semaphore_mem>>) src(%dma_wait3A_512 : memref<2609152x16xf32, #tpu.memory_space<hbm>>) dst(%dma_wait3A_507 : memref<128x16xf32, #tpu.memory_space<vmem>>)
    %dma_wait3A_513 = arith.constant 1536 : i32
    %dma_wait3A_514 = arith.constant 0 : i32
    %dma_wait3A_515 = tpu.memref_slice %arg14[%dma_wait3A_513, %dma_wait3A_514] : memref<1664x16xf32, #tpu.memory_space<vmem>> -> memref<128x16xf32, #tpu.memory_space<vmem>>
    %dma_wait3A_516 = arith.constant 1536 : i32
    %dma_wait3A_517 = tpu.memref_slice %arg11[%dma_wait3A_516] : memref<1664xi32, #tpu.memory_space<vmem>> -> memref<128xi32, #tpu.memory_space<vmem>>
    %dma_wait3A_518 = arith.constant 0 : i32
    %dma_wait3A_519 = arith.constant 0 : i32
    %dma_wait3A_520 = tpu.memref_slice %arg5[%dma_wait3A_518, %dma_wait3A_519] : memref<2609152x16xf32, #tpu.memory_space<hbm>> -> memref<2609152x16xf32, #tpu.memory_space<hbm>>
    tpu.wait_indirect_dma semaphore(%arg17 : memref<!tpu.dma_semaphore, #tpu.memory_space<semaphore_mem>>) src(%dma_wait3A_520 : memref<2609152x16xf32, #tpu.memory_space<hbm>>) dst(%dma_wait3A_515 : memref<128x16xf32, #tpu.memory_space<vmem>>)
    %dma_wait3A_521 = arith.constant 0 : i32
    %dma_wait3A_522 = arith.constant 0 : i32
    %dma_wait3A_523 = tpu.memref_slice %arg15[%dma_wait3A_521, %dma_wait3A_522] : memref<3200x16xf32, #tpu.memory_space<vmem>> -> memref<128x16xf32, #tpu.memory_space<vmem>>
    %dma_wait3A_524 = arith.constant 0 : i32
    %dma_wait3A_525 = tpu.memref_slice %arg13[%dma_wait3A_524] : memref<3200xi32, #tpu.memory_space<vmem>> -> memref<128xi32, #tpu.memory_space<vmem>>
    %dma_wait3A_526 = arith.constant 0 : i32
    %dma_wait3A_527 = arith.constant 0 : i32
    %dma_wait3A_528 = tpu.memref_slice %arg7[%dma_wait3A_526, %dma_wait3A_527] : memref<100352x16xf32, #tpu.memory_space<hbm>> -> memref<100352x16xf32, #tpu.memory_space<hbm>>
    tpu.wait_indirect_dma semaphore(%arg17 : memref<!tpu.dma_semaphore, #tpu.memory_space<semaphore_mem>>) src(%dma_wait3A_528 : memref<100352x16xf32, #tpu.memory_space<hbm>>) dst(%dma_wait3A_523 : memref<128x16xf32, #tpu.memory_space<vmem>>)
    %dma_wait3A_529 = arith.constant 128 : i32
    %dma_wait3A_530 = arith.constant 0 : i32
    %dma_wait3A_531 = tpu.memref_slice %arg15[%dma_wait3A_529, %dma_wait3A_530] : memref<3200x16xf32, #tpu.memory_space<vmem>> -> memref<128x16xf32, #tpu.memory_space<vmem>>
    %dma_wait3A_532 = arith.constant 128 : i32
    %dma_wait3A_533 = tpu.memref_slice %arg13[%dma_wait3A_532] : memref<3200xi32, #tpu.memory_space<vmem>> -> memref<128xi32, #tpu.memory_space<vmem>>
    %dma_wait3A_534 = arith.constant 0 : i32
    %dma_wait3A_535 = arith.constant 0 : i32
    %dma_wait3A_536 = tpu.memref_slice %arg7[%dma_wait3A_534, %dma_wait3A_535] : memref<100352x16xf32, #tpu.memory_space<hbm>> -> memref<100352x16xf32, #tpu.memory_space<hbm>>
    tpu.wait_indirect_dma semaphore(%arg17 : memref<!tpu.dma_semaphore, #tpu.memory_space<semaphore_mem>>) src(%dma_wait3A_536 : memref<100352x16xf32, #tpu.memory_space<hbm>>) dst(%dma_wait3A_531 : memref<128x16xf32, #tpu.memory_space<vmem>>)
    %dma_wait3A_537 = arith.constant 256 : i32
    %dma_wait3A_538 = arith.constant 0 : i32
    %dma_wait3A_539 = tpu.memref_slice %arg15[%dma_wait3A_537, %dma_wait3A_538] : memref<3200x16xf32, #tpu.memory_space<vmem>> -> memref<128x16xf32, #tpu.memory_space<vmem>>
    %dma_wait3A_540 = arith.constant 256 : i32
    %dma_wait3A_541 = tpu.memref_slice %arg13[%dma_wait3A_540] : memref<3200xi32, #tpu.memory_space<vmem>> -> memref<128xi32, #tpu.memory_space<vmem>>
    %dma_wait3A_542 = arith.constant 0 : i32
    %dma_wait3A_543 = arith.constant 0 : i32
    %dma_wait3A_544 = tpu.memref_slice %arg7[%dma_wait3A_542, %dma_wait3A_543] : memref<100352x16xf32, #tpu.memory_space<hbm>> -> memref<100352x16xf32, #tpu.memory_space<hbm>>
    tpu.wait_indirect_dma semaphore(%arg17 : memref<!tpu.dma_semaphore, #tpu.memory_space<semaphore_mem>>) src(%dma_wait3A_544 : memref<100352x16xf32, #tpu.memory_space<hbm>>) dst(%dma_wait3A_539 : memref<128x16xf32, #tpu.memory_space<vmem>>)
    %dma_wait3A_545 = arith.constant 384 : i32
    %dma_wait3A_546 = arith.constant 0 : i32
    %dma_wait3A_547 = tpu.memref_slice %arg15[%dma_wait3A_545, %dma_wait3A_546] : memref<3200x16xf32, #tpu.memory_space<vmem>> -> memref<128x16xf32, #tpu.memory_space<vmem>>
    %dma_wait3A_548 = arith.constant 384 : i32
    %dma_wait3A_549 = tpu.memref_slice %arg13[%dma_wait3A_548] : memref<3200xi32, #tpu.memory_space<vmem>> -> memref<128xi32, #tpu.memory_space<vmem>>
    %dma_wait3A_550 = arith.constant 0 : i32
    %dma_wait3A_551 = arith.constant 0 : i32
    %dma_wait3A_552 = tpu.memref_slice %arg7[%dma_wait3A_550, %dma_wait3A_551] : memref<100352x16xf32, #tpu.memory_space<hbm>> -> memref<100352x16xf32, #tpu.memory_space<hbm>>
    tpu.wait_indirect_dma semaphore(%arg17 : memref<!tpu.dma_semaphore, #tpu.memory_space<semaphore_mem>>) src(%dma_wait3A_552 : memref<100352x16xf32, #tpu.memory_space<hbm>>) dst(%dma_wait3A_547 : memref<128x16xf32, #tpu.memory_space<vmem>>)
    %dma_wait3A_553 = arith.constant 512 : i32
    %dma_wait3A_554 = arith.constant 0 : i32
    %dma_wait3A_555 = tpu.memref_slice %arg15[%dma_wait3A_553, %dma_wait3A_554] : memref<3200x16xf32, #tpu.memory_space<vmem>> -> memref<128x16xf32, #tpu.memory_space<vmem>>
    %dma_wait3A_556 = arith.constant 512 : i32
    %dma_wait3A_557 = tpu.memref_slice %arg13[%dma_wait3A_556] : memref<3200xi32, #tpu.memory_space<vmem>> -> memref<128xi32, #tpu.memory_space<vmem>>
    %dma_wait3A_558 = arith.constant 0 : i32
    %dma_wait3A_559 = arith.constant 0 : i32
    %dma_wait3A_560 = tpu.memref_slice %arg7[%dma_wait3A_558, %dma_wait3A_559] : memref<100352x16xf32, #tpu.memory_space<hbm>> -> memref<100352x16xf32, #tpu.memory_space<hbm>>
    tpu.wait_indirect_dma semaphore(%arg17 : memref<!tpu.dma_semaphore, #tpu.memory_space<semaphore_mem>>) src(%dma_wait3A_560 : memref<100352x16xf32, #tpu.memory_space<hbm>>) dst(%dma_wait3A_555 : memref<128x16xf32, #tpu.memory_space<vmem>>)
    %dma_wait3A_561 = arith.constant 640 : i32
    %dma_wait3A_562 = arith.constant 0 : i32
    %dma_wait3A_563 = tpu.memref_slice %arg15[%dma_wait3A_561, %dma_wait3A_562] : memref<3200x16xf32, #tpu.memory_space<vmem>> -> memref<128x16xf32, #tpu.memory_space<vmem>>
    %dma_wait3A_564 = arith.constant 640 : i32
    %dma_wait3A_565 = tpu.memref_slice %arg13[%dma_wait3A_564] : memref<3200xi32, #tpu.memory_space<vmem>> -> memref<128xi32, #tpu.memory_space<vmem>>
    %dma_wait3A_566 = arith.constant 0 : i32
    %dma_wait3A_567 = arith.constant 0 : i32
    %dma_wait3A_568 = tpu.memref_slice %arg7[%dma_wait3A_566, %dma_wait3A_567] : memref<100352x16xf32, #tpu.memory_space<hbm>> -> memref<100352x16xf32, #tpu.memory_space<hbm>>
    tpu.wait_indirect_dma semaphore(%arg17 : memref<!tpu.dma_semaphore, #tpu.memory_space<semaphore_mem>>) src(%dma_wait3A_568 : memref<100352x16xf32, #tpu.memory_space<hbm>>) dst(%dma_wait3A_563 : memref<128x16xf32, #tpu.memory_space<vmem>>)
    %dma_wait3A_569 = arith.constant 768 : i32
    %dma_wait3A_570 = arith.constant 0 : i32
    %dma_wait3A_571 = tpu.memref_slice %arg15[%dma_wait3A_569, %dma_wait3A_570] : memref<3200x16xf32, #tpu.memory_space<vmem>> -> memref<128x16xf32, #tpu.memory_space<vmem>>
    %dma_wait3A_572 = arith.constant 768 : i32
    %dma_wait3A_573 = tpu.memref_slice %arg13[%dma_wait3A_572] : memref<3200xi32, #tpu.memory_space<vmem>> -> memref<128xi32, #tpu.memory_space<vmem>>
    %dma_wait3A_574 = arith.constant 0 : i32
    %dma_wait3A_575 = arith.constant 0 : i32
    %dma_wait3A_576 = tpu.memref_slice %arg7[%dma_wait3A_574, %dma_wait3A_575] : memref<100352x16xf32, #tpu.memory_space<hbm>> -> memref<100352x16xf32, #tpu.memory_space<hbm>>
    tpu.wait_indirect_dma semaphore(%arg17 : memref<!tpu.dma_semaphore, #tpu.memory_space<semaphore_mem>>) src(%dma_wait3A_576 : memref<100352x16xf32, #tpu.memory_space<hbm>>) dst(%dma_wait3A_571 : memref<128x16xf32, #tpu.memory_space<vmem>>)
    %dma_wait3A_577 = arith.constant 896 : i32
    %dma_wait3A_578 = arith.constant 0 : i32
    %dma_wait3A_579 = tpu.memref_slice %arg15[%dma_wait3A_577, %dma_wait3A_578] : memref<3200x16xf32, #tpu.memory_space<vmem>> -> memref<128x16xf32, #tpu.memory_space<vmem>>
    %dma_wait3A_580 = arith.constant 896 : i32
    %dma_wait3A_581 = tpu.memref_slice %arg13[%dma_wait3A_580] : memref<3200xi32, #tpu.memory_space<vmem>> -> memref<128xi32, #tpu.memory_space<vmem>>
    %dma_wait3A_582 = arith.constant 0 : i32
    %dma_wait3A_583 = arith.constant 0 : i32
    %dma_wait3A_584 = tpu.memref_slice %arg7[%dma_wait3A_582, %dma_wait3A_583] : memref<100352x16xf32, #tpu.memory_space<hbm>> -> memref<100352x16xf32, #tpu.memory_space<hbm>>
    tpu.wait_indirect_dma semaphore(%arg17 : memref<!tpu.dma_semaphore, #tpu.memory_space<semaphore_mem>>) src(%dma_wait3A_584 : memref<100352x16xf32, #tpu.memory_space<hbm>>) dst(%dma_wait3A_579 : memref<128x16xf32, #tpu.memory_space<vmem>>)
    %dma_wait3A_585 = arith.constant 1024 : i32
    %dma_wait3A_586 = arith.constant 0 : i32
    %dma_wait3A_587 = tpu.memref_slice %arg15[%dma_wait3A_585, %dma_wait3A_586] : memref<3200x16xf32, #tpu.memory_space<vmem>> -> memref<128x16xf32, #tpu.memory_space<vmem>>
    %dma_wait3A_588 = arith.constant 1024 : i32
    %dma_wait3A_589 = tpu.memref_slice %arg13[%dma_wait3A_588] : memref<3200xi32, #tpu.memory_space<vmem>> -> memref<128xi32, #tpu.memory_space<vmem>>
    %dma_wait3A_590 = arith.constant 0 : i32
    %dma_wait3A_591 = arith.constant 0 : i32
    %dma_wait3A_592 = tpu.memref_slice %arg7[%dma_wait3A_590, %dma_wait3A_591] : memref<100352x16xf32, #tpu.memory_space<hbm>> -> memref<100352x16xf32, #tpu.memory_space<hbm>>
    tpu.wait_indirect_dma semaphore(%arg17 : memref<!tpu.dma_semaphore, #tpu.memory_space<semaphore_mem>>) src(%dma_wait3A_592 : memref<100352x16xf32, #tpu.memory_space<hbm>>) dst(%dma_wait3A_587 : memref<128x16xf32, #tpu.memory_space<vmem>>)
    %dma_wait3A_593 = arith.constant 1152 : i32
    %dma_wait3A_594 = arith.constant 0 : i32
    %dma_wait3A_595 = tpu.memref_slice %arg15[%dma_wait3A_593, %dma_wait3A_594] : memref<3200x16xf32, #tpu.memory_space<vmem>> -> memref<128x16xf32, #tpu.memory_space<vmem>>
    %dma_wait3A_596 = arith.constant 1152 : i32
    %dma_wait3A_597 = tpu.memref_slice %arg13[%dma_wait3A_596] : memref<3200xi32, #tpu.memory_space<vmem>> -> memref<128xi32, #tpu.memory_space<vmem>>
    %dma_wait3A_598 = arith.constant 0 : i32
    %dma_wait3A_599 = arith.constant 0 : i32
    %dma_wait3A_600 = tpu.memref_slice %arg7[%dma_wait3A_598, %dma_wait3A_599] : memref<100352x16xf32, #tpu.memory_space<hbm>> -> memref<100352x16xf32, #tpu.memory_space<hbm>>
    tpu.wait_indirect_dma semaphore(%arg17 : memref<!tpu.dma_semaphore, #tpu.memory_space<semaphore_mem>>) src(%dma_wait3A_600 : memref<100352x16xf32, #tpu.memory_space<hbm>>) dst(%dma_wait3A_595 : memref<128x16xf32, #tpu.memory_space<vmem>>)
    %dma_wait3A_601 = arith.constant 1280 : i32
    %dma_wait3A_602 = arith.constant 0 : i32
    %dma_wait3A_603 = tpu.memref_slice %arg15[%dma_wait3A_601, %dma_wait3A_602] : memref<3200x16xf32, #tpu.memory_space<vmem>> -> memref<128x16xf32, #tpu.memory_space<vmem>>
    %dma_wait3A_604 = arith.constant 1280 : i32
    %dma_wait3A_605 = tpu.memref_slice %arg13[%dma_wait3A_604] : memref<3200xi32, #tpu.memory_space<vmem>> -> memref<128xi32, #tpu.memory_space<vmem>>
    %dma_wait3A_606 = arith.constant 0 : i32
    %dma_wait3A_607 = arith.constant 0 : i32
    %dma_wait3A_608 = tpu.memref_slice %arg7[%dma_wait3A_606, %dma_wait3A_607] : memref<100352x16xf32, #tpu.memory_space<hbm>> -> memref<100352x16xf32, #tpu.memory_space<hbm>>
    tpu.wait_indirect_dma semaphore(%arg17 : memref<!tpu.dma_semaphore, #tpu.memory_space<semaphore_mem>>) src(%dma_wait3A_608 : memref<100352x16xf32, #tpu.memory_space<hbm>>) dst(%dma_wait3A_603 : memref<128x16xf32, #tpu.memory_space<vmem>>)
    %dma_wait3A_609 = arith.constant 1408 : i32
    %dma_wait3A_610 = arith.constant 0 : i32
    %dma_wait3A_611 = tpu.memref_slice %arg15[%dma_wait3A_609, %dma_wait3A_610] : memref<3200x16xf32, #tpu.memory_space<vmem>> -> memref<128x16xf32, #tpu.memory_space<vmem>>
    %dma_wait3A_612 = arith.constant 1408 : i32
    %dma_wait3A_613 = tpu.memref_slice %arg13[%dma_wait3A_612] : memref<3200xi32, #tpu.memory_space<vmem>> -> memref<128xi32, #tpu.memory_space<vmem>>
    %dma_wait3A_614 = arith.constant 0 : i32
    %dma_wait3A_615 = arith.constant 0 : i32
    %dma_wait3A_616 = tpu.memref_slice %arg7[%dma_wait3A_614, %dma_wait3A_615] : memref<100352x16xf32, #tpu.memory_space<hbm>> -> memref<100352x16xf32, #tpu.memory_space<hbm>>
    tpu.wait_indirect_dma semaphore(%arg17 : memref<!tpu.dma_semaphore, #tpu.memory_space<semaphore_mem>>) src(%dma_wait3A_616 : memref<100352x16xf32, #tpu.memory_space<hbm>>) dst(%dma_wait3A_611 : memref<128x16xf32, #tpu.memory_space<vmem>>)
    %dma_wait3A_617 = arith.constant 1536 : i32
    %dma_wait3A_618 = arith.constant 0 : i32
    %dma_wait3A_619 = tpu.memref_slice %arg15[%dma_wait3A_617, %dma_wait3A_618] : memref<3200x16xf32, #tpu.memory_space<vmem>> -> memref<128x16xf32, #tpu.memory_space<vmem>>
    %dma_wait3A_620 = arith.constant 1536 : i32
    %dma_wait3A_621 = tpu.memref_slice %arg13[%dma_wait3A_620] : memref<3200xi32, #tpu.memory_space<vmem>> -> memref<128xi32, #tpu.memory_space<vmem>>
    %dma_wait3A_622 = arith.constant 0 : i32
    %dma_wait3A_623 = arith.constant 0 : i32
    %dma_wait3A_624 = tpu.memref_slice %arg7[%dma_wait3A_622, %dma_wait3A_623] : memref<100352x16xf32, #tpu.memory_space<hbm>> -> memref<100352x16xf32, #tpu.memory_space<hbm>>
    tpu.wait_indirect_dma semaphore(%arg17 : memref<!tpu.dma_semaphore, #tpu.memory_space<semaphore_mem>>) src(%dma_wait3A_624 : memref<100352x16xf32, #tpu.memory_space<hbm>>) dst(%dma_wait3A_619 : memref<128x16xf32, #tpu.memory_space<vmem>>)
    %dma_wait3A_625 = arith.constant 1664 : i32
    %dma_wait3A_626 = arith.constant 0 : i32
    %dma_wait3A_627 = tpu.memref_slice %arg15[%dma_wait3A_625, %dma_wait3A_626] : memref<3200x16xf32, #tpu.memory_space<vmem>> -> memref<128x16xf32, #tpu.memory_space<vmem>>
    %dma_wait3A_628 = arith.constant 1664 : i32
    %dma_wait3A_629 = tpu.memref_slice %arg13[%dma_wait3A_628] : memref<3200xi32, #tpu.memory_space<vmem>> -> memref<128xi32, #tpu.memory_space<vmem>>
    %dma_wait3A_630 = arith.constant 0 : i32
    %dma_wait3A_631 = arith.constant 0 : i32
    %dma_wait3A_632 = tpu.memref_slice %arg7[%dma_wait3A_630, %dma_wait3A_631] : memref<100352x16xf32, #tpu.memory_space<hbm>> -> memref<100352x16xf32, #tpu.memory_space<hbm>>
    tpu.wait_indirect_dma semaphore(%arg17 : memref<!tpu.dma_semaphore, #tpu.memory_space<semaphore_mem>>) src(%dma_wait3A_632 : memref<100352x16xf32, #tpu.memory_space<hbm>>) dst(%dma_wait3A_627 : memref<128x16xf32, #tpu.memory_space<vmem>>)
    %dma_wait3A_633 = arith.constant 1792 : i32
    %dma_wait3A_634 = arith.constant 0 : i32
    %dma_wait3A_635 = tpu.memref_slice %arg15[%dma_wait3A_633, %dma_wait3A_634] : memref<3200x16xf32, #tpu.memory_space<vmem>> -> memref<128x16xf32, #tpu.memory_space<vmem>>
    %dma_wait3A_636 = arith.constant 1792 : i32
    %dma_wait3A_637 = tpu.memref_slice %arg13[%dma_wait3A_636] : memref<3200xi32, #tpu.memory_space<vmem>> -> memref<128xi32, #tpu.memory_space<vmem>>
    %dma_wait3A_638 = arith.constant 0 : i32
    %dma_wait3A_639 = arith.constant 0 : i32
    %dma_wait3A_640 = tpu.memref_slice %arg7[%dma_wait3A_638, %dma_wait3A_639] : memref<100352x16xf32, #tpu.memory_space<hbm>> -> memref<100352x16xf32, #tpu.memory_space<hbm>>
    tpu.wait_indirect_dma semaphore(%arg17 : memref<!tpu.dma_semaphore, #tpu.memory_space<semaphore_mem>>) src(%dma_wait3A_640 : memref<100352x16xf32, #tpu.memory_space<hbm>>) dst(%dma_wait3A_635 : memref<128x16xf32, #tpu.memory_space<vmem>>)
    %dma_wait3A_641 = arith.constant 1920 : i32
    %dma_wait3A_642 = arith.constant 0 : i32
    %dma_wait3A_643 = tpu.memref_slice %arg15[%dma_wait3A_641, %dma_wait3A_642] : memref<3200x16xf32, #tpu.memory_space<vmem>> -> memref<128x16xf32, #tpu.memory_space<vmem>>
    %dma_wait3A_644 = arith.constant 1920 : i32
    %dma_wait3A_645 = tpu.memref_slice %arg13[%dma_wait3A_644] : memref<3200xi32, #tpu.memory_space<vmem>> -> memref<128xi32, #tpu.memory_space<vmem>>
    %dma_wait3A_646 = arith.constant 0 : i32
    %dma_wait3A_647 = arith.constant 0 : i32
    %dma_wait3A_648 = tpu.memref_slice %arg7[%dma_wait3A_646, %dma_wait3A_647] : memref<100352x16xf32, #tpu.memory_space<hbm>> -> memref<100352x16xf32, #tpu.memory_space<hbm>>
    tpu.wait_indirect_dma semaphore(%arg17 : memref<!tpu.dma_semaphore, #tpu.memory_space<semaphore_mem>>) src(%dma_wait3A_648 : memref<100352x16xf32, #tpu.memory_space<hbm>>) dst(%dma_wait3A_643 : memref<128x16xf32, #tpu.memory_space<vmem>>)
    %dma_wait3A_649 = arith.constant 2048 : i32
    %dma_wait3A_650 = arith.constant 0 : i32
    %dma_wait3A_651 = tpu.memref_slice %arg15[%dma_wait3A_649, %dma_wait3A_650] : memref<3200x16xf32, #tpu.memory_space<vmem>> -> memref<128x16xf32, #tpu.memory_space<vmem>>
    %dma_wait3A_652 = arith.constant 2048 : i32
    %dma_wait3A_653 = tpu.memref_slice %arg13[%dma_wait3A_652] : memref<3200xi32, #tpu.memory_space<vmem>> -> memref<128xi32, #tpu.memory_space<vmem>>
    %dma_wait3A_654 = arith.constant 0 : i32
    %dma_wait3A_655 = arith.constant 0 : i32
    %dma_wait3A_656 = tpu.memref_slice %arg7[%dma_wait3A_654, %dma_wait3A_655] : memref<100352x16xf32, #tpu.memory_space<hbm>> -> memref<100352x16xf32, #tpu.memory_space<hbm>>
    tpu.wait_indirect_dma semaphore(%arg17 : memref<!tpu.dma_semaphore, #tpu.memory_space<semaphore_mem>>) src(%dma_wait3A_656 : memref<100352x16xf32, #tpu.memory_space<hbm>>) dst(%dma_wait3A_651 : memref<128x16xf32, #tpu.memory_space<vmem>>)
    %dma_wait3A_657 = arith.constant 2176 : i32
    %dma_wait3A_658 = arith.constant 0 : i32
    %dma_wait3A_659 = tpu.memref_slice %arg15[%dma_wait3A_657, %dma_wait3A_658] : memref<3200x16xf32, #tpu.memory_space<vmem>> -> memref<128x16xf32, #tpu.memory_space<vmem>>
    %dma_wait3A_660 = arith.constant 2176 : i32
    %dma_wait3A_661 = tpu.memref_slice %arg13[%dma_wait3A_660] : memref<3200xi32, #tpu.memory_space<vmem>> -> memref<128xi32, #tpu.memory_space<vmem>>
    %dma_wait3A_662 = arith.constant 0 : i32
    %dma_wait3A_663 = arith.constant 0 : i32
    %dma_wait3A_664 = tpu.memref_slice %arg7[%dma_wait3A_662, %dma_wait3A_663] : memref<100352x16xf32, #tpu.memory_space<hbm>> -> memref<100352x16xf32, #tpu.memory_space<hbm>>
    tpu.wait_indirect_dma semaphore(%arg17 : memref<!tpu.dma_semaphore, #tpu.memory_space<semaphore_mem>>) src(%dma_wait3A_664 : memref<100352x16xf32, #tpu.memory_space<hbm>>) dst(%dma_wait3A_659 : memref<128x16xf32, #tpu.memory_space<vmem>>)
    %dma_wait3A_665 = arith.constant 2304 : i32
    %dma_wait3A_666 = arith.constant 0 : i32
    %dma_wait3A_667 = tpu.memref_slice %arg15[%dma_wait3A_665, %dma_wait3A_666] : memref<3200x16xf32, #tpu.memory_space<vmem>> -> memref<128x16xf32, #tpu.memory_space<vmem>>
    %dma_wait3A_668 = arith.constant 2304 : i32
    %dma_wait3A_669 = tpu.memref_slice %arg13[%dma_wait3A_668] : memref<3200xi32, #tpu.memory_space<vmem>> -> memref<128xi32, #tpu.memory_space<vmem>>
    %dma_wait3A_670 = arith.constant 0 : i32
    %dma_wait3A_671 = arith.constant 0 : i32
    %dma_wait3A_672 = tpu.memref_slice %arg7[%dma_wait3A_670, %dma_wait3A_671] : memref<100352x16xf32, #tpu.memory_space<hbm>> -> memref<100352x16xf32, #tpu.memory_space<hbm>>
    tpu.wait_indirect_dma semaphore(%arg17 : memref<!tpu.dma_semaphore, #tpu.memory_space<semaphore_mem>>) src(%dma_wait3A_672 : memref<100352x16xf32, #tpu.memory_space<hbm>>) dst(%dma_wait3A_667 : memref<128x16xf32, #tpu.memory_space<vmem>>)
    %dma_wait3A_673 = arith.constant 2432 : i32
    %dma_wait3A_674 = arith.constant 0 : i32
    %dma_wait3A_675 = tpu.memref_slice %arg15[%dma_wait3A_673, %dma_wait3A_674] : memref<3200x16xf32, #tpu.memory_space<vmem>> -> memref<128x16xf32, #tpu.memory_space<vmem>>
    %dma_wait3A_676 = arith.constant 2432 : i32
    %dma_wait3A_677 = tpu.memref_slice %arg13[%dma_wait3A_676] : memref<3200xi32, #tpu.memory_space<vmem>> -> memref<128xi32, #tpu.memory_space<vmem>>
    %dma_wait3A_678 = arith.constant 0 : i32
    %dma_wait3A_679 = arith.constant 0 : i32
    %dma_wait3A_680 = tpu.memref_slice %arg7[%dma_wait3A_678, %dma_wait3A_679] : memref<100352x16xf32, #tpu.memory_space<hbm>> -> memref<100352x16xf32, #tpu.memory_space<hbm>>
    tpu.wait_indirect_dma semaphore(%arg17 : memref<!tpu.dma_semaphore, #tpu.memory_space<semaphore_mem>>) src(%dma_wait3A_680 : memref<100352x16xf32, #tpu.memory_space<hbm>>) dst(%dma_wait3A_675 : memref<128x16xf32, #tpu.memory_space<vmem>>)
    %dma_wait3A_681 = arith.constant 2560 : i32
    %dma_wait3A_682 = arith.constant 0 : i32
    %dma_wait3A_683 = tpu.memref_slice %arg15[%dma_wait3A_681, %dma_wait3A_682] : memref<3200x16xf32, #tpu.memory_space<vmem>> -> memref<128x16xf32, #tpu.memory_space<vmem>>
    %dma_wait3A_684 = arith.constant 2560 : i32
    %dma_wait3A_685 = tpu.memref_slice %arg13[%dma_wait3A_684] : memref<3200xi32, #tpu.memory_space<vmem>> -> memref<128xi32, #tpu.memory_space<vmem>>
    %dma_wait3A_686 = arith.constant 0 : i32
    %dma_wait3A_687 = arith.constant 0 : i32
    %dma_wait3A_688 = tpu.memref_slice %arg7[%dma_wait3A_686, %dma_wait3A_687] : memref<100352x16xf32, #tpu.memory_space<hbm>> -> memref<100352x16xf32, #tpu.memory_space<hbm>>
    tpu.wait_indirect_dma semaphore(%arg17 : memref<!tpu.dma_semaphore, #tpu.memory_space<semaphore_mem>>) src(%dma_wait3A_688 : memref<100352x16xf32, #tpu.memory_space<hbm>>) dst(%dma_wait3A_683 : memref<128x16xf32, #tpu.memory_space<vmem>>)
    %dma_wait3A_689 = arith.constant 2688 : i32
    %dma_wait3A_690 = arith.constant 0 : i32
    %dma_wait3A_691 = tpu.memref_slice %arg15[%dma_wait3A_689, %dma_wait3A_690] : memref<3200x16xf32, #tpu.memory_space<vmem>> -> memref<128x16xf32, #tpu.memory_space<vmem>>
    %dma_wait3A_692 = arith.constant 2688 : i32
    %dma_wait3A_693 = tpu.memref_slice %arg13[%dma_wait3A_692] : memref<3200xi32, #tpu.memory_space<vmem>> -> memref<128xi32, #tpu.memory_space<vmem>>
    %dma_wait3A_694 = arith.constant 0 : i32
    %dma_wait3A_695 = arith.constant 0 : i32
    %dma_wait3A_696 = tpu.memref_slice %arg7[%dma_wait3A_694, %dma_wait3A_695] : memref<100352x16xf32, #tpu.memory_space<hbm>> -> memref<100352x16xf32, #tpu.memory_space<hbm>>
    tpu.wait_indirect_dma semaphore(%arg17 : memref<!tpu.dma_semaphore, #tpu.memory_space<semaphore_mem>>) src(%dma_wait3A_696 : memref<100352x16xf32, #tpu.memory_space<hbm>>) dst(%dma_wait3A_691 : memref<128x16xf32, #tpu.memory_space<vmem>>)
    %dma_wait3A_697 = arith.constant 2816 : i32
    %dma_wait3A_698 = arith.constant 0 : i32
    %dma_wait3A_699 = tpu.memref_slice %arg15[%dma_wait3A_697, %dma_wait3A_698] : memref<3200x16xf32, #tpu.memory_space<vmem>> -> memref<128x16xf32, #tpu.memory_space<vmem>>
    %dma_wait3A_700 = arith.constant 2816 : i32
    %dma_wait3A_701 = tpu.memref_slice %arg13[%dma_wait3A_700] : memref<3200xi32, #tpu.memory_space<vmem>> -> memref<128xi32, #tpu.memory_space<vmem>>
    %dma_wait3A_702 = arith.constant 0 : i32
    %dma_wait3A_703 = arith.constant 0 : i32
    %dma_wait3A_704 = tpu.memref_slice %arg7[%dma_wait3A_702, %dma_wait3A_703] : memref<100352x16xf32, #tpu.memory_space<hbm>> -> memref<100352x16xf32, #tpu.memory_space<hbm>>
    tpu.wait_indirect_dma semaphore(%arg17 : memref<!tpu.dma_semaphore, #tpu.memory_space<semaphore_mem>>) src(%dma_wait3A_704 : memref<100352x16xf32, #tpu.memory_space<hbm>>) dst(%dma_wait3A_699 : memref<128x16xf32, #tpu.memory_space<vmem>>)
    %dma_wait3A_705 = arith.constant 2944 : i32
    %dma_wait3A_706 = arith.constant 0 : i32
    %dma_wait3A_707 = tpu.memref_slice %arg15[%dma_wait3A_705, %dma_wait3A_706] : memref<3200x16xf32, #tpu.memory_space<vmem>> -> memref<128x16xf32, #tpu.memory_space<vmem>>
    %dma_wait3A_708 = arith.constant 2944 : i32
    %dma_wait3A_709 = tpu.memref_slice %arg13[%dma_wait3A_708] : memref<3200xi32, #tpu.memory_space<vmem>> -> memref<128xi32, #tpu.memory_space<vmem>>
    %dma_wait3A_710 = arith.constant 0 : i32
    %dma_wait3A_711 = arith.constant 0 : i32
    %dma_wait3A_712 = tpu.memref_slice %arg7[%dma_wait3A_710, %dma_wait3A_711] : memref<100352x16xf32, #tpu.memory_space<hbm>> -> memref<100352x16xf32, #tpu.memory_space<hbm>>
    tpu.wait_indirect_dma semaphore(%arg17 : memref<!tpu.dma_semaphore, #tpu.memory_space<semaphore_mem>>) src(%dma_wait3A_712 : memref<100352x16xf32, #tpu.memory_space<hbm>>) dst(%dma_wait3A_707 : memref<128x16xf32, #tpu.memory_space<vmem>>)
    %dma_wait3A_713 = arith.constant 3072 : i32
    %dma_wait3A_714 = arith.constant 0 : i32
    %dma_wait3A_715 = tpu.memref_slice %arg15[%dma_wait3A_713, %dma_wait3A_714] : memref<3200x16xf32, #tpu.memory_space<vmem>> -> memref<128x16xf32, #tpu.memory_space<vmem>>
    %dma_wait3A_716 = arith.constant 3072 : i32
    %dma_wait3A_717 = tpu.memref_slice %arg13[%dma_wait3A_716] : memref<3200xi32, #tpu.memory_space<vmem>> -> memref<128xi32, #tpu.memory_space<vmem>>
    %dma_wait3A_718 = arith.constant 0 : i32
    %dma_wait3A_719 = arith.constant 0 : i32
    %dma_wait3A_720 = tpu.memref_slice %arg7[%dma_wait3A_718, %dma_wait3A_719] : memref<100352x16xf32, #tpu.memory_space<hbm>> -> memref<100352x16xf32, #tpu.memory_space<hbm>>
    tpu.wait_indirect_dma semaphore(%arg17 : memref<!tpu.dma_semaphore, #tpu.memory_space<semaphore_mem>>) src(%dma_wait3A_720 : memref<100352x16xf32, #tpu.memory_space<hbm>>) dst(%dma_wait3A_715 : memref<128x16xf32, #tpu.memory_space<vmem>>)
    %dma_wait3A_721 = arith.constant 0 : i32
    %dma_wait3A_722 = arith.constant 0 : i32
    %dma_wait3A_723 = tpu.memref_slice %arg16[%dma_wait3A_721, %dma_wait3A_722] : memref<1664x16xf32, #tpu.memory_space<vmem>> -> memref<128x16xf32, #tpu.memory_space<vmem>>
    %dma_wait3A_724 = arith.constant 0 : i32
    %dma_wait3A_725 = tpu.memref_slice %arg12[%dma_wait3A_724] : memref<1664xi32, #tpu.memory_space<vmem>> -> memref<128xi32, #tpu.memory_space<vmem>>
    %dma_wait3A_726 = arith.constant 0 : i32
    %dma_wait3A_727 = arith.constant 0 : i32
    %dma_wait3A_728 = tpu.memref_slice %arg6[%dma_wait3A_726, %dma_wait3A_727] : memref<162500x16xf32, #tpu.memory_space<hbm>> -> memref<162500x16xf32, #tpu.memory_space<hbm>>
    tpu.wait_indirect_dma semaphore(%arg17 : memref<!tpu.dma_semaphore, #tpu.memory_space<semaphore_mem>>) src(%dma_wait3A_728 : memref<162500x16xf32, #tpu.memory_space<hbm>>) dst(%dma_wait3A_723 : memref<128x16xf32, #tpu.memory_space<vmem>>)
    %dma_wait3A_729 = arith.constant 128 : i32
    %dma_wait3A_730 = arith.constant 0 : i32
    %dma_wait3A_731 = tpu.memref_slice %arg16[%dma_wait3A_729, %dma_wait3A_730] : memref<1664x16xf32, #tpu.memory_space<vmem>> -> memref<128x16xf32, #tpu.memory_space<vmem>>
    %dma_wait3A_732 = arith.constant 128 : i32
    %dma_wait3A_733 = tpu.memref_slice %arg12[%dma_wait3A_732] : memref<1664xi32, #tpu.memory_space<vmem>> -> memref<128xi32, #tpu.memory_space<vmem>>
    %dma_wait3A_734 = arith.constant 0 : i32
    %dma_wait3A_735 = arith.constant 0 : i32
    %dma_wait3A_736 = tpu.memref_slice %arg6[%dma_wait3A_734, %dma_wait3A_735] : memref<162500x16xf32, #tpu.memory_space<hbm>> -> memref<162500x16xf32, #tpu.memory_space<hbm>>
    tpu.wait_indirect_dma semaphore(%arg17 : memref<!tpu.dma_semaphore, #tpu.memory_space<semaphore_mem>>) src(%dma_wait3A_736 : memref<162500x16xf32, #tpu.memory_space<hbm>>) dst(%dma_wait3A_731 : memref<128x16xf32, #tpu.memory_space<vmem>>)
    %dma_wait3A_737 = arith.constant 256 : i32
    %dma_wait3A_738 = arith.constant 0 : i32
    %dma_wait3A_739 = tpu.memref_slice %arg16[%dma_wait3A_737, %dma_wait3A_738] : memref<1664x16xf32, #tpu.memory_space<vmem>> -> memref<128x16xf32, #tpu.memory_space<vmem>>
    %dma_wait3A_740 = arith.constant 256 : i32
    %dma_wait3A_741 = tpu.memref_slice %arg12[%dma_wait3A_740] : memref<1664xi32, #tpu.memory_space<vmem>> -> memref<128xi32, #tpu.memory_space<vmem>>
    %dma_wait3A_742 = arith.constant 0 : i32
    %dma_wait3A_743 = arith.constant 0 : i32
    %dma_wait3A_744 = tpu.memref_slice %arg6[%dma_wait3A_742, %dma_wait3A_743] : memref<162500x16xf32, #tpu.memory_space<hbm>> -> memref<162500x16xf32, #tpu.memory_space<hbm>>
    tpu.wait_indirect_dma semaphore(%arg17 : memref<!tpu.dma_semaphore, #tpu.memory_space<semaphore_mem>>) src(%dma_wait3A_744 : memref<162500x16xf32, #tpu.memory_space<hbm>>) dst(%dma_wait3A_739 : memref<128x16xf32, #tpu.memory_space<vmem>>)
    %dma_wait3A_745 = arith.constant 384 : i32
    %dma_wait3A_746 = arith.constant 0 : i32
    %dma_wait3A_747 = tpu.memref_slice %arg16[%dma_wait3A_745, %dma_wait3A_746] : memref<1664x16xf32, #tpu.memory_space<vmem>> -> memref<128x16xf32, #tpu.memory_space<vmem>>
    %dma_wait3A_748 = arith.constant 384 : i32
    %dma_wait3A_749 = tpu.memref_slice %arg12[%dma_wait3A_748] : memref<1664xi32, #tpu.memory_space<vmem>> -> memref<128xi32, #tpu.memory_space<vmem>>
    %dma_wait3A_750 = arith.constant 0 : i32
    %dma_wait3A_751 = arith.constant 0 : i32
    %dma_wait3A_752 = tpu.memref_slice %arg6[%dma_wait3A_750, %dma_wait3A_751] : memref<162500x16xf32, #tpu.memory_space<hbm>> -> memref<162500x16xf32, #tpu.memory_space<hbm>>
    tpu.wait_indirect_dma semaphore(%arg17 : memref<!tpu.dma_semaphore, #tpu.memory_space<semaphore_mem>>) src(%dma_wait3A_752 : memref<162500x16xf32, #tpu.memory_space<hbm>>) dst(%dma_wait3A_747 : memref<128x16xf32, #tpu.memory_space<vmem>>)
    %dma_wait3A_753 = arith.constant 512 : i32
    %dma_wait3A_754 = arith.constant 0 : i32
    %dma_wait3A_755 = tpu.memref_slice %arg16[%dma_wait3A_753, %dma_wait3A_754] : memref<1664x16xf32, #tpu.memory_space<vmem>> -> memref<128x16xf32, #tpu.memory_space<vmem>>
    %dma_wait3A_756 = arith.constant 512 : i32
    %dma_wait3A_757 = tpu.memref_slice %arg12[%dma_wait3A_756] : memref<1664xi32, #tpu.memory_space<vmem>> -> memref<128xi32, #tpu.memory_space<vmem>>
    %dma_wait3A_758 = arith.constant 0 : i32
    %dma_wait3A_759 = arith.constant 0 : i32
    %dma_wait3A_760 = tpu.memref_slice %arg6[%dma_wait3A_758, %dma_wait3A_759] : memref<162500x16xf32, #tpu.memory_space<hbm>> -> memref<162500x16xf32, #tpu.memory_space<hbm>>
    tpu.wait_indirect_dma semaphore(%arg17 : memref<!tpu.dma_semaphore, #tpu.memory_space<semaphore_mem>>) src(%dma_wait3A_760 : memref<162500x16xf32, #tpu.memory_space<hbm>>) dst(%dma_wait3A_755 : memref<128x16xf32, #tpu.memory_space<vmem>>)
    %dma_wait3A_761 = arith.constant 640 : i32
    %dma_wait3A_762 = arith.constant 0 : i32
    %dma_wait3A_763 = tpu.memref_slice %arg16[%dma_wait3A_761, %dma_wait3A_762] : memref<1664x16xf32, #tpu.memory_space<vmem>> -> memref<128x16xf32, #tpu.memory_space<vmem>>
    %dma_wait3A_764 = arith.constant 640 : i32
    %dma_wait3A_765 = tpu.memref_slice %arg12[%dma_wait3A_764] : memref<1664xi32, #tpu.memory_space<vmem>> -> memref<128xi32, #tpu.memory_space<vmem>>
    %dma_wait3A_766 = arith.constant 0 : i32
    %dma_wait3A_767 = arith.constant 0 : i32
    %dma_wait3A_768 = tpu.memref_slice %arg6[%dma_wait3A_766, %dma_wait3A_767] : memref<162500x16xf32, #tpu.memory_space<hbm>> -> memref<162500x16xf32, #tpu.memory_space<hbm>>
    tpu.wait_indirect_dma semaphore(%arg17 : memref<!tpu.dma_semaphore, #tpu.memory_space<semaphore_mem>>) src(%dma_wait3A_768 : memref<162500x16xf32, #tpu.memory_space<hbm>>) dst(%dma_wait3A_763 : memref<128x16xf32, #tpu.memory_space<vmem>>)
    %dma_wait3A_769 = arith.constant 768 : i32
    %dma_wait3A_770 = arith.constant 0 : i32
    %dma_wait3A_771 = tpu.memref_slice %arg16[%dma_wait3A_769, %dma_wait3A_770] : memref<1664x16xf32, #tpu.memory_space<vmem>> -> memref<128x16xf32, #tpu.memory_space<vmem>>
    %dma_wait3A_772 = arith.constant 768 : i32
    %dma_wait3A_773 = tpu.memref_slice %arg12[%dma_wait3A_772] : memref<1664xi32, #tpu.memory_space<vmem>> -> memref<128xi32, #tpu.memory_space<vmem>>
    %dma_wait3A_774 = arith.constant 0 : i32
    %dma_wait3A_775 = arith.constant 0 : i32
    %dma_wait3A_776 = tpu.memref_slice %arg6[%dma_wait3A_774, %dma_wait3A_775] : memref<162500x16xf32, #tpu.memory_space<hbm>> -> memref<162500x16xf32, #tpu.memory_space<hbm>>
    tpu.wait_indirect_dma semaphore(%arg17 : memref<!tpu.dma_semaphore, #tpu.memory_space<semaphore_mem>>) src(%dma_wait3A_776 : memref<162500x16xf32, #tpu.memory_space<hbm>>) dst(%dma_wait3A_771 : memref<128x16xf32, #tpu.memory_space<vmem>>)
    %dma_wait3A_777 = arith.constant 896 : i32
    %dma_wait3A_778 = arith.constant 0 : i32
    %dma_wait3A_779 = tpu.memref_slice %arg16[%dma_wait3A_777, %dma_wait3A_778] : memref<1664x16xf32, #tpu.memory_space<vmem>> -> memref<128x16xf32, #tpu.memory_space<vmem>>
    %dma_wait3A_780 = arith.constant 896 : i32
    %dma_wait3A_781 = tpu.memref_slice %arg12[%dma_wait3A_780] : memref<1664xi32, #tpu.memory_space<vmem>> -> memref<128xi32, #tpu.memory_space<vmem>>
    %dma_wait3A_782 = arith.constant 0 : i32
    %dma_wait3A_783 = arith.constant 0 : i32
    %dma_wait3A_784 = tpu.memref_slice %arg6[%dma_wait3A_782, %dma_wait3A_783] : memref<162500x16xf32, #tpu.memory_space<hbm>> -> memref<162500x16xf32, #tpu.memory_space<hbm>>
    tpu.wait_indirect_dma semaphore(%arg17 : memref<!tpu.dma_semaphore, #tpu.memory_space<semaphore_mem>>) src(%dma_wait3A_784 : memref<162500x16xf32, #tpu.memory_space<hbm>>) dst(%dma_wait3A_779 : memref<128x16xf32, #tpu.memory_space<vmem>>)
    %dma_wait3A_785 = arith.constant 1024 : i32
    %dma_wait3A_786 = arith.constant 0 : i32
    %dma_wait3A_787 = tpu.memref_slice %arg16[%dma_wait3A_785, %dma_wait3A_786] : memref<1664x16xf32, #tpu.memory_space<vmem>> -> memref<128x16xf32, #tpu.memory_space<vmem>>
    %dma_wait3A_788 = arith.constant 1024 : i32
    %dma_wait3A_789 = tpu.memref_slice %arg12[%dma_wait3A_788] : memref<1664xi32, #tpu.memory_space<vmem>> -> memref<128xi32, #tpu.memory_space<vmem>>
    %dma_wait3A_790 = arith.constant 0 : i32
    %dma_wait3A_791 = arith.constant 0 : i32
    %dma_wait3A_792 = tpu.memref_slice %arg6[%dma_wait3A_790, %dma_wait3A_791] : memref<162500x16xf32, #tpu.memory_space<hbm>> -> memref<162500x16xf32, #tpu.memory_space<hbm>>
    tpu.wait_indirect_dma semaphore(%arg17 : memref<!tpu.dma_semaphore, #tpu.memory_space<semaphore_mem>>) src(%dma_wait3A_792 : memref<162500x16xf32, #tpu.memory_space<hbm>>) dst(%dma_wait3A_787 : memref<128x16xf32, #tpu.memory_space<vmem>>)
    %dma_wait3A_793 = arith.constant 1152 : i32
    %dma_wait3A_794 = arith.constant 0 : i32
    %dma_wait3A_795 = tpu.memref_slice %arg16[%dma_wait3A_793, %dma_wait3A_794] : memref<1664x16xf32, #tpu.memory_space<vmem>> -> memref<128x16xf32, #tpu.memory_space<vmem>>
    %dma_wait3A_796 = arith.constant 1152 : i32
    %dma_wait3A_797 = tpu.memref_slice %arg12[%dma_wait3A_796] : memref<1664xi32, #tpu.memory_space<vmem>> -> memref<128xi32, #tpu.memory_space<vmem>>
    %dma_wait3A_798 = arith.constant 0 : i32
    %dma_wait3A_799 = arith.constant 0 : i32
    %dma_wait3A_800 = tpu.memref_slice %arg6[%dma_wait3A_798, %dma_wait3A_799] : memref<162500x16xf32, #tpu.memory_space<hbm>> -> memref<162500x16xf32, #tpu.memory_space<hbm>>
    tpu.wait_indirect_dma semaphore(%arg17 : memref<!tpu.dma_semaphore, #tpu.memory_space<semaphore_mem>>) src(%dma_wait3A_800 : memref<162500x16xf32, #tpu.memory_space<hbm>>) dst(%dma_wait3A_795 : memref<128x16xf32, #tpu.memory_space<vmem>>)
    %dma_wait3A_801 = arith.constant 1280 : i32
    %dma_wait3A_802 = arith.constant 0 : i32
    %dma_wait3A_803 = tpu.memref_slice %arg16[%dma_wait3A_801, %dma_wait3A_802] : memref<1664x16xf32, #tpu.memory_space<vmem>> -> memref<128x16xf32, #tpu.memory_space<vmem>>
    %dma_wait3A_804 = arith.constant 1280 : i32
    %dma_wait3A_805 = tpu.memref_slice %arg12[%dma_wait3A_804] : memref<1664xi32, #tpu.memory_space<vmem>> -> memref<128xi32, #tpu.memory_space<vmem>>
    %dma_wait3A_806 = arith.constant 0 : i32
    %dma_wait3A_807 = arith.constant 0 : i32
    %dma_wait3A_808 = tpu.memref_slice %arg6[%dma_wait3A_806, %dma_wait3A_807] : memref<162500x16xf32, #tpu.memory_space<hbm>> -> memref<162500x16xf32, #tpu.memory_space<hbm>>
    tpu.wait_indirect_dma semaphore(%arg17 : memref<!tpu.dma_semaphore, #tpu.memory_space<semaphore_mem>>) src(%dma_wait3A_808 : memref<162500x16xf32, #tpu.memory_space<hbm>>) dst(%dma_wait3A_803 : memref<128x16xf32, #tpu.memory_space<vmem>>)
    %dma_wait3A_809 = arith.constant 1408 : i32
    %dma_wait3A_810 = arith.constant 0 : i32
    %dma_wait3A_811 = tpu.memref_slice %arg16[%dma_wait3A_809, %dma_wait3A_810] : memref<1664x16xf32, #tpu.memory_space<vmem>> -> memref<128x16xf32, #tpu.memory_space<vmem>>
    %dma_wait3A_812 = arith.constant 1408 : i32
    %dma_wait3A_813 = tpu.memref_slice %arg12[%dma_wait3A_812] : memref<1664xi32, #tpu.memory_space<vmem>> -> memref<128xi32, #tpu.memory_space<vmem>>
    %dma_wait3A_814 = arith.constant 0 : i32
    %dma_wait3A_815 = arith.constant 0 : i32
    %dma_wait3A_816 = tpu.memref_slice %arg6[%dma_wait3A_814, %dma_wait3A_815] : memref<162500x16xf32, #tpu.memory_space<hbm>> -> memref<162500x16xf32, #tpu.memory_space<hbm>>
    tpu.wait_indirect_dma semaphore(%arg17 : memref<!tpu.dma_semaphore, #tpu.memory_space<semaphore_mem>>) src(%dma_wait3A_816 : memref<162500x16xf32, #tpu.memory_space<hbm>>) dst(%dma_wait3A_811 : memref<128x16xf32, #tpu.memory_space<vmem>>)
    %dma_wait3A_817 = arith.constant 1536 : i32
    %dma_wait3A_818 = arith.constant 0 : i32
    %dma_wait3A_819 = tpu.memref_slice %arg16[%dma_wait3A_817, %dma_wait3A_818] : memref<1664x16xf32, #tpu.memory_space<vmem>> -> memref<128x16xf32, #tpu.memory_space<vmem>>
    %dma_wait3A_820 = arith.constant 1536 : i32
    %dma_wait3A_821 = tpu.memref_slice %arg12[%dma_wait3A_820] : memref<1664xi32, #tpu.memory_space<vmem>> -> memref<128xi32, #tpu.memory_space<vmem>>
    %dma_wait3A_822 = arith.constant 0 : i32
    %dma_wait3A_823 = arith.constant 0 : i32
    %dma_wait3A_824 = tpu.memref_slice %arg6[%dma_wait3A_822, %dma_wait3A_823] : memref<162500x16xf32, #tpu.memory_space<hbm>> -> memref<162500x16xf32, #tpu.memory_space<hbm>>
    tpu.wait_indirect_dma semaphore(%arg17 : memref<!tpu.dma_semaphore, #tpu.memory_space<semaphore_mem>>) src(%dma_wait3A_824 : memref<162500x16xf32, #tpu.memory_space<hbm>>) dst(%dma_wait3A_819 : memref<128x16xf32, #tpu.memory_space<vmem>>)
    %mul3A_825 = arith.constant 26 : i32
    %mul3A_826 = arith.muli %add3A_4, %mul3A_825 : i32
    "tpu.region"() ({
      %run_scoped3A = tpu.sem_alloc : memref<!tpu.dma_semaphore, #tpu.memory_space<semaphore_mem>>
      %dma_start3A_1663 = arith.constant 0 : i32
      %dma_start3A_1664 = tpu.memref_slice %arg8[%mul3A_826, %dma_start3A_1663] : memref<106496x16xf32, #tpu.memory_space<hbm>> -> memref<1664x16xf32, #tpu.memory_space<hbm>>
      %dma_start3A_1665 = arith.constant 0 : i32
      %dma_start3A_1666 = tpu.memref_slice %arg8[%mul3A_826, %dma_start3A_1665] : memref<106496x16xf32, #tpu.memory_space<hbm>> -> memref<1664x16xf32, #tpu.memory_space<hbm>>
      tpu.enqueue_dma source(%arg14 : memref<1664x16xf32, #tpu.memory_space<vmem>>) target(%dma_start3A_1666 : memref<1664x16xf32, #tpu.memory_space<hbm>>) target_semaphore(%run_scoped3A : memref<!tpu.dma_semaphore, #tpu.memory_space<semaphore_mem>>)
      %dma_wait3A_1667 = arith.constant 0 : i32
      %dma_wait3A_1668 = tpu.memref_slice %arg8[%mul3A_826, %dma_wait3A_1667] : memref<106496x16xf32, #tpu.memory_space<hbm>> -> memref<1664x16xf32, #tpu.memory_space<hbm>>
      %dma_wait3A_1669 = arith.constant 0 : i32
      %dma_wait3A_1670 = tpu.memref_slice %arg8[%mul3A_826, %dma_wait3A_1669] : memref<106496x16xf32, #tpu.memory_space<hbm>> -> memref<1664x16xf32, #tpu.memory_space<hbm>>
      tpu.wait_dma2 semaphore(%run_scoped3A : memref<!tpu.dma_semaphore, #tpu.memory_space<semaphore_mem>>) src(%arg14 : memref<1664x16xf32, #tpu.memory_space<vmem>>) dst(%dma_wait3A_1670 : memref<1664x16xf32, #tpu.memory_space<hbm>>)
      tpu.yield
    }) : () -> ()
    %mul3A_827 = arith.constant 50 : i32
    %mul3A_828 = arith.muli %add3A_4, %mul3A_827 : i32
    "tpu.region"() ({
      %run_scoped3A = tpu.sem_alloc : memref<!tpu.dma_semaphore, #tpu.memory_space<semaphore_mem>>
      %dma_start3A_1663 = arith.constant 0 : i32
      %dma_start3A_1664 = tpu.memref_slice %arg9[%mul3A_828, %dma_start3A_1663] : memref<204800x16xf32, #tpu.memory_space<hbm>> -> memref<3200x16xf32, #tpu.memory_space<hbm>>
      %dma_start3A_1665 = arith.constant 0 : i32
      %dma_start3A_1666 = tpu.memref_slice %arg9[%mul3A_828, %dma_start3A_1665] : memref<204800x16xf32, #tpu.memory_space<hbm>> -> memref<3200x16xf32, #tpu.memory_space<hbm>>
      tpu.enqueue_dma source(%arg15 : memref<3200x16xf32, #tpu.memory_space<vmem>>) target(%dma_start3A_1666 : memref<3200x16xf32, #tpu.memory_space<hbm>>) target_semaphore(%run_scoped3A : memref<!tpu.dma_semaphore, #tpu.memory_space<semaphore_mem>>)
      %dma_wait3A_1667 = arith.constant 0 : i32
      %dma_wait3A_1668 = tpu.memref_slice %arg9[%mul3A_828, %dma_wait3A_1667] : memref<204800x16xf32, #tpu.memory_space<hbm>> -> memref<3200x16xf32, #tpu.memory_space<hbm>>
      %dma_wait3A_1669 = arith.constant 0 : i32
      %dma_wait3A_1670 = tpu.memref_slice %arg9[%mul3A_828, %dma_wait3A_1669] : memref<204800x16xf32, #tpu.memory_space<hbm>> -> memref<3200x16xf32, #tpu.memory_space<hbm>>
      tpu.wait_dma2 semaphore(%run_scoped3A : memref<!tpu.dma_semaphore, #tpu.memory_space<semaphore_mem>>) src(%arg15 : memref<3200x16xf32, #tpu.memory_space<vmem>>) dst(%dma_wait3A_1670 : memref<3200x16xf32, #tpu.memory_space<hbm>>)
      tpu.yield
    }) : () -> ()
    %mul3A_829 = arith.constant 26 : i32
    %mul3A_830 = arith.muli %add3A_4, %mul3A_829 : i32
    "tpu.region"() ({
      %run_scoped3A = tpu.sem_alloc : memref<!tpu.dma_semaphore, #tpu.memory_space<semaphore_mem>>
      %dma_start3A_1663 = arith.constant 0 : i32
      %dma_start3A_1664 = tpu.memref_slice %arg10[%mul3A_830, %dma_start3A_1663] : memref<106496x16xf32, #tpu.memory_space<hbm>> -> memref<1664x16xf32, #tpu.memory_space<hbm>>
      %dma_start3A_1665 = arith.constant 0 : i32
      %dma_start3A_1666 = tpu.memref_slice %arg10[%mul3A_830, %dma_start3A_1665] : memref<106496x16xf32, #tpu.memory_space<hbm>> -> memref<1664x16xf32, #tpu.memory_space<hbm>>
      tpu.enqueue_dma source(%arg16 : memref<1664x16xf32, #tpu.memory_space<vmem>>) target(%dma_start3A_1666 : memref<1664x16xf32, #tpu.memory_space<hbm>>) target_semaphore(%run_scoped3A : memref<!tpu.dma_semaphore, #tpu.memory_space<semaphore_mem>>)
      %dma_wait3A_1667 = arith.constant 0 : i32
      %dma_wait3A_1668 = tpu.memref_slice %arg10[%mul3A_830, %dma_wait3A_1667] : memref<106496x16xf32, #tpu.memory_space<hbm>> -> memref<1664x16xf32, #tpu.memory_space<hbm>>
      %dma_wait3A_1669 = arith.constant 0 : i32
      %dma_wait3A_1670 = tpu.memref_slice %arg10[%mul3A_830, %dma_wait3A_1669] : memref<106496x16xf32, #tpu.memory_space<hbm>> -> memref<1664x16xf32, #tpu.memory_space<hbm>>
      tpu.wait_dma2 semaphore(%run_scoped3A : memref<!tpu.dma_semaphore, #tpu.memory_space<semaphore_mem>>) src(%arg16 : memref<1664x16xf32, #tpu.memory_space<vmem>>) dst(%dma_wait3A_1670 : memref<1664x16xf32, #tpu.memory_space<hbm>>)
      tpu.yield
    }) : () -> ()
    %mul3A_831 = arith.constant 128 : i32
    %mul3A_832 = arith.muli %add3A, %mul3A_831 : i32
    %add3A_833 = arith.constant 64 : i32
    %add3A_834 = arith.addi %mul3A_832, %add3A_833 : i32
    %mul3A_835 = arith.constant 26 : i32
    %mul3A_836 = arith.muli %add3A_834, %mul3A_835 : i32
    "tpu.region"() ({
      %run_scoped3A = tpu.sem_alloc : memref<!tpu.dma_semaphore, #tpu.memory_space<semaphore_mem>>
      %dma_start3A_1663 = tpu.memref_slice %arg2[%mul3A_836] : memref<106496xi32, #tpu.memory_space<hbm>> -> memref<1664xi32, #tpu.memory_space<hbm>>
      %dma_start3A_1664 = tpu.memref_slice %arg2[%mul3A_836] : memref<106496xi32, #tpu.memory_space<hbm>> -> memref<1664xi32, #tpu.memory_space<hbm>>
      tpu.enqueue_dma source(%dma_start3A_1664 : memref<1664xi32, #tpu.memory_space<hbm>>) target(%arg11 : memref<1664xi32, #tpu.memory_space<vmem>>) target_semaphore(%run_scoped3A : memref<!tpu.dma_semaphore, #tpu.memory_space<semaphore_mem>>)
      %dma_wait3A_1665 = tpu.memref_slice %arg2[%mul3A_836] : memref<106496xi32, #tpu.memory_space<hbm>> -> memref<1664xi32, #tpu.memory_space<hbm>>
      %dma_wait3A_1666 = tpu.memref_slice %arg2[%mul3A_836] : memref<106496xi32, #tpu.memory_space<hbm>> -> memref<1664xi32, #tpu.memory_space<hbm>>
      tpu.wait_dma2 semaphore(%run_scoped3A : memref<!tpu.dma_semaphore, #tpu.memory_space<semaphore_mem>>) src(%dma_wait3A_1666 : memref<1664xi32, #tpu.memory_space<hbm>>) dst(%arg11 : memref<1664xi32, #tpu.memory_space<vmem>>)
      tpu.yield
    }) : () -> ()
    %mul3A_837 = arith.constant 26 : i32
    %mul3A_838 = arith.muli %add3A_834, %mul3A_837 : i32
    "tpu.region"() ({
      %run_scoped3A = tpu.sem_alloc : memref<!tpu.dma_semaphore, #tpu.memory_space<semaphore_mem>>
      %dma_start3A_1663 = tpu.memref_slice %arg3[%mul3A_838] : memref<106496xi32, #tpu.memory_space<hbm>> -> memref<1664xi32, #tpu.memory_space<hbm>>
      %dma_start3A_1664 = tpu.memref_slice %arg3[%mul3A_838] : memref<106496xi32, #tpu.memory_space<hbm>> -> memref<1664xi32, #tpu.memory_space<hbm>>
      tpu.enqueue_dma source(%dma_start3A_1664 : memref<1664xi32, #tpu.memory_space<hbm>>) target(%arg12 : memref<1664xi32, #tpu.memory_space<vmem>>) target_semaphore(%run_scoped3A : memref<!tpu.dma_semaphore, #tpu.memory_space<semaphore_mem>>)
      %dma_wait3A_1665 = tpu.memref_slice %arg3[%mul3A_838] : memref<106496xi32, #tpu.memory_space<hbm>> -> memref<1664xi32, #tpu.memory_space<hbm>>
      %dma_wait3A_1666 = tpu.memref_slice %arg3[%mul3A_838] : memref<106496xi32, #tpu.memory_space<hbm>> -> memref<1664xi32, #tpu.memory_space<hbm>>
      tpu.wait_dma2 semaphore(%run_scoped3A : memref<!tpu.dma_semaphore, #tpu.memory_space<semaphore_mem>>) src(%dma_wait3A_1666 : memref<1664xi32, #tpu.memory_space<hbm>>) dst(%arg12 : memref<1664xi32, #tpu.memory_space<vmem>>)
      tpu.yield
    }) : () -> ()
    %mul3A_839 = arith.constant 50 : i32
    %mul3A_840 = arith.muli %add3A_834, %mul3A_839 : i32
    "tpu.region"() ({
      %run_scoped3A = tpu.sem_alloc : memref<!tpu.dma_semaphore, #tpu.memory_space<semaphore_mem>>
      %dma_start3A_1663 = tpu.memref_slice %arg4[%mul3A_840] : memref<204800xi32, #tpu.memory_space<hbm>> -> memref<3200xi32, #tpu.memory_space<hbm>>
      %dma_start3A_1664 = tpu.memref_slice %arg4[%mul3A_840] : memref<204800xi32, #tpu.memory_space<hbm>> -> memref<3200xi32, #tpu.memory_space<hbm>>
      tpu.enqueue_dma source(%dma_start3A_1664 : memref<3200xi32, #tpu.memory_space<hbm>>) target(%arg13 : memref<3200xi32, #tpu.memory_space<vmem>>) target_semaphore(%run_scoped3A : memref<!tpu.dma_semaphore, #tpu.memory_space<semaphore_mem>>)
      %dma_wait3A_1665 = tpu.memref_slice %arg4[%mul3A_840] : memref<204800xi32, #tpu.memory_space<hbm>> -> memref<3200xi32, #tpu.memory_space<hbm>>
      %dma_wait3A_1666 = tpu.memref_slice %arg4[%mul3A_840] : memref<204800xi32, #tpu.memory_space<hbm>> -> memref<3200xi32, #tpu.memory_space<hbm>>
      tpu.wait_dma2 semaphore(%run_scoped3A : memref<!tpu.dma_semaphore, #tpu.memory_space<semaphore_mem>>) src(%dma_wait3A_1666 : memref<3200xi32, #tpu.memory_space<hbm>>) dst(%arg13 : memref<3200xi32, #tpu.memory_space<vmem>>)
      tpu.yield
    }) : () -> ()
    %dma_start3A_841 = arith.constant 0 : i32
    %dma_start3A_842 = arith.constant 0 : i32
    %dma_start3A_843 = tpu.memref_slice %arg14[%dma_start3A_841, %dma_start3A_842] : memref<1664x16xf32, #tpu.memory_space<vmem>> -> memref<128x16xf32, #tpu.memory_space<vmem>>
    %dma_start3A_844 = arith.constant 0 : i32
    %dma_start3A_845 = tpu.memref_slice %arg11[%dma_start3A_844] : memref<1664xi32, #tpu.memory_space<vmem>> -> memref<128xi32, #tpu.memory_space<vmem>>
    %dma_start3A_846 = arith.constant 0 : i32
    %dma_start3A_847 = arith.constant 0 : i32
    %dma_start3A_848 = tpu.memref_slice %arg5[%dma_start3A_846, %dma_start3A_847] : memref<2609152x16xf32, #tpu.memory_space<hbm>> -> memref<2609152x16xf32, #tpu.memory_space<hbm>>
    tpu.enqueue_indirect_dma source(%dma_start3A_848 : memref<2609152x16xf32, #tpu.memory_space<hbm>>) target(%dma_start3A_843 : memref<128x16xf32, #tpu.memory_space<vmem>>) offsets(%dma_start3A_845 : memref<128xi32, #tpu.memory_space<vmem>>) semaphore(%arg17 : memref<!tpu.dma_semaphore, #tpu.memory_space<semaphore_mem>>)
    %dma_start3A_849 = arith.constant 128 : i32
    %dma_start3A_850 = arith.constant 0 : i32
    %dma_start3A_851 = tpu.memref_slice %arg14[%dma_start3A_849, %dma_start3A_850] : memref<1664x16xf32, #tpu.memory_space<vmem>> -> memref<128x16xf32, #tpu.memory_space<vmem>>
    %dma_start3A_852 = arith.constant 128 : i32
    %dma_start3A_853 = tpu.memref_slice %arg11[%dma_start3A_852] : memref<1664xi32, #tpu.memory_space<vmem>> -> memref<128xi32, #tpu.memory_space<vmem>>
    %dma_start3A_854 = arith.constant 0 : i32
    %dma_start3A_855 = arith.constant 0 : i32
    %dma_start3A_856 = tpu.memref_slice %arg5[%dma_start3A_854, %dma_start3A_855] : memref<2609152x16xf32, #tpu.memory_space<hbm>> -> memref<2609152x16xf32, #tpu.memory_space<hbm>>
    tpu.enqueue_indirect_dma source(%dma_start3A_856 : memref<2609152x16xf32, #tpu.memory_space<hbm>>) target(%dma_start3A_851 : memref<128x16xf32, #tpu.memory_space<vmem>>) offsets(%dma_start3A_853 : memref<128xi32, #tpu.memory_space<vmem>>) semaphore(%arg17 : memref<!tpu.dma_semaphore, #tpu.memory_space<semaphore_mem>>)
    %dma_start3A_857 = arith.constant 256 : i32
    %dma_start3A_858 = arith.constant 0 : i32
    %dma_start3A_859 = tpu.memref_slice %arg14[%dma_start3A_857, %dma_start3A_858] : memref<1664x16xf32, #tpu.memory_space<vmem>> -> memref<128x16xf32, #tpu.memory_space<vmem>>
    %dma_start3A_860 = arith.constant 256 : i32
    %dma_start3A_861 = tpu.memref_slice %arg11[%dma_start3A_860] : memref<1664xi32, #tpu.memory_space<vmem>> -> memref<128xi32, #tpu.memory_space<vmem>>
    %dma_start3A_862 = arith.constant 0 : i32
    %dma_start3A_863 = arith.constant 0 : i32
    %dma_start3A_864 = tpu.memref_slice %arg5[%dma_start3A_862, %dma_start3A_863] : memref<2609152x16xf32, #tpu.memory_space<hbm>> -> memref<2609152x16xf32, #tpu.memory_space<hbm>>
    tpu.enqueue_indirect_dma source(%dma_start3A_864 : memref<2609152x16xf32, #tpu.memory_space<hbm>>) target(%dma_start3A_859 : memref<128x16xf32, #tpu.memory_space<vmem>>) offsets(%dma_start3A_861 : memref<128xi32, #tpu.memory_space<vmem>>) semaphore(%arg17 : memref<!tpu.dma_semaphore, #tpu.memory_space<semaphore_mem>>)
    %dma_start3A_865 = arith.constant 384 : i32
    %dma_start3A_866 = arith.constant 0 : i32
    %dma_start3A_867 = tpu.memref_slice %arg14[%dma_start3A_865, %dma_start3A_866] : memref<1664x16xf32, #tpu.memory_space<vmem>> -> memref<128x16xf32, #tpu.memory_space<vmem>>
    %dma_start3A_868 = arith.constant 384 : i32
    %dma_start3A_869 = tpu.memref_slice %arg11[%dma_start3A_868] : memref<1664xi32, #tpu.memory_space<vmem>> -> memref<128xi32, #tpu.memory_space<vmem>>
    %dma_start3A_870 = arith.constant 0 : i32
    %dma_start3A_871 = arith.constant 0 : i32
    %dma_start3A_872 = tpu.memref_slice %arg5[%dma_start3A_870, %dma_start3A_871] : memref<2609152x16xf32, #tpu.memory_space<hbm>> -> memref<2609152x16xf32, #tpu.memory_space<hbm>>
    tpu.enqueue_indirect_dma source(%dma_start3A_872 : memref<2609152x16xf32, #tpu.memory_space<hbm>>) target(%dma_start3A_867 : memref<128x16xf32, #tpu.memory_space<vmem>>) offsets(%dma_start3A_869 : memref<128xi32, #tpu.memory_space<vmem>>) semaphore(%arg17 : memref<!tpu.dma_semaphore, #tpu.memory_space<semaphore_mem>>)
    %dma_start3A_873 = arith.constant 512 : i32
    %dma_start3A_874 = arith.constant 0 : i32
    %dma_start3A_875 = tpu.memref_slice %arg14[%dma_start3A_873, %dma_start3A_874] : memref<1664x16xf32, #tpu.memory_space<vmem>> -> memref<128x16xf32, #tpu.memory_space<vmem>>
    %dma_start3A_876 = arith.constant 512 : i32
    %dma_start3A_877 = tpu.memref_slice %arg11[%dma_start3A_876] : memref<1664xi32, #tpu.memory_space<vmem>> -> memref<128xi32, #tpu.memory_space<vmem>>
    %dma_start3A_878 = arith.constant 0 : i32
    %dma_start3A_879 = arith.constant 0 : i32
    %dma_start3A_880 = tpu.memref_slice %arg5[%dma_start3A_878, %dma_start3A_879] : memref<2609152x16xf32, #tpu.memory_space<hbm>> -> memref<2609152x16xf32, #tpu.memory_space<hbm>>
    tpu.enqueue_indirect_dma source(%dma_start3A_880 : memref<2609152x16xf32, #tpu.memory_space<hbm>>) target(%dma_start3A_875 : memref<128x16xf32, #tpu.memory_space<vmem>>) offsets(%dma_start3A_877 : memref<128xi32, #tpu.memory_space<vmem>>) semaphore(%arg17 : memref<!tpu.dma_semaphore, #tpu.memory_space<semaphore_mem>>)
    %dma_start3A_881 = arith.constant 640 : i32
    %dma_start3A_882 = arith.constant 0 : i32
    %dma_start3A_883 = tpu.memref_slice %arg14[%dma_start3A_881, %dma_start3A_882] : memref<1664x16xf32, #tpu.memory_space<vmem>> -> memref<128x16xf32, #tpu.memory_space<vmem>>
    %dma_start3A_884 = arith.constant 640 : i32
    %dma_start3A_885 = tpu.memref_slice %arg11[%dma_start3A_884] : memref<1664xi32, #tpu.memory_space<vmem>> -> memref<128xi32, #tpu.memory_space<vmem>>
    %dma_start3A_886 = arith.constant 0 : i32
    %dma_start3A_887 = arith.constant 0 : i32
    %dma_start3A_888 = tpu.memref_slice %arg5[%dma_start3A_886, %dma_start3A_887] : memref<2609152x16xf32, #tpu.memory_space<hbm>> -> memref<2609152x16xf32, #tpu.memory_space<hbm>>
    tpu.enqueue_indirect_dma source(%dma_start3A_888 : memref<2609152x16xf32, #tpu.memory_space<hbm>>) target(%dma_start3A_883 : memref<128x16xf32, #tpu.memory_space<vmem>>) offsets(%dma_start3A_885 : memref<128xi32, #tpu.memory_space<vmem>>) semaphore(%arg17 : memref<!tpu.dma_semaphore, #tpu.memory_space<semaphore_mem>>)
    %dma_start3A_889 = arith.constant 768 : i32
    %dma_start3A_890 = arith.constant 0 : i32
    %dma_start3A_891 = tpu.memref_slice %arg14[%dma_start3A_889, %dma_start3A_890] : memref<1664x16xf32, #tpu.memory_space<vmem>> -> memref<128x16xf32, #tpu.memory_space<vmem>>
    %dma_start3A_892 = arith.constant 768 : i32
    %dma_start3A_893 = tpu.memref_slice %arg11[%dma_start3A_892] : memref<1664xi32, #tpu.memory_space<vmem>> -> memref<128xi32, #tpu.memory_space<vmem>>
    %dma_start3A_894 = arith.constant 0 : i32
    %dma_start3A_895 = arith.constant 0 : i32
    %dma_start3A_896 = tpu.memref_slice %arg5[%dma_start3A_894, %dma_start3A_895] : memref<2609152x16xf32, #tpu.memory_space<hbm>> -> memref<2609152x16xf32, #tpu.memory_space<hbm>>
    tpu.enqueue_indirect_dma source(%dma_start3A_896 : memref<2609152x16xf32, #tpu.memory_space<hbm>>) target(%dma_start3A_891 : memref<128x16xf32, #tpu.memory_space<vmem>>) offsets(%dma_start3A_893 : memref<128xi32, #tpu.memory_space<vmem>>) semaphore(%arg17 : memref<!tpu.dma_semaphore, #tpu.memory_space<semaphore_mem>>)
    %dma_start3A_897 = arith.constant 896 : i32
    %dma_start3A_898 = arith.constant 0 : i32
    %dma_start3A_899 = tpu.memref_slice %arg14[%dma_start3A_897, %dma_start3A_898] : memref<1664x16xf32, #tpu.memory_space<vmem>> -> memref<128x16xf32, #tpu.memory_space<vmem>>
    %dma_start3A_900 = arith.constant 896 : i32
    %dma_start3A_901 = tpu.memref_slice %arg11[%dma_start3A_900] : memref<1664xi32, #tpu.memory_space<vmem>> -> memref<128xi32, #tpu.memory_space<vmem>>
    %dma_start3A_902 = arith.constant 0 : i32
    %dma_start3A_903 = arith.constant 0 : i32
    %dma_start3A_904 = tpu.memref_slice %arg5[%dma_start3A_902, %dma_start3A_903] : memref<2609152x16xf32, #tpu.memory_space<hbm>> -> memref<2609152x16xf32, #tpu.memory_space<hbm>>
    tpu.enqueue_indirect_dma source(%dma_start3A_904 : memref<2609152x16xf32, #tpu.memory_space<hbm>>) target(%dma_start3A_899 : memref<128x16xf32, #tpu.memory_space<vmem>>) offsets(%dma_start3A_901 : memref<128xi32, #tpu.memory_space<vmem>>) semaphore(%arg17 : memref<!tpu.dma_semaphore, #tpu.memory_space<semaphore_mem>>)
    %dma_start3A_905 = arith.constant 1024 : i32
    %dma_start3A_906 = arith.constant 0 : i32
    %dma_start3A_907 = tpu.memref_slice %arg14[%dma_start3A_905, %dma_start3A_906] : memref<1664x16xf32, #tpu.memory_space<vmem>> -> memref<128x16xf32, #tpu.memory_space<vmem>>
    %dma_start3A_908 = arith.constant 1024 : i32
    %dma_start3A_909 = tpu.memref_slice %arg11[%dma_start3A_908] : memref<1664xi32, #tpu.memory_space<vmem>> -> memref<128xi32, #tpu.memory_space<vmem>>
    %dma_start3A_910 = arith.constant 0 : i32
    %dma_start3A_911 = arith.constant 0 : i32
    %dma_start3A_912 = tpu.memref_slice %arg5[%dma_start3A_910, %dma_start3A_911] : memref<2609152x16xf32, #tpu.memory_space<hbm>> -> memref<2609152x16xf32, #tpu.memory_space<hbm>>
    tpu.enqueue_indirect_dma source(%dma_start3A_912 : memref<2609152x16xf32, #tpu.memory_space<hbm>>) target(%dma_start3A_907 : memref<128x16xf32, #tpu.memory_space<vmem>>) offsets(%dma_start3A_909 : memref<128xi32, #tpu.memory_space<vmem>>) semaphore(%arg17 : memref<!tpu.dma_semaphore, #tpu.memory_space<semaphore_mem>>)
    %dma_start3A_913 = arith.constant 1152 : i32
    %dma_start3A_914 = arith.constant 0 : i32
    %dma_start3A_915 = tpu.memref_slice %arg14[%dma_start3A_913, %dma_start3A_914] : memref<1664x16xf32, #tpu.memory_space<vmem>> -> memref<128x16xf32, #tpu.memory_space<vmem>>
    %dma_start3A_916 = arith.constant 1152 : i32
    %dma_start3A_917 = tpu.memref_slice %arg11[%dma_start3A_916] : memref<1664xi32, #tpu.memory_space<vmem>> -> memref<128xi32, #tpu.memory_space<vmem>>
    %dma_start3A_918 = arith.constant 0 : i32
    %dma_start3A_919 = arith.constant 0 : i32
    %dma_start3A_920 = tpu.memref_slice %arg5[%dma_start3A_918, %dma_start3A_919] : memref<2609152x16xf32, #tpu.memory_space<hbm>> -> memref<2609152x16xf32, #tpu.memory_space<hbm>>
    tpu.enqueue_indirect_dma source(%dma_start3A_920 : memref<2609152x16xf32, #tpu.memory_space<hbm>>) target(%dma_start3A_915 : memref<128x16xf32, #tpu.memory_space<vmem>>) offsets(%dma_start3A_917 : memref<128xi32, #tpu.memory_space<vmem>>) semaphore(%arg17 : memref<!tpu.dma_semaphore, #tpu.memory_space<semaphore_mem>>)
    %dma_start3A_921 = arith.constant 1280 : i32
    %dma_start3A_922 = arith.constant 0 : i32
    %dma_start3A_923 = tpu.memref_slice %arg14[%dma_start3A_921, %dma_start3A_922] : memref<1664x16xf32, #tpu.memory_space<vmem>> -> memref<128x16xf32, #tpu.memory_space<vmem>>
    %dma_start3A_924 = arith.constant 1280 : i32
    %dma_start3A_925 = tpu.memref_slice %arg11[%dma_start3A_924] : memref<1664xi32, #tpu.memory_space<vmem>> -> memref<128xi32, #tpu.memory_space<vmem>>
    %dma_start3A_926 = arith.constant 0 : i32
    %dma_start3A_927 = arith.constant 0 : i32
    %dma_start3A_928 = tpu.memref_slice %arg5[%dma_start3A_926, %dma_start3A_927] : memref<2609152x16xf32, #tpu.memory_space<hbm>> -> memref<2609152x16xf32, #tpu.memory_space<hbm>>
    tpu.enqueue_indirect_dma source(%dma_start3A_928 : memref<2609152x16xf32, #tpu.memory_space<hbm>>) target(%dma_start3A_923 : memref<128x16xf32, #tpu.memory_space<vmem>>) offsets(%dma_start3A_925 : memref<128xi32, #tpu.memory_space<vmem>>) semaphore(%arg17 : memref<!tpu.dma_semaphore, #tpu.memory_space<semaphore_mem>>)
    %dma_start3A_929 = arith.constant 1408 : i32
    %dma_start3A_930 = arith.constant 0 : i32
    %dma_start3A_931 = tpu.memref_slice %arg14[%dma_start3A_929, %dma_start3A_930] : memref<1664x16xf32, #tpu.memory_space<vmem>> -> memref<128x16xf32, #tpu.memory_space<vmem>>
    %dma_start3A_932 = arith.constant 1408 : i32
    %dma_start3A_933 = tpu.memref_slice %arg11[%dma_start3A_932] : memref<1664xi32, #tpu.memory_space<vmem>> -> memref<128xi32, #tpu.memory_space<vmem>>
    %dma_start3A_934 = arith.constant 0 : i32
    %dma_start3A_935 = arith.constant 0 : i32
    %dma_start3A_936 = tpu.memref_slice %arg5[%dma_start3A_934, %dma_start3A_935] : memref<2609152x16xf32, #tpu.memory_space<hbm>> -> memref<2609152x16xf32, #tpu.memory_space<hbm>>
    tpu.enqueue_indirect_dma source(%dma_start3A_936 : memref<2609152x16xf32, #tpu.memory_space<hbm>>) target(%dma_start3A_931 : memref<128x16xf32, #tpu.memory_space<vmem>>) offsets(%dma_start3A_933 : memref<128xi32, #tpu.memory_space<vmem>>) semaphore(%arg17 : memref<!tpu.dma_semaphore, #tpu.memory_space<semaphore_mem>>)
    %dma_start3A_937 = arith.constant 1536 : i32
    %dma_start3A_938 = arith.constant 0 : i32
    %dma_start3A_939 = tpu.memref_slice %arg14[%dma_start3A_937, %dma_start3A_938] : memref<1664x16xf32, #tpu.memory_space<vmem>> -> memref<128x16xf32, #tpu.memory_space<vmem>>
    %dma_start3A_940 = arith.constant 1536 : i32
    %dma_start3A_941 = tpu.memref_slice %arg11[%dma_start3A_940] : memref<1664xi32, #tpu.memory_space<vmem>> -> memref<128xi32, #tpu.memory_space<vmem>>
    %dma_start3A_942 = arith.constant 0 : i32
    %dma_start3A_943 = arith.constant 0 : i32
    %dma_start3A_944 = tpu.memref_slice %arg5[%dma_start3A_942, %dma_start3A_943] : memref<2609152x16xf32, #tpu.memory_space<hbm>> -> memref<2609152x16xf32, #tpu.memory_space<hbm>>
    tpu.enqueue_indirect_dma source(%dma_start3A_944 : memref<2609152x16xf32, #tpu.memory_space<hbm>>) target(%dma_start3A_939 : memref<128x16xf32, #tpu.memory_space<vmem>>) offsets(%dma_start3A_941 : memref<128xi32, #tpu.memory_space<vmem>>) semaphore(%arg17 : memref<!tpu.dma_semaphore, #tpu.memory_space<semaphore_mem>>)
    %dma_start3A_945 = arith.constant 0 : i32
    %dma_start3A_946 = arith.constant 0 : i32
    %dma_start3A_947 = tpu.memref_slice %arg15[%dma_start3A_945, %dma_start3A_946] : memref<3200x16xf32, #tpu.memory_space<vmem>> -> memref<128x16xf32, #tpu.memory_space<vmem>>
    %dma_start3A_948 = arith.constant 0 : i32
    %dma_start3A_949 = tpu.memref_slice %arg13[%dma_start3A_948] : memref<3200xi32, #tpu.memory_space<vmem>> -> memref<128xi32, #tpu.memory_space<vmem>>
    %dma_start3A_950 = arith.constant 0 : i32
    %dma_start3A_951 = arith.constant 0 : i32
    %dma_start3A_952 = tpu.memref_slice %arg7[%dma_start3A_950, %dma_start3A_951] : memref<100352x16xf32, #tpu.memory_space<hbm>> -> memref<100352x16xf32, #tpu.memory_space<hbm>>
    tpu.enqueue_indirect_dma source(%dma_start3A_952 : memref<100352x16xf32, #tpu.memory_space<hbm>>) target(%dma_start3A_947 : memref<128x16xf32, #tpu.memory_space<vmem>>) offsets(%dma_start3A_949 : memref<128xi32, #tpu.memory_space<vmem>>) semaphore(%arg17 : memref<!tpu.dma_semaphore, #tpu.memory_space<semaphore_mem>>)
    %dma_start3A_953 = arith.constant 128 : i32
    %dma_start3A_954 = arith.constant 0 : i32
    %dma_start3A_955 = tpu.memref_slice %arg15[%dma_start3A_953, %dma_start3A_954] : memref<3200x16xf32, #tpu.memory_space<vmem>> -> memref<128x16xf32, #tpu.memory_space<vmem>>
    %dma_start3A_956 = arith.constant 128 : i32
    %dma_start3A_957 = tpu.memref_slice %arg13[%dma_start3A_956] : memref<3200xi32, #tpu.memory_space<vmem>> -> memref<128xi32, #tpu.memory_space<vmem>>
    %dma_start3A_958 = arith.constant 0 : i32
    %dma_start3A_959 = arith.constant 0 : i32
    %dma_start3A_960 = tpu.memref_slice %arg7[%dma_start3A_958, %dma_start3A_959] : memref<100352x16xf32, #tpu.memory_space<hbm>> -> memref<100352x16xf32, #tpu.memory_space<hbm>>
    tpu.enqueue_indirect_dma source(%dma_start3A_960 : memref<100352x16xf32, #tpu.memory_space<hbm>>) target(%dma_start3A_955 : memref<128x16xf32, #tpu.memory_space<vmem>>) offsets(%dma_start3A_957 : memref<128xi32, #tpu.memory_space<vmem>>) semaphore(%arg17 : memref<!tpu.dma_semaphore, #tpu.memory_space<semaphore_mem>>)
    %dma_start3A_961 = arith.constant 256 : i32
    %dma_start3A_962 = arith.constant 0 : i32
    %dma_start3A_963 = tpu.memref_slice %arg15[%dma_start3A_961, %dma_start3A_962] : memref<3200x16xf32, #tpu.memory_space<vmem>> -> memref<128x16xf32, #tpu.memory_space<vmem>>
    %dma_start3A_964 = arith.constant 256 : i32
    %dma_start3A_965 = tpu.memref_slice %arg13[%dma_start3A_964] : memref<3200xi32, #tpu.memory_space<vmem>> -> memref<128xi32, #tpu.memory_space<vmem>>
    %dma_start3A_966 = arith.constant 0 : i32
    %dma_start3A_967 = arith.constant 0 : i32
    %dma_start3A_968 = tpu.memref_slice %arg7[%dma_start3A_966, %dma_start3A_967] : memref<100352x16xf32, #tpu.memory_space<hbm>> -> memref<100352x16xf32, #tpu.memory_space<hbm>>
    tpu.enqueue_indirect_dma source(%dma_start3A_968 : memref<100352x16xf32, #tpu.memory_space<hbm>>) target(%dma_start3A_963 : memref<128x16xf32, #tpu.memory_space<vmem>>) offsets(%dma_start3A_965 : memref<128xi32, #tpu.memory_space<vmem>>) semaphore(%arg17 : memref<!tpu.dma_semaphore, #tpu.memory_space<semaphore_mem>>)
    %dma_start3A_969 = arith.constant 384 : i32
    %dma_start3A_970 = arith.constant 0 : i32
    %dma_start3A_971 = tpu.memref_slice %arg15[%dma_start3A_969, %dma_start3A_970] : memref<3200x16xf32, #tpu.memory_space<vmem>> -> memref<128x16xf32, #tpu.memory_space<vmem>>
    %dma_start3A_972 = arith.constant 384 : i32
    %dma_start3A_973 = tpu.memref_slice %arg13[%dma_start3A_972] : memref<3200xi32, #tpu.memory_space<vmem>> -> memref<128xi32, #tpu.memory_space<vmem>>
    %dma_start3A_974 = arith.constant 0 : i32
    %dma_start3A_975 = arith.constant 0 : i32
    %dma_start3A_976 = tpu.memref_slice %arg7[%dma_start3A_974, %dma_start3A_975] : memref<100352x16xf32, #tpu.memory_space<hbm>> -> memref<100352x16xf32, #tpu.memory_space<hbm>>
    tpu.enqueue_indirect_dma source(%dma_start3A_976 : memref<100352x16xf32, #tpu.memory_space<hbm>>) target(%dma_start3A_971 : memref<128x16xf32, #tpu.memory_space<vmem>>) offsets(%dma_start3A_973 : memref<128xi32, #tpu.memory_space<vmem>>) semaphore(%arg17 : memref<!tpu.dma_semaphore, #tpu.memory_space<semaphore_mem>>)
    %dma_start3A_977 = arith.constant 512 : i32
    %dma_start3A_978 = arith.constant 0 : i32
    %dma_start3A_979 = tpu.memref_slice %arg15[%dma_start3A_977, %dma_start3A_978] : memref<3200x16xf32, #tpu.memory_space<vmem>> -> memref<128x16xf32, #tpu.memory_space<vmem>>
    %dma_start3A_980 = arith.constant 512 : i32
    %dma_start3A_981 = tpu.memref_slice %arg13[%dma_start3A_980] : memref<3200xi32, #tpu.memory_space<vmem>> -> memref<128xi32, #tpu.memory_space<vmem>>
    %dma_start3A_982 = arith.constant 0 : i32
    %dma_start3A_983 = arith.constant 0 : i32
    %dma_start3A_984 = tpu.memref_slice %arg7[%dma_start3A_982, %dma_start3A_983] : memref<100352x16xf32, #tpu.memory_space<hbm>> -> memref<100352x16xf32, #tpu.memory_space<hbm>>
    tpu.enqueue_indirect_dma source(%dma_start3A_984 : memref<100352x16xf32, #tpu.memory_space<hbm>>) target(%dma_start3A_979 : memref<128x16xf32, #tpu.memory_space<vmem>>) offsets(%dma_start3A_981 : memref<128xi32, #tpu.memory_space<vmem>>) semaphore(%arg17 : memref<!tpu.dma_semaphore, #tpu.memory_space<semaphore_mem>>)
    %dma_start3A_985 = arith.constant 640 : i32
    %dma_start3A_986 = arith.constant 0 : i32
    %dma_start3A_987 = tpu.memref_slice %arg15[%dma_start3A_985, %dma_start3A_986] : memref<3200x16xf32, #tpu.memory_space<vmem>> -> memref<128x16xf32, #tpu.memory_space<vmem>>
    %dma_start3A_988 = arith.constant 640 : i32
    %dma_start3A_989 = tpu.memref_slice %arg13[%dma_start3A_988] : memref<3200xi32, #tpu.memory_space<vmem>> -> memref<128xi32, #tpu.memory_space<vmem>>
    %dma_start3A_990 = arith.constant 0 : i32
    %dma_start3A_991 = arith.constant 0 : i32
    %dma_start3A_992 = tpu.memref_slice %arg7[%dma_start3A_990, %dma_start3A_991] : memref<100352x16xf32, #tpu.memory_space<hbm>> -> memref<100352x16xf32, #tpu.memory_space<hbm>>
    tpu.enqueue_indirect_dma source(%dma_start3A_992 : memref<100352x16xf32, #tpu.memory_space<hbm>>) target(%dma_start3A_987 : memref<128x16xf32, #tpu.memory_space<vmem>>) offsets(%dma_start3A_989 : memref<128xi32, #tpu.memory_space<vmem>>) semaphore(%arg17 : memref<!tpu.dma_semaphore, #tpu.memory_space<semaphore_mem>>)
    %dma_start3A_993 = arith.constant 768 : i32
    %dma_start3A_994 = arith.constant 0 : i32
    %dma_start3A_995 = tpu.memref_slice %arg15[%dma_start3A_993, %dma_start3A_994] : memref<3200x16xf32, #tpu.memory_space<vmem>> -> memref<128x16xf32, #tpu.memory_space<vmem>>
    %dma_start3A_996 = arith.constant 768 : i32
    %dma_start3A_997 = tpu.memref_slice %arg13[%dma_start3A_996] : memref<3200xi32, #tpu.memory_space<vmem>> -> memref<128xi32, #tpu.memory_space<vmem>>
    %dma_start3A_998 = arith.constant 0 : i32
    %dma_start3A_999 = arith.constant 0 : i32
    %dma_start3A_1000 = tpu.memref_slice %arg7[%dma_start3A_998, %dma_start3A_999] : memref<100352x16xf32, #tpu.memory_space<hbm>> -> memref<100352x16xf32, #tpu.memory_space<hbm>>
    tpu.enqueue_indirect_dma source(%dma_start3A_1000 : memref<100352x16xf32, #tpu.memory_space<hbm>>) target(%dma_start3A_995 : memref<128x16xf32, #tpu.memory_space<vmem>>) offsets(%dma_start3A_997 : memref<128xi32, #tpu.memory_space<vmem>>) semaphore(%arg17 : memref<!tpu.dma_semaphore, #tpu.memory_space<semaphore_mem>>)
    %dma_start3A_1001 = arith.constant 896 : i32
    %dma_start3A_1002 = arith.constant 0 : i32
    %dma_start3A_1003 = tpu.memref_slice %arg15[%dma_start3A_1001, %dma_start3A_1002] : memref<3200x16xf32, #tpu.memory_space<vmem>> -> memref<128x16xf32, #tpu.memory_space<vmem>>
    %dma_start3A_1004 = arith.constant 896 : i32
    %dma_start3A_1005 = tpu.memref_slice %arg13[%dma_start3A_1004] : memref<3200xi32, #tpu.memory_space<vmem>> -> memref<128xi32, #tpu.memory_space<vmem>>
    %dma_start3A_1006 = arith.constant 0 : i32
    %dma_start3A_1007 = arith.constant 0 : i32
    %dma_start3A_1008 = tpu.memref_slice %arg7[%dma_start3A_1006, %dma_start3A_1007] : memref<100352x16xf32, #tpu.memory_space<hbm>> -> memref<100352x16xf32, #tpu.memory_space<hbm>>
    tpu.enqueue_indirect_dma source(%dma_start3A_1008 : memref<100352x16xf32, #tpu.memory_space<hbm>>) target(%dma_start3A_1003 : memref<128x16xf32, #tpu.memory_space<vmem>>) offsets(%dma_start3A_1005 : memref<128xi32, #tpu.memory_space<vmem>>) semaphore(%arg17 : memref<!tpu.dma_semaphore, #tpu.memory_space<semaphore_mem>>)
    %dma_start3A_1009 = arith.constant 1024 : i32
    %dma_start3A_1010 = arith.constant 0 : i32
    %dma_start3A_1011 = tpu.memref_slice %arg15[%dma_start3A_1009, %dma_start3A_1010] : memref<3200x16xf32, #tpu.memory_space<vmem>> -> memref<128x16xf32, #tpu.memory_space<vmem>>
    %dma_start3A_1012 = arith.constant 1024 : i32
    %dma_start3A_1013 = tpu.memref_slice %arg13[%dma_start3A_1012] : memref<3200xi32, #tpu.memory_space<vmem>> -> memref<128xi32, #tpu.memory_space<vmem>>
    %dma_start3A_1014 = arith.constant 0 : i32
    %dma_start3A_1015 = arith.constant 0 : i32
    %dma_start3A_1016 = tpu.memref_slice %arg7[%dma_start3A_1014, %dma_start3A_1015] : memref<100352x16xf32, #tpu.memory_space<hbm>> -> memref<100352x16xf32, #tpu.memory_space<hbm>>
    tpu.enqueue_indirect_dma source(%dma_start3A_1016 : memref<100352x16xf32, #tpu.memory_space<hbm>>) target(%dma_start3A_1011 : memref<128x16xf32, #tpu.memory_space<vmem>>) offsets(%dma_start3A_1013 : memref<128xi32, #tpu.memory_space<vmem>>) semaphore(%arg17 : memref<!tpu.dma_semaphore, #tpu.memory_space<semaphore_mem>>)
    %dma_start3A_1017 = arith.constant 1152 : i32
    %dma_start3A_1018 = arith.constant 0 : i32
    %dma_start3A_1019 = tpu.memref_slice %arg15[%dma_start3A_1017, %dma_start3A_1018] : memref<3200x16xf32, #tpu.memory_space<vmem>> -> memref<128x16xf32, #tpu.memory_space<vmem>>
    %dma_start3A_1020 = arith.constant 1152 : i32
    %dma_start3A_1021 = tpu.memref_slice %arg13[%dma_start3A_1020] : memref<3200xi32, #tpu.memory_space<vmem>> -> memref<128xi32, #tpu.memory_space<vmem>>
    %dma_start3A_1022 = arith.constant 0 : i32
    %dma_start3A_1023 = arith.constant 0 : i32
    %dma_start3A_1024 = tpu.memref_slice %arg7[%dma_start3A_1022, %dma_start3A_1023] : memref<100352x16xf32, #tpu.memory_space<hbm>> -> memref<100352x16xf32, #tpu.memory_space<hbm>>
    tpu.enqueue_indirect_dma source(%dma_start3A_1024 : memref<100352x16xf32, #tpu.memory_space<hbm>>) target(%dma_start3A_1019 : memref<128x16xf32, #tpu.memory_space<vmem>>) offsets(%dma_start3A_1021 : memref<128xi32, #tpu.memory_space<vmem>>) semaphore(%arg17 : memref<!tpu.dma_semaphore, #tpu.memory_space<semaphore_mem>>)
    %dma_start3A_1025 = arith.constant 1280 : i32
    %dma_start3A_1026 = arith.constant 0 : i32
    %dma_start3A_1027 = tpu.memref_slice %arg15[%dma_start3A_1025, %dma_start3A_1026] : memref<3200x16xf32, #tpu.memory_space<vmem>> -> memref<128x16xf32, #tpu.memory_space<vmem>>
    %dma_start3A_1028 = arith.constant 1280 : i32
    %dma_start3A_1029 = tpu.memref_slice %arg13[%dma_start3A_1028] : memref<3200xi32, #tpu.memory_space<vmem>> -> memref<128xi32, #tpu.memory_space<vmem>>
    %dma_start3A_1030 = arith.constant 0 : i32
    %dma_start3A_1031 = arith.constant 0 : i32
    %dma_start3A_1032 = tpu.memref_slice %arg7[%dma_start3A_1030, %dma_start3A_1031] : memref<100352x16xf32, #tpu.memory_space<hbm>> -> memref<100352x16xf32, #tpu.memory_space<hbm>>
    tpu.enqueue_indirect_dma source(%dma_start3A_1032 : memref<100352x16xf32, #tpu.memory_space<hbm>>) target(%dma_start3A_1027 : memref<128x16xf32, #tpu.memory_space<vmem>>) offsets(%dma_start3A_1029 : memref<128xi32, #tpu.memory_space<vmem>>) semaphore(%arg17 : memref<!tpu.dma_semaphore, #tpu.memory_space<semaphore_mem>>)
    %dma_start3A_1033 = arith.constant 1408 : i32
    %dma_start3A_1034 = arith.constant 0 : i32
    %dma_start3A_1035 = tpu.memref_slice %arg15[%dma_start3A_1033, %dma_start3A_1034] : memref<3200x16xf32, #tpu.memory_space<vmem>> -> memref<128x16xf32, #tpu.memory_space<vmem>>
    %dma_start3A_1036 = arith.constant 1408 : i32
    %dma_start3A_1037 = tpu.memref_slice %arg13[%dma_start3A_1036] : memref<3200xi32, #tpu.memory_space<vmem>> -> memref<128xi32, #tpu.memory_space<vmem>>
    %dma_start3A_1038 = arith.constant 0 : i32
    %dma_start3A_1039 = arith.constant 0 : i32
    %dma_start3A_1040 = tpu.memref_slice %arg7[%dma_start3A_1038, %dma_start3A_1039] : memref<100352x16xf32, #tpu.memory_space<hbm>> -> memref<100352x16xf32, #tpu.memory_space<hbm>>
    tpu.enqueue_indirect_dma source(%dma_start3A_1040 : memref<100352x16xf32, #tpu.memory_space<hbm>>) target(%dma_start3A_1035 : memref<128x16xf32, #tpu.memory_space<vmem>>) offsets(%dma_start3A_1037 : memref<128xi32, #tpu.memory_space<vmem>>) semaphore(%arg17 : memref<!tpu.dma_semaphore, #tpu.memory_space<semaphore_mem>>)
    %dma_start3A_1041 = arith.constant 1536 : i32
    %dma_start3A_1042 = arith.constant 0 : i32
    %dma_start3A_1043 = tpu.memref_slice %arg15[%dma_start3A_1041, %dma_start3A_1042] : memref<3200x16xf32, #tpu.memory_space<vmem>> -> memref<128x16xf32, #tpu.memory_space<vmem>>
    %dma_start3A_1044 = arith.constant 1536 : i32
    %dma_start3A_1045 = tpu.memref_slice %arg13[%dma_start3A_1044] : memref<3200xi32, #tpu.memory_space<vmem>> -> memref<128xi32, #tpu.memory_space<vmem>>
    %dma_start3A_1046 = arith.constant 0 : i32
    %dma_start3A_1047 = arith.constant 0 : i32
    %dma_start3A_1048 = tpu.memref_slice %arg7[%dma_start3A_1046, %dma_start3A_1047] : memref<100352x16xf32, #tpu.memory_space<hbm>> -> memref<100352x16xf32, #tpu.memory_space<hbm>>
    tpu.enqueue_indirect_dma source(%dma_start3A_1048 : memref<100352x16xf32, #tpu.memory_space<hbm>>) target(%dma_start3A_1043 : memref<128x16xf32, #tpu.memory_space<vmem>>) offsets(%dma_start3A_1045 : memref<128xi32, #tpu.memory_space<vmem>>) semaphore(%arg17 : memref<!tpu.dma_semaphore, #tpu.memory_space<semaphore_mem>>)
    %dma_start3A_1049 = arith.constant 1664 : i32
    %dma_start3A_1050 = arith.constant 0 : i32
    %dma_start3A_1051 = tpu.memref_slice %arg15[%dma_start3A_1049, %dma_start3A_1050] : memref<3200x16xf32, #tpu.memory_space<vmem>> -> memref<128x16xf32, #tpu.memory_space<vmem>>
    %dma_start3A_1052 = arith.constant 1664 : i32
    %dma_start3A_1053 = tpu.memref_slice %arg13[%dma_start3A_1052] : memref<3200xi32, #tpu.memory_space<vmem>> -> memref<128xi32, #tpu.memory_space<vmem>>
    %dma_start3A_1054 = arith.constant 0 : i32
    %dma_start3A_1055 = arith.constant 0 : i32
    %dma_start3A_1056 = tpu.memref_slice %arg7[%dma_start3A_1054, %dma_start3A_1055] : memref<100352x16xf32, #tpu.memory_space<hbm>> -> memref<100352x16xf32, #tpu.memory_space<hbm>>
    tpu.enqueue_indirect_dma source(%dma_start3A_1056 : memref<100352x16xf32, #tpu.memory_space<hbm>>) target(%dma_start3A_1051 : memref<128x16xf32, #tpu.memory_space<vmem>>) offsets(%dma_start3A_1053 : memref<128xi32, #tpu.memory_space<vmem>>) semaphore(%arg17 : memref<!tpu.dma_semaphore, #tpu.memory_space<semaphore_mem>>)
    %dma_start3A_1057 = arith.constant 1792 : i32
    %dma_start3A_1058 = arith.constant 0 : i32
    %dma_start3A_1059 = tpu.memref_slice %arg15[%dma_start3A_1057, %dma_start3A_1058] : memref<3200x16xf32, #tpu.memory_space<vmem>> -> memref<128x16xf32, #tpu.memory_space<vmem>>
    %dma_start3A_1060 = arith.constant 1792 : i32
    %dma_start3A_1061 = tpu.memref_slice %arg13[%dma_start3A_1060] : memref<3200xi32, #tpu.memory_space<vmem>> -> memref<128xi32, #tpu.memory_space<vmem>>
    %dma_start3A_1062 = arith.constant 0 : i32
    %dma_start3A_1063 = arith.constant 0 : i32
    %dma_start3A_1064 = tpu.memref_slice %arg7[%dma_start3A_1062, %dma_start3A_1063] : memref<100352x16xf32, #tpu.memory_space<hbm>> -> memref<100352x16xf32, #tpu.memory_space<hbm>>
    tpu.enqueue_indirect_dma source(%dma_start3A_1064 : memref<100352x16xf32, #tpu.memory_space<hbm>>) target(%dma_start3A_1059 : memref<128x16xf32, #tpu.memory_space<vmem>>) offsets(%dma_start3A_1061 : memref<128xi32, #tpu.memory_space<vmem>>) semaphore(%arg17 : memref<!tpu.dma_semaphore, #tpu.memory_space<semaphore_mem>>)
    %dma_start3A_1065 = arith.constant 1920 : i32
    %dma_start3A_1066 = arith.constant 0 : i32
    %dma_start3A_1067 = tpu.memref_slice %arg15[%dma_start3A_1065, %dma_start3A_1066] : memref<3200x16xf32, #tpu.memory_space<vmem>> -> memref<128x16xf32, #tpu.memory_space<vmem>>
    %dma_start3A_1068 = arith.constant 1920 : i32
    %dma_start3A_1069 = tpu.memref_slice %arg13[%dma_start3A_1068] : memref<3200xi32, #tpu.memory_space<vmem>> -> memref<128xi32, #tpu.memory_space<vmem>>
    %dma_start3A_1070 = arith.constant 0 : i32
    %dma_start3A_1071 = arith.constant 0 : i32
    %dma_start3A_1072 = tpu.memref_slice %arg7[%dma_start3A_1070, %dma_start3A_1071] : memref<100352x16xf32, #tpu.memory_space<hbm>> -> memref<100352x16xf32, #tpu.memory_space<hbm>>
    tpu.enqueue_indirect_dma source(%dma_start3A_1072 : memref<100352x16xf32, #tpu.memory_space<hbm>>) target(%dma_start3A_1067 : memref<128x16xf32, #tpu.memory_space<vmem>>) offsets(%dma_start3A_1069 : memref<128xi32, #tpu.memory_space<vmem>>) semaphore(%arg17 : memref<!tpu.dma_semaphore, #tpu.memory_space<semaphore_mem>>)
    %dma_start3A_1073 = arith.constant 2048 : i32
    %dma_start3A_1074 = arith.constant 0 : i32
    %dma_start3A_1075 = tpu.memref_slice %arg15[%dma_start3A_1073, %dma_start3A_1074] : memref<3200x16xf32, #tpu.memory_space<vmem>> -> memref<128x16xf32, #tpu.memory_space<vmem>>
    %dma_start3A_1076 = arith.constant 2048 : i32
    %dma_start3A_1077 = tpu.memref_slice %arg13[%dma_start3A_1076] : memref<3200xi32, #tpu.memory_space<vmem>> -> memref<128xi32, #tpu.memory_space<vmem>>
    %dma_start3A_1078 = arith.constant 0 : i32
    %dma_start3A_1079 = arith.constant 0 : i32
    %dma_start3A_1080 = tpu.memref_slice %arg7[%dma_start3A_1078, %dma_start3A_1079] : memref<100352x16xf32, #tpu.memory_space<hbm>> -> memref<100352x16xf32, #tpu.memory_space<hbm>>
    tpu.enqueue_indirect_dma source(%dma_start3A_1080 : memref<100352x16xf32, #tpu.memory_space<hbm>>) target(%dma_start3A_1075 : memref<128x16xf32, #tpu.memory_space<vmem>>) offsets(%dma_start3A_1077 : memref<128xi32, #tpu.memory_space<vmem>>) semaphore(%arg17 : memref<!tpu.dma_semaphore, #tpu.memory_space<semaphore_mem>>)
    %dma_start3A_1081 = arith.constant 2176 : i32
    %dma_start3A_1082 = arith.constant 0 : i32
    %dma_start3A_1083 = tpu.memref_slice %arg15[%dma_start3A_1081, %dma_start3A_1082] : memref<3200x16xf32, #tpu.memory_space<vmem>> -> memref<128x16xf32, #tpu.memory_space<vmem>>
    %dma_start3A_1084 = arith.constant 2176 : i32
    %dma_start3A_1085 = tpu.memref_slice %arg13[%dma_start3A_1084] : memref<3200xi32, #tpu.memory_space<vmem>> -> memref<128xi32, #tpu.memory_space<vmem>>
    %dma_start3A_1086 = arith.constant 0 : i32
    %dma_start3A_1087 = arith.constant 0 : i32
    %dma_start3A_1088 = tpu.memref_slice %arg7[%dma_start3A_1086, %dma_start3A_1087] : memref<100352x16xf32, #tpu.memory_space<hbm>> -> memref<100352x16xf32, #tpu.memory_space<hbm>>
    tpu.enqueue_indirect_dma source(%dma_start3A_1088 : memref<100352x16xf32, #tpu.memory_space<hbm>>) target(%dma_start3A_1083 : memref<128x16xf32, #tpu.memory_space<vmem>>) offsets(%dma_start3A_1085 : memref<128xi32, #tpu.memory_space<vmem>>) semaphore(%arg17 : memref<!tpu.dma_semaphore, #tpu.memory_space<semaphore_mem>>)
    %dma_start3A_1089 = arith.constant 2304 : i32
    %dma_start3A_1090 = arith.constant 0 : i32
    %dma_start3A_1091 = tpu.memref_slice %arg15[%dma_start3A_1089, %dma_start3A_1090] : memref<3200x16xf32, #tpu.memory_space<vmem>> -> memref<128x16xf32, #tpu.memory_space<vmem>>
    %dma_start3A_1092 = arith.constant 2304 : i32
    %dma_start3A_1093 = tpu.memref_slice %arg13[%dma_start3A_1092] : memref<3200xi32, #tpu.memory_space<vmem>> -> memref<128xi32, #tpu.memory_space<vmem>>
    %dma_start3A_1094 = arith.constant 0 : i32
    %dma_start3A_1095 = arith.constant 0 : i32
    %dma_start3A_1096 = tpu.memref_slice %arg7[%dma_start3A_1094, %dma_start3A_1095] : memref<100352x16xf32, #tpu.memory_space<hbm>> -> memref<100352x16xf32, #tpu.memory_space<hbm>>
    tpu.enqueue_indirect_dma source(%dma_start3A_1096 : memref<100352x16xf32, #tpu.memory_space<hbm>>) target(%dma_start3A_1091 : memref<128x16xf32, #tpu.memory_space<vmem>>) offsets(%dma_start3A_1093 : memref<128xi32, #tpu.memory_space<vmem>>) semaphore(%arg17 : memref<!tpu.dma_semaphore, #tpu.memory_space<semaphore_mem>>)
    %dma_start3A_1097 = arith.constant 2432 : i32
    %dma_start3A_1098 = arith.constant 0 : i32
    %dma_start3A_1099 = tpu.memref_slice %arg15[%dma_start3A_1097, %dma_start3A_1098] : memref<3200x16xf32, #tpu.memory_space<vmem>> -> memref<128x16xf32, #tpu.memory_space<vmem>>
    %dma_start3A_1100 = arith.constant 2432 : i32
    %dma_start3A_1101 = tpu.memref_slice %arg13[%dma_start3A_1100] : memref<3200xi32, #tpu.memory_space<vmem>> -> memref<128xi32, #tpu.memory_space<vmem>>
    %dma_start3A_1102 = arith.constant 0 : i32
    %dma_start3A_1103 = arith.constant 0 : i32
    %dma_start3A_1104 = tpu.memref_slice %arg7[%dma_start3A_1102, %dma_start3A_1103] : memref<100352x16xf32, #tpu.memory_space<hbm>> -> memref<100352x16xf32, #tpu.memory_space<hbm>>
    tpu.enqueue_indirect_dma source(%dma_start3A_1104 : memref<100352x16xf32, #tpu.memory_space<hbm>>) target(%dma_start3A_1099 : memref<128x16xf32, #tpu.memory_space<vmem>>) offsets(%dma_start3A_1101 : memref<128xi32, #tpu.memory_space<vmem>>) semaphore(%arg17 : memref<!tpu.dma_semaphore, #tpu.memory_space<semaphore_mem>>)
    %dma_start3A_1105 = arith.constant 2560 : i32
    %dma_start3A_1106 = arith.constant 0 : i32
    %dma_start3A_1107 = tpu.memref_slice %arg15[%dma_start3A_1105, %dma_start3A_1106] : memref<3200x16xf32, #tpu.memory_space<vmem>> -> memref<128x16xf32, #tpu.memory_space<vmem>>
    %dma_start3A_1108 = arith.constant 2560 : i32
    %dma_start3A_1109 = tpu.memref_slice %arg13[%dma_start3A_1108] : memref<3200xi32, #tpu.memory_space<vmem>> -> memref<128xi32, #tpu.memory_space<vmem>>
    %dma_start3A_1110 = arith.constant 0 : i32
    %dma_start3A_1111 = arith.constant 0 : i32
    %dma_start3A_1112 = tpu.memref_slice %arg7[%dma_start3A_1110, %dma_start3A_1111] : memref<100352x16xf32, #tpu.memory_space<hbm>> -> memref<100352x16xf32, #tpu.memory_space<hbm>>
    tpu.enqueue_indirect_dma source(%dma_start3A_1112 : memref<100352x16xf32, #tpu.memory_space<hbm>>) target(%dma_start3A_1107 : memref<128x16xf32, #tpu.memory_space<vmem>>) offsets(%dma_start3A_1109 : memref<128xi32, #tpu.memory_space<vmem>>) semaphore(%arg17 : memref<!tpu.dma_semaphore, #tpu.memory_space<semaphore_mem>>)
    %dma_start3A_1113 = arith.constant 2688 : i32
    %dma_start3A_1114 = arith.constant 0 : i32
    %dma_start3A_1115 = tpu.memref_slice %arg15[%dma_start3A_1113, %dma_start3A_1114] : memref<3200x16xf32, #tpu.memory_space<vmem>> -> memref<128x16xf32, #tpu.memory_space<vmem>>
    %dma_start3A_1116 = arith.constant 2688 : i32
    %dma_start3A_1117 = tpu.memref_slice %arg13[%dma_start3A_1116] : memref<3200xi32, #tpu.memory_space<vmem>> -> memref<128xi32, #tpu.memory_space<vmem>>
    %dma_start3A_1118 = arith.constant 0 : i32
    %dma_start3A_1119 = arith.constant 0 : i32
    %dma_start3A_1120 = tpu.memref_slice %arg7[%dma_start3A_1118, %dma_start3A_1119] : memref<100352x16xf32, #tpu.memory_space<hbm>> -> memref<100352x16xf32, #tpu.memory_space<hbm>>
    tpu.enqueue_indirect_dma source(%dma_start3A_1120 : memref<100352x16xf32, #tpu.memory_space<hbm>>) target(%dma_start3A_1115 : memref<128x16xf32, #tpu.memory_space<vmem>>) offsets(%dma_start3A_1117 : memref<128xi32, #tpu.memory_space<vmem>>) semaphore(%arg17 : memref<!tpu.dma_semaphore, #tpu.memory_space<semaphore_mem>>)
    %dma_start3A_1121 = arith.constant 2816 : i32
    %dma_start3A_1122 = arith.constant 0 : i32
    %dma_start3A_1123 = tpu.memref_slice %arg15[%dma_start3A_1121, %dma_start3A_1122] : memref<3200x16xf32, #tpu.memory_space<vmem>> -> memref<128x16xf32, #tpu.memory_space<vmem>>
    %dma_start3A_1124 = arith.constant 2816 : i32
    %dma_start3A_1125 = tpu.memref_slice %arg13[%dma_start3A_1124] : memref<3200xi32, #tpu.memory_space<vmem>> -> memref<128xi32, #tpu.memory_space<vmem>>
    %dma_start3A_1126 = arith.constant 0 : i32
    %dma_start3A_1127 = arith.constant 0 : i32
    %dma_start3A_1128 = tpu.memref_slice %arg7[%dma_start3A_1126, %dma_start3A_1127] : memref<100352x16xf32, #tpu.memory_space<hbm>> -> memref<100352x16xf32, #tpu.memory_space<hbm>>
    tpu.enqueue_indirect_dma source(%dma_start3A_1128 : memref<100352x16xf32, #tpu.memory_space<hbm>>) target(%dma_start3A_1123 : memref<128x16xf32, #tpu.memory_space<vmem>>) offsets(%dma_start3A_1125 : memref<128xi32, #tpu.memory_space<vmem>>) semaphore(%arg17 : memref<!tpu.dma_semaphore, #tpu.memory_space<semaphore_mem>>)
    %dma_start3A_1129 = arith.constant 2944 : i32
    %dma_start3A_1130 = arith.constant 0 : i32
    %dma_start3A_1131 = tpu.memref_slice %arg15[%dma_start3A_1129, %dma_start3A_1130] : memref<3200x16xf32, #tpu.memory_space<vmem>> -> memref<128x16xf32, #tpu.memory_space<vmem>>
    %dma_start3A_1132 = arith.constant 2944 : i32
    %dma_start3A_1133 = tpu.memref_slice %arg13[%dma_start3A_1132] : memref<3200xi32, #tpu.memory_space<vmem>> -> memref<128xi32, #tpu.memory_space<vmem>>
    %dma_start3A_1134 = arith.constant 0 : i32
    %dma_start3A_1135 = arith.constant 0 : i32
    %dma_start3A_1136 = tpu.memref_slice %arg7[%dma_start3A_1134, %dma_start3A_1135] : memref<100352x16xf32, #tpu.memory_space<hbm>> -> memref<100352x16xf32, #tpu.memory_space<hbm>>
    tpu.enqueue_indirect_dma source(%dma_start3A_1136 : memref<100352x16xf32, #tpu.memory_space<hbm>>) target(%dma_start3A_1131 : memref<128x16xf32, #tpu.memory_space<vmem>>) offsets(%dma_start3A_1133 : memref<128xi32, #tpu.memory_space<vmem>>) semaphore(%arg17 : memref<!tpu.dma_semaphore, #tpu.memory_space<semaphore_mem>>)
    %dma_start3A_1137 = arith.constant 3072 : i32
    %dma_start3A_1138 = arith.constant 0 : i32
    %dma_start3A_1139 = tpu.memref_slice %arg15[%dma_start3A_1137, %dma_start3A_1138] : memref<3200x16xf32, #tpu.memory_space<vmem>> -> memref<128x16xf32, #tpu.memory_space<vmem>>
    %dma_start3A_1140 = arith.constant 3072 : i32
    %dma_start3A_1141 = tpu.memref_slice %arg13[%dma_start3A_1140] : memref<3200xi32, #tpu.memory_space<vmem>> -> memref<128xi32, #tpu.memory_space<vmem>>
    %dma_start3A_1142 = arith.constant 0 : i32
    %dma_start3A_1143 = arith.constant 0 : i32
    %dma_start3A_1144 = tpu.memref_slice %arg7[%dma_start3A_1142, %dma_start3A_1143] : memref<100352x16xf32, #tpu.memory_space<hbm>> -> memref<100352x16xf32, #tpu.memory_space<hbm>>
    tpu.enqueue_indirect_dma source(%dma_start3A_1144 : memref<100352x16xf32, #tpu.memory_space<hbm>>) target(%dma_start3A_1139 : memref<128x16xf32, #tpu.memory_space<vmem>>) offsets(%dma_start3A_1141 : memref<128xi32, #tpu.memory_space<vmem>>) semaphore(%arg17 : memref<!tpu.dma_semaphore, #tpu.memory_space<semaphore_mem>>)
    %dma_start3A_1145 = arith.constant 0 : i32
    %dma_start3A_1146 = arith.constant 0 : i32
    %dma_start3A_1147 = tpu.memref_slice %arg16[%dma_start3A_1145, %dma_start3A_1146] : memref<1664x16xf32, #tpu.memory_space<vmem>> -> memref<128x16xf32, #tpu.memory_space<vmem>>
    %dma_start3A_1148 = arith.constant 0 : i32
    %dma_start3A_1149 = tpu.memref_slice %arg12[%dma_start3A_1148] : memref<1664xi32, #tpu.memory_space<vmem>> -> memref<128xi32, #tpu.memory_space<vmem>>
    %dma_start3A_1150 = arith.constant 0 : i32
    %dma_start3A_1151 = arith.constant 0 : i32
    %dma_start3A_1152 = tpu.memref_slice %arg6[%dma_start3A_1150, %dma_start3A_1151] : memref<162500x16xf32, #tpu.memory_space<hbm>> -> memref<162500x16xf32, #tpu.memory_space<hbm>>
    tpu.enqueue_indirect_dma source(%dma_start3A_1152 : memref<162500x16xf32, #tpu.memory_space<hbm>>) target(%dma_start3A_1147 : memref<128x16xf32, #tpu.memory_space<vmem>>) offsets(%dma_start3A_1149 : memref<128xi32, #tpu.memory_space<vmem>>) semaphore(%arg17 : memref<!tpu.dma_semaphore, #tpu.memory_space<semaphore_mem>>)
    %dma_start3A_1153 = arith.constant 128 : i32
    %dma_start3A_1154 = arith.constant 0 : i32
    %dma_start3A_1155 = tpu.memref_slice %arg16[%dma_start3A_1153, %dma_start3A_1154] : memref<1664x16xf32, #tpu.memory_space<vmem>> -> memref<128x16xf32, #tpu.memory_space<vmem>>
    %dma_start3A_1156 = arith.constant 128 : i32
    %dma_start3A_1157 = tpu.memref_slice %arg12[%dma_start3A_1156] : memref<1664xi32, #tpu.memory_space<vmem>> -> memref<128xi32, #tpu.memory_space<vmem>>
    %dma_start3A_1158 = arith.constant 0 : i32
    %dma_start3A_1159 = arith.constant 0 : i32
    %dma_start3A_1160 = tpu.memref_slice %arg6[%dma_start3A_1158, %dma_start3A_1159] : memref<162500x16xf32, #tpu.memory_space<hbm>> -> memref<162500x16xf32, #tpu.memory_space<hbm>>
    tpu.enqueue_indirect_dma source(%dma_start3A_1160 : memref<162500x16xf32, #tpu.memory_space<hbm>>) target(%dma_start3A_1155 : memref<128x16xf32, #tpu.memory_space<vmem>>) offsets(%dma_start3A_1157 : memref<128xi32, #tpu.memory_space<vmem>>) semaphore(%arg17 : memref<!tpu.dma_semaphore, #tpu.memory_space<semaphore_mem>>)
    %dma_start3A_1161 = arith.constant 256 : i32
    %dma_start3A_1162 = arith.constant 0 : i32
    %dma_start3A_1163 = tpu.memref_slice %arg16[%dma_start3A_1161, %dma_start3A_1162] : memref<1664x16xf32, #tpu.memory_space<vmem>> -> memref<128x16xf32, #tpu.memory_space<vmem>>
    %dma_start3A_1164 = arith.constant 256 : i32
    %dma_start3A_1165 = tpu.memref_slice %arg12[%dma_start3A_1164] : memref<1664xi32, #tpu.memory_space<vmem>> -> memref<128xi32, #tpu.memory_space<vmem>>
    %dma_start3A_1166 = arith.constant 0 : i32
    %dma_start3A_1167 = arith.constant 0 : i32
    %dma_start3A_1168 = tpu.memref_slice %arg6[%dma_start3A_1166, %dma_start3A_1167] : memref<162500x16xf32, #tpu.memory_space<hbm>> -> memref<162500x16xf32, #tpu.memory_space<hbm>>
    tpu.enqueue_indirect_dma source(%dma_start3A_1168 : memref<162500x16xf32, #tpu.memory_space<hbm>>) target(%dma_start3A_1163 : memref<128x16xf32, #tpu.memory_space<vmem>>) offsets(%dma_start3A_1165 : memref<128xi32, #tpu.memory_space<vmem>>) semaphore(%arg17 : memref<!tpu.dma_semaphore, #tpu.memory_space<semaphore_mem>>)
    %dma_start3A_1169 = arith.constant 384 : i32
    %dma_start3A_1170 = arith.constant 0 : i32
    %dma_start3A_1171 = tpu.memref_slice %arg16[%dma_start3A_1169, %dma_start3A_1170] : memref<1664x16xf32, #tpu.memory_space<vmem>> -> memref<128x16xf32, #tpu.memory_space<vmem>>
    %dma_start3A_1172 = arith.constant 384 : i32
    %dma_start3A_1173 = tpu.memref_slice %arg12[%dma_start3A_1172] : memref<1664xi32, #tpu.memory_space<vmem>> -> memref<128xi32, #tpu.memory_space<vmem>>
    %dma_start3A_1174 = arith.constant 0 : i32
    %dma_start3A_1175 = arith.constant 0 : i32
    %dma_start3A_1176 = tpu.memref_slice %arg6[%dma_start3A_1174, %dma_start3A_1175] : memref<162500x16xf32, #tpu.memory_space<hbm>> -> memref<162500x16xf32, #tpu.memory_space<hbm>>
    tpu.enqueue_indirect_dma source(%dma_start3A_1176 : memref<162500x16xf32, #tpu.memory_space<hbm>>) target(%dma_start3A_1171 : memref<128x16xf32, #tpu.memory_space<vmem>>) offsets(%dma_start3A_1173 : memref<128xi32, #tpu.memory_space<vmem>>) semaphore(%arg17 : memref<!tpu.dma_semaphore, #tpu.memory_space<semaphore_mem>>)
    %dma_start3A_1177 = arith.constant 512 : i32
    %dma_start3A_1178 = arith.constant 0 : i32
    %dma_start3A_1179 = tpu.memref_slice %arg16[%dma_start3A_1177, %dma_start3A_1178] : memref<1664x16xf32, #tpu.memory_space<vmem>> -> memref<128x16xf32, #tpu.memory_space<vmem>>
    %dma_start3A_1180 = arith.constant 512 : i32
    %dma_start3A_1181 = tpu.memref_slice %arg12[%dma_start3A_1180] : memref<1664xi32, #tpu.memory_space<vmem>> -> memref<128xi32, #tpu.memory_space<vmem>>
    %dma_start3A_1182 = arith.constant 0 : i32
    %dma_start3A_1183 = arith.constant 0 : i32
    %dma_start3A_1184 = tpu.memref_slice %arg6[%dma_start3A_1182, %dma_start3A_1183] : memref<162500x16xf32, #tpu.memory_space<hbm>> -> memref<162500x16xf32, #tpu.memory_space<hbm>>
    tpu.enqueue_indirect_dma source(%dma_start3A_1184 : memref<162500x16xf32, #tpu.memory_space<hbm>>) target(%dma_start3A_1179 : memref<128x16xf32, #tpu.memory_space<vmem>>) offsets(%dma_start3A_1181 : memref<128xi32, #tpu.memory_space<vmem>>) semaphore(%arg17 : memref<!tpu.dma_semaphore, #tpu.memory_space<semaphore_mem>>)
    %dma_start3A_1185 = arith.constant 640 : i32
    %dma_start3A_1186 = arith.constant 0 : i32
    %dma_start3A_1187 = tpu.memref_slice %arg16[%dma_start3A_1185, %dma_start3A_1186] : memref<1664x16xf32, #tpu.memory_space<vmem>> -> memref<128x16xf32, #tpu.memory_space<vmem>>
    %dma_start3A_1188 = arith.constant 640 : i32
    %dma_start3A_1189 = tpu.memref_slice %arg12[%dma_start3A_1188] : memref<1664xi32, #tpu.memory_space<vmem>> -> memref<128xi32, #tpu.memory_space<vmem>>
    %dma_start3A_1190 = arith.constant 0 : i32
    %dma_start3A_1191 = arith.constant 0 : i32
    %dma_start3A_1192 = tpu.memref_slice %arg6[%dma_start3A_1190, %dma_start3A_1191] : memref<162500x16xf32, #tpu.memory_space<hbm>> -> memref<162500x16xf32, #tpu.memory_space<hbm>>
    tpu.enqueue_indirect_dma source(%dma_start3A_1192 : memref<162500x16xf32, #tpu.memory_space<hbm>>) target(%dma_start3A_1187 : memref<128x16xf32, #tpu.memory_space<vmem>>) offsets(%dma_start3A_1189 : memref<128xi32, #tpu.memory_space<vmem>>) semaphore(%arg17 : memref<!tpu.dma_semaphore, #tpu.memory_space<semaphore_mem>>)
    %dma_start3A_1193 = arith.constant 768 : i32
    %dma_start3A_1194 = arith.constant 0 : i32
    %dma_start3A_1195 = tpu.memref_slice %arg16[%dma_start3A_1193, %dma_start3A_1194] : memref<1664x16xf32, #tpu.memory_space<vmem>> -> memref<128x16xf32, #tpu.memory_space<vmem>>
    %dma_start3A_1196 = arith.constant 768 : i32
    %dma_start3A_1197 = tpu.memref_slice %arg12[%dma_start3A_1196] : memref<1664xi32, #tpu.memory_space<vmem>> -> memref<128xi32, #tpu.memory_space<vmem>>
    %dma_start3A_1198 = arith.constant 0 : i32
    %dma_start3A_1199 = arith.constant 0 : i32
    %dma_start3A_1200 = tpu.memref_slice %arg6[%dma_start3A_1198, %dma_start3A_1199] : memref<162500x16xf32, #tpu.memory_space<hbm>> -> memref<162500x16xf32, #tpu.memory_space<hbm>>
    tpu.enqueue_indirect_dma source(%dma_start3A_1200 : memref<162500x16xf32, #tpu.memory_space<hbm>>) target(%dma_start3A_1195 : memref<128x16xf32, #tpu.memory_space<vmem>>) offsets(%dma_start3A_1197 : memref<128xi32, #tpu.memory_space<vmem>>) semaphore(%arg17 : memref<!tpu.dma_semaphore, #tpu.memory_space<semaphore_mem>>)
    %dma_start3A_1201 = arith.constant 896 : i32
    %dma_start3A_1202 = arith.constant 0 : i32
    %dma_start3A_1203 = tpu.memref_slice %arg16[%dma_start3A_1201, %dma_start3A_1202] : memref<1664x16xf32, #tpu.memory_space<vmem>> -> memref<128x16xf32, #tpu.memory_space<vmem>>
    %dma_start3A_1204 = arith.constant 896 : i32
    %dma_start3A_1205 = tpu.memref_slice %arg12[%dma_start3A_1204] : memref<1664xi32, #tpu.memory_space<vmem>> -> memref<128xi32, #tpu.memory_space<vmem>>
    %dma_start3A_1206 = arith.constant 0 : i32
    %dma_start3A_1207 = arith.constant 0 : i32
    %dma_start3A_1208 = tpu.memref_slice %arg6[%dma_start3A_1206, %dma_start3A_1207] : memref<162500x16xf32, #tpu.memory_space<hbm>> -> memref<162500x16xf32, #tpu.memory_space<hbm>>
    tpu.enqueue_indirect_dma source(%dma_start3A_1208 : memref<162500x16xf32, #tpu.memory_space<hbm>>) target(%dma_start3A_1203 : memref<128x16xf32, #tpu.memory_space<vmem>>) offsets(%dma_start3A_1205 : memref<128xi32, #tpu.memory_space<vmem>>) semaphore(%arg17 : memref<!tpu.dma_semaphore, #tpu.memory_space<semaphore_mem>>)
    %dma_start3A_1209 = arith.constant 1024 : i32
    %dma_start3A_1210 = arith.constant 0 : i32
    %dma_start3A_1211 = tpu.memref_slice %arg16[%dma_start3A_1209, %dma_start3A_1210] : memref<1664x16xf32, #tpu.memory_space<vmem>> -> memref<128x16xf32, #tpu.memory_space<vmem>>
    %dma_start3A_1212 = arith.constant 1024 : i32
    %dma_start3A_1213 = tpu.memref_slice %arg12[%dma_start3A_1212] : memref<1664xi32, #tpu.memory_space<vmem>> -> memref<128xi32, #tpu.memory_space<vmem>>
    %dma_start3A_1214 = arith.constant 0 : i32
    %dma_start3A_1215 = arith.constant 0 : i32
    %dma_start3A_1216 = tpu.memref_slice %arg6[%dma_start3A_1214, %dma_start3A_1215] : memref<162500x16xf32, #tpu.memory_space<hbm>> -> memref<162500x16xf32, #tpu.memory_space<hbm>>
    tpu.enqueue_indirect_dma source(%dma_start3A_1216 : memref<162500x16xf32, #tpu.memory_space<hbm>>) target(%dma_start3A_1211 : memref<128x16xf32, #tpu.memory_space<vmem>>) offsets(%dma_start3A_1213 : memref<128xi32, #tpu.memory_space<vmem>>) semaphore(%arg17 : memref<!tpu.dma_semaphore, #tpu.memory_space<semaphore_mem>>)
    %dma_start3A_1217 = arith.constant 1152 : i32
    %dma_start3A_1218 = arith.constant 0 : i32
    %dma_start3A_1219 = tpu.memref_slice %arg16[%dma_start3A_1217, %dma_start3A_1218] : memref<1664x16xf32, #tpu.memory_space<vmem>> -> memref<128x16xf32, #tpu.memory_space<vmem>>
    %dma_start3A_1220 = arith.constant 1152 : i32
    %dma_start3A_1221 = tpu.memref_slice %arg12[%dma_start3A_1220] : memref<1664xi32, #tpu.memory_space<vmem>> -> memref<128xi32, #tpu.memory_space<vmem>>
    %dma_start3A_1222 = arith.constant 0 : i32
    %dma_start3A_1223 = arith.constant 0 : i32
    %dma_start3A_1224 = tpu.memref_slice %arg6[%dma_start3A_1222, %dma_start3A_1223] : memref<162500x16xf32, #tpu.memory_space<hbm>> -> memref<162500x16xf32, #tpu.memory_space<hbm>>
    tpu.enqueue_indirect_dma source(%dma_start3A_1224 : memref<162500x16xf32, #tpu.memory_space<hbm>>) target(%dma_start3A_1219 : memref<128x16xf32, #tpu.memory_space<vmem>>) offsets(%dma_start3A_1221 : memref<128xi32, #tpu.memory_space<vmem>>) semaphore(%arg17 : memref<!tpu.dma_semaphore, #tpu.memory_space<semaphore_mem>>)
    %dma_start3A_1225 = arith.constant 1280 : i32
    %dma_start3A_1226 = arith.constant 0 : i32
    %dma_start3A_1227 = tpu.memref_slice %arg16[%dma_start3A_1225, %dma_start3A_1226] : memref<1664x16xf32, #tpu.memory_space<vmem>> -> memref<128x16xf32, #tpu.memory_space<vmem>>
    %dma_start3A_1228 = arith.constant 1280 : i32
    %dma_start3A_1229 = tpu.memref_slice %arg12[%dma_start3A_1228] : memref<1664xi32, #tpu.memory_space<vmem>> -> memref<128xi32, #tpu.memory_space<vmem>>
    %dma_start3A_1230 = arith.constant 0 : i32
    %dma_start3A_1231 = arith.constant 0 : i32
    %dma_start3A_1232 = tpu.memref_slice %arg6[%dma_start3A_1230, %dma_start3A_1231] : memref<162500x16xf32, #tpu.memory_space<hbm>> -> memref<162500x16xf32, #tpu.memory_space<hbm>>
    tpu.enqueue_indirect_dma source(%dma_start3A_1232 : memref<162500x16xf32, #tpu.memory_space<hbm>>) target(%dma_start3A_1227 : memref<128x16xf32, #tpu.memory_space<vmem>>) offsets(%dma_start3A_1229 : memref<128xi32, #tpu.memory_space<vmem>>) semaphore(%arg17 : memref<!tpu.dma_semaphore, #tpu.memory_space<semaphore_mem>>)
    %dma_start3A_1233 = arith.constant 1408 : i32
    %dma_start3A_1234 = arith.constant 0 : i32
    %dma_start3A_1235 = tpu.memref_slice %arg16[%dma_start3A_1233, %dma_start3A_1234] : memref<1664x16xf32, #tpu.memory_space<vmem>> -> memref<128x16xf32, #tpu.memory_space<vmem>>
    %dma_start3A_1236 = arith.constant 1408 : i32
    %dma_start3A_1237 = tpu.memref_slice %arg12[%dma_start3A_1236] : memref<1664xi32, #tpu.memory_space<vmem>> -> memref<128xi32, #tpu.memory_space<vmem>>
    %dma_start3A_1238 = arith.constant 0 : i32
    %dma_start3A_1239 = arith.constant 0 : i32
    %dma_start3A_1240 = tpu.memref_slice %arg6[%dma_start3A_1238, %dma_start3A_1239] : memref<162500x16xf32, #tpu.memory_space<hbm>> -> memref<162500x16xf32, #tpu.memory_space<hbm>>
    tpu.enqueue_indirect_dma source(%dma_start3A_1240 : memref<162500x16xf32, #tpu.memory_space<hbm>>) target(%dma_start3A_1235 : memref<128x16xf32, #tpu.memory_space<vmem>>) offsets(%dma_start3A_1237 : memref<128xi32, #tpu.memory_space<vmem>>) semaphore(%arg17 : memref<!tpu.dma_semaphore, #tpu.memory_space<semaphore_mem>>)
    %dma_start3A_1241 = arith.constant 1536 : i32
    %dma_start3A_1242 = arith.constant 0 : i32
    %dma_start3A_1243 = tpu.memref_slice %arg16[%dma_start3A_1241, %dma_start3A_1242] : memref<1664x16xf32, #tpu.memory_space<vmem>> -> memref<128x16xf32, #tpu.memory_space<vmem>>
    %dma_start3A_1244 = arith.constant 1536 : i32
    %dma_start3A_1245 = tpu.memref_slice %arg12[%dma_start3A_1244] : memref<1664xi32, #tpu.memory_space<vmem>> -> memref<128xi32, #tpu.memory_space<vmem>>
    %dma_start3A_1246 = arith.constant 0 : i32
    %dma_start3A_1247 = arith.constant 0 : i32
    %dma_start3A_1248 = tpu.memref_slice %arg6[%dma_start3A_1246, %dma_start3A_1247] : memref<162500x16xf32, #tpu.memory_space<hbm>> -> memref<162500x16xf32, #tpu.memory_space<hbm>>
    tpu.enqueue_indirect_dma source(%dma_start3A_1248 : memref<162500x16xf32, #tpu.memory_space<hbm>>) target(%dma_start3A_1243 : memref<128x16xf32, #tpu.memory_space<vmem>>) offsets(%dma_start3A_1245 : memref<128xi32, #tpu.memory_space<vmem>>) semaphore(%arg17 : memref<!tpu.dma_semaphore, #tpu.memory_space<semaphore_mem>>)
    %dma_wait3A_1249 = arith.constant 0 : i32
    %dma_wait3A_1250 = arith.constant 0 : i32
    %dma_wait3A_1251 = tpu.memref_slice %arg14[%dma_wait3A_1249, %dma_wait3A_1250] : memref<1664x16xf32, #tpu.memory_space<vmem>> -> memref<128x16xf32, #tpu.memory_space<vmem>>
    %dma_wait3A_1252 = arith.constant 0 : i32
    %dma_wait3A_1253 = tpu.memref_slice %arg11[%dma_wait3A_1252] : memref<1664xi32, #tpu.memory_space<vmem>> -> memref<128xi32, #tpu.memory_space<vmem>>
    %dma_wait3A_1254 = arith.constant 0 : i32
    %dma_wait3A_1255 = arith.constant 0 : i32
    %dma_wait3A_1256 = tpu.memref_slice %arg5[%dma_wait3A_1254, %dma_wait3A_1255] : memref<2609152x16xf32, #tpu.memory_space<hbm>> -> memref<2609152x16xf32, #tpu.memory_space<hbm>>
    tpu.wait_indirect_dma semaphore(%arg17 : memref<!tpu.dma_semaphore, #tpu.memory_space<semaphore_mem>>) src(%dma_wait3A_1256 : memref<2609152x16xf32, #tpu.memory_space<hbm>>) dst(%dma_wait3A_1251 : memref<128x16xf32, #tpu.memory_space<vmem>>)
    %dma_wait3A_1257 = arith.constant 128 : i32
    %dma_wait3A_1258 = arith.constant 0 : i32
    %dma_wait3A_1259 = tpu.memref_slice %arg14[%dma_wait3A_1257, %dma_wait3A_1258] : memref<1664x16xf32, #tpu.memory_space<vmem>> -> memref<128x16xf32, #tpu.memory_space<vmem>>
    %dma_wait3A_1260 = arith.constant 128 : i32
    %dma_wait3A_1261 = tpu.memref_slice %arg11[%dma_wait3A_1260] : memref<1664xi32, #tpu.memory_space<vmem>> -> memref<128xi32, #tpu.memory_space<vmem>>
    %dma_wait3A_1262 = arith.constant 0 : i32
    %dma_wait3A_1263 = arith.constant 0 : i32
    %dma_wait3A_1264 = tpu.memref_slice %arg5[%dma_wait3A_1262, %dma_wait3A_1263] : memref<2609152x16xf32, #tpu.memory_space<hbm>> -> memref<2609152x16xf32, #tpu.memory_space<hbm>>
    tpu.wait_indirect_dma semaphore(%arg17 : memref<!tpu.dma_semaphore, #tpu.memory_space<semaphore_mem>>) src(%dma_wait3A_1264 : memref<2609152x16xf32, #tpu.memory_space<hbm>>) dst(%dma_wait3A_1259 : memref<128x16xf32, #tpu.memory_space<vmem>>)
    %dma_wait3A_1265 = arith.constant 256 : i32
    %dma_wait3A_1266 = arith.constant 0 : i32
    %dma_wait3A_1267 = tpu.memref_slice %arg14[%dma_wait3A_1265, %dma_wait3A_1266] : memref<1664x16xf32, #tpu.memory_space<vmem>> -> memref<128x16xf32, #tpu.memory_space<vmem>>
    %dma_wait3A_1268 = arith.constant 256 : i32
    %dma_wait3A_1269 = tpu.memref_slice %arg11[%dma_wait3A_1268] : memref<1664xi32, #tpu.memory_space<vmem>> -> memref<128xi32, #tpu.memory_space<vmem>>
    %dma_wait3A_1270 = arith.constant 0 : i32
    %dma_wait3A_1271 = arith.constant 0 : i32
    %dma_wait3A_1272 = tpu.memref_slice %arg5[%dma_wait3A_1270, %dma_wait3A_1271] : memref<2609152x16xf32, #tpu.memory_space<hbm>> -> memref<2609152x16xf32, #tpu.memory_space<hbm>>
    tpu.wait_indirect_dma semaphore(%arg17 : memref<!tpu.dma_semaphore, #tpu.memory_space<semaphore_mem>>) src(%dma_wait3A_1272 : memref<2609152x16xf32, #tpu.memory_space<hbm>>) dst(%dma_wait3A_1267 : memref<128x16xf32, #tpu.memory_space<vmem>>)
    %dma_wait3A_1273 = arith.constant 384 : i32
    %dma_wait3A_1274 = arith.constant 0 : i32
    %dma_wait3A_1275 = tpu.memref_slice %arg14[%dma_wait3A_1273, %dma_wait3A_1274] : memref<1664x16xf32, #tpu.memory_space<vmem>> -> memref<128x16xf32, #tpu.memory_space<vmem>>
    %dma_wait3A_1276 = arith.constant 384 : i32
    %dma_wait3A_1277 = tpu.memref_slice %arg11[%dma_wait3A_1276] : memref<1664xi32, #tpu.memory_space<vmem>> -> memref<128xi32, #tpu.memory_space<vmem>>
    %dma_wait3A_1278 = arith.constant 0 : i32
    %dma_wait3A_1279 = arith.constant 0 : i32
    %dma_wait3A_1280 = tpu.memref_slice %arg5[%dma_wait3A_1278, %dma_wait3A_1279] : memref<2609152x16xf32, #tpu.memory_space<hbm>> -> memref<2609152x16xf32, #tpu.memory_space<hbm>>
    tpu.wait_indirect_dma semaphore(%arg17 : memref<!tpu.dma_semaphore, #tpu.memory_space<semaphore_mem>>) src(%dma_wait3A_1280 : memref<2609152x16xf32, #tpu.memory_space<hbm>>) dst(%dma_wait3A_1275 : memref<128x16xf32, #tpu.memory_space<vmem>>)
    %dma_wait3A_1281 = arith.constant 512 : i32
    %dma_wait3A_1282 = arith.constant 0 : i32
    %dma_wait3A_1283 = tpu.memref_slice %arg14[%dma_wait3A_1281, %dma_wait3A_1282] : memref<1664x16xf32, #tpu.memory_space<vmem>> -> memref<128x16xf32, #tpu.memory_space<vmem>>
    %dma_wait3A_1284 = arith.constant 512 : i32
    %dma_wait3A_1285 = tpu.memref_slice %arg11[%dma_wait3A_1284] : memref<1664xi32, #tpu.memory_space<vmem>> -> memref<128xi32, #tpu.memory_space<vmem>>
    %dma_wait3A_1286 = arith.constant 0 : i32
    %dma_wait3A_1287 = arith.constant 0 : i32
    %dma_wait3A_1288 = tpu.memref_slice %arg5[%dma_wait3A_1286, %dma_wait3A_1287] : memref<2609152x16xf32, #tpu.memory_space<hbm>> -> memref<2609152x16xf32, #tpu.memory_space<hbm>>
    tpu.wait_indirect_dma semaphore(%arg17 : memref<!tpu.dma_semaphore, #tpu.memory_space<semaphore_mem>>) src(%dma_wait3A_1288 : memref<2609152x16xf32, #tpu.memory_space<hbm>>) dst(%dma_wait3A_1283 : memref<128x16xf32, #tpu.memory_space<vmem>>)
    %dma_wait3A_1289 = arith.constant 640 : i32
    %dma_wait3A_1290 = arith.constant 0 : i32
    %dma_wait3A_1291 = tpu.memref_slice %arg14[%dma_wait3A_1289, %dma_wait3A_1290] : memref<1664x16xf32, #tpu.memory_space<vmem>> -> memref<128x16xf32, #tpu.memory_space<vmem>>
    %dma_wait3A_1292 = arith.constant 640 : i32
    %dma_wait3A_1293 = tpu.memref_slice %arg11[%dma_wait3A_1292] : memref<1664xi32, #tpu.memory_space<vmem>> -> memref<128xi32, #tpu.memory_space<vmem>>
    %dma_wait3A_1294 = arith.constant 0 : i32
    %dma_wait3A_1295 = arith.constant 0 : i32
    %dma_wait3A_1296 = tpu.memref_slice %arg5[%dma_wait3A_1294, %dma_wait3A_1295] : memref<2609152x16xf32, #tpu.memory_space<hbm>> -> memref<2609152x16xf32, #tpu.memory_space<hbm>>
    tpu.wait_indirect_dma semaphore(%arg17 : memref<!tpu.dma_semaphore, #tpu.memory_space<semaphore_mem>>) src(%dma_wait3A_1296 : memref<2609152x16xf32, #tpu.memory_space<hbm>>) dst(%dma_wait3A_1291 : memref<128x16xf32, #tpu.memory_space<vmem>>)
    %dma_wait3A_1297 = arith.constant 768 : i32
    %dma_wait3A_1298 = arith.constant 0 : i32
    %dma_wait3A_1299 = tpu.memref_slice %arg14[%dma_wait3A_1297, %dma_wait3A_1298] : memref<1664x16xf32, #tpu.memory_space<vmem>> -> memref<128x16xf32, #tpu.memory_space<vmem>>
    %dma_wait3A_1300 = arith.constant 768 : i32
    %dma_wait3A_1301 = tpu.memref_slice %arg11[%dma_wait3A_1300] : memref<1664xi32, #tpu.memory_space<vmem>> -> memref<128xi32, #tpu.memory_space<vmem>>
    %dma_wait3A_1302 = arith.constant 0 : i32
    %dma_wait3A_1303 = arith.constant 0 : i32
    %dma_wait3A_1304 = tpu.memref_slice %arg5[%dma_wait3A_1302, %dma_wait3A_1303] : memref<2609152x16xf32, #tpu.memory_space<hbm>> -> memref<2609152x16xf32, #tpu.memory_space<hbm>>
    tpu.wait_indirect_dma semaphore(%arg17 : memref<!tpu.dma_semaphore, #tpu.memory_space<semaphore_mem>>) src(%dma_wait3A_1304 : memref<2609152x16xf32, #tpu.memory_space<hbm>>) dst(%dma_wait3A_1299 : memref<128x16xf32, #tpu.memory_space<vmem>>)
    %dma_wait3A_1305 = arith.constant 896 : i32
    %dma_wait3A_1306 = arith.constant 0 : i32
    %dma_wait3A_1307 = tpu.memref_slice %arg14[%dma_wait3A_1305, %dma_wait3A_1306] : memref<1664x16xf32, #tpu.memory_space<vmem>> -> memref<128x16xf32, #tpu.memory_space<vmem>>
    %dma_wait3A_1308 = arith.constant 896 : i32
    %dma_wait3A_1309 = tpu.memref_slice %arg11[%dma_wait3A_1308] : memref<1664xi32, #tpu.memory_space<vmem>> -> memref<128xi32, #tpu.memory_space<vmem>>
    %dma_wait3A_1310 = arith.constant 0 : i32
    %dma_wait3A_1311 = arith.constant 0 : i32
    %dma_wait3A_1312 = tpu.memref_slice %arg5[%dma_wait3A_1310, %dma_wait3A_1311] : memref<2609152x16xf32, #tpu.memory_space<hbm>> -> memref<2609152x16xf32, #tpu.memory_space<hbm>>
    tpu.wait_indirect_dma semaphore(%arg17 : memref<!tpu.dma_semaphore, #tpu.memory_space<semaphore_mem>>) src(%dma_wait3A_1312 : memref<2609152x16xf32, #tpu.memory_space<hbm>>) dst(%dma_wait3A_1307 : memref<128x16xf32, #tpu.memory_space<vmem>>)
    %dma_wait3A_1313 = arith.constant 1024 : i32
    %dma_wait3A_1314 = arith.constant 0 : i32
    %dma_wait3A_1315 = tpu.memref_slice %arg14[%dma_wait3A_1313, %dma_wait3A_1314] : memref<1664x16xf32, #tpu.memory_space<vmem>> -> memref<128x16xf32, #tpu.memory_space<vmem>>
    %dma_wait3A_1316 = arith.constant 1024 : i32
    %dma_wait3A_1317 = tpu.memref_slice %arg11[%dma_wait3A_1316] : memref<1664xi32, #tpu.memory_space<vmem>> -> memref<128xi32, #tpu.memory_space<vmem>>
    %dma_wait3A_1318 = arith.constant 0 : i32
    %dma_wait3A_1319 = arith.constant 0 : i32
    %dma_wait3A_1320 = tpu.memref_slice %arg5[%dma_wait3A_1318, %dma_wait3A_1319] : memref<2609152x16xf32, #tpu.memory_space<hbm>> -> memref<2609152x16xf32, #tpu.memory_space<hbm>>
    tpu.wait_indirect_dma semaphore(%arg17 : memref<!tpu.dma_semaphore, #tpu.memory_space<semaphore_mem>>) src(%dma_wait3A_1320 : memref<2609152x16xf32, #tpu.memory_space<hbm>>) dst(%dma_wait3A_1315 : memref<128x16xf32, #tpu.memory_space<vmem>>)
    %dma_wait3A_1321 = arith.constant 1152 : i32
    %dma_wait3A_1322 = arith.constant 0 : i32
    %dma_wait3A_1323 = tpu.memref_slice %arg14[%dma_wait3A_1321, %dma_wait3A_1322] : memref<1664x16xf32, #tpu.memory_space<vmem>> -> memref<128x16xf32, #tpu.memory_space<vmem>>
    %dma_wait3A_1324 = arith.constant 1152 : i32
    %dma_wait3A_1325 = tpu.memref_slice %arg11[%dma_wait3A_1324] : memref<1664xi32, #tpu.memory_space<vmem>> -> memref<128xi32, #tpu.memory_space<vmem>>
    %dma_wait3A_1326 = arith.constant 0 : i32
    %dma_wait3A_1327 = arith.constant 0 : i32
    %dma_wait3A_1328 = tpu.memref_slice %arg5[%dma_wait3A_1326, %dma_wait3A_1327] : memref<2609152x16xf32, #tpu.memory_space<hbm>> -> memref<2609152x16xf32, #tpu.memory_space<hbm>>
    tpu.wait_indirect_dma semaphore(%arg17 : memref<!tpu.dma_semaphore, #tpu.memory_space<semaphore_mem>>) src(%dma_wait3A_1328 : memref<2609152x16xf32, #tpu.memory_space<hbm>>) dst(%dma_wait3A_1323 : memref<128x16xf32, #tpu.memory_space<vmem>>)
    %dma_wait3A_1329 = arith.constant 1280 : i32
    %dma_wait3A_1330 = arith.constant 0 : i32
    %dma_wait3A_1331 = tpu.memref_slice %arg14[%dma_wait3A_1329, %dma_wait3A_1330] : memref<1664x16xf32, #tpu.memory_space<vmem>> -> memref<128x16xf32, #tpu.memory_space<vmem>>
    %dma_wait3A_1332 = arith.constant 1280 : i32
    %dma_wait3A_1333 = tpu.memref_slice %arg11[%dma_wait3A_1332] : memref<1664xi32, #tpu.memory_space<vmem>> -> memref<128xi32, #tpu.memory_space<vmem>>
    %dma_wait3A_1334 = arith.constant 0 : i32
    %dma_wait3A_1335 = arith.constant 0 : i32
    %dma_wait3A_1336 = tpu.memref_slice %arg5[%dma_wait3A_1334, %dma_wait3A_1335] : memref<2609152x16xf32, #tpu.memory_space<hbm>> -> memref<2609152x16xf32, #tpu.memory_space<hbm>>
    tpu.wait_indirect_dma semaphore(%arg17 : memref<!tpu.dma_semaphore, #tpu.memory_space<semaphore_mem>>) src(%dma_wait3A_1336 : memref<2609152x16xf32, #tpu.memory_space<hbm>>) dst(%dma_wait3A_1331 : memref<128x16xf32, #tpu.memory_space<vmem>>)
    %dma_wait3A_1337 = arith.constant 1408 : i32
    %dma_wait3A_1338 = arith.constant 0 : i32
    %dma_wait3A_1339 = tpu.memref_slice %arg14[%dma_wait3A_1337, %dma_wait3A_1338] : memref<1664x16xf32, #tpu.memory_space<vmem>> -> memref<128x16xf32, #tpu.memory_space<vmem>>
    %dma_wait3A_1340 = arith.constant 1408 : i32
    %dma_wait3A_1341 = tpu.memref_slice %arg11[%dma_wait3A_1340] : memref<1664xi32, #tpu.memory_space<vmem>> -> memref<128xi32, #tpu.memory_space<vmem>>
    %dma_wait3A_1342 = arith.constant 0 : i32
    %dma_wait3A_1343 = arith.constant 0 : i32
    %dma_wait3A_1344 = tpu.memref_slice %arg5[%dma_wait3A_1342, %dma_wait3A_1343] : memref<2609152x16xf32, #tpu.memory_space<hbm>> -> memref<2609152x16xf32, #tpu.memory_space<hbm>>
    tpu.wait_indirect_dma semaphore(%arg17 : memref<!tpu.dma_semaphore, #tpu.memory_space<semaphore_mem>>) src(%dma_wait3A_1344 : memref<2609152x16xf32, #tpu.memory_space<hbm>>) dst(%dma_wait3A_1339 : memref<128x16xf32, #tpu.memory_space<vmem>>)
    %dma_wait3A_1345 = arith.constant 1536 : i32
    %dma_wait3A_1346 = arith.constant 0 : i32
    %dma_wait3A_1347 = tpu.memref_slice %arg14[%dma_wait3A_1345, %dma_wait3A_1346] : memref<1664x16xf32, #tpu.memory_space<vmem>> -> memref<128x16xf32, #tpu.memory_space<vmem>>
    %dma_wait3A_1348 = arith.constant 1536 : i32
    %dma_wait3A_1349 = tpu.memref_slice %arg11[%dma_wait3A_1348] : memref<1664xi32, #tpu.memory_space<vmem>> -> memref<128xi32, #tpu.memory_space<vmem>>
    %dma_wait3A_1350 = arith.constant 0 : i32
    %dma_wait3A_1351 = arith.constant 0 : i32
    %dma_wait3A_1352 = tpu.memref_slice %arg5[%dma_wait3A_1350, %dma_wait3A_1351] : memref<2609152x16xf32, #tpu.memory_space<hbm>> -> memref<2609152x16xf32, #tpu.memory_space<hbm>>
    tpu.wait_indirect_dma semaphore(%arg17 : memref<!tpu.dma_semaphore, #tpu.memory_space<semaphore_mem>>) src(%dma_wait3A_1352 : memref<2609152x16xf32, #tpu.memory_space<hbm>>) dst(%dma_wait3A_1347 : memref<128x16xf32, #tpu.memory_space<vmem>>)
    %dma_wait3A_1353 = arith.constant 0 : i32
    %dma_wait3A_1354 = arith.constant 0 : i32
    %dma_wait3A_1355 = tpu.memref_slice %arg15[%dma_wait3A_1353, %dma_wait3A_1354] : memref<3200x16xf32, #tpu.memory_space<vmem>> -> memref<128x16xf32, #tpu.memory_space<vmem>>
    %dma_wait3A_1356 = arith.constant 0 : i32
    %dma_wait3A_1357 = tpu.memref_slice %arg13[%dma_wait3A_1356] : memref<3200xi32, #tpu.memory_space<vmem>> -> memref<128xi32, #tpu.memory_space<vmem>>
    %dma_wait3A_1358 = arith.constant 0 : i32
    %dma_wait3A_1359 = arith.constant 0 : i32
    %dma_wait3A_1360 = tpu.memref_slice %arg7[%dma_wait3A_1358, %dma_wait3A_1359] : memref<100352x16xf32, #tpu.memory_space<hbm>> -> memref<100352x16xf32, #tpu.memory_space<hbm>>
    tpu.wait_indirect_dma semaphore(%arg17 : memref<!tpu.dma_semaphore, #tpu.memory_space<semaphore_mem>>) src(%dma_wait3A_1360 : memref<100352x16xf32, #tpu.memory_space<hbm>>) dst(%dma_wait3A_1355 : memref<128x16xf32, #tpu.memory_space<vmem>>)
    %dma_wait3A_1361 = arith.constant 128 : i32
    %dma_wait3A_1362 = arith.constant 0 : i32
    %dma_wait3A_1363 = tpu.memref_slice %arg15[%dma_wait3A_1361, %dma_wait3A_1362] : memref<3200x16xf32, #tpu.memory_space<vmem>> -> memref<128x16xf32, #tpu.memory_space<vmem>>
    %dma_wait3A_1364 = arith.constant 128 : i32
    %dma_wait3A_1365 = tpu.memref_slice %arg13[%dma_wait3A_1364] : memref<3200xi32, #tpu.memory_space<vmem>> -> memref<128xi32, #tpu.memory_space<vmem>>
    %dma_wait3A_1366 = arith.constant 0 : i32
    %dma_wait3A_1367 = arith.constant 0 : i32
    %dma_wait3A_1368 = tpu.memref_slice %arg7[%dma_wait3A_1366, %dma_wait3A_1367] : memref<100352x16xf32, #tpu.memory_space<hbm>> -> memref<100352x16xf32, #tpu.memory_space<hbm>>
    tpu.wait_indirect_dma semaphore(%arg17 : memref<!tpu.dma_semaphore, #tpu.memory_space<semaphore_mem>>) src(%dma_wait3A_1368 : memref<100352x16xf32, #tpu.memory_space<hbm>>) dst(%dma_wait3A_1363 : memref<128x16xf32, #tpu.memory_space<vmem>>)
    %dma_wait3A_1369 = arith.constant 256 : i32
    %dma_wait3A_1370 = arith.constant 0 : i32
    %dma_wait3A_1371 = tpu.memref_slice %arg15[%dma_wait3A_1369, %dma_wait3A_1370] : memref<3200x16xf32, #tpu.memory_space<vmem>> -> memref<128x16xf32, #tpu.memory_space<vmem>>
    %dma_wait3A_1372 = arith.constant 256 : i32
    %dma_wait3A_1373 = tpu.memref_slice %arg13[%dma_wait3A_1372] : memref<3200xi32, #tpu.memory_space<vmem>> -> memref<128xi32, #tpu.memory_space<vmem>>
    %dma_wait3A_1374 = arith.constant 0 : i32
    %dma_wait3A_1375 = arith.constant 0 : i32
    %dma_wait3A_1376 = tpu.memref_slice %arg7[%dma_wait3A_1374, %dma_wait3A_1375] : memref<100352x16xf32, #tpu.memory_space<hbm>> -> memref<100352x16xf32, #tpu.memory_space<hbm>>
    tpu.wait_indirect_dma semaphore(%arg17 : memref<!tpu.dma_semaphore, #tpu.memory_space<semaphore_mem>>) src(%dma_wait3A_1376 : memref<100352x16xf32, #tpu.memory_space<hbm>>) dst(%dma_wait3A_1371 : memref<128x16xf32, #tpu.memory_space<vmem>>)
    %dma_wait3A_1377 = arith.constant 384 : i32
    %dma_wait3A_1378 = arith.constant 0 : i32
    %dma_wait3A_1379 = tpu.memref_slice %arg15[%dma_wait3A_1377, %dma_wait3A_1378] : memref<3200x16xf32, #tpu.memory_space<vmem>> -> memref<128x16xf32, #tpu.memory_space<vmem>>
    %dma_wait3A_1380 = arith.constant 384 : i32
    %dma_wait3A_1381 = tpu.memref_slice %arg13[%dma_wait3A_1380] : memref<3200xi32, #tpu.memory_space<vmem>> -> memref<128xi32, #tpu.memory_space<vmem>>
    %dma_wait3A_1382 = arith.constant 0 : i32
    %dma_wait3A_1383 = arith.constant 0 : i32
    %dma_wait3A_1384 = tpu.memref_slice %arg7[%dma_wait3A_1382, %dma_wait3A_1383] : memref<100352x16xf32, #tpu.memory_space<hbm>> -> memref<100352x16xf32, #tpu.memory_space<hbm>>
    tpu.wait_indirect_dma semaphore(%arg17 : memref<!tpu.dma_semaphore, #tpu.memory_space<semaphore_mem>>) src(%dma_wait3A_1384 : memref<100352x16xf32, #tpu.memory_space<hbm>>) dst(%dma_wait3A_1379 : memref<128x16xf32, #tpu.memory_space<vmem>>)
    %dma_wait3A_1385 = arith.constant 512 : i32
    %dma_wait3A_1386 = arith.constant 0 : i32
    %dma_wait3A_1387 = tpu.memref_slice %arg15[%dma_wait3A_1385, %dma_wait3A_1386] : memref<3200x16xf32, #tpu.memory_space<vmem>> -> memref<128x16xf32, #tpu.memory_space<vmem>>
    %dma_wait3A_1388 = arith.constant 512 : i32
    %dma_wait3A_1389 = tpu.memref_slice %arg13[%dma_wait3A_1388] : memref<3200xi32, #tpu.memory_space<vmem>> -> memref<128xi32, #tpu.memory_space<vmem>>
    %dma_wait3A_1390 = arith.constant 0 : i32
    %dma_wait3A_1391 = arith.constant 0 : i32
    %dma_wait3A_1392 = tpu.memref_slice %arg7[%dma_wait3A_1390, %dma_wait3A_1391] : memref<100352x16xf32, #tpu.memory_space<hbm>> -> memref<100352x16xf32, #tpu.memory_space<hbm>>
    tpu.wait_indirect_dma semaphore(%arg17 : memref<!tpu.dma_semaphore, #tpu.memory_space<semaphore_mem>>) src(%dma_wait3A_1392 : memref<100352x16xf32, #tpu.memory_space<hbm>>) dst(%dma_wait3A_1387 : memref<128x16xf32, #tpu.memory_space<vmem>>)
    %dma_wait3A_1393 = arith.constant 640 : i32
    %dma_wait3A_1394 = arith.constant 0 : i32
    %dma_wait3A_1395 = tpu.memref_slice %arg15[%dma_wait3A_1393, %dma_wait3A_1394] : memref<3200x16xf32, #tpu.memory_space<vmem>> -> memref<128x16xf32, #tpu.memory_space<vmem>>
    %dma_wait3A_1396 = arith.constant 640 : i32
    %dma_wait3A_1397 = tpu.memref_slice %arg13[%dma_wait3A_1396] : memref<3200xi32, #tpu.memory_space<vmem>> -> memref<128xi32, #tpu.memory_space<vmem>>
    %dma_wait3A_1398 = arith.constant 0 : i32
    %dma_wait3A_1399 = arith.constant 0 : i32
    %dma_wait3A_1400 = tpu.memref_slice %arg7[%dma_wait3A_1398, %dma_wait3A_1399] : memref<100352x16xf32, #tpu.memory_space<hbm>> -> memref<100352x16xf32, #tpu.memory_space<hbm>>
    tpu.wait_indirect_dma semaphore(%arg17 : memref<!tpu.dma_semaphore, #tpu.memory_space<semaphore_mem>>) src(%dma_wait3A_1400 : memref<100352x16xf32, #tpu.memory_space<hbm>>) dst(%dma_wait3A_1395 : memref<128x16xf32, #tpu.memory_space<vmem>>)
    %dma_wait3A_1401 = arith.constant 768 : i32
    %dma_wait3A_1402 = arith.constant 0 : i32
    %dma_wait3A_1403 = tpu.memref_slice %arg15[%dma_wait3A_1401, %dma_wait3A_1402] : memref<3200x16xf32, #tpu.memory_space<vmem>> -> memref<128x16xf32, #tpu.memory_space<vmem>>
    %dma_wait3A_1404 = arith.constant 768 : i32
    %dma_wait3A_1405 = tpu.memref_slice %arg13[%dma_wait3A_1404] : memref<3200xi32, #tpu.memory_space<vmem>> -> memref<128xi32, #tpu.memory_space<vmem>>
    %dma_wait3A_1406 = arith.constant 0 : i32
    %dma_wait3A_1407 = arith.constant 0 : i32
    %dma_wait3A_1408 = tpu.memref_slice %arg7[%dma_wait3A_1406, %dma_wait3A_1407] : memref<100352x16xf32, #tpu.memory_space<hbm>> -> memref<100352x16xf32, #tpu.memory_space<hbm>>
    tpu.wait_indirect_dma semaphore(%arg17 : memref<!tpu.dma_semaphore, #tpu.memory_space<semaphore_mem>>) src(%dma_wait3A_1408 : memref<100352x16xf32, #tpu.memory_space<hbm>>) dst(%dma_wait3A_1403 : memref<128x16xf32, #tpu.memory_space<vmem>>)
    %dma_wait3A_1409 = arith.constant 896 : i32
    %dma_wait3A_1410 = arith.constant 0 : i32
    %dma_wait3A_1411 = tpu.memref_slice %arg15[%dma_wait3A_1409, %dma_wait3A_1410] : memref<3200x16xf32, #tpu.memory_space<vmem>> -> memref<128x16xf32, #tpu.memory_space<vmem>>
    %dma_wait3A_1412 = arith.constant 896 : i32
    %dma_wait3A_1413 = tpu.memref_slice %arg13[%dma_wait3A_1412] : memref<3200xi32, #tpu.memory_space<vmem>> -> memref<128xi32, #tpu.memory_space<vmem>>
    %dma_wait3A_1414 = arith.constant 0 : i32
    %dma_wait3A_1415 = arith.constant 0 : i32
    %dma_wait3A_1416 = tpu.memref_slice %arg7[%dma_wait3A_1414, %dma_wait3A_1415] : memref<100352x16xf32, #tpu.memory_space<hbm>> -> memref<100352x16xf32, #tpu.memory_space<hbm>>
    tpu.wait_indirect_dma semaphore(%arg17 : memref<!tpu.dma_semaphore, #tpu.memory_space<semaphore_mem>>) src(%dma_wait3A_1416 : memref<100352x16xf32, #tpu.memory_space<hbm>>) dst(%dma_wait3A_1411 : memref<128x16xf32, #tpu.memory_space<vmem>>)
    %dma_wait3A_1417 = arith.constant 1024 : i32
    %dma_wait3A_1418 = arith.constant 0 : i32
    %dma_wait3A_1419 = tpu.memref_slice %arg15[%dma_wait3A_1417, %dma_wait3A_1418] : memref<3200x16xf32, #tpu.memory_space<vmem>> -> memref<128x16xf32, #tpu.memory_space<vmem>>
    %dma_wait3A_1420 = arith.constant 1024 : i32
    %dma_wait3A_1421 = tpu.memref_slice %arg13[%dma_wait3A_1420] : memref<3200xi32, #tpu.memory_space<vmem>> -> memref<128xi32, #tpu.memory_space<vmem>>
    %dma_wait3A_1422 = arith.constant 0 : i32
    %dma_wait3A_1423 = arith.constant 0 : i32
    %dma_wait3A_1424 = tpu.memref_slice %arg7[%dma_wait3A_1422, %dma_wait3A_1423] : memref<100352x16xf32, #tpu.memory_space<hbm>> -> memref<100352x16xf32, #tpu.memory_space<hbm>>
    tpu.wait_indirect_dma semaphore(%arg17 : memref<!tpu.dma_semaphore, #tpu.memory_space<semaphore_mem>>) src(%dma_wait3A_1424 : memref<100352x16xf32, #tpu.memory_space<hbm>>) dst(%dma_wait3A_1419 : memref<128x16xf32, #tpu.memory_space<vmem>>)
    %dma_wait3A_1425 = arith.constant 1152 : i32
    %dma_wait3A_1426 = arith.constant 0 : i32
    %dma_wait3A_1427 = tpu.memref_slice %arg15[%dma_wait3A_1425, %dma_wait3A_1426] : memref<3200x16xf32, #tpu.memory_space<vmem>> -> memref<128x16xf32, #tpu.memory_space<vmem>>
    %dma_wait3A_1428 = arith.constant 1152 : i32
    %dma_wait3A_1429 = tpu.memref_slice %arg13[%dma_wait3A_1428] : memref<3200xi32, #tpu.memory_space<vmem>> -> memref<128xi32, #tpu.memory_space<vmem>>
    %dma_wait3A_1430 = arith.constant 0 : i32
    %dma_wait3A_1431 = arith.constant 0 : i32
    %dma_wait3A_1432 = tpu.memref_slice %arg7[%dma_wait3A_1430, %dma_wait3A_1431] : memref<100352x16xf32, #tpu.memory_space<hbm>> -> memref<100352x16xf32, #tpu.memory_space<hbm>>
    tpu.wait_indirect_dma semaphore(%arg17 : memref<!tpu.dma_semaphore, #tpu.memory_space<semaphore_mem>>) src(%dma_wait3A_1432 : memref<100352x16xf32, #tpu.memory_space<hbm>>) dst(%dma_wait3A_1427 : memref<128x16xf32, #tpu.memory_space<vmem>>)
    %dma_wait3A_1433 = arith.constant 1280 : i32
    %dma_wait3A_1434 = arith.constant 0 : i32
    %dma_wait3A_1435 = tpu.memref_slice %arg15[%dma_wait3A_1433, %dma_wait3A_1434] : memref<3200x16xf32, #tpu.memory_space<vmem>> -> memref<128x16xf32, #tpu.memory_space<vmem>>
    %dma_wait3A_1436 = arith.constant 1280 : i32
    %dma_wait3A_1437 = tpu.memref_slice %arg13[%dma_wait3A_1436] : memref<3200xi32, #tpu.memory_space<vmem>> -> memref<128xi32, #tpu.memory_space<vmem>>
    %dma_wait3A_1438 = arith.constant 0 : i32
    %dma_wait3A_1439 = arith.constant 0 : i32
    %dma_wait3A_1440 = tpu.memref_slice %arg7[%dma_wait3A_1438, %dma_wait3A_1439] : memref<100352x16xf32, #tpu.memory_space<hbm>> -> memref<100352x16xf32, #tpu.memory_space<hbm>>
    tpu.wait_indirect_dma semaphore(%arg17 : memref<!tpu.dma_semaphore, #tpu.memory_space<semaphore_mem>>) src(%dma_wait3A_1440 : memref<100352x16xf32, #tpu.memory_space<hbm>>) dst(%dma_wait3A_1435 : memref<128x16xf32, #tpu.memory_space<vmem>>)
    %dma_wait3A_1441 = arith.constant 1408 : i32
    %dma_wait3A_1442 = arith.constant 0 : i32
    %dma_wait3A_1443 = tpu.memref_slice %arg15[%dma_wait3A_1441, %dma_wait3A_1442] : memref<3200x16xf32, #tpu.memory_space<vmem>> -> memref<128x16xf32, #tpu.memory_space<vmem>>
    %dma_wait3A_1444 = arith.constant 1408 : i32
    %dma_wait3A_1445 = tpu.memref_slice %arg13[%dma_wait3A_1444] : memref<3200xi32, #tpu.memory_space<vmem>> -> memref<128xi32, #tpu.memory_space<vmem>>
    %dma_wait3A_1446 = arith.constant 0 : i32
    %dma_wait3A_1447 = arith.constant 0 : i32
    %dma_wait3A_1448 = tpu.memref_slice %arg7[%dma_wait3A_1446, %dma_wait3A_1447] : memref<100352x16xf32, #tpu.memory_space<hbm>> -> memref<100352x16xf32, #tpu.memory_space<hbm>>
    tpu.wait_indirect_dma semaphore(%arg17 : memref<!tpu.dma_semaphore, #tpu.memory_space<semaphore_mem>>) src(%dma_wait3A_1448 : memref<100352x16xf32, #tpu.memory_space<hbm>>) dst(%dma_wait3A_1443 : memref<128x16xf32, #tpu.memory_space<vmem>>)
    %dma_wait3A_1449 = arith.constant 1536 : i32
    %dma_wait3A_1450 = arith.constant 0 : i32
    %dma_wait3A_1451 = tpu.memref_slice %arg15[%dma_wait3A_1449, %dma_wait3A_1450] : memref<3200x16xf32, #tpu.memory_space<vmem>> -> memref<128x16xf32, #tpu.memory_space<vmem>>
    %dma_wait3A_1452 = arith.constant 1536 : i32
    %dma_wait3A_1453 = tpu.memref_slice %arg13[%dma_wait3A_1452] : memref<3200xi32, #tpu.memory_space<vmem>> -> memref<128xi32, #tpu.memory_space<vmem>>
    %dma_wait3A_1454 = arith.constant 0 : i32
    %dma_wait3A_1455 = arith.constant 0 : i32
    %dma_wait3A_1456 = tpu.memref_slice %arg7[%dma_wait3A_1454, %dma_wait3A_1455] : memref<100352x16xf32, #tpu.memory_space<hbm>> -> memref<100352x16xf32, #tpu.memory_space<hbm>>
    tpu.wait_indirect_dma semaphore(%arg17 : memref<!tpu.dma_semaphore, #tpu.memory_space<semaphore_mem>>) src(%dma_wait3A_1456 : memref<100352x16xf32, #tpu.memory_space<hbm>>) dst(%dma_wait3A_1451 : memref<128x16xf32, #tpu.memory_space<vmem>>)
    %dma_wait3A_1457 = arith.constant 1664 : i32
    %dma_wait3A_1458 = arith.constant 0 : i32
    %dma_wait3A_1459 = tpu.memref_slice %arg15[%dma_wait3A_1457, %dma_wait3A_1458] : memref<3200x16xf32, #tpu.memory_space<vmem>> -> memref<128x16xf32, #tpu.memory_space<vmem>>
    %dma_wait3A_1460 = arith.constant 1664 : i32
    %dma_wait3A_1461 = tpu.memref_slice %arg13[%dma_wait3A_1460] : memref<3200xi32, #tpu.memory_space<vmem>> -> memref<128xi32, #tpu.memory_space<vmem>>
    %dma_wait3A_1462 = arith.constant 0 : i32
    %dma_wait3A_1463 = arith.constant 0 : i32
    %dma_wait3A_1464 = tpu.memref_slice %arg7[%dma_wait3A_1462, %dma_wait3A_1463] : memref<100352x16xf32, #tpu.memory_space<hbm>> -> memref<100352x16xf32, #tpu.memory_space<hbm>>
    tpu.wait_indirect_dma semaphore(%arg17 : memref<!tpu.dma_semaphore, #tpu.memory_space<semaphore_mem>>) src(%dma_wait3A_1464 : memref<100352x16xf32, #tpu.memory_space<hbm>>) dst(%dma_wait3A_1459 : memref<128x16xf32, #tpu.memory_space<vmem>>)
    %dma_wait3A_1465 = arith.constant 1792 : i32
    %dma_wait3A_1466 = arith.constant 0 : i32
    %dma_wait3A_1467 = tpu.memref_slice %arg15[%dma_wait3A_1465, %dma_wait3A_1466] : memref<3200x16xf32, #tpu.memory_space<vmem>> -> memref<128x16xf32, #tpu.memory_space<vmem>>
    %dma_wait3A_1468 = arith.constant 1792 : i32
    %dma_wait3A_1469 = tpu.memref_slice %arg13[%dma_wait3A_1468] : memref<3200xi32, #tpu.memory_space<vmem>> -> memref<128xi32, #tpu.memory_space<vmem>>
    %dma_wait3A_1470 = arith.constant 0 : i32
    %dma_wait3A_1471 = arith.constant 0 : i32
    %dma_wait3A_1472 = tpu.memref_slice %arg7[%dma_wait3A_1470, %dma_wait3A_1471] : memref<100352x16xf32, #tpu.memory_space<hbm>> -> memref<100352x16xf32, #tpu.memory_space<hbm>>
    tpu.wait_indirect_dma semaphore(%arg17 : memref<!tpu.dma_semaphore, #tpu.memory_space<semaphore_mem>>) src(%dma_wait3A_1472 : memref<100352x16xf32, #tpu.memory_space<hbm>>) dst(%dma_wait3A_1467 : memref<128x16xf32, #tpu.memory_space<vmem>>)
    %dma_wait3A_1473 = arith.constant 1920 : i32
    %dma_wait3A_1474 = arith.constant 0 : i32
    %dma_wait3A_1475 = tpu.memref_slice %arg15[%dma_wait3A_1473, %dma_wait3A_1474] : memref<3200x16xf32, #tpu.memory_space<vmem>> -> memref<128x16xf32, #tpu.memory_space<vmem>>
    %dma_wait3A_1476 = arith.constant 1920 : i32
    %dma_wait3A_1477 = tpu.memref_slice %arg13[%dma_wait3A_1476] : memref<3200xi32, #tpu.memory_space<vmem>> -> memref<128xi32, #tpu.memory_space<vmem>>
    %dma_wait3A_1478 = arith.constant 0 : i32
    %dma_wait3A_1479 = arith.constant 0 : i32
    %dma_wait3A_1480 = tpu.memref_slice %arg7[%dma_wait3A_1478, %dma_wait3A_1479] : memref<100352x16xf32, #tpu.memory_space<hbm>> -> memref<100352x16xf32, #tpu.memory_space<hbm>>
    tpu.wait_indirect_dma semaphore(%arg17 : memref<!tpu.dma_semaphore, #tpu.memory_space<semaphore_mem>>) src(%dma_wait3A_1480 : memref<100352x16xf32, #tpu.memory_space<hbm>>) dst(%dma_wait3A_1475 : memref<128x16xf32, #tpu.memory_space<vmem>>)
    %dma_wait3A_1481 = arith.constant 2048 : i32
    %dma_wait3A_1482 = arith.constant 0 : i32
    %dma_wait3A_1483 = tpu.memref_slice %arg15[%dma_wait3A_1481, %dma_wait3A_1482] : memref<3200x16xf32, #tpu.memory_space<vmem>> -> memref<128x16xf32, #tpu.memory_space<vmem>>
    %dma_wait3A_1484 = arith.constant 2048 : i32
    %dma_wait3A_1485 = tpu.memref_slice %arg13[%dma_wait3A_1484] : memref<3200xi32, #tpu.memory_space<vmem>> -> memref<128xi32, #tpu.memory_space<vmem>>
    %dma_wait3A_1486 = arith.constant 0 : i32
    %dma_wait3A_1487 = arith.constant 0 : i32
    %dma_wait3A_1488 = tpu.memref_slice %arg7[%dma_wait3A_1486, %dma_wait3A_1487] : memref<100352x16xf32, #tpu.memory_space<hbm>> -> memref<100352x16xf32, #tpu.memory_space<hbm>>
    tpu.wait_indirect_dma semaphore(%arg17 : memref<!tpu.dma_semaphore, #tpu.memory_space<semaphore_mem>>) src(%dma_wait3A_1488 : memref<100352x16xf32, #tpu.memory_space<hbm>>) dst(%dma_wait3A_1483 : memref<128x16xf32, #tpu.memory_space<vmem>>)
    %dma_wait3A_1489 = arith.constant 2176 : i32
    %dma_wait3A_1490 = arith.constant 0 : i32
    %dma_wait3A_1491 = tpu.memref_slice %arg15[%dma_wait3A_1489, %dma_wait3A_1490] : memref<3200x16xf32, #tpu.memory_space<vmem>> -> memref<128x16xf32, #tpu.memory_space<vmem>>
    %dma_wait3A_1492 = arith.constant 2176 : i32
    %dma_wait3A_1493 = tpu.memref_slice %arg13[%dma_wait3A_1492] : memref<3200xi32, #tpu.memory_space<vmem>> -> memref<128xi32, #tpu.memory_space<vmem>>
    %dma_wait3A_1494 = arith.constant 0 : i32
    %dma_wait3A_1495 = arith.constant 0 : i32
    %dma_wait3A_1496 = tpu.memref_slice %arg7[%dma_wait3A_1494, %dma_wait3A_1495] : memref<100352x16xf32, #tpu.memory_space<hbm>> -> memref<100352x16xf32, #tpu.memory_space<hbm>>
    tpu.wait_indirect_dma semaphore(%arg17 : memref<!tpu.dma_semaphore, #tpu.memory_space<semaphore_mem>>) src(%dma_wait3A_1496 : memref<100352x16xf32, #tpu.memory_space<hbm>>) dst(%dma_wait3A_1491 : memref<128x16xf32, #tpu.memory_space<vmem>>)
    %dma_wait3A_1497 = arith.constant 2304 : i32
    %dma_wait3A_1498 = arith.constant 0 : i32
    %dma_wait3A_1499 = tpu.memref_slice %arg15[%dma_wait3A_1497, %dma_wait3A_1498] : memref<3200x16xf32, #tpu.memory_space<vmem>> -> memref<128x16xf32, #tpu.memory_space<vmem>>
    %dma_wait3A_1500 = arith.constant 2304 : i32
    %dma_wait3A_1501 = tpu.memref_slice %arg13[%dma_wait3A_1500] : memref<3200xi32, #tpu.memory_space<vmem>> -> memref<128xi32, #tpu.memory_space<vmem>>
    %dma_wait3A_1502 = arith.constant 0 : i32
    %dma_wait3A_1503 = arith.constant 0 : i32
    %dma_wait3A_1504 = tpu.memref_slice %arg7[%dma_wait3A_1502, %dma_wait3A_1503] : memref<100352x16xf32, #tpu.memory_space<hbm>> -> memref<100352x16xf32, #tpu.memory_space<hbm>>
    tpu.wait_indirect_dma semaphore(%arg17 : memref<!tpu.dma_semaphore, #tpu.memory_space<semaphore_mem>>) src(%dma_wait3A_1504 : memref<100352x16xf32, #tpu.memory_space<hbm>>) dst(%dma_wait3A_1499 : memref<128x16xf32, #tpu.memory_space<vmem>>)
    %dma_wait3A_1505 = arith.constant 2432 : i32
    %dma_wait3A_1506 = arith.constant 0 : i32
    %dma_wait3A_1507 = tpu.memref_slice %arg15[%dma_wait3A_1505, %dma_wait3A_1506] : memref<3200x16xf32, #tpu.memory_space<vmem>> -> memref<128x16xf32, #tpu.memory_space<vmem>>
    %dma_wait3A_1508 = arith.constant 2432 : i32
    %dma_wait3A_1509 = tpu.memref_slice %arg13[%dma_wait3A_1508] : memref<3200xi32, #tpu.memory_space<vmem>> -> memref<128xi32, #tpu.memory_space<vmem>>
    %dma_wait3A_1510 = arith.constant 0 : i32
    %dma_wait3A_1511 = arith.constant 0 : i32
    %dma_wait3A_1512 = tpu.memref_slice %arg7[%dma_wait3A_1510, %dma_wait3A_1511] : memref<100352x16xf32, #tpu.memory_space<hbm>> -> memref<100352x16xf32, #tpu.memory_space<hbm>>
    tpu.wait_indirect_dma semaphore(%arg17 : memref<!tpu.dma_semaphore, #tpu.memory_space<semaphore_mem>>) src(%dma_wait3A_1512 : memref<100352x16xf32, #tpu.memory_space<hbm>>) dst(%dma_wait3A_1507 : memref<128x16xf32, #tpu.memory_space<vmem>>)
    %dma_wait3A_1513 = arith.constant 2560 : i32
    %dma_wait3A_1514 = arith.constant 0 : i32
    %dma_wait3A_1515 = tpu.memref_slice %arg15[%dma_wait3A_1513, %dma_wait3A_1514] : memref<3200x16xf32, #tpu.memory_space<vmem>> -> memref<128x16xf32, #tpu.memory_space<vmem>>
    %dma_wait3A_1516 = arith.constant 2560 : i32
    %dma_wait3A_1517 = tpu.memref_slice %arg13[%dma_wait3A_1516] : memref<3200xi32, #tpu.memory_space<vmem>> -> memref<128xi32, #tpu.memory_space<vmem>>
    %dma_wait3A_1518 = arith.constant 0 : i32
    %dma_wait3A_1519 = arith.constant 0 : i32
    %dma_wait3A_1520 = tpu.memref_slice %arg7[%dma_wait3A_1518, %dma_wait3A_1519] : memref<100352x16xf32, #tpu.memory_space<hbm>> -> memref<100352x16xf32, #tpu.memory_space<hbm>>
    tpu.wait_indirect_dma semaphore(%arg17 : memref<!tpu.dma_semaphore, #tpu.memory_space<semaphore_mem>>) src(%dma_wait3A_1520 : memref<100352x16xf32, #tpu.memory_space<hbm>>) dst(%dma_wait3A_1515 : memref<128x16xf32, #tpu.memory_space<vmem>>)
    %dma_wait3A_1521 = arith.constant 2688 : i32
    %dma_wait3A_1522 = arith.constant 0 : i32
    %dma_wait3A_1523 = tpu.memref_slice %arg15[%dma_wait3A_1521, %dma_wait3A_1522] : memref<3200x16xf32, #tpu.memory_space<vmem>> -> memref<128x16xf32, #tpu.memory_space<vmem>>
    %dma_wait3A_1524 = arith.constant 2688 : i32
    %dma_wait3A_1525 = tpu.memref_slice %arg13[%dma_wait3A_1524] : memref<3200xi32, #tpu.memory_space<vmem>> -> memref<128xi32, #tpu.memory_space<vmem>>
    %dma_wait3A_1526 = arith.constant 0 : i32
    %dma_wait3A_1527 = arith.constant 0 : i32
    %dma_wait3A_1528 = tpu.memref_slice %arg7[%dma_wait3A_1526, %dma_wait3A_1527] : memref<100352x16xf32, #tpu.memory_space<hbm>> -> memref<100352x16xf32, #tpu.memory_space<hbm>>
    tpu.wait_indirect_dma semaphore(%arg17 : memref<!tpu.dma_semaphore, #tpu.memory_space<semaphore_mem>>) src(%dma_wait3A_1528 : memref<100352x16xf32, #tpu.memory_space<hbm>>) dst(%dma_wait3A_1523 : memref<128x16xf32, #tpu.memory_space<vmem>>)
    %dma_wait3A_1529 = arith.constant 2816 : i32
    %dma_wait3A_1530 = arith.constant 0 : i32
    %dma_wait3A_1531 = tpu.memref_slice %arg15[%dma_wait3A_1529, %dma_wait3A_1530] : memref<3200x16xf32, #tpu.memory_space<vmem>> -> memref<128x16xf32, #tpu.memory_space<vmem>>
    %dma_wait3A_1532 = arith.constant 2816 : i32
    %dma_wait3A_1533 = tpu.memref_slice %arg13[%dma_wait3A_1532] : memref<3200xi32, #tpu.memory_space<vmem>> -> memref<128xi32, #tpu.memory_space<vmem>>
    %dma_wait3A_1534 = arith.constant 0 : i32
    %dma_wait3A_1535 = arith.constant 0 : i32
    %dma_wait3A_1536 = tpu.memref_slice %arg7[%dma_wait3A_1534, %dma_wait3A_1535] : memref<100352x16xf32, #tpu.memory_space<hbm>> -> memref<100352x16xf32, #tpu.memory_space<hbm>>
    tpu.wait_indirect_dma semaphore(%arg17 : memref<!tpu.dma_semaphore, #tpu.memory_space<semaphore_mem>>) src(%dma_wait3A_1536 : memref<100352x16xf32, #tpu.memory_space<hbm>>) dst(%dma_wait3A_1531 : memref<128x16xf32, #tpu.memory_space<vmem>>)
    %dma_wait3A_1537 = arith.constant 2944 : i32
    %dma_wait3A_1538 = arith.constant 0 : i32
    %dma_wait3A_1539 = tpu.memref_slice %arg15[%dma_wait3A_1537, %dma_wait3A_1538] : memref<3200x16xf32, #tpu.memory_space<vmem>> -> memref<128x16xf32, #tpu.memory_space<vmem>>
    %dma_wait3A_1540 = arith.constant 2944 : i32
    %dma_wait3A_1541 = tpu.memref_slice %arg13[%dma_wait3A_1540] : memref<3200xi32, #tpu.memory_space<vmem>> -> memref<128xi32, #tpu.memory_space<vmem>>
    %dma_wait3A_1542 = arith.constant 0 : i32
    %dma_wait3A_1543 = arith.constant 0 : i32
    %dma_wait3A_1544 = tpu.memref_slice %arg7[%dma_wait3A_1542, %dma_wait3A_1543] : memref<100352x16xf32, #tpu.memory_space<hbm>> -> memref<100352x16xf32, #tpu.memory_space<hbm>>
    tpu.wait_indirect_dma semaphore(%arg17 : memref<!tpu.dma_semaphore, #tpu.memory_space<semaphore_mem>>) src(%dma_wait3A_1544 : memref<100352x16xf32, #tpu.memory_space<hbm>>) dst(%dma_wait3A_1539 : memref<128x16xf32, #tpu.memory_space<vmem>>)
    %dma_wait3A_1545 = arith.constant 3072 : i32
    %dma_wait3A_1546 = arith.constant 0 : i32
    %dma_wait3A_1547 = tpu.memref_slice %arg15[%dma_wait3A_1545, %dma_wait3A_1546] : memref<3200x16xf32, #tpu.memory_space<vmem>> -> memref<128x16xf32, #tpu.memory_space<vmem>>
    %dma_wait3A_1548 = arith.constant 3072 : i32
    %dma_wait3A_1549 = tpu.memref_slice %arg13[%dma_wait3A_1548] : memref<3200xi32, #tpu.memory_space<vmem>> -> memref<128xi32, #tpu.memory_space<vmem>>
    %dma_wait3A_1550 = arith.constant 0 : i32
    %dma_wait3A_1551 = arith.constant 0 : i32
    %dma_wait3A_1552 = tpu.memref_slice %arg7[%dma_wait3A_1550, %dma_wait3A_1551] : memref<100352x16xf32, #tpu.memory_space<hbm>> -> memref<100352x16xf32, #tpu.memory_space<hbm>>
    tpu.wait_indirect_dma semaphore(%arg17 : memref<!tpu.dma_semaphore, #tpu.memory_space<semaphore_mem>>) src(%dma_wait3A_1552 : memref<100352x16xf32, #tpu.memory_space<hbm>>) dst(%dma_wait3A_1547 : memref<128x16xf32, #tpu.memory_space<vmem>>)
    %dma_wait3A_1553 = arith.constant 0 : i32
    %dma_wait3A_1554 = arith.constant 0 : i32
    %dma_wait3A_1555 = tpu.memref_slice %arg16[%dma_wait3A_1553, %dma_wait3A_1554] : memref<1664x16xf32, #tpu.memory_space<vmem>> -> memref<128x16xf32, #tpu.memory_space<vmem>>
    %dma_wait3A_1556 = arith.constant 0 : i32
    %dma_wait3A_1557 = tpu.memref_slice %arg12[%dma_wait3A_1556] : memref<1664xi32, #tpu.memory_space<vmem>> -> memref<128xi32, #tpu.memory_space<vmem>>
    %dma_wait3A_1558 = arith.constant 0 : i32
    %dma_wait3A_1559 = arith.constant 0 : i32
    %dma_wait3A_1560 = tpu.memref_slice %arg6[%dma_wait3A_1558, %dma_wait3A_1559] : memref<162500x16xf32, #tpu.memory_space<hbm>> -> memref<162500x16xf32, #tpu.memory_space<hbm>>
    tpu.wait_indirect_dma semaphore(%arg17 : memref<!tpu.dma_semaphore, #tpu.memory_space<semaphore_mem>>) src(%dma_wait3A_1560 : memref<162500x16xf32, #tpu.memory_space<hbm>>) dst(%dma_wait3A_1555 : memref<128x16xf32, #tpu.memory_space<vmem>>)
    %dma_wait3A_1561 = arith.constant 128 : i32
    %dma_wait3A_1562 = arith.constant 0 : i32
    %dma_wait3A_1563 = tpu.memref_slice %arg16[%dma_wait3A_1561, %dma_wait3A_1562] : memref<1664x16xf32, #tpu.memory_space<vmem>> -> memref<128x16xf32, #tpu.memory_space<vmem>>
    %dma_wait3A_1564 = arith.constant 128 : i32
    %dma_wait3A_1565 = tpu.memref_slice %arg12[%dma_wait3A_1564] : memref<1664xi32, #tpu.memory_space<vmem>> -> memref<128xi32, #tpu.memory_space<vmem>>
    %dma_wait3A_1566 = arith.constant 0 : i32
    %dma_wait3A_1567 = arith.constant 0 : i32
    %dma_wait3A_1568 = tpu.memref_slice %arg6[%dma_wait3A_1566, %dma_wait3A_1567] : memref<162500x16xf32, #tpu.memory_space<hbm>> -> memref<162500x16xf32, #tpu.memory_space<hbm>>
    tpu.wait_indirect_dma semaphore(%arg17 : memref<!tpu.dma_semaphore, #tpu.memory_space<semaphore_mem>>) src(%dma_wait3A_1568 : memref<162500x16xf32, #tpu.memory_space<hbm>>) dst(%dma_wait3A_1563 : memref<128x16xf32, #tpu.memory_space<vmem>>)
    %dma_wait3A_1569 = arith.constant 256 : i32
    %dma_wait3A_1570 = arith.constant 0 : i32
    %dma_wait3A_1571 = tpu.memref_slice %arg16[%dma_wait3A_1569, %dma_wait3A_1570] : memref<1664x16xf32, #tpu.memory_space<vmem>> -> memref<128x16xf32, #tpu.memory_space<vmem>>
    %dma_wait3A_1572 = arith.constant 256 : i32
    %dma_wait3A_1573 = tpu.memref_slice %arg12[%dma_wait3A_1572] : memref<1664xi32, #tpu.memory_space<vmem>> -> memref<128xi32, #tpu.memory_space<vmem>>
    %dma_wait3A_1574 = arith.constant 0 : i32
    %dma_wait3A_1575 = arith.constant 0 : i32
    %dma_wait3A_1576 = tpu.memref_slice %arg6[%dma_wait3A_1574, %dma_wait3A_1575] : memref<162500x16xf32, #tpu.memory_space<hbm>> -> memref<162500x16xf32, #tpu.memory_space<hbm>>
    tpu.wait_indirect_dma semaphore(%arg17 : memref<!tpu.dma_semaphore, #tpu.memory_space<semaphore_mem>>) src(%dma_wait3A_1576 : memref<162500x16xf32, #tpu.memory_space<hbm>>) dst(%dma_wait3A_1571 : memref<128x16xf32, #tpu.memory_space<vmem>>)
    %dma_wait3A_1577 = arith.constant 384 : i32
    %dma_wait3A_1578 = arith.constant 0 : i32
    %dma_wait3A_1579 = tpu.memref_slice %arg16[%dma_wait3A_1577, %dma_wait3A_1578] : memref<1664x16xf32, #tpu.memory_space<vmem>> -> memref<128x16xf32, #tpu.memory_space<vmem>>
    %dma_wait3A_1580 = arith.constant 384 : i32
    %dma_wait3A_1581 = tpu.memref_slice %arg12[%dma_wait3A_1580] : memref<1664xi32, #tpu.memory_space<vmem>> -> memref<128xi32, #tpu.memory_space<vmem>>
    %dma_wait3A_1582 = arith.constant 0 : i32
    %dma_wait3A_1583 = arith.constant 0 : i32
    %dma_wait3A_1584 = tpu.memref_slice %arg6[%dma_wait3A_1582, %dma_wait3A_1583] : memref<162500x16xf32, #tpu.memory_space<hbm>> -> memref<162500x16xf32, #tpu.memory_space<hbm>>
    tpu.wait_indirect_dma semaphore(%arg17 : memref<!tpu.dma_semaphore, #tpu.memory_space<semaphore_mem>>) src(%dma_wait3A_1584 : memref<162500x16xf32, #tpu.memory_space<hbm>>) dst(%dma_wait3A_1579 : memref<128x16xf32, #tpu.memory_space<vmem>>)
    %dma_wait3A_1585 = arith.constant 512 : i32
    %dma_wait3A_1586 = arith.constant 0 : i32
    %dma_wait3A_1587 = tpu.memref_slice %arg16[%dma_wait3A_1585, %dma_wait3A_1586] : memref<1664x16xf32, #tpu.memory_space<vmem>> -> memref<128x16xf32, #tpu.memory_space<vmem>>
    %dma_wait3A_1588 = arith.constant 512 : i32
    %dma_wait3A_1589 = tpu.memref_slice %arg12[%dma_wait3A_1588] : memref<1664xi32, #tpu.memory_space<vmem>> -> memref<128xi32, #tpu.memory_space<vmem>>
    %dma_wait3A_1590 = arith.constant 0 : i32
    %dma_wait3A_1591 = arith.constant 0 : i32
    %dma_wait3A_1592 = tpu.memref_slice %arg6[%dma_wait3A_1590, %dma_wait3A_1591] : memref<162500x16xf32, #tpu.memory_space<hbm>> -> memref<162500x16xf32, #tpu.memory_space<hbm>>
    tpu.wait_indirect_dma semaphore(%arg17 : memref<!tpu.dma_semaphore, #tpu.memory_space<semaphore_mem>>) src(%dma_wait3A_1592 : memref<162500x16xf32, #tpu.memory_space<hbm>>) dst(%dma_wait3A_1587 : memref<128x16xf32, #tpu.memory_space<vmem>>)
    %dma_wait3A_1593 = arith.constant 640 : i32
    %dma_wait3A_1594 = arith.constant 0 : i32
    %dma_wait3A_1595 = tpu.memref_slice %arg16[%dma_wait3A_1593, %dma_wait3A_1594] : memref<1664x16xf32, #tpu.memory_space<vmem>> -> memref<128x16xf32, #tpu.memory_space<vmem>>
    %dma_wait3A_1596 = arith.constant 640 : i32
    %dma_wait3A_1597 = tpu.memref_slice %arg12[%dma_wait3A_1596] : memref<1664xi32, #tpu.memory_space<vmem>> -> memref<128xi32, #tpu.memory_space<vmem>>
    %dma_wait3A_1598 = arith.constant 0 : i32
    %dma_wait3A_1599 = arith.constant 0 : i32
    %dma_wait3A_1600 = tpu.memref_slice %arg6[%dma_wait3A_1598, %dma_wait3A_1599] : memref<162500x16xf32, #tpu.memory_space<hbm>> -> memref<162500x16xf32, #tpu.memory_space<hbm>>
    tpu.wait_indirect_dma semaphore(%arg17 : memref<!tpu.dma_semaphore, #tpu.memory_space<semaphore_mem>>) src(%dma_wait3A_1600 : memref<162500x16xf32, #tpu.memory_space<hbm>>) dst(%dma_wait3A_1595 : memref<128x16xf32, #tpu.memory_space<vmem>>)
    %dma_wait3A_1601 = arith.constant 768 : i32
    %dma_wait3A_1602 = arith.constant 0 : i32
    %dma_wait3A_1603 = tpu.memref_slice %arg16[%dma_wait3A_1601, %dma_wait3A_1602] : memref<1664x16xf32, #tpu.memory_space<vmem>> -> memref<128x16xf32, #tpu.memory_space<vmem>>
    %dma_wait3A_1604 = arith.constant 768 : i32
    %dma_wait3A_1605 = tpu.memref_slice %arg12[%dma_wait3A_1604] : memref<1664xi32, #tpu.memory_space<vmem>> -> memref<128xi32, #tpu.memory_space<vmem>>
    %dma_wait3A_1606 = arith.constant 0 : i32
    %dma_wait3A_1607 = arith.constant 0 : i32
    %dma_wait3A_1608 = tpu.memref_slice %arg6[%dma_wait3A_1606, %dma_wait3A_1607] : memref<162500x16xf32, #tpu.memory_space<hbm>> -> memref<162500x16xf32, #tpu.memory_space<hbm>>
    tpu.wait_indirect_dma semaphore(%arg17 : memref<!tpu.dma_semaphore, #tpu.memory_space<semaphore_mem>>) src(%dma_wait3A_1608 : memref<162500x16xf32, #tpu.memory_space<hbm>>) dst(%dma_wait3A_1603 : memref<128x16xf32, #tpu.memory_space<vmem>>)
    %dma_wait3A_1609 = arith.constant 896 : i32
    %dma_wait3A_1610 = arith.constant 0 : i32
    %dma_wait3A_1611 = tpu.memref_slice %arg16[%dma_wait3A_1609, %dma_wait3A_1610] : memref<1664x16xf32, #tpu.memory_space<vmem>> -> memref<128x16xf32, #tpu.memory_space<vmem>>
    %dma_wait3A_1612 = arith.constant 896 : i32
    %dma_wait3A_1613 = tpu.memref_slice %arg12[%dma_wait3A_1612] : memref<1664xi32, #tpu.memory_space<vmem>> -> memref<128xi32, #tpu.memory_space<vmem>>
    %dma_wait3A_1614 = arith.constant 0 : i32
    %dma_wait3A_1615 = arith.constant 0 : i32
    %dma_wait3A_1616 = tpu.memref_slice %arg6[%dma_wait3A_1614, %dma_wait3A_1615] : memref<162500x16xf32, #tpu.memory_space<hbm>> -> memref<162500x16xf32, #tpu.memory_space<hbm>>
    tpu.wait_indirect_dma semaphore(%arg17 : memref<!tpu.dma_semaphore, #tpu.memory_space<semaphore_mem>>) src(%dma_wait3A_1616 : memref<162500x16xf32, #tpu.memory_space<hbm>>) dst(%dma_wait3A_1611 : memref<128x16xf32, #tpu.memory_space<vmem>>)
    %dma_wait3A_1617 = arith.constant 1024 : i32
    %dma_wait3A_1618 = arith.constant 0 : i32
    %dma_wait3A_1619 = tpu.memref_slice %arg16[%dma_wait3A_1617, %dma_wait3A_1618] : memref<1664x16xf32, #tpu.memory_space<vmem>> -> memref<128x16xf32, #tpu.memory_space<vmem>>
    %dma_wait3A_1620 = arith.constant 1024 : i32
    %dma_wait3A_1621 = tpu.memref_slice %arg12[%dma_wait3A_1620] : memref<1664xi32, #tpu.memory_space<vmem>> -> memref<128xi32, #tpu.memory_space<vmem>>
    %dma_wait3A_1622 = arith.constant 0 : i32
    %dma_wait3A_1623 = arith.constant 0 : i32
    %dma_wait3A_1624 = tpu.memref_slice %arg6[%dma_wait3A_1622, %dma_wait3A_1623] : memref<162500x16xf32, #tpu.memory_space<hbm>> -> memref<162500x16xf32, #tpu.memory_space<hbm>>
    tpu.wait_indirect_dma semaphore(%arg17 : memref<!tpu.dma_semaphore, #tpu.memory_space<semaphore_mem>>) src(%dma_wait3A_1624 : memref<162500x16xf32, #tpu.memory_space<hbm>>) dst(%dma_wait3A_1619 : memref<128x16xf32, #tpu.memory_space<vmem>>)
    %dma_wait3A_1625 = arith.constant 1152 : i32
    %dma_wait3A_1626 = arith.constant 0 : i32
    %dma_wait3A_1627 = tpu.memref_slice %arg16[%dma_wait3A_1625, %dma_wait3A_1626] : memref<1664x16xf32, #tpu.memory_space<vmem>> -> memref<128x16xf32, #tpu.memory_space<vmem>>
    %dma_wait3A_1628 = arith.constant 1152 : i32
    %dma_wait3A_1629 = tpu.memref_slice %arg12[%dma_wait3A_1628] : memref<1664xi32, #tpu.memory_space<vmem>> -> memref<128xi32, #tpu.memory_space<vmem>>
    %dma_wait3A_1630 = arith.constant 0 : i32
    %dma_wait3A_1631 = arith.constant 0 : i32
    %dma_wait3A_1632 = tpu.memref_slice %arg6[%dma_wait3A_1630, %dma_wait3A_1631] : memref<162500x16xf32, #tpu.memory_space<hbm>> -> memref<162500x16xf32, #tpu.memory_space<hbm>>
    tpu.wait_indirect_dma semaphore(%arg17 : memref<!tpu.dma_semaphore, #tpu.memory_space<semaphore_mem>>) src(%dma_wait3A_1632 : memref<162500x16xf32, #tpu.memory_space<hbm>>) dst(%dma_wait3A_1627 : memref<128x16xf32, #tpu.memory_space<vmem>>)
    %dma_wait3A_1633 = arith.constant 1280 : i32
    %dma_wait3A_1634 = arith.constant 0 : i32
    %dma_wait3A_1635 = tpu.memref_slice %arg16[%dma_wait3A_1633, %dma_wait3A_1634] : memref<1664x16xf32, #tpu.memory_space<vmem>> -> memref<128x16xf32, #tpu.memory_space<vmem>>
    %dma_wait3A_1636 = arith.constant 1280 : i32
    %dma_wait3A_1637 = tpu.memref_slice %arg12[%dma_wait3A_1636] : memref<1664xi32, #tpu.memory_space<vmem>> -> memref<128xi32, #tpu.memory_space<vmem>>
    %dma_wait3A_1638 = arith.constant 0 : i32
    %dma_wait3A_1639 = arith.constant 0 : i32
    %dma_wait3A_1640 = tpu.memref_slice %arg6[%dma_wait3A_1638, %dma_wait3A_1639] : memref<162500x16xf32, #tpu.memory_space<hbm>> -> memref<162500x16xf32, #tpu.memory_space<hbm>>
    tpu.wait_indirect_dma semaphore(%arg17 : memref<!tpu.dma_semaphore, #tpu.memory_space<semaphore_mem>>) src(%dma_wait3A_1640 : memref<162500x16xf32, #tpu.memory_space<hbm>>) dst(%dma_wait3A_1635 : memref<128x16xf32, #tpu.memory_space<vmem>>)
    %dma_wait3A_1641 = arith.constant 1408 : i32
    %dma_wait3A_1642 = arith.constant 0 : i32
    %dma_wait3A_1643 = tpu.memref_slice %arg16[%dma_wait3A_1641, %dma_wait3A_1642] : memref<1664x16xf32, #tpu.memory_space<vmem>> -> memref<128x16xf32, #tpu.memory_space<vmem>>
    %dma_wait3A_1644 = arith.constant 1408 : i32
    %dma_wait3A_1645 = tpu.memref_slice %arg12[%dma_wait3A_1644] : memref<1664xi32, #tpu.memory_space<vmem>> -> memref<128xi32, #tpu.memory_space<vmem>>
    %dma_wait3A_1646 = arith.constant 0 : i32
    %dma_wait3A_1647 = arith.constant 0 : i32
    %dma_wait3A_1648 = tpu.memref_slice %arg6[%dma_wait3A_1646, %dma_wait3A_1647] : memref<162500x16xf32, #tpu.memory_space<hbm>> -> memref<162500x16xf32, #tpu.memory_space<hbm>>
    tpu.wait_indirect_dma semaphore(%arg17 : memref<!tpu.dma_semaphore, #tpu.memory_space<semaphore_mem>>) src(%dma_wait3A_1648 : memref<162500x16xf32, #tpu.memory_space<hbm>>) dst(%dma_wait3A_1643 : memref<128x16xf32, #tpu.memory_space<vmem>>)
    %dma_wait3A_1649 = arith.constant 1536 : i32
    %dma_wait3A_1650 = arith.constant 0 : i32
    %dma_wait3A_1651 = tpu.memref_slice %arg16[%dma_wait3A_1649, %dma_wait3A_1650] : memref<1664x16xf32, #tpu.memory_space<vmem>> -> memref<128x16xf32, #tpu.memory_space<vmem>>
    %dma_wait3A_1652 = arith.constant 1536 : i32
    %dma_wait3A_1653 = tpu.memref_slice %arg12[%dma_wait3A_1652] : memref<1664xi32, #tpu.memory_space<vmem>> -> memref<128xi32, #tpu.memory_space<vmem>>
    %dma_wait3A_1654 = arith.constant 0 : i32
    %dma_wait3A_1655 = arith.constant 0 : i32
    %dma_wait3A_1656 = tpu.memref_slice %arg6[%dma_wait3A_1654, %dma_wait3A_1655] : memref<162500x16xf32, #tpu.memory_space<hbm>> -> memref<162500x16xf32, #tpu.memory_space<hbm>>
    tpu.wait_indirect_dma semaphore(%arg17 : memref<!tpu.dma_semaphore, #tpu.memory_space<semaphore_mem>>) src(%dma_wait3A_1656 : memref<162500x16xf32, #tpu.memory_space<hbm>>) dst(%dma_wait3A_1651 : memref<128x16xf32, #tpu.memory_space<vmem>>)
    %mul3A_1657 = arith.constant 26 : i32
    %mul3A_1658 = arith.muli %add3A_834, %mul3A_1657 : i32
    "tpu.region"() ({
      %run_scoped3A = tpu.sem_alloc : memref<!tpu.dma_semaphore, #tpu.memory_space<semaphore_mem>>
      %dma_start3A_1663 = arith.constant 0 : i32
      %dma_start3A_1664 = tpu.memref_slice %arg8[%mul3A_1658, %dma_start3A_1663] : memref<106496x16xf32, #tpu.memory_space<hbm>> -> memref<1664x16xf32, #tpu.memory_space<hbm>>
      %dma_start3A_1665 = arith.constant 0 : i32
      %dma_start3A_1666 = tpu.memref_slice %arg8[%mul3A_1658, %dma_start3A_1665] : memref<106496x16xf32, #tpu.memory_space<hbm>> -> memref<1664x16xf32, #tpu.memory_space<hbm>>
      tpu.enqueue_dma source(%arg14 : memref<1664x16xf32, #tpu.memory_space<vmem>>) target(%dma_start3A_1666 : memref<1664x16xf32, #tpu.memory_space<hbm>>) target_semaphore(%run_scoped3A : memref<!tpu.dma_semaphore, #tpu.memory_space<semaphore_mem>>)
      %dma_wait3A_1667 = arith.constant 0 : i32
      %dma_wait3A_1668 = tpu.memref_slice %arg8[%mul3A_1658, %dma_wait3A_1667] : memref<106496x16xf32, #tpu.memory_space<hbm>> -> memref<1664x16xf32, #tpu.memory_space<hbm>>
      %dma_wait3A_1669 = arith.constant 0 : i32
      %dma_wait3A_1670 = tpu.memref_slice %arg8[%mul3A_1658, %dma_wait3A_1669] : memref<106496x16xf32, #tpu.memory_space<hbm>> -> memref<1664x16xf32, #tpu.memory_space<hbm>>
      tpu.wait_dma2 semaphore(%run_scoped3A : memref<!tpu.dma_semaphore, #tpu.memory_space<semaphore_mem>>) src(%arg14 : memref<1664x16xf32, #tpu.memory_space<vmem>>) dst(%dma_wait3A_1670 : memref<1664x16xf32, #tpu.memory_space<hbm>>)
      tpu.yield
    }) : () -> ()
    %mul3A_1659 = arith.constant 50 : i32
    %mul3A_1660 = arith.muli %add3A_834, %mul3A_1659 : i32
    "tpu.region"() ({
      %run_scoped3A = tpu.sem_alloc : memref<!tpu.dma_semaphore, #tpu.memory_space<semaphore_mem>>
      %dma_start3A_1663 = arith.constant 0 : i32
      %dma_start3A_1664 = tpu.memref_slice %arg9[%mul3A_1660, %dma_start3A_1663] : memref<204800x16xf32, #tpu.memory_space<hbm>> -> memref<3200x16xf32, #tpu.memory_space<hbm>>
      %dma_start3A_1665 = arith.constant 0 : i32
      %dma_start3A_1666 = tpu.memref_slice %arg9[%mul3A_1660, %dma_start3A_1665] : memref<204800x16xf32, #tpu.memory_space<hbm>> -> memref<3200x16xf32, #tpu.memory_space<hbm>>
      tpu.enqueue_dma source(%arg15 : memref<3200x16xf32, #tpu.memory_space<vmem>>) target(%dma_start3A_1666 : memref<3200x16xf32, #tpu.memory_space<hbm>>) target_semaphore(%run_scoped3A : memref<!tpu.dma_semaphore, #tpu.memory_space<semaphore_mem>>)
      %dma_wait3A_1667 = arith.constant 0 : i32
      %dma_wait3A_1668 = tpu.memref_slice %arg9[%mul3A_1660, %dma_wait3A_1667] : memref<204800x16xf32, #tpu.memory_space<hbm>> -> memref<3200x16xf32, #tpu.memory_space<hbm>>
      %dma_wait3A_1669 = arith.constant 0 : i32
      %dma_wait3A_1670 = tpu.memref_slice %arg9[%mul3A_1660, %dma_wait3A_1669] : memref<204800x16xf32, #tpu.memory_space<hbm>> -> memref<3200x16xf32, #tpu.memory_space<hbm>>
      tpu.wait_dma2 semaphore(%run_scoped3A : memref<!tpu.dma_semaphore, #tpu.memory_space<semaphore_mem>>) src(%arg15 : memref<3200x16xf32, #tpu.memory_space<vmem>>) dst(%dma_wait3A_1670 : memref<3200x16xf32, #tpu.memory_space<hbm>>)
      tpu.yield
    }) : () -> ()
    %mul3A_1661 = arith.constant 26 : i32
    %mul3A_1662 = arith.muli %add3A_834, %mul3A_1661 : i32
    "tpu.region"() ({
      %run_scoped3A = tpu.sem_alloc : memref<!tpu.dma_semaphore, #tpu.memory_space<semaphore_mem>>
      %dma_start3A_1663 = arith.constant 0 : i32
      %dma_start3A_1664 = tpu.memref_slice %arg10[%mul3A_1662, %dma_start3A_1663] : memref<106496x16xf32, #tpu.memory_space<hbm>> -> memref<1664x16xf32, #tpu.memory_space<hbm>>
      %dma_start3A_1665 = arith.constant 0 : i32
      %dma_start3A_1666 = tpu.memref_slice %arg10[%mul3A_1662, %dma_start3A_1665] : memref<106496x16xf32, #tpu.memory_space<hbm>> -> memref<1664x16xf32, #tpu.memory_space<hbm>>
      tpu.enqueue_dma source(%arg16 : memref<1664x16xf32, #tpu.memory_space<vmem>>) target(%dma_start3A_1666 : memref<1664x16xf32, #tpu.memory_space<hbm>>) target_semaphore(%run_scoped3A : memref<!tpu.dma_semaphore, #tpu.memory_space<semaphore_mem>>)
      %dma_wait3A_1667 = arith.constant 0 : i32
      %dma_wait3A_1668 = tpu.memref_slice %arg10[%mul3A_1662, %dma_wait3A_1667] : memref<106496x16xf32, #tpu.memory_space<hbm>> -> memref<1664x16xf32, #tpu.memory_space<hbm>>
      %dma_wait3A_1669 = arith.constant 0 : i32
      %dma_wait3A_1670 = tpu.memref_slice %arg10[%mul3A_1662, %dma_wait3A_1669] : memref<106496x16xf32, #tpu.memory_space<hbm>> -> memref<1664x16xf32, #tpu.memory_space<hbm>>
      tpu.wait_dma2 semaphore(%run_scoped3A : memref<!tpu.dma_semaphore, #tpu.memory_space<semaphore_mem>>) src(%arg16 : memref<1664x16xf32, #tpu.memory_space<vmem>>) dst(%dma_wait3A_1670 : memref<1664x16xf32, #tpu.memory_space<hbm>>)
      tpu.yield
    }) : () -> ()
    return
  }
}

module attributes {stable_mosaic.version = 14 : i64} {
  func.func @_relayout2_body(%arg0: i32, %arg1: memref<1x16x100000xf32, #tpu.memory_space<vmem>>, %arg2: memref<12544x128xf32, #tpu.memory_space<vmem>>) attributes {dimension_semantics = [#tpu.dimension_semantics<arbitrary>], iteration_bounds = array<i64: 26>, scalar_prefetch = 0 : i64, scratch_operands = 0 : i64, tpu.core_type = #tpu.core_type<tc>, window_params = [{transform_indices = @transform_0, window_bounds = array<i64: 1, 16, 100000>}, {transform_indices = @transform_1, window_bounds = array<i64: 12544, 128>}]} {
    %get3A = arith.constant 0 : index
    %get3A_0 = arith.constant 0 : index
    %get3A_1 = arith.constant 0 : index
    %get3A_2 = vector.load %arg1[%get3A, %get3A_0, %get3A_1] : memref<1x16x100000xf32, #tpu.memory_space<vmem>>, vector<1x16x896xf32>
    %get3A_3 = vector.shape_cast %get3A_2 : vector<1x16x896xf32> to vector<16x896xf32>
    %get3A_4 = arith.constant 0 : index
    %get3A_5 = arith.constant 0 : index
    %get3A_6 = arith.constant 12544 : index
    %get3A_7 = vector.load %arg1[%get3A_4, %get3A_5, %get3A_6] : memref<1x16x100000xf32, #tpu.memory_space<vmem>>, vector<1x16x896xf32>
    %get3A_8 = vector.shape_cast %get3A_7 : vector<1x16x896xf32> to vector<16x896xf32>
    %get3A_9 = arith.constant 0 : index
    %get3A_10 = arith.constant 0 : index
    %get3A_11 = arith.constant 25088 : index
    %get3A_12 = vector.load %arg1[%get3A_9, %get3A_10, %get3A_11] : memref<1x16x100000xf32, #tpu.memory_space<vmem>>, vector<1x16x896xf32>
    %get3A_13 = vector.shape_cast %get3A_12 : vector<1x16x896xf32> to vector<16x896xf32>
    %get3A_14 = arith.constant 0 : index
    %get3A_15 = arith.constant 0 : index
    %get3A_16 = arith.constant 37632 : index
    %get3A_17 = vector.load %arg1[%get3A_14, %get3A_15, %get3A_16] : memref<1x16x100000xf32, #tpu.memory_space<vmem>>, vector<1x16x896xf32>
    %get3A_18 = vector.shape_cast %get3A_17 : vector<1x16x896xf32> to vector<16x896xf32>
    %get3A_19 = arith.constant 0 : index
    %get3A_20 = arith.constant 0 : index
    %get3A_21 = arith.constant 50176 : index
    %get3A_22 = vector.load %arg1[%get3A_19, %get3A_20, %get3A_21] : memref<1x16x100000xf32, #tpu.memory_space<vmem>>, vector<1x16x896xf32>
    %get3A_23 = vector.shape_cast %get3A_22 : vector<1x16x896xf32> to vector<16x896xf32>
    %get3A_24 = arith.constant 0 : index
    %get3A_25 = arith.constant 0 : index
    %get3A_26 = arith.constant 62720 : index
    %get3A_27 = vector.load %arg1[%get3A_24, %get3A_25, %get3A_26] : memref<1x16x100000xf32, #tpu.memory_space<vmem>>, vector<1x16x896xf32>
    %get3A_28 = vector.shape_cast %get3A_27 : vector<1x16x896xf32> to vector<16x896xf32>
    %get3A_29 = arith.constant 0 : index
    %get3A_30 = arith.constant 0 : index
    %get3A_31 = arith.constant 75264 : index
    %get3A_32 = vector.load %arg1[%get3A_29, %get3A_30, %get3A_31] : memref<1x16x100000xf32, #tpu.memory_space<vmem>>, vector<1x16x896xf32>
    %get3A_33 = vector.shape_cast %get3A_32 : vector<1x16x896xf32> to vector<16x896xf32>
    %get3A_34 = arith.constant 0 : index
    %get3A_35 = arith.constant 0 : index
    %get3A_36 = arith.constant 87808 : index
    %get3A_37 = vector.load %arg1[%get3A_34, %get3A_35, %get3A_36] : memref<1x16x100000xf32, #tpu.memory_space<vmem>>, vector<1x16x896xf32>
    %get3A_38 = vector.shape_cast %get3A_37 : vector<1x16x896xf32> to vector<16x896xf32>
    %concatenate3A = tpu.concatenate %get3A_3, %get3A_8, %get3A_13, %get3A_18, %get3A_23, %get3A_28, %get3A_33, %get3A_38 in 0 : vector<16x896xf32>, vector<16x896xf32>, vector<16x896xf32>, vector<16x896xf32>, vector<16x896xf32>, vector<16x896xf32>, vector<16x896xf32>, vector<16x896xf32> -> vector<128x896xf32>
    %transpose3A = tpu.transpose %concatenate3A, [1, 0] : vector<128x896xf32> -> vector<896x128xf32>
    %swap3A = arith.constant 0 : index
    %swap3A_39 = arith.constant 0 : index
    %swap3A_40 = vector.load %arg2[%swap3A, %swap3A_39] : memref<12544x128xf32, #tpu.memory_space<vmem>>, vector<896x128xf32>
    tpu.vector_store %arg2[%swap3A, %swap3A_39], %transpose3A {strides = array<i32>} : memref<12544x128xf32, #tpu.memory_space<vmem>>, vector<896x128xf32>,
    %get3A_41 = arith.constant 0 : index
    %get3A_42 = arith.constant 0 : index
    %get3A_43 = arith.constant 896 : index
    %get3A_44 = vector.load %arg1[%get3A_41, %get3A_42, %get3A_43] : memref<1x16x100000xf32, #tpu.memory_space<vmem>>, vector<1x16x896xf32>
    %get3A_45 = vector.shape_cast %get3A_44 : vector<1x16x896xf32> to vector<16x896xf32>
    %get3A_46 = arith.constant 0 : index
    %get3A_47 = arith.constant 0 : index
    %get3A_48 = arith.constant 13440 : index
    %get3A_49 = vector.load %arg1[%get3A_46, %get3A_47, %get3A_48] : memref<1x16x100000xf32, #tpu.memory_space<vmem>>, vector<1x16x896xf32>
    %get3A_50 = vector.shape_cast %get3A_49 : vector<1x16x896xf32> to vector<16x896xf32>
    %get3A_51 = arith.constant 0 : index
    %get3A_52 = arith.constant 0 : index
    %get3A_53 = arith.constant 25984 : index
    %get3A_54 = vector.load %arg1[%get3A_51, %get3A_52, %get3A_53] : memref<1x16x100000xf32, #tpu.memory_space<vmem>>, vector<1x16x896xf32>
    %get3A_55 = vector.shape_cast %get3A_54 : vector<1x16x896xf32> to vector<16x896xf32>
    %get3A_56 = arith.constant 0 : index
    %get3A_57 = arith.constant 0 : index
    %get3A_58 = arith.constant 38528 : index
    %get3A_59 = vector.load %arg1[%get3A_56, %get3A_57, %get3A_58] : memref<1x16x100000xf32, #tpu.memory_space<vmem>>, vector<1x16x896xf32>
    %get3A_60 = vector.shape_cast %get3A_59 : vector<1x16x896xf32> to vector<16x896xf32>
    %get3A_61 = arith.constant 0 : index
    %get3A_62 = arith.constant 0 : index
    %get3A_63 = arith.constant 51072 : index
    %get3A_64 = vector.load %arg1[%get3A_61, %get3A_62, %get3A_63] : memref<1x16x100000xf32, #tpu.memory_space<vmem>>, vector<1x16x896xf32>
    %get3A_65 = vector.shape_cast %get3A_64 : vector<1x16x896xf32> to vector<16x896xf32>
    %get3A_66 = arith.constant 0 : index
    %get3A_67 = arith.constant 0 : index
    %get3A_68 = arith.constant 63616 : index
    %get3A_69 = vector.load %arg1[%get3A_66, %get3A_67, %get3A_68] : memref<1x16x100000xf32, #tpu.memory_space<vmem>>, vector<1x16x896xf32>
    %get3A_70 = vector.shape_cast %get3A_69 : vector<1x16x896xf32> to vector<16x896xf32>
    %get3A_71 = arith.constant 0 : index
    %get3A_72 = arith.constant 0 : index
    %get3A_73 = arith.constant 76160 : index
    %get3A_74 = vector.load %arg1[%get3A_71, %get3A_72, %get3A_73] : memref<1x16x100000xf32, #tpu.memory_space<vmem>>, vector<1x16x896xf32>
    %get3A_75 = vector.shape_cast %get3A_74 : vector<1x16x896xf32> to vector<16x896xf32>
    %get3A_76 = arith.constant 0 : index
    %get3A_77 = arith.constant 0 : index
    %get3A_78 = arith.constant 88704 : index
    %get3A_79 = vector.load %arg1[%get3A_76, %get3A_77, %get3A_78] : memref<1x16x100000xf32, #tpu.memory_space<vmem>>, vector<1x16x896xf32>
    %get3A_80 = vector.shape_cast %get3A_79 : vector<1x16x896xf32> to vector<16x896xf32>
    %concatenate3A_81 = tpu.concatenate %get3A_45, %get3A_50, %get3A_55, %get3A_60, %get3A_65, %get3A_70, %get3A_75, %get3A_80 in 0 : vector<16x896xf32>, vector<16x896xf32>, vector<16x896xf32>, vector<16x896xf32>, vector<16x896xf32>, vector<16x896xf32>, vector<16x896xf32>, vector<16x896xf32> -> vector<128x896xf32>
    %transpose3A_82 = tpu.transpose %concatenate3A_81, [1, 0] : vector<128x896xf32> -> vector<896x128xf32>
    %swap3A_83 = arith.constant 896 : index
    %swap3A_84 = arith.constant 0 : index
    %swap3A_85 = vector.load %arg2[%swap3A_83, %swap3A_84] : memref<12544x128xf32, #tpu.memory_space<vmem>>, vector<896x128xf32>
    tpu.vector_store %arg2[%swap3A_83, %swap3A_84], %transpose3A_82 {strides = array<i32>} : memref<12544x128xf32, #tpu.memory_space<vmem>>, vector<896x128xf32>,
    %get3A_86 = arith.constant 0 : index
    %get3A_87 = arith.constant 0 : index
    %get3A_88 = arith.constant 1792 : index
    %get3A_89 = vector.load %arg1[%get3A_86, %get3A_87, %get3A_88] : memref<1x16x100000xf32, #tpu.memory_space<vmem>>, vector<1x16x896xf32>
    %get3A_90 = vector.shape_cast %get3A_89 : vector<1x16x896xf32> to vector<16x896xf32>
    %get3A_91 = arith.constant 0 : index
    %get3A_92 = arith.constant 0 : index
    %get3A_93 = arith.constant 14336 : index
    %get3A_94 = vector.load %arg1[%get3A_91, %get3A_92, %get3A_93] : memref<1x16x100000xf32, #tpu.memory_space<vmem>>, vector<1x16x896xf32>
    %get3A_95 = vector.shape_cast %get3A_94 : vector<1x16x896xf32> to vector<16x896xf32>
    %get3A_96 = arith.constant 0 : index
    %get3A_97 = arith.constant 0 : index
    %get3A_98 = arith.constant 26880 : index
    %get3A_99 = vector.load %arg1[%get3A_96, %get3A_97, %get3A_98] : memref<1x16x100000xf32, #tpu.memory_space<vmem>>, vector<1x16x896xf32>
    %get3A_100 = vector.shape_cast %get3A_99 : vector<1x16x896xf32> to vector<16x896xf32>
    %get3A_101 = arith.constant 0 : index
    %get3A_102 = arith.constant 0 : index
    %get3A_103 = arith.constant 39424 : index
    %get3A_104 = vector.load %arg1[%get3A_101, %get3A_102, %get3A_103] : memref<1x16x100000xf32, #tpu.memory_space<vmem>>, vector<1x16x896xf32>
    %get3A_105 = vector.shape_cast %get3A_104 : vector<1x16x896xf32> to vector<16x896xf32>
    %get3A_106 = arith.constant 0 : index
    %get3A_107 = arith.constant 0 : index
    %get3A_108 = arith.constant 51968 : index
    %get3A_109 = vector.load %arg1[%get3A_106, %get3A_107, %get3A_108] : memref<1x16x100000xf32, #tpu.memory_space<vmem>>, vector<1x16x896xf32>
    %get3A_110 = vector.shape_cast %get3A_109 : vector<1x16x896xf32> to vector<16x896xf32>
    %get3A_111 = arith.constant 0 : index
    %get3A_112 = arith.constant 0 : index
    %get3A_113 = arith.constant 64512 : index
    %get3A_114 = vector.load %arg1[%get3A_111, %get3A_112, %get3A_113] : memref<1x16x100000xf32, #tpu.memory_space<vmem>>, vector<1x16x896xf32>
    %get3A_115 = vector.shape_cast %get3A_114 : vector<1x16x896xf32> to vector<16x896xf32>
    %get3A_116 = arith.constant 0 : index
    %get3A_117 = arith.constant 0 : index
    %get3A_118 = arith.constant 77056 : index
    %get3A_119 = vector.load %arg1[%get3A_116, %get3A_117, %get3A_118] : memref<1x16x100000xf32, #tpu.memory_space<vmem>>, vector<1x16x896xf32>
    %get3A_120 = vector.shape_cast %get3A_119 : vector<1x16x896xf32> to vector<16x896xf32>
    %get3A_121 = arith.constant 0 : index
    %get3A_122 = arith.constant 0 : index
    %get3A_123 = arith.constant 89600 : index
    %get3A_124 = vector.load %arg1[%get3A_121, %get3A_122, %get3A_123] : memref<1x16x100000xf32, #tpu.memory_space<vmem>>, vector<1x16x896xf32>
    %get3A_125 = vector.shape_cast %get3A_124 : vector<1x16x896xf32> to vector<16x896xf32>
    %concatenate3A_126 = tpu.concatenate %get3A_90, %get3A_95, %get3A_100, %get3A_105, %get3A_110, %get3A_115, %get3A_120, %get3A_125 in 0 : vector<16x896xf32>, vector<16x896xf32>, vector<16x896xf32>, vector<16x896xf32>, vector<16x896xf32>, vector<16x896xf32>, vector<16x896xf32>, vector<16x896xf32> -> vector<128x896xf32>
    %transpose3A_127 = tpu.transpose %concatenate3A_126, [1, 0] : vector<128x896xf32> -> vector<896x128xf32>
    %swap3A_128 = arith.constant 1792 : index
    %swap3A_129 = arith.constant 0 : index
    %swap3A_130 = vector.load %arg2[%swap3A_128, %swap3A_129] : memref<12544x128xf32, #tpu.memory_space<vmem>>, vector<896x128xf32>
    tpu.vector_store %arg2[%swap3A_128, %swap3A_129], %transpose3A_127 {strides = array<i32>} : memref<12544x128xf32, #tpu.memory_space<vmem>>, vector<896x128xf32>,
    %get3A_131 = arith.constant 0 : index
    %get3A_132 = arith.constant 0 : index
    %get3A_133 = arith.constant 2688 : index
    %get3A_134 = vector.load %arg1[%get3A_131, %get3A_132, %get3A_133] : memref<1x16x100000xf32, #tpu.memory_space<vmem>>, vector<1x16x896xf32>
    %get3A_135 = vector.shape_cast %get3A_134 : vector<1x16x896xf32> to vector<16x896xf32>
    %get3A_136 = arith.constant 0 : index
    %get3A_137 = arith.constant 0 : index
    %get3A_138 = arith.constant 15232 : index
    %get3A_139 = vector.load %arg1[%get3A_136, %get3A_137, %get3A_138] : memref<1x16x100000xf32, #tpu.memory_space<vmem>>, vector<1x16x896xf32>
    %get3A_140 = vector.shape_cast %get3A_139 : vector<1x16x896xf32> to vector<16x896xf32>
    %get3A_141 = arith.constant 0 : index
    %get3A_142 = arith.constant 0 : index
    %get3A_143 = arith.constant 27776 : index
    %get3A_144 = vector.load %arg1[%get3A_141, %get3A_142, %get3A_143] : memref<1x16x100000xf32, #tpu.memory_space<vmem>>, vector<1x16x896xf32>
    %get3A_145 = vector.shape_cast %get3A_144 : vector<1x16x896xf32> to vector<16x896xf32>
    %get3A_146 = arith.constant 0 : index
    %get3A_147 = arith.constant 0 : index
    %get3A_148 = arith.constant 40320 : index
    %get3A_149 = vector.load %arg1[%get3A_146, %get3A_147, %get3A_148] : memref<1x16x100000xf32, #tpu.memory_space<vmem>>, vector<1x16x896xf32>
    %get3A_150 = vector.shape_cast %get3A_149 : vector<1x16x896xf32> to vector<16x896xf32>
    %get3A_151 = arith.constant 0 : index
    %get3A_152 = arith.constant 0 : index
    %get3A_153 = arith.constant 52864 : index
    %get3A_154 = vector.load %arg1[%get3A_151, %get3A_152, %get3A_153] : memref<1x16x100000xf32, #tpu.memory_space<vmem>>, vector<1x16x896xf32>
    %get3A_155 = vector.shape_cast %get3A_154 : vector<1x16x896xf32> to vector<16x896xf32>
    %get3A_156 = arith.constant 0 : index
    %get3A_157 = arith.constant 0 : index
    %get3A_158 = arith.constant 65408 : index
    %get3A_159 = vector.load %arg1[%get3A_156, %get3A_157, %get3A_158] : memref<1x16x100000xf32, #tpu.memory_space<vmem>>, vector<1x16x896xf32>
    %get3A_160 = vector.shape_cast %get3A_159 : vector<1x16x896xf32> to vector<16x896xf32>
    %get3A_161 = arith.constant 0 : index
    %get3A_162 = arith.constant 0 : index
    %get3A_163 = arith.constant 77952 : index
    %get3A_164 = vector.load %arg1[%get3A_161, %get3A_162, %get3A_163] : memref<1x16x100000xf32, #tpu.memory_space<vmem>>, vector<1x16x896xf32>
    %get3A_165 = vector.shape_cast %get3A_164 : vector<1x16x896xf32> to vector<16x896xf32>
    %get3A_166 = arith.constant 0 : index
    %get3A_167 = arith.constant 0 : index
    %get3A_168 = arith.constant 90496 : index
    %get3A_169 = vector.load %arg1[%get3A_166, %get3A_167, %get3A_168] : memref<1x16x100000xf32, #tpu.memory_space<vmem>>, vector<1x16x896xf32>
    %get3A_170 = vector.shape_cast %get3A_169 : vector<1x16x896xf32> to vector<16x896xf32>
    %concatenate3A_171 = tpu.concatenate %get3A_135, %get3A_140, %get3A_145, %get3A_150, %get3A_155, %get3A_160, %get3A_165, %get3A_170 in 0 : vector<16x896xf32>, vector<16x896xf32>, vector<16x896xf32>, vector<16x896xf32>, vector<16x896xf32>, vector<16x896xf32>, vector<16x896xf32>, vector<16x896xf32> -> vector<128x896xf32>
    %transpose3A_172 = tpu.transpose %concatenate3A_171, [1, 0] : vector<128x896xf32> -> vector<896x128xf32>
    %swap3A_173 = arith.constant 2688 : index
    %swap3A_174 = arith.constant 0 : index
    %swap3A_175 = vector.load %arg2[%swap3A_173, %swap3A_174] : memref<12544x128xf32, #tpu.memory_space<vmem>>, vector<896x128xf32>
    tpu.vector_store %arg2[%swap3A_173, %swap3A_174], %transpose3A_172 {strides = array<i32>} : memref<12544x128xf32, #tpu.memory_space<vmem>>, vector<896x128xf32>,
    %get3A_176 = arith.constant 0 : index
    %get3A_177 = arith.constant 0 : index
    %get3A_178 = arith.constant 3584 : index
    %get3A_179 = vector.load %arg1[%get3A_176, %get3A_177, %get3A_178] : memref<1x16x100000xf32, #tpu.memory_space<vmem>>, vector<1x16x896xf32>
    %get3A_180 = vector.shape_cast %get3A_179 : vector<1x16x896xf32> to vector<16x896xf32>
    %get3A_181 = arith.constant 0 : index
    %get3A_182 = arith.constant 0 : index
    %get3A_183 = arith.constant 16128 : index
    %get3A_184 = vector.load %arg1[%get3A_181, %get3A_182, %get3A_183] : memref<1x16x100000xf32, #tpu.memory_space<vmem>>, vector<1x16x896xf32>
    %get3A_185 = vector.shape_cast %get3A_184 : vector<1x16x896xf32> to vector<16x896xf32>
    %get3A_186 = arith.constant 0 : index
    %get3A_187 = arith.constant 0 : index
    %get3A_188 = arith.constant 28672 : index
    %get3A_189 = vector.load %arg1[%get3A_186, %get3A_187, %get3A_188] : memref<1x16x100000xf32, #tpu.memory_space<vmem>>, vector<1x16x896xf32>
    %get3A_190 = vector.shape_cast %get3A_189 : vector<1x16x896xf32> to vector<16x896xf32>
    %get3A_191 = arith.constant 0 : index
    %get3A_192 = arith.constant 0 : index
    %get3A_193 = arith.constant 41216 : index
    %get3A_194 = vector.load %arg1[%get3A_191, %get3A_192, %get3A_193] : memref<1x16x100000xf32, #tpu.memory_space<vmem>>, vector<1x16x896xf32>
    %get3A_195 = vector.shape_cast %get3A_194 : vector<1x16x896xf32> to vector<16x896xf32>
    %get3A_196 = arith.constant 0 : index
    %get3A_197 = arith.constant 0 : index
    %get3A_198 = arith.constant 53760 : index
    %get3A_199 = vector.load %arg1[%get3A_196, %get3A_197, %get3A_198] : memref<1x16x100000xf32, #tpu.memory_space<vmem>>, vector<1x16x896xf32>
    %get3A_200 = vector.shape_cast %get3A_199 : vector<1x16x896xf32> to vector<16x896xf32>
    %get3A_201 = arith.constant 0 : index
    %get3A_202 = arith.constant 0 : index
    %get3A_203 = arith.constant 66304 : index
    %get3A_204 = vector.load %arg1[%get3A_201, %get3A_202, %get3A_203] : memref<1x16x100000xf32, #tpu.memory_space<vmem>>, vector<1x16x896xf32>
    %get3A_205 = vector.shape_cast %get3A_204 : vector<1x16x896xf32> to vector<16x896xf32>
    %get3A_206 = arith.constant 0 : index
    %get3A_207 = arith.constant 0 : index
    %get3A_208 = arith.constant 78848 : index
    %get3A_209 = vector.load %arg1[%get3A_206, %get3A_207, %get3A_208] : memref<1x16x100000xf32, #tpu.memory_space<vmem>>, vector<1x16x896xf32>
    %get3A_210 = vector.shape_cast %get3A_209 : vector<1x16x896xf32> to vector<16x896xf32>
    %get3A_211 = arith.constant 0 : index
    %get3A_212 = arith.constant 0 : index
    %get3A_213 = arith.constant 91392 : index
    %get3A_214 = vector.load %arg1[%get3A_211, %get3A_212, %get3A_213] : memref<1x16x100000xf32, #tpu.memory_space<vmem>>, vector<1x16x896xf32>
    %get3A_215 = vector.shape_cast %get3A_214 : vector<1x16x896xf32> to vector<16x896xf32>
    %concatenate3A_216 = tpu.concatenate %get3A_180, %get3A_185, %get3A_190, %get3A_195, %get3A_200, %get3A_205, %get3A_210, %get3A_215 in 0 : vector<16x896xf32>, vector<16x896xf32>, vector<16x896xf32>, vector<16x896xf32>, vector<16x896xf32>, vector<16x896xf32>, vector<16x896xf32>, vector<16x896xf32> -> vector<128x896xf32>
    %transpose3A_217 = tpu.transpose %concatenate3A_216, [1, 0] : vector<128x896xf32> -> vector<896x128xf32>
    %swap3A_218 = arith.constant 3584 : index
    %swap3A_219 = arith.constant 0 : index
    %swap3A_220 = vector.load %arg2[%swap3A_218, %swap3A_219] : memref<12544x128xf32, #tpu.memory_space<vmem>>, vector<896x128xf32>
    tpu.vector_store %arg2[%swap3A_218, %swap3A_219], %transpose3A_217 {strides = array<i32>} : memref<12544x128xf32, #tpu.memory_space<vmem>>, vector<896x128xf32>,
    %get3A_221 = arith.constant 0 : index
    %get3A_222 = arith.constant 0 : index
    %get3A_223 = arith.constant 4480 : index
    %get3A_224 = vector.load %arg1[%get3A_221, %get3A_222, %get3A_223] : memref<1x16x100000xf32, #tpu.memory_space<vmem>>, vector<1x16x896xf32>
    %get3A_225 = vector.shape_cast %get3A_224 : vector<1x16x896xf32> to vector<16x896xf32>
    %get3A_226 = arith.constant 0 : index
    %get3A_227 = arith.constant 0 : index
    %get3A_228 = arith.constant 17024 : index
    %get3A_229 = vector.load %arg1[%get3A_226, %get3A_227, %get3A_228] : memref<1x16x100000xf32, #tpu.memory_space<vmem>>, vector<1x16x896xf32>
    %get3A_230 = vector.shape_cast %get3A_229 : vector<1x16x896xf32> to vector<16x896xf32>
    %get3A_231 = arith.constant 0 : index
    %get3A_232 = arith.constant 0 : index
    %get3A_233 = arith.constant 29568 : index
    %get3A_234 = vector.load %arg1[%get3A_231, %get3A_232, %get3A_233] : memref<1x16x100000xf32, #tpu.memory_space<vmem>>, vector<1x16x896xf32>
    %get3A_235 = vector.shape_cast %get3A_234 : vector<1x16x896xf32> to vector<16x896xf32>
    %get3A_236 = arith.constant 0 : index
    %get3A_237 = arith.constant 0 : index
    %get3A_238 = arith.constant 42112 : index
    %get3A_239 = vector.load %arg1[%get3A_236, %get3A_237, %get3A_238] : memref<1x16x100000xf32, #tpu.memory_space<vmem>>, vector<1x16x896xf32>
    %get3A_240 = vector.shape_cast %get3A_239 : vector<1x16x896xf32> to vector<16x896xf32>
    %get3A_241 = arith.constant 0 : index
    %get3A_242 = arith.constant 0 : index
    %get3A_243 = arith.constant 54656 : index
    %get3A_244 = vector.load %arg1[%get3A_241, %get3A_242, %get3A_243] : memref<1x16x100000xf32, #tpu.memory_space<vmem>>, vector<1x16x896xf32>
    %get3A_245 = vector.shape_cast %get3A_244 : vector<1x16x896xf32> to vector<16x896xf32>
    %get3A_246 = arith.constant 0 : index
    %get3A_247 = arith.constant 0 : index
    %get3A_248 = arith.constant 67200 : index
    %get3A_249 = vector.load %arg1[%get3A_246, %get3A_247, %get3A_248] : memref<1x16x100000xf32, #tpu.memory_space<vmem>>, vector<1x16x896xf32>
    %get3A_250 = vector.shape_cast %get3A_249 : vector<1x16x896xf32> to vector<16x896xf32>
    %get3A_251 = arith.constant 0 : index
    %get3A_252 = arith.constant 0 : index
    %get3A_253 = arith.constant 79744 : index
    %get3A_254 = vector.load %arg1[%get3A_251, %get3A_252, %get3A_253] : memref<1x16x100000xf32, #tpu.memory_space<vmem>>, vector<1x16x896xf32>
    %get3A_255 = vector.shape_cast %get3A_254 : vector<1x16x896xf32> to vector<16x896xf32>
    %get3A_256 = arith.constant 0 : index
    %get3A_257 = arith.constant 0 : index
    %get3A_258 = arith.constant 92288 : index
    %get3A_259 = vector.load %arg1[%get3A_256, %get3A_257, %get3A_258] : memref<1x16x100000xf32, #tpu.memory_space<vmem>>, vector<1x16x896xf32>
    %get3A_260 = vector.shape_cast %get3A_259 : vector<1x16x896xf32> to vector<16x896xf32>
    %concatenate3A_261 = tpu.concatenate %get3A_225, %get3A_230, %get3A_235, %get3A_240, %get3A_245, %get3A_250, %get3A_255, %get3A_260 in 0 : vector<16x896xf32>, vector<16x896xf32>, vector<16x896xf32>, vector<16x896xf32>, vector<16x896xf32>, vector<16x896xf32>, vector<16x896xf32>, vector<16x896xf32> -> vector<128x896xf32>
    %transpose3A_262 = tpu.transpose %concatenate3A_261, [1, 0] : vector<128x896xf32> -> vector<896x128xf32>
    %swap3A_263 = arith.constant 4480 : index
    %swap3A_264 = arith.constant 0 : index
    %swap3A_265 = vector.load %arg2[%swap3A_263, %swap3A_264] : memref<12544x128xf32, #tpu.memory_space<vmem>>, vector<896x128xf32>
    tpu.vector_store %arg2[%swap3A_263, %swap3A_264], %transpose3A_262 {strides = array<i32>} : memref<12544x128xf32, #tpu.memory_space<vmem>>, vector<896x128xf32>,
    %get3A_266 = arith.constant 0 : index
    %get3A_267 = arith.constant 0 : index
    %get3A_268 = arith.constant 5376 : index
    %get3A_269 = vector.load %arg1[%get3A_266, %get3A_267, %get3A_268] : memref<1x16x100000xf32, #tpu.memory_space<vmem>>, vector<1x16x896xf32>
    %get3A_270 = vector.shape_cast %get3A_269 : vector<1x16x896xf32> to vector<16x896xf32>
    %get3A_271 = arith.constant 0 : index
    %get3A_272 = arith.constant 0 : index
    %get3A_273 = arith.constant 17920 : index
    %get3A_274 = vector.load %arg1[%get3A_271, %get3A_272, %get3A_273] : memref<1x16x100000xf32, #tpu.memory_space<vmem>>, vector<1x16x896xf32>
    %get3A_275 = vector.shape_cast %get3A_274 : vector<1x16x896xf32> to vector<16x896xf32>
    %get3A_276 = arith.constant 0 : index
    %get3A_277 = arith.constant 0 : index
    %get3A_278 = arith.constant 30464 : index
    %get3A_279 = vector.load %arg1[%get3A_276, %get3A_277, %get3A_278] : memref<1x16x100000xf32, #tpu.memory_space<vmem>>, vector<1x16x896xf32>
    %get3A_280 = vector.shape_cast %get3A_279 : vector<1x16x896xf32> to vector<16x896xf32>
    %get3A_281 = arith.constant 0 : index
    %get3A_282 = arith.constant 0 : index
    %get3A_283 = arith.constant 43008 : index
    %get3A_284 = vector.load %arg1[%get3A_281, %get3A_282, %get3A_283] : memref<1x16x100000xf32, #tpu.memory_space<vmem>>, vector<1x16x896xf32>
    %get3A_285 = vector.shape_cast %get3A_284 : vector<1x16x896xf32> to vector<16x896xf32>
    %get3A_286 = arith.constant 0 : index
    %get3A_287 = arith.constant 0 : index
    %get3A_288 = arith.constant 55552 : index
    %get3A_289 = vector.load %arg1[%get3A_286, %get3A_287, %get3A_288] : memref<1x16x100000xf32, #tpu.memory_space<vmem>>, vector<1x16x896xf32>
    %get3A_290 = vector.shape_cast %get3A_289 : vector<1x16x896xf32> to vector<16x896xf32>
    %get3A_291 = arith.constant 0 : index
    %get3A_292 = arith.constant 0 : index
    %get3A_293 = arith.constant 68096 : index
    %get3A_294 = vector.load %arg1[%get3A_291, %get3A_292, %get3A_293] : memref<1x16x100000xf32, #tpu.memory_space<vmem>>, vector<1x16x896xf32>
    %get3A_295 = vector.shape_cast %get3A_294 : vector<1x16x896xf32> to vector<16x896xf32>
    %get3A_296 = arith.constant 0 : index
    %get3A_297 = arith.constant 0 : index
    %get3A_298 = arith.constant 80640 : index
    %get3A_299 = vector.load %arg1[%get3A_296, %get3A_297, %get3A_298] : memref<1x16x100000xf32, #tpu.memory_space<vmem>>, vector<1x16x896xf32>
    %get3A_300 = vector.shape_cast %get3A_299 : vector<1x16x896xf32> to vector<16x896xf32>
    %get3A_301 = arith.constant 0 : index
    %get3A_302 = arith.constant 0 : index
    %get3A_303 = arith.constant 93184 : index
    %get3A_304 = vector.load %arg1[%get3A_301, %get3A_302, %get3A_303] : memref<1x16x100000xf32, #tpu.memory_space<vmem>>, vector<1x16x896xf32>
    %get3A_305 = vector.shape_cast %get3A_304 : vector<1x16x896xf32> to vector<16x896xf32>
    %concatenate3A_306 = tpu.concatenate %get3A_270, %get3A_275, %get3A_280, %get3A_285, %get3A_290, %get3A_295, %get3A_300, %get3A_305 in 0 : vector<16x896xf32>, vector<16x896xf32>, vector<16x896xf32>, vector<16x896xf32>, vector<16x896xf32>, vector<16x896xf32>, vector<16x896xf32>, vector<16x896xf32> -> vector<128x896xf32>
    %transpose3A_307 = tpu.transpose %concatenate3A_306, [1, 0] : vector<128x896xf32> -> vector<896x128xf32>
    %swap3A_308 = arith.constant 5376 : index
    %swap3A_309 = arith.constant 0 : index
    %swap3A_310 = vector.load %arg2[%swap3A_308, %swap3A_309] : memref<12544x128xf32, #tpu.memory_space<vmem>>, vector<896x128xf32>
    tpu.vector_store %arg2[%swap3A_308, %swap3A_309], %transpose3A_307 {strides = array<i32>} : memref<12544x128xf32, #tpu.memory_space<vmem>>, vector<896x128xf32>,
    %get3A_311 = arith.constant 0 : index
    %get3A_312 = arith.constant 0 : index
    %get3A_313 = arith.constant 6272 : index
    %get3A_314 = vector.load %arg1[%get3A_311, %get3A_312, %get3A_313] : memref<1x16x100000xf32, #tpu.memory_space<vmem>>, vector<1x16x896xf32>
    %get3A_315 = vector.shape_cast %get3A_314 : vector<1x16x896xf32> to vector<16x896xf32>
    %get3A_316 = arith.constant 0 : index
    %get3A_317 = arith.constant 0 : index
    %get3A_318 = arith.constant 18816 : index
    %get3A_319 = vector.load %arg1[%get3A_316, %get3A_317, %get3A_318] : memref<1x16x100000xf32, #tpu.memory_space<vmem>>, vector<1x16x896xf32>
    %get3A_320 = vector.shape_cast %get3A_319 : vector<1x16x896xf32> to vector<16x896xf32>
    %get3A_321 = arith.constant 0 : index
    %get3A_322 = arith.constant 0 : index
    %get3A_323 = arith.constant 31360 : index
    %get3A_324 = vector.load %arg1[%get3A_321, %get3A_322, %get3A_323] : memref<1x16x100000xf32, #tpu.memory_space<vmem>>, vector<1x16x896xf32>
    %get3A_325 = vector.shape_cast %get3A_324 : vector<1x16x896xf32> to vector<16x896xf32>
    %get3A_326 = arith.constant 0 : index
    %get3A_327 = arith.constant 0 : index
    %get3A_328 = arith.constant 43904 : index
    %get3A_329 = vector.load %arg1[%get3A_326, %get3A_327, %get3A_328] : memref<1x16x100000xf32, #tpu.memory_space<vmem>>, vector<1x16x896xf32>
    %get3A_330 = vector.shape_cast %get3A_329 : vector<1x16x896xf32> to vector<16x896xf32>
    %get3A_331 = arith.constant 0 : index
    %get3A_332 = arith.constant 0 : index
    %get3A_333 = arith.constant 56448 : index
    %get3A_334 = vector.load %arg1[%get3A_331, %get3A_332, %get3A_333] : memref<1x16x100000xf32, #tpu.memory_space<vmem>>, vector<1x16x896xf32>
    %get3A_335 = vector.shape_cast %get3A_334 : vector<1x16x896xf32> to vector<16x896xf32>
    %get3A_336 = arith.constant 0 : index
    %get3A_337 = arith.constant 0 : index
    %get3A_338 = arith.constant 68992 : index
    %get3A_339 = vector.load %arg1[%get3A_336, %get3A_337, %get3A_338] : memref<1x16x100000xf32, #tpu.memory_space<vmem>>, vector<1x16x896xf32>
    %get3A_340 = vector.shape_cast %get3A_339 : vector<1x16x896xf32> to vector<16x896xf32>
    %get3A_341 = arith.constant 0 : index
    %get3A_342 = arith.constant 0 : index
    %get3A_343 = arith.constant 81536 : index
    %get3A_344 = vector.load %arg1[%get3A_341, %get3A_342, %get3A_343] : memref<1x16x100000xf32, #tpu.memory_space<vmem>>, vector<1x16x896xf32>
    %get3A_345 = vector.shape_cast %get3A_344 : vector<1x16x896xf32> to vector<16x896xf32>
    %get3A_346 = arith.constant 0 : index
    %get3A_347 = arith.constant 0 : index
    %get3A_348 = arith.constant 94080 : index
    %get3A_349 = vector.load %arg1[%get3A_346, %get3A_347, %get3A_348] : memref<1x16x100000xf32, #tpu.memory_space<vmem>>, vector<1x16x896xf32>
    %get3A_350 = vector.shape_cast %get3A_349 : vector<1x16x896xf32> to vector<16x896xf32>
    %concatenate3A_351 = tpu.concatenate %get3A_315, %get3A_320, %get3A_325, %get3A_330, %get3A_335, %get3A_340, %get3A_345, %get3A_350 in 0 : vector<16x896xf32>, vector<16x896xf32>, vector<16x896xf32>, vector<16x896xf32>, vector<16x896xf32>, vector<16x896xf32>, vector<16x896xf32>, vector<16x896xf32> -> vector<128x896xf32>
    %transpose3A_352 = tpu.transpose %concatenate3A_351, [1, 0] : vector<128x896xf32> -> vector<896x128xf32>
    %swap3A_353 = arith.constant 6272 : index
    %swap3A_354 = arith.constant 0 : index
    %swap3A_355 = vector.load %arg2[%swap3A_353, %swap3A_354] : memref<12544x128xf32, #tpu.memory_space<vmem>>, vector<896x128xf32>
    tpu.vector_store %arg2[%swap3A_353, %swap3A_354], %transpose3A_352 {strides = array<i32>} : memref<12544x128xf32, #tpu.memory_space<vmem>>, vector<896x128xf32>,
    %get3A_356 = arith.constant 0 : index
    %get3A_357 = arith.constant 0 : index
    %get3A_358 = arith.constant 7168 : index
    %get3A_359 = vector.load %arg1[%get3A_356, %get3A_357, %get3A_358] : memref<1x16x100000xf32, #tpu.memory_space<vmem>>, vector<1x16x896xf32>
    %get3A_360 = vector.shape_cast %get3A_359 : vector<1x16x896xf32> to vector<16x896xf32>
    %get3A_361 = arith.constant 0 : index
    %get3A_362 = arith.constant 0 : index
    %get3A_363 = arith.constant 19712 : index
    %get3A_364 = vector.load %arg1[%get3A_361, %get3A_362, %get3A_363] : memref<1x16x100000xf32, #tpu.memory_space<vmem>>, vector<1x16x896xf32>
    %get3A_365 = vector.shape_cast %get3A_364 : vector<1x16x896xf32> to vector<16x896xf32>
    %get3A_366 = arith.constant 0 : index
    %get3A_367 = arith.constant 0 : index
    %get3A_368 = arith.constant 32256 : index
    %get3A_369 = vector.load %arg1[%get3A_366, %get3A_367, %get3A_368] : memref<1x16x100000xf32, #tpu.memory_space<vmem>>, vector<1x16x896xf32>
    %get3A_370 = vector.shape_cast %get3A_369 : vector<1x16x896xf32> to vector<16x896xf32>
    %get3A_371 = arith.constant 0 : index
    %get3A_372 = arith.constant 0 : index
    %get3A_373 = arith.constant 44800 : index
    %get3A_374 = vector.load %arg1[%get3A_371, %get3A_372, %get3A_373] : memref<1x16x100000xf32, #tpu.memory_space<vmem>>, vector<1x16x896xf32>
    %get3A_375 = vector.shape_cast %get3A_374 : vector<1x16x896xf32> to vector<16x896xf32>
    %get3A_376 = arith.constant 0 : index
    %get3A_377 = arith.constant 0 : index
    %get3A_378 = arith.constant 57344 : index
    %get3A_379 = vector.load %arg1[%get3A_376, %get3A_377, %get3A_378] : memref<1x16x100000xf32, #tpu.memory_space<vmem>>, vector<1x16x896xf32>
    %get3A_380 = vector.shape_cast %get3A_379 : vector<1x16x896xf32> to vector<16x896xf32>
    %get3A_381 = arith.constant 0 : index
    %get3A_382 = arith.constant 0 : index
    %get3A_383 = arith.constant 69888 : index
    %get3A_384 = vector.load %arg1[%get3A_381, %get3A_382, %get3A_383] : memref<1x16x100000xf32, #tpu.memory_space<vmem>>, vector<1x16x896xf32>
    %get3A_385 = vector.shape_cast %get3A_384 : vector<1x16x896xf32> to vector<16x896xf32>
    %get3A_386 = arith.constant 0 : index
    %get3A_387 = arith.constant 0 : index
    %get3A_388 = arith.constant 82432 : index
    %get3A_389 = vector.load %arg1[%get3A_386, %get3A_387, %get3A_388] : memref<1x16x100000xf32, #tpu.memory_space<vmem>>, vector<1x16x896xf32>
    %get3A_390 = vector.shape_cast %get3A_389 : vector<1x16x896xf32> to vector<16x896xf32>
    %get3A_391 = arith.constant 0 : index
    %get3A_392 = arith.constant 0 : index
    %get3A_393 = arith.constant 94976 : index
    %get3A_394 = vector.load %arg1[%get3A_391, %get3A_392, %get3A_393] : memref<1x16x100000xf32, #tpu.memory_space<vmem>>, vector<1x16x896xf32>
    %get3A_395 = vector.shape_cast %get3A_394 : vector<1x16x896xf32> to vector<16x896xf32>
    %concatenate3A_396 = tpu.concatenate %get3A_360, %get3A_365, %get3A_370, %get3A_375, %get3A_380, %get3A_385, %get3A_390, %get3A_395 in 0 : vector<16x896xf32>, vector<16x896xf32>, vector<16x896xf32>, vector<16x896xf32>, vector<16x896xf32>, vector<16x896xf32>, vector<16x896xf32>, vector<16x896xf32> -> vector<128x896xf32>
    %transpose3A_397 = tpu.transpose %concatenate3A_396, [1, 0] : vector<128x896xf32> -> vector<896x128xf32>
    %swap3A_398 = arith.constant 7168 : index
    %swap3A_399 = arith.constant 0 : index
    %swap3A_400 = vector.load %arg2[%swap3A_398, %swap3A_399] : memref<12544x128xf32, #tpu.memory_space<vmem>>, vector<896x128xf32>
    tpu.vector_store %arg2[%swap3A_398, %swap3A_399], %transpose3A_397 {strides = array<i32>} : memref<12544x128xf32, #tpu.memory_space<vmem>>, vector<896x128xf32>,
    %get3A_401 = arith.constant 0 : index
    %get3A_402 = arith.constant 0 : index
    %get3A_403 = arith.constant 8064 : index
    %get3A_404 = vector.load %arg1[%get3A_401, %get3A_402, %get3A_403] : memref<1x16x100000xf32, #tpu.memory_space<vmem>>, vector<1x16x896xf32>
    %get3A_405 = vector.shape_cast %get3A_404 : vector<1x16x896xf32> to vector<16x896xf32>
    %get3A_406 = arith.constant 0 : index
    %get3A_407 = arith.constant 0 : index
    %get3A_408 = arith.constant 20608 : index
    %get3A_409 = vector.load %arg1[%get3A_406, %get3A_407, %get3A_408] : memref<1x16x100000xf32, #tpu.memory_space<vmem>>, vector<1x16x896xf32>
    %get3A_410 = vector.shape_cast %get3A_409 : vector<1x16x896xf32> to vector<16x896xf32>
    %get3A_411 = arith.constant 0 : index
    %get3A_412 = arith.constant 0 : index
    %get3A_413 = arith.constant 33152 : index
    %get3A_414 = vector.load %arg1[%get3A_411, %get3A_412, %get3A_413] : memref<1x16x100000xf32, #tpu.memory_space<vmem>>, vector<1x16x896xf32>
    %get3A_415 = vector.shape_cast %get3A_414 : vector<1x16x896xf32> to vector<16x896xf32>
    %get3A_416 = arith.constant 0 : index
    %get3A_417 = arith.constant 0 : index
    %get3A_418 = arith.constant 45696 : index
    %get3A_419 = vector.load %arg1[%get3A_416, %get3A_417, %get3A_418] : memref<1x16x100000xf32, #tpu.memory_space<vmem>>, vector<1x16x896xf32>
    %get3A_420 = vector.shape_cast %get3A_419 : vector<1x16x896xf32> to vector<16x896xf32>
    %get3A_421 = arith.constant 0 : index
    %get3A_422 = arith.constant 0 : index
    %get3A_423 = arith.constant 58240 : index
    %get3A_424 = vector.load %arg1[%get3A_421, %get3A_422, %get3A_423] : memref<1x16x100000xf32, #tpu.memory_space<vmem>>, vector<1x16x896xf32>
    %get3A_425 = vector.shape_cast %get3A_424 : vector<1x16x896xf32> to vector<16x896xf32>
    %get3A_426 = arith.constant 0 : index
    %get3A_427 = arith.constant 0 : index
    %get3A_428 = arith.constant 70784 : index
    %get3A_429 = vector.load %arg1[%get3A_426, %get3A_427, %get3A_428] : memref<1x16x100000xf32, #tpu.memory_space<vmem>>, vector<1x16x896xf32>
    %get3A_430 = vector.shape_cast %get3A_429 : vector<1x16x896xf32> to vector<16x896xf32>
    %get3A_431 = arith.constant 0 : index
    %get3A_432 = arith.constant 0 : index
    %get3A_433 = arith.constant 83328 : index
    %get3A_434 = vector.load %arg1[%get3A_431, %get3A_432, %get3A_433] : memref<1x16x100000xf32, #tpu.memory_space<vmem>>, vector<1x16x896xf32>
    %get3A_435 = vector.shape_cast %get3A_434 : vector<1x16x896xf32> to vector<16x896xf32>
    %get3A_436 = arith.constant 0 : index
    %get3A_437 = arith.constant 0 : index
    %get3A_438 = arith.constant 95872 : index
    %get3A_439 = vector.load %arg1[%get3A_436, %get3A_437, %get3A_438] : memref<1x16x100000xf32, #tpu.memory_space<vmem>>, vector<1x16x896xf32>
    %get3A_440 = vector.shape_cast %get3A_439 : vector<1x16x896xf32> to vector<16x896xf32>
    %concatenate3A_441 = tpu.concatenate %get3A_405, %get3A_410, %get3A_415, %get3A_420, %get3A_425, %get3A_430, %get3A_435, %get3A_440 in 0 : vector<16x896xf32>, vector<16x896xf32>, vector<16x896xf32>, vector<16x896xf32>, vector<16x896xf32>, vector<16x896xf32>, vector<16x896xf32>, vector<16x896xf32> -> vector<128x896xf32>
    %transpose3A_442 = tpu.transpose %concatenate3A_441, [1, 0] : vector<128x896xf32> -> vector<896x128xf32>
    %swap3A_443 = arith.constant 8064 : index
    %swap3A_444 = arith.constant 0 : index
    %swap3A_445 = vector.load %arg2[%swap3A_443, %swap3A_444] : memref<12544x128xf32, #tpu.memory_space<vmem>>, vector<896x128xf32>
    tpu.vector_store %arg2[%swap3A_443, %swap3A_444], %transpose3A_442 {strides = array<i32>} : memref<12544x128xf32, #tpu.memory_space<vmem>>, vector<896x128xf32>,
    %get3A_446 = arith.constant 0 : index
    %get3A_447 = arith.constant 0 : index
    %get3A_448 = arith.constant 8960 : index
    %get3A_449 = vector.load %arg1[%get3A_446, %get3A_447, %get3A_448] : memref<1x16x100000xf32, #tpu.memory_space<vmem>>, vector<1x16x896xf32>
    %get3A_450 = vector.shape_cast %get3A_449 : vector<1x16x896xf32> to vector<16x896xf32>
    %get3A_451 = arith.constant 0 : index
    %get3A_452 = arith.constant 0 : index
    %get3A_453 = arith.constant 21504 : index
    %get3A_454 = vector.load %arg1[%get3A_451, %get3A_452, %get3A_453] : memref<1x16x100000xf32, #tpu.memory_space<vmem>>, vector<1x16x896xf32>
    %get3A_455 = vector.shape_cast %get3A_454 : vector<1x16x896xf32> to vector<16x896xf32>
    %get3A_456 = arith.constant 0 : index
    %get3A_457 = arith.constant 0 : index
    %get3A_458 = arith.constant 34048 : index
    %get3A_459 = vector.load %arg1[%get3A_456, %get3A_457, %get3A_458] : memref<1x16x100000xf32, #tpu.memory_space<vmem>>, vector<1x16x896xf32>
    %get3A_460 = vector.shape_cast %get3A_459 : vector<1x16x896xf32> to vector<16x896xf32>
    %get3A_461 = arith.constant 0 : index
    %get3A_462 = arith.constant 0 : index
    %get3A_463 = arith.constant 46592 : index
    %get3A_464 = vector.load %arg1[%get3A_461, %get3A_462, %get3A_463] : memref<1x16x100000xf32, #tpu.memory_space<vmem>>, vector<1x16x896xf32>
    %get3A_465 = vector.shape_cast %get3A_464 : vector<1x16x896xf32> to vector<16x896xf32>
    %get3A_466 = arith.constant 0 : index
    %get3A_467 = arith.constant 0 : index
    %get3A_468 = arith.constant 59136 : index
    %get3A_469 = vector.load %arg1[%get3A_466, %get3A_467, %get3A_468] : memref<1x16x100000xf32, #tpu.memory_space<vmem>>, vector<1x16x896xf32>
    %get3A_470 = vector.shape_cast %get3A_469 : vector<1x16x896xf32> to vector<16x896xf32>
    %get3A_471 = arith.constant 0 : index
    %get3A_472 = arith.constant 0 : index
    %get3A_473 = arith.constant 71680 : index
    %get3A_474 = vector.load %arg1[%get3A_471, %get3A_472, %get3A_473] : memref<1x16x100000xf32, #tpu.memory_space<vmem>>, vector<1x16x896xf32>
    %get3A_475 = vector.shape_cast %get3A_474 : vector<1x16x896xf32> to vector<16x896xf32>
    %get3A_476 = arith.constant 0 : index
    %get3A_477 = arith.constant 0 : index
    %get3A_478 = arith.constant 84224 : index
    %get3A_479 = vector.load %arg1[%get3A_476, %get3A_477, %get3A_478] : memref<1x16x100000xf32, #tpu.memory_space<vmem>>, vector<1x16x896xf32>
    %get3A_480 = vector.shape_cast %get3A_479 : vector<1x16x896xf32> to vector<16x896xf32>
    %get3A_481 = arith.constant 0 : index
    %get3A_482 = arith.constant 0 : index
    %get3A_483 = arith.constant 96768 : index
    %get3A_484 = vector.load %arg1[%get3A_481, %get3A_482, %get3A_483] : memref<1x16x100000xf32, #tpu.memory_space<vmem>>, vector<1x16x896xf32>
    %get3A_485 = vector.shape_cast %get3A_484 : vector<1x16x896xf32> to vector<16x896xf32>
    %concatenate3A_486 = tpu.concatenate %get3A_450, %get3A_455, %get3A_460, %get3A_465, %get3A_470, %get3A_475, %get3A_480, %get3A_485 in 0 : vector<16x896xf32>, vector<16x896xf32>, vector<16x896xf32>, vector<16x896xf32>, vector<16x896xf32>, vector<16x896xf32>, vector<16x896xf32>, vector<16x896xf32> -> vector<128x896xf32>
    %transpose3A_487 = tpu.transpose %concatenate3A_486, [1, 0] : vector<128x896xf32> -> vector<896x128xf32>
    %swap3A_488 = arith.constant 8960 : index
    %swap3A_489 = arith.constant 0 : index
    %swap3A_490 = vector.load %arg2[%swap3A_488, %swap3A_489] : memref<12544x128xf32, #tpu.memory_space<vmem>>, vector<896x128xf32>
    tpu.vector_store %arg2[%swap3A_488, %swap3A_489], %transpose3A_487 {strides = array<i32>} : memref<12544x128xf32, #tpu.memory_space<vmem>>, vector<896x128xf32>,
    %get3A_491 = arith.constant 0 : index
    %get3A_492 = arith.constant 0 : index
    %get3A_493 = arith.constant 9856 : index
    %get3A_494 = vector.load %arg1[%get3A_491, %get3A_492, %get3A_493] : memref<1x16x100000xf32, #tpu.memory_space<vmem>>, vector<1x16x896xf32>
    %get3A_495 = vector.shape_cast %get3A_494 : vector<1x16x896xf32> to vector<16x896xf32>
    %get3A_496 = arith.constant 0 : index
    %get3A_497 = arith.constant 0 : index
    %get3A_498 = arith.constant 22400 : index
    %get3A_499 = vector.load %arg1[%get3A_496, %get3A_497, %get3A_498] : memref<1x16x100000xf32, #tpu.memory_space<vmem>>, vector<1x16x896xf32>
    %get3A_500 = vector.shape_cast %get3A_499 : vector<1x16x896xf32> to vector<16x896xf32>
    %get3A_501 = arith.constant 0 : index
    %get3A_502 = arith.constant 0 : index
    %get3A_503 = arith.constant 34944 : index
    %get3A_504 = vector.load %arg1[%get3A_501, %get3A_502, %get3A_503] : memref<1x16x100000xf32, #tpu.memory_space<vmem>>, vector<1x16x896xf32>
    %get3A_505 = vector.shape_cast %get3A_504 : vector<1x16x896xf32> to vector<16x896xf32>
    %get3A_506 = arith.constant 0 : index
    %get3A_507 = arith.constant 0 : index
    %get3A_508 = arith.constant 47488 : index
    %get3A_509 = vector.load %arg1[%get3A_506, %get3A_507, %get3A_508] : memref<1x16x100000xf32, #tpu.memory_space<vmem>>, vector<1x16x896xf32>
    %get3A_510 = vector.shape_cast %get3A_509 : vector<1x16x896xf32> to vector<16x896xf32>
    %get3A_511 = arith.constant 0 : index
    %get3A_512 = arith.constant 0 : index
    %get3A_513 = arith.constant 60032 : index
    %get3A_514 = vector.load %arg1[%get3A_511, %get3A_512, %get3A_513] : memref<1x16x100000xf32, #tpu.memory_space<vmem>>, vector<1x16x896xf32>
    %get3A_515 = vector.shape_cast %get3A_514 : vector<1x16x896xf32> to vector<16x896xf32>
    %get3A_516 = arith.constant 0 : index
    %get3A_517 = arith.constant 0 : index
    %get3A_518 = arith.constant 72576 : index
    %get3A_519 = vector.load %arg1[%get3A_516, %get3A_517, %get3A_518] : memref<1x16x100000xf32, #tpu.memory_space<vmem>>, vector<1x16x896xf32>
    %get3A_520 = vector.shape_cast %get3A_519 : vector<1x16x896xf32> to vector<16x896xf32>
    %get3A_521 = arith.constant 0 : index
    %get3A_522 = arith.constant 0 : index
    %get3A_523 = arith.constant 85120 : index
    %get3A_524 = vector.load %arg1[%get3A_521, %get3A_522, %get3A_523] : memref<1x16x100000xf32, #tpu.memory_space<vmem>>, vector<1x16x896xf32>
    %get3A_525 = vector.shape_cast %get3A_524 : vector<1x16x896xf32> to vector<16x896xf32>
    %get3A_526 = arith.constant 0 : index
    %get3A_527 = arith.constant 0 : index
    %get3A_528 = arith.constant 97664 : index
    %get3A_529 = vector.load %arg1[%get3A_526, %get3A_527, %get3A_528] : memref<1x16x100000xf32, #tpu.memory_space<vmem>>, vector<1x16x896xf32>
    %get3A_530 = vector.shape_cast %get3A_529 : vector<1x16x896xf32> to vector<16x896xf32>
    %concatenate3A_531 = tpu.concatenate %get3A_495, %get3A_500, %get3A_505, %get3A_510, %get3A_515, %get3A_520, %get3A_525, %get3A_530 in 0 : vector<16x896xf32>, vector<16x896xf32>, vector<16x896xf32>, vector<16x896xf32>, vector<16x896xf32>, vector<16x896xf32>, vector<16x896xf32>, vector<16x896xf32> -> vector<128x896xf32>
    %transpose3A_532 = tpu.transpose %concatenate3A_531, [1, 0] : vector<128x896xf32> -> vector<896x128xf32>
    %swap3A_533 = arith.constant 9856 : index
    %swap3A_534 = arith.constant 0 : index
    %swap3A_535 = vector.load %arg2[%swap3A_533, %swap3A_534] : memref<12544x128xf32, #tpu.memory_space<vmem>>, vector<896x128xf32>
    tpu.vector_store %arg2[%swap3A_533, %swap3A_534], %transpose3A_532 {strides = array<i32>} : memref<12544x128xf32, #tpu.memory_space<vmem>>, vector<896x128xf32>,
    %get3A_536 = arith.constant 0 : index
    %get3A_537 = arith.constant 0 : index
    %get3A_538 = arith.constant 10752 : index
    %get3A_539 = vector.load %arg1[%get3A_536, %get3A_537, %get3A_538] : memref<1x16x100000xf32, #tpu.memory_space<vmem>>, vector<1x16x896xf32>
    %get3A_540 = vector.shape_cast %get3A_539 : vector<1x16x896xf32> to vector<16x896xf32>
    %get3A_541 = arith.constant 0 : index
    %get3A_542 = arith.constant 0 : index
    %get3A_543 = arith.constant 23296 : index
    %get3A_544 = vector.load %arg1[%get3A_541, %get3A_542, %get3A_543] : memref<1x16x100000xf32, #tpu.memory_space<vmem>>, vector<1x16x896xf32>
    %get3A_545 = vector.shape_cast %get3A_544 : vector<1x16x896xf32> to vector<16x896xf32>
    %get3A_546 = arith.constant 0 : index
    %get3A_547 = arith.constant 0 : index
    %get3A_548 = arith.constant 35840 : index
    %get3A_549 = vector.load %arg1[%get3A_546, %get3A_547, %get3A_548] : memref<1x16x100000xf32, #tpu.memory_space<vmem>>, vector<1x16x896xf32>
    %get3A_550 = vector.shape_cast %get3A_549 : vector<1x16x896xf32> to vector<16x896xf32>
    %get3A_551 = arith.constant 0 : index
    %get3A_552 = arith.constant 0 : index
    %get3A_553 = arith.constant 48384 : index
    %get3A_554 = vector.load %arg1[%get3A_551, %get3A_552, %get3A_553] : memref<1x16x100000xf32, #tpu.memory_space<vmem>>, vector<1x16x896xf32>
    %get3A_555 = vector.shape_cast %get3A_554 : vector<1x16x896xf32> to vector<16x896xf32>
    %get3A_556 = arith.constant 0 : index
    %get3A_557 = arith.constant 0 : index
    %get3A_558 = arith.constant 60928 : index
    %get3A_559 = vector.load %arg1[%get3A_556, %get3A_557, %get3A_558] : memref<1x16x100000xf32, #tpu.memory_space<vmem>>, vector<1x16x896xf32>
    %get3A_560 = vector.shape_cast %get3A_559 : vector<1x16x896xf32> to vector<16x896xf32>
    %get3A_561 = arith.constant 0 : index
    %get3A_562 = arith.constant 0 : index
    %get3A_563 = arith.constant 73472 : index
    %get3A_564 = vector.load %arg1[%get3A_561, %get3A_562, %get3A_563] : memref<1x16x100000xf32, #tpu.memory_space<vmem>>, vector<1x16x896xf32>
    %get3A_565 = vector.shape_cast %get3A_564 : vector<1x16x896xf32> to vector<16x896xf32>
    %get3A_566 = arith.constant 0 : index
    %get3A_567 = arith.constant 0 : index
    %get3A_568 = arith.constant 86016 : index
    %get3A_569 = vector.load %arg1[%get3A_566, %get3A_567, %get3A_568] : memref<1x16x100000xf32, #tpu.memory_space<vmem>>, vector<1x16x896xf32>
    %get3A_570 = vector.shape_cast %get3A_569 : vector<1x16x896xf32> to vector<16x896xf32>
    %get3A_571 = arith.constant 0 : index
    %get3A_572 = arith.constant 0 : index
    %get3A_573 = arith.constant 98560 : index
    %get3A_574 = vector.load %arg1[%get3A_571, %get3A_572, %get3A_573] : memref<1x16x100000xf32, #tpu.memory_space<vmem>>, vector<1x16x896xf32>
    %get3A_575 = vector.shape_cast %get3A_574 : vector<1x16x896xf32> to vector<16x896xf32>
    %concatenate3A_576 = tpu.concatenate %get3A_540, %get3A_545, %get3A_550, %get3A_555, %get3A_560, %get3A_565, %get3A_570, %get3A_575 in 0 : vector<16x896xf32>, vector<16x896xf32>, vector<16x896xf32>, vector<16x896xf32>, vector<16x896xf32>, vector<16x896xf32>, vector<16x896xf32>, vector<16x896xf32> -> vector<128x896xf32>
    %transpose3A_577 = tpu.transpose %concatenate3A_576, [1, 0] : vector<128x896xf32> -> vector<896x128xf32>
    %swap3A_578 = arith.constant 10752 : index
    %swap3A_579 = arith.constant 0 : index
    %swap3A_580 = vector.load %arg2[%swap3A_578, %swap3A_579] : memref<12544x128xf32, #tpu.memory_space<vmem>>, vector<896x128xf32>
    tpu.vector_store %arg2[%swap3A_578, %swap3A_579], %transpose3A_577 {strides = array<i32>} : memref<12544x128xf32, #tpu.memory_space<vmem>>, vector<896x128xf32>,
    %get3A_581 = arith.constant 0 : index
    %get3A_582 = arith.constant 0 : index
    %get3A_583 = arith.constant 11648 : index
    %get3A_584 = vector.load %arg1[%get3A_581, %get3A_582, %get3A_583] : memref<1x16x100000xf32, #tpu.memory_space<vmem>>, vector<1x16x896xf32>
    %get3A_585 = vector.shape_cast %get3A_584 : vector<1x16x896xf32> to vector<16x896xf32>
    %get3A_586 = arith.constant 0 : index
    %get3A_587 = arith.constant 0 : index
    %get3A_588 = arith.constant 24192 : index
    %get3A_589 = vector.load %arg1[%get3A_586, %get3A_587, %get3A_588] : memref<1x16x100000xf32, #tpu.memory_space<vmem>>, vector<1x16x896xf32>
    %get3A_590 = vector.shape_cast %get3A_589 : vector<1x16x896xf32> to vector<16x896xf32>
    %get3A_591 = arith.constant 0 : index
    %get3A_592 = arith.constant 0 : index
    %get3A_593 = arith.constant 36736 : index
    %get3A_594 = vector.load %arg1[%get3A_591, %get3A_592, %get3A_593] : memref<1x16x100000xf32, #tpu.memory_space<vmem>>, vector<1x16x896xf32>
    %get3A_595 = vector.shape_cast %get3A_594 : vector<1x16x896xf32> to vector<16x896xf32>
    %get3A_596 = arith.constant 0 : index
    %get3A_597 = arith.constant 0 : index
    %get3A_598 = arith.constant 49280 : index
    %get3A_599 = vector.load %arg1[%get3A_596, %get3A_597, %get3A_598] : memref<1x16x100000xf32, #tpu.memory_space<vmem>>, vector<1x16x896xf32>
    %get3A_600 = vector.shape_cast %get3A_599 : vector<1x16x896xf32> to vector<16x896xf32>
    %get3A_601 = arith.constant 0 : index
    %get3A_602 = arith.constant 0 : index
    %get3A_603 = arith.constant 61824 : index
    %get3A_604 = vector.load %arg1[%get3A_601, %get3A_602, %get3A_603] : memref<1x16x100000xf32, #tpu.memory_space<vmem>>, vector<1x16x896xf32>
    %get3A_605 = vector.shape_cast %get3A_604 : vector<1x16x896xf32> to vector<16x896xf32>
    %get3A_606 = arith.constant 0 : index
    %get3A_607 = arith.constant 0 : index
    %get3A_608 = arith.constant 74368 : index
    %get3A_609 = vector.load %arg1[%get3A_606, %get3A_607, %get3A_608] : memref<1x16x100000xf32, #tpu.memory_space<vmem>>, vector<1x16x896xf32>
    %get3A_610 = vector.shape_cast %get3A_609 : vector<1x16x896xf32> to vector<16x896xf32>
    %get3A_611 = arith.constant 0 : index
    %get3A_612 = arith.constant 0 : index
    %get3A_613 = arith.constant 86912 : index
    %get3A_614 = vector.load %arg1[%get3A_611, %get3A_612, %get3A_613] : memref<1x16x100000xf32, #tpu.memory_space<vmem>>, vector<1x16x896xf32>
    %get3A_615 = vector.shape_cast %get3A_614 : vector<1x16x896xf32> to vector<16x896xf32>
    %get3A_616 = arith.constant 0 : index
    %get3A_617 = arith.constant 0 : index
    %get3A_618 = arith.constant 99456 : index
    %get3A_619 = vector.load %arg1[%get3A_616, %get3A_617, %get3A_618] : memref<1x16x100000xf32, #tpu.memory_space<vmem>>, vector<1x16x544xf32>
    %get3A_620 = vector.shape_cast %get3A_619 : vector<1x16x544xf32> to vector<16x544xf32>
    %broadcast_in_dim3A = arith.constant 0.000000e+00 : f32
    %broadcast_in_dim3A_621 = vector.broadcast %broadcast_in_dim3A : f32 to vector<16x352xf32>
    %concatenate3A_622 = tpu.concatenate %get3A_620, %broadcast_in_dim3A_621 in 1 : vector<16x544xf32>, vector<16x352xf32> -> vector<16x896xf32>
    %concatenate3A_623 = tpu.concatenate %get3A_585, %get3A_590, %get3A_595, %get3A_600, %get3A_605, %get3A_610, %get3A_615, %concatenate3A_622 in 0 : vector<16x896xf32>, vector<16x896xf32>, vector<16x896xf32>, vector<16x896xf32>, vector<16x896xf32>, vector<16x896xf32>, vector<16x896xf32>, vector<16x896xf32> -> vector<128x896xf32>
    %transpose3A_624 = tpu.transpose %concatenate3A_623, [1, 0] : vector<128x896xf32> -> vector<896x128xf32>
    %swap3A_625 = arith.constant 11648 : index
    %swap3A_626 = arith.constant 0 : index
    %swap3A_627 = vector.load %arg2[%swap3A_625, %swap3A_626] : memref<12544x128xf32, #tpu.memory_space<vmem>>, vector<896x128xf32>
    tpu.vector_store %arg2[%swap3A_625, %swap3A_626], %transpose3A_624 {strides = array<i32>} : memref<12544x128xf32, #tpu.memory_space<vmem>>, vector<896x128xf32>,
    return
  }
  func.func @transform_0(%arg0: i32) -> (i32, i32, i32) {
    %c0_i32 = arith.constant 0 : i32
    %c0_i32_0 = arith.constant 0 : i32
    %c0_i32_1 = arith.constant 0 : i32
    return %arg0, %c0_i32, %c0_i32_0 : i32, i32, i32
  }
  func.func @transform_1(%arg0: i32) -> (i32, i32) {
    %c0_i32 = arith.constant 0 : i32
    %c0_i32_0 = arith.constant 0 : i32
    return %arg0, %c0_i32 : i32, i32
  }
}

module attributes {stable_mosaic.version = 14 : i64} {
  func.func @_relayout_t_body(%arg0: i32, %arg1: memref<16x100000xf32, #tpu.memory_space<vmem>>, %arg2: memref<12544x128xf32, #tpu.memory_space<vmem>>) attributes {dimension_semantics = [#tpu.dimension_semantics<arbitrary>], iteration_bounds = array<i64: 1>, scalar_prefetch = 0 : i64, scratch_operands = 0 : i64, tpu.core_type = #tpu.core_type<tc>, window_params = [{pipeline_mode = #tpu.pipeline_mode<synchronous>, transform_indices = @transform_0, window_bounds = array<i64: 16, 100000>}, {pipeline_mode = #tpu.pipeline_mode<synchronous>, transform_indices = @transform_1, window_bounds = array<i64: 12544, 128>}]} {
    %get3A = arith.constant 0 : index
    %get3A_0 = arith.constant 0 : index
    %get3A_1 = vector.load %arg1[%get3A, %get3A_0] : memref<16x100000xf32, #tpu.memory_space<vmem>>, vector<16x896xf32>
    %get3A_2 = arith.constant 0 : index
    %get3A_3 = arith.constant 12544 : index
    %get3A_4 = vector.load %arg1[%get3A_2, %get3A_3] : memref<16x100000xf32, #tpu.memory_space<vmem>>, vector<16x896xf32>
    %get3A_5 = arith.constant 0 : index
    %get3A_6 = arith.constant 25088 : index
    %get3A_7 = vector.load %arg1[%get3A_5, %get3A_6] : memref<16x100000xf32, #tpu.memory_space<vmem>>, vector<16x896xf32>
    %get3A_8 = arith.constant 0 : index
    %get3A_9 = arith.constant 37632 : index
    %get3A_10 = vector.load %arg1[%get3A_8, %get3A_9] : memref<16x100000xf32, #tpu.memory_space<vmem>>, vector<16x896xf32>
    %get3A_11 = arith.constant 0 : index
    %get3A_12 = arith.constant 50176 : index
    %get3A_13 = vector.load %arg1[%get3A_11, %get3A_12] : memref<16x100000xf32, #tpu.memory_space<vmem>>, vector<16x896xf32>
    %get3A_14 = arith.constant 0 : index
    %get3A_15 = arith.constant 62720 : index
    %get3A_16 = vector.load %arg1[%get3A_14, %get3A_15] : memref<16x100000xf32, #tpu.memory_space<vmem>>, vector<16x896xf32>
    %get3A_17 = arith.constant 0 : index
    %get3A_18 = arith.constant 75264 : index
    %get3A_19 = vector.load %arg1[%get3A_17, %get3A_18] : memref<16x100000xf32, #tpu.memory_space<vmem>>, vector<16x896xf32>
    %get3A_20 = arith.constant 0 : index
    %get3A_21 = arith.constant 87808 : index
    %get3A_22 = vector.load %arg1[%get3A_20, %get3A_21] : memref<16x100000xf32, #tpu.memory_space<vmem>>, vector<16x896xf32>
    %concatenate3A = tpu.concatenate %get3A_1, %get3A_4, %get3A_7, %get3A_10, %get3A_13, %get3A_16, %get3A_19, %get3A_22 in 0 : vector<16x896xf32>, vector<16x896xf32>, vector<16x896xf32>, vector<16x896xf32>, vector<16x896xf32>, vector<16x896xf32>, vector<16x896xf32>, vector<16x896xf32> -> vector<128x896xf32>
    %transpose3A = tpu.transpose %concatenate3A, [1, 0] : vector<128x896xf32> -> vector<896x128xf32>
    %swap3A = arith.constant 0 : index
    %swap3A_23 = arith.constant 0 : index
    %swap3A_24 = vector.load %arg2[%swap3A, %swap3A_23] : memref<12544x128xf32, #tpu.memory_space<vmem>>, vector<896x128xf32>
    tpu.vector_store %arg2[%swap3A, %swap3A_23], %transpose3A {strides = array<i32>} : memref<12544x128xf32, #tpu.memory_space<vmem>>, vector<896x128xf32>,
    %get3A_25 = arith.constant 0 : index
    %get3A_26 = arith.constant 896 : index
    %get3A_27 = vector.load %arg1[%get3A_25, %get3A_26] : memref<16x100000xf32, #tpu.memory_space<vmem>>, vector<16x896xf32>
    %get3A_28 = arith.constant 0 : index
    %get3A_29 = arith.constant 13440 : index
    %get3A_30 = vector.load %arg1[%get3A_28, %get3A_29] : memref<16x100000xf32, #tpu.memory_space<vmem>>, vector<16x896xf32>
    %get3A_31 = arith.constant 0 : index
    %get3A_32 = arith.constant 25984 : index
    %get3A_33 = vector.load %arg1[%get3A_31, %get3A_32] : memref<16x100000xf32, #tpu.memory_space<vmem>>, vector<16x896xf32>
    %get3A_34 = arith.constant 0 : index
    %get3A_35 = arith.constant 38528 : index
    %get3A_36 = vector.load %arg1[%get3A_34, %get3A_35] : memref<16x100000xf32, #tpu.memory_space<vmem>>, vector<16x896xf32>
    %get3A_37 = arith.constant 0 : index
    %get3A_38 = arith.constant 51072 : index
    %get3A_39 = vector.load %arg1[%get3A_37, %get3A_38] : memref<16x100000xf32, #tpu.memory_space<vmem>>, vector<16x896xf32>
    %get3A_40 = arith.constant 0 : index
    %get3A_41 = arith.constant 63616 : index
    %get3A_42 = vector.load %arg1[%get3A_40, %get3A_41] : memref<16x100000xf32, #tpu.memory_space<vmem>>, vector<16x896xf32>
    %get3A_43 = arith.constant 0 : index
    %get3A_44 = arith.constant 76160 : index
    %get3A_45 = vector.load %arg1[%get3A_43, %get3A_44] : memref<16x100000xf32, #tpu.memory_space<vmem>>, vector<16x896xf32>
    %get3A_46 = arith.constant 0 : index
    %get3A_47 = arith.constant 88704 : index
    %get3A_48 = vector.load %arg1[%get3A_46, %get3A_47] : memref<16x100000xf32, #tpu.memory_space<vmem>>, vector<16x896xf32>
    %concatenate3A_49 = tpu.concatenate %get3A_27, %get3A_30, %get3A_33, %get3A_36, %get3A_39, %get3A_42, %get3A_45, %get3A_48 in 0 : vector<16x896xf32>, vector<16x896xf32>, vector<16x896xf32>, vector<16x896xf32>, vector<16x896xf32>, vector<16x896xf32>, vector<16x896xf32>, vector<16x896xf32> -> vector<128x896xf32>
    %transpose3A_50 = tpu.transpose %concatenate3A_49, [1, 0] : vector<128x896xf32> -> vector<896x128xf32>
    %swap3A_51 = arith.constant 896 : index
    %swap3A_52 = arith.constant 0 : index
    %swap3A_53 = vector.load %arg2[%swap3A_51, %swap3A_52] : memref<12544x128xf32, #tpu.memory_space<vmem>>, vector<896x128xf32>
    tpu.vector_store %arg2[%swap3A_51, %swap3A_52], %transpose3A_50 {strides = array<i32>} : memref<12544x128xf32, #tpu.memory_space<vmem>>, vector<896x128xf32>,
    %get3A_54 = arith.constant 0 : index
    %get3A_55 = arith.constant 1792 : index
    %get3A_56 = vector.load %arg1[%get3A_54, %get3A_55] : memref<16x100000xf32, #tpu.memory_space<vmem>>, vector<16x896xf32>
    %get3A_57 = arith.constant 0 : index
    %get3A_58 = arith.constant 14336 : index
    %get3A_59 = vector.load %arg1[%get3A_57, %get3A_58] : memref<16x100000xf32, #tpu.memory_space<vmem>>, vector<16x896xf32>
    %get3A_60 = arith.constant 0 : index
    %get3A_61 = arith.constant 26880 : index
    %get3A_62 = vector.load %arg1[%get3A_60, %get3A_61] : memref<16x100000xf32, #tpu.memory_space<vmem>>, vector<16x896xf32>
    %get3A_63 = arith.constant 0 : index
    %get3A_64 = arith.constant 39424 : index
    %get3A_65 = vector.load %arg1[%get3A_63, %get3A_64] : memref<16x100000xf32, #tpu.memory_space<vmem>>, vector<16x896xf32>
    %get3A_66 = arith.constant 0 : index
    %get3A_67 = arith.constant 51968 : index
    %get3A_68 = vector.load %arg1[%get3A_66, %get3A_67] : memref<16x100000xf32, #tpu.memory_space<vmem>>, vector<16x896xf32>
    %get3A_69 = arith.constant 0 : index
    %get3A_70 = arith.constant 64512 : index
    %get3A_71 = vector.load %arg1[%get3A_69, %get3A_70] : memref<16x100000xf32, #tpu.memory_space<vmem>>, vector<16x896xf32>
    %get3A_72 = arith.constant 0 : index
    %get3A_73 = arith.constant 77056 : index
    %get3A_74 = vector.load %arg1[%get3A_72, %get3A_73] : memref<16x100000xf32, #tpu.memory_space<vmem>>, vector<16x896xf32>
    %get3A_75 = arith.constant 0 : index
    %get3A_76 = arith.constant 89600 : index
    %get3A_77 = vector.load %arg1[%get3A_75, %get3A_76] : memref<16x100000xf32, #tpu.memory_space<vmem>>, vector<16x896xf32>
    %concatenate3A_78 = tpu.concatenate %get3A_56, %get3A_59, %get3A_62, %get3A_65, %get3A_68, %get3A_71, %get3A_74, %get3A_77 in 0 : vector<16x896xf32>, vector<16x896xf32>, vector<16x896xf32>, vector<16x896xf32>, vector<16x896xf32>, vector<16x896xf32>, vector<16x896xf32>, vector<16x896xf32> -> vector<128x896xf32>
    %transpose3A_79 = tpu.transpose %concatenate3A_78, [1, 0] : vector<128x896xf32> -> vector<896x128xf32>
    %swap3A_80 = arith.constant 1792 : index
    %swap3A_81 = arith.constant 0 : index
    %swap3A_82 = vector.load %arg2[%swap3A_80, %swap3A_81] : memref<12544x128xf32, #tpu.memory_space<vmem>>, vector<896x128xf32>
    tpu.vector_store %arg2[%swap3A_80, %swap3A_81], %transpose3A_79 {strides = array<i32>} : memref<12544x128xf32, #tpu.memory_space<vmem>>, vector<896x128xf32>,
    %get3A_83 = arith.constant 0 : index
    %get3A_84 = arith.constant 2688 : index
    %get3A_85 = vector.load %arg1[%get3A_83, %get3A_84] : memref<16x100000xf32, #tpu.memory_space<vmem>>, vector<16x896xf32>
    %get3A_86 = arith.constant 0 : index
    %get3A_87 = arith.constant 15232 : index
    %get3A_88 = vector.load %arg1[%get3A_86, %get3A_87] : memref<16x100000xf32, #tpu.memory_space<vmem>>, vector<16x896xf32>
    %get3A_89 = arith.constant 0 : index
    %get3A_90 = arith.constant 27776 : index
    %get3A_91 = vector.load %arg1[%get3A_89, %get3A_90] : memref<16x100000xf32, #tpu.memory_space<vmem>>, vector<16x896xf32>
    %get3A_92 = arith.constant 0 : index
    %get3A_93 = arith.constant 40320 : index
    %get3A_94 = vector.load %arg1[%get3A_92, %get3A_93] : memref<16x100000xf32, #tpu.memory_space<vmem>>, vector<16x896xf32>
    %get3A_95 = arith.constant 0 : index
    %get3A_96 = arith.constant 52864 : index
    %get3A_97 = vector.load %arg1[%get3A_95, %get3A_96] : memref<16x100000xf32, #tpu.memory_space<vmem>>, vector<16x896xf32>
    %get3A_98 = arith.constant 0 : index
    %get3A_99 = arith.constant 65408 : index
    %get3A_100 = vector.load %arg1[%get3A_98, %get3A_99] : memref<16x100000xf32, #tpu.memory_space<vmem>>, vector<16x896xf32>
    %get3A_101 = arith.constant 0 : index
    %get3A_102 = arith.constant 77952 : index
    %get3A_103 = vector.load %arg1[%get3A_101, %get3A_102] : memref<16x100000xf32, #tpu.memory_space<vmem>>, vector<16x896xf32>
    %get3A_104 = arith.constant 0 : index
    %get3A_105 = arith.constant 90496 : index
    %get3A_106 = vector.load %arg1[%get3A_104, %get3A_105] : memref<16x100000xf32, #tpu.memory_space<vmem>>, vector<16x896xf32>
    %concatenate3A_107 = tpu.concatenate %get3A_85, %get3A_88, %get3A_91, %get3A_94, %get3A_97, %get3A_100, %get3A_103, %get3A_106 in 0 : vector<16x896xf32>, vector<16x896xf32>, vector<16x896xf32>, vector<16x896xf32>, vector<16x896xf32>, vector<16x896xf32>, vector<16x896xf32>, vector<16x896xf32> -> vector<128x896xf32>
    %transpose3A_108 = tpu.transpose %concatenate3A_107, [1, 0] : vector<128x896xf32> -> vector<896x128xf32>
    %swap3A_109 = arith.constant 2688 : index
    %swap3A_110 = arith.constant 0 : index
    %swap3A_111 = vector.load %arg2[%swap3A_109, %swap3A_110] : memref<12544x128xf32, #tpu.memory_space<vmem>>, vector<896x128xf32>
    tpu.vector_store %arg2[%swap3A_109, %swap3A_110], %transpose3A_108 {strides = array<i32>} : memref<12544x128xf32, #tpu.memory_space<vmem>>, vector<896x128xf32>,
    %get3A_112 = arith.constant 0 : index
    %get3A_113 = arith.constant 3584 : index
    %get3A_114 = vector.load %arg1[%get3A_112, %get3A_113] : memref<16x100000xf32, #tpu.memory_space<vmem>>, vector<16x896xf32>
    %get3A_115 = arith.constant 0 : index
    %get3A_116 = arith.constant 16128 : index
    %get3A_117 = vector.load %arg1[%get3A_115, %get3A_116] : memref<16x100000xf32, #tpu.memory_space<vmem>>, vector<16x896xf32>
    %get3A_118 = arith.constant 0 : index
    %get3A_119 = arith.constant 28672 : index
    %get3A_120 = vector.load %arg1[%get3A_118, %get3A_119] : memref<16x100000xf32, #tpu.memory_space<vmem>>, vector<16x896xf32>
    %get3A_121 = arith.constant 0 : index
    %get3A_122 = arith.constant 41216 : index
    %get3A_123 = vector.load %arg1[%get3A_121, %get3A_122] : memref<16x100000xf32, #tpu.memory_space<vmem>>, vector<16x896xf32>
    %get3A_124 = arith.constant 0 : index
    %get3A_125 = arith.constant 53760 : index
    %get3A_126 = vector.load %arg1[%get3A_124, %get3A_125] : memref<16x100000xf32, #tpu.memory_space<vmem>>, vector<16x896xf32>
    %get3A_127 = arith.constant 0 : index
    %get3A_128 = arith.constant 66304 : index
    %get3A_129 = vector.load %arg1[%get3A_127, %get3A_128] : memref<16x100000xf32, #tpu.memory_space<vmem>>, vector<16x896xf32>
    %get3A_130 = arith.constant 0 : index
    %get3A_131 = arith.constant 78848 : index
    %get3A_132 = vector.load %arg1[%get3A_130, %get3A_131] : memref<16x100000xf32, #tpu.memory_space<vmem>>, vector<16x896xf32>
    %get3A_133 = arith.constant 0 : index
    %get3A_134 = arith.constant 91392 : index
    %get3A_135 = vector.load %arg1[%get3A_133, %get3A_134] : memref<16x100000xf32, #tpu.memory_space<vmem>>, vector<16x896xf32>
    %concatenate3A_136 = tpu.concatenate %get3A_114, %get3A_117, %get3A_120, %get3A_123, %get3A_126, %get3A_129, %get3A_132, %get3A_135 in 0 : vector<16x896xf32>, vector<16x896xf32>, vector<16x896xf32>, vector<16x896xf32>, vector<16x896xf32>, vector<16x896xf32>, vector<16x896xf32>, vector<16x896xf32> -> vector<128x896xf32>
    %transpose3A_137 = tpu.transpose %concatenate3A_136, [1, 0] : vector<128x896xf32> -> vector<896x128xf32>
    %swap3A_138 = arith.constant 3584 : index
    %swap3A_139 = arith.constant 0 : index
    %swap3A_140 = vector.load %arg2[%swap3A_138, %swap3A_139] : memref<12544x128xf32, #tpu.memory_space<vmem>>, vector<896x128xf32>
    tpu.vector_store %arg2[%swap3A_138, %swap3A_139], %transpose3A_137 {strides = array<i32>} : memref<12544x128xf32, #tpu.memory_space<vmem>>, vector<896x128xf32>,
    %get3A_141 = arith.constant 0 : index
    %get3A_142 = arith.constant 4480 : index
    %get3A_143 = vector.load %arg1[%get3A_141, %get3A_142] : memref<16x100000xf32, #tpu.memory_space<vmem>>, vector<16x896xf32>
    %get3A_144 = arith.constant 0 : index
    %get3A_145 = arith.constant 17024 : index
    %get3A_146 = vector.load %arg1[%get3A_144, %get3A_145] : memref<16x100000xf32, #tpu.memory_space<vmem>>, vector<16x896xf32>
    %get3A_147 = arith.constant 0 : index
    %get3A_148 = arith.constant 29568 : index
    %get3A_149 = vector.load %arg1[%get3A_147, %get3A_148] : memref<16x100000xf32, #tpu.memory_space<vmem>>, vector<16x896xf32>
    %get3A_150 = arith.constant 0 : index
    %get3A_151 = arith.constant 42112 : index
    %get3A_152 = vector.load %arg1[%get3A_150, %get3A_151] : memref<16x100000xf32, #tpu.memory_space<vmem>>, vector<16x896xf32>
    %get3A_153 = arith.constant 0 : index
    %get3A_154 = arith.constant 54656 : index
    %get3A_155 = vector.load %arg1[%get3A_153, %get3A_154] : memref<16x100000xf32, #tpu.memory_space<vmem>>, vector<16x896xf32>
    %get3A_156 = arith.constant 0 : index
    %get3A_157 = arith.constant 67200 : index
    %get3A_158 = vector.load %arg1[%get3A_156, %get3A_157] : memref<16x100000xf32, #tpu.memory_space<vmem>>, vector<16x896xf32>
    %get3A_159 = arith.constant 0 : index
    %get3A_160 = arith.constant 79744 : index
    %get3A_161 = vector.load %arg1[%get3A_159, %get3A_160] : memref<16x100000xf32, #tpu.memory_space<vmem>>, vector<16x896xf32>
    %get3A_162 = arith.constant 0 : index
    %get3A_163 = arith.constant 92288 : index
    %get3A_164 = vector.load %arg1[%get3A_162, %get3A_163] : memref<16x100000xf32, #tpu.memory_space<vmem>>, vector<16x896xf32>
    %concatenate3A_165 = tpu.concatenate %get3A_143, %get3A_146, %get3A_149, %get3A_152, %get3A_155, %get3A_158, %get3A_161, %get3A_164 in 0 : vector<16x896xf32>, vector<16x896xf32>, vector<16x896xf32>, vector<16x896xf32>, vector<16x896xf32>, vector<16x896xf32>, vector<16x896xf32>, vector<16x896xf32> -> vector<128x896xf32>
    %transpose3A_166 = tpu.transpose %concatenate3A_165, [1, 0] : vector<128x896xf32> -> vector<896x128xf32>
    %swap3A_167 = arith.constant 4480 : index
    %swap3A_168 = arith.constant 0 : index
    %swap3A_169 = vector.load %arg2[%swap3A_167, %swap3A_168] : memref<12544x128xf32, #tpu.memory_space<vmem>>, vector<896x128xf32>
    tpu.vector_store %arg2[%swap3A_167, %swap3A_168], %transpose3A_166 {strides = array<i32>} : memref<12544x128xf32, #tpu.memory_space<vmem>>, vector<896x128xf32>,
    %get3A_170 = arith.constant 0 : index
    %get3A_171 = arith.constant 5376 : index
    %get3A_172 = vector.load %arg1[%get3A_170, %get3A_171] : memref<16x100000xf32, #tpu.memory_space<vmem>>, vector<16x896xf32>
    %get3A_173 = arith.constant 0 : index
    %get3A_174 = arith.constant 17920 : index
    %get3A_175 = vector.load %arg1[%get3A_173, %get3A_174] : memref<16x100000xf32, #tpu.memory_space<vmem>>, vector<16x896xf32>
    %get3A_176 = arith.constant 0 : index
    %get3A_177 = arith.constant 30464 : index
    %get3A_178 = vector.load %arg1[%get3A_176, %get3A_177] : memref<16x100000xf32, #tpu.memory_space<vmem>>, vector<16x896xf32>
    %get3A_179 = arith.constant 0 : index
    %get3A_180 = arith.constant 43008 : index
    %get3A_181 = vector.load %arg1[%get3A_179, %get3A_180] : memref<16x100000xf32, #tpu.memory_space<vmem>>, vector<16x896xf32>
    %get3A_182 = arith.constant 0 : index
    %get3A_183 = arith.constant 55552 : index
    %get3A_184 = vector.load %arg1[%get3A_182, %get3A_183] : memref<16x100000xf32, #tpu.memory_space<vmem>>, vector<16x896xf32>
    %get3A_185 = arith.constant 0 : index
    %get3A_186 = arith.constant 68096 : index
    %get3A_187 = vector.load %arg1[%get3A_185, %get3A_186] : memref<16x100000xf32, #tpu.memory_space<vmem>>, vector<16x896xf32>
    %get3A_188 = arith.constant 0 : index
    %get3A_189 = arith.constant 80640 : index
    %get3A_190 = vector.load %arg1[%get3A_188, %get3A_189] : memref<16x100000xf32, #tpu.memory_space<vmem>>, vector<16x896xf32>
    %get3A_191 = arith.constant 0 : index
    %get3A_192 = arith.constant 93184 : index
    %get3A_193 = vector.load %arg1[%get3A_191, %get3A_192] : memref<16x100000xf32, #tpu.memory_space<vmem>>, vector<16x896xf32>
    %concatenate3A_194 = tpu.concatenate %get3A_172, %get3A_175, %get3A_178, %get3A_181, %get3A_184, %get3A_187, %get3A_190, %get3A_193 in 0 : vector<16x896xf32>, vector<16x896xf32>, vector<16x896xf32>, vector<16x896xf32>, vector<16x896xf32>, vector<16x896xf32>, vector<16x896xf32>, vector<16x896xf32> -> vector<128x896xf32>
    %transpose3A_195 = tpu.transpose %concatenate3A_194, [1, 0] : vector<128x896xf32> -> vector<896x128xf32>
    %swap3A_196 = arith.constant 5376 : index
    %swap3A_197 = arith.constant 0 : index
    %swap3A_198 = vector.load %arg2[%swap3A_196, %swap3A_197] : memref<12544x128xf32, #tpu.memory_space<vmem>>, vector<896x128xf32>
    tpu.vector_store %arg2[%swap3A_196, %swap3A_197], %transpose3A_195 {strides = array<i32>} : memref<12544x128xf32, #tpu.memory_space<vmem>>, vector<896x128xf32>,
    %get3A_199 = arith.constant 0 : index
    %get3A_200 = arith.constant 6272 : index
    %get3A_201 = vector.load %arg1[%get3A_199, %get3A_200] : memref<16x100000xf32, #tpu.memory_space<vmem>>, vector<16x896xf32>
    %get3A_202 = arith.constant 0 : index
    %get3A_203 = arith.constant 18816 : index
    %get3A_204 = vector.load %arg1[%get3A_202, %get3A_203] : memref<16x100000xf32, #tpu.memory_space<vmem>>, vector<16x896xf32>
    %get3A_205 = arith.constant 0 : index
    %get3A_206 = arith.constant 31360 : index
    %get3A_207 = vector.load %arg1[%get3A_205, %get3A_206] : memref<16x100000xf32, #tpu.memory_space<vmem>>, vector<16x896xf32>
    %get3A_208 = arith.constant 0 : index
    %get3A_209 = arith.constant 43904 : index
    %get3A_210 = vector.load %arg1[%get3A_208, %get3A_209] : memref<16x100000xf32, #tpu.memory_space<vmem>>, vector<16x896xf32>
    %get3A_211 = arith.constant 0 : index
    %get3A_212 = arith.constant 56448 : index
    %get3A_213 = vector.load %arg1[%get3A_211, %get3A_212] : memref<16x100000xf32, #tpu.memory_space<vmem>>, vector<16x896xf32>
    %get3A_214 = arith.constant 0 : index
    %get3A_215 = arith.constant 68992 : index
    %get3A_216 = vector.load %arg1[%get3A_214, %get3A_215] : memref<16x100000xf32, #tpu.memory_space<vmem>>, vector<16x896xf32>
    %get3A_217 = arith.constant 0 : index
    %get3A_218 = arith.constant 81536 : index
    %get3A_219 = vector.load %arg1[%get3A_217, %get3A_218] : memref<16x100000xf32, #tpu.memory_space<vmem>>, vector<16x896xf32>
    %get3A_220 = arith.constant 0 : index
    %get3A_221 = arith.constant 94080 : index
    %get3A_222 = vector.load %arg1[%get3A_220, %get3A_221] : memref<16x100000xf32, #tpu.memory_space<vmem>>, vector<16x896xf32>
    %concatenate3A_223 = tpu.concatenate %get3A_201, %get3A_204, %get3A_207, %get3A_210, %get3A_213, %get3A_216, %get3A_219, %get3A_222 in 0 : vector<16x896xf32>, vector<16x896xf32>, vector<16x896xf32>, vector<16x896xf32>, vector<16x896xf32>, vector<16x896xf32>, vector<16x896xf32>, vector<16x896xf32> -> vector<128x896xf32>
    %transpose3A_224 = tpu.transpose %concatenate3A_223, [1, 0] : vector<128x896xf32> -> vector<896x128xf32>
    %swap3A_225 = arith.constant 6272 : index
    %swap3A_226 = arith.constant 0 : index
    %swap3A_227 = vector.load %arg2[%swap3A_225, %swap3A_226] : memref<12544x128xf32, #tpu.memory_space<vmem>>, vector<896x128xf32>
    tpu.vector_store %arg2[%swap3A_225, %swap3A_226], %transpose3A_224 {strides = array<i32>} : memref<12544x128xf32, #tpu.memory_space<vmem>>, vector<896x128xf32>,
    %get3A_228 = arith.constant 0 : index
    %get3A_229 = arith.constant 7168 : index
    %get3A_230 = vector.load %arg1[%get3A_228, %get3A_229] : memref<16x100000xf32, #tpu.memory_space<vmem>>, vector<16x896xf32>
    %get3A_231 = arith.constant 0 : index
    %get3A_232 = arith.constant 19712 : index
    %get3A_233 = vector.load %arg1[%get3A_231, %get3A_232] : memref<16x100000xf32, #tpu.memory_space<vmem>>, vector<16x896xf32>
    %get3A_234 = arith.constant 0 : index
    %get3A_235 = arith.constant 32256 : index
    %get3A_236 = vector.load %arg1[%get3A_234, %get3A_235] : memref<16x100000xf32, #tpu.memory_space<vmem>>, vector<16x896xf32>
    %get3A_237 = arith.constant 0 : index
    %get3A_238 = arith.constant 44800 : index
    %get3A_239 = vector.load %arg1[%get3A_237, %get3A_238] : memref<16x100000xf32, #tpu.memory_space<vmem>>, vector<16x896xf32>
    %get3A_240 = arith.constant 0 : index
    %get3A_241 = arith.constant 57344 : index
    %get3A_242 = vector.load %arg1[%get3A_240, %get3A_241] : memref<16x100000xf32, #tpu.memory_space<vmem>>, vector<16x896xf32>
    %get3A_243 = arith.constant 0 : index
    %get3A_244 = arith.constant 69888 : index
    %get3A_245 = vector.load %arg1[%get3A_243, %get3A_244] : memref<16x100000xf32, #tpu.memory_space<vmem>>, vector<16x896xf32>
    %get3A_246 = arith.constant 0 : index
    %get3A_247 = arith.constant 82432 : index
    %get3A_248 = vector.load %arg1[%get3A_246, %get3A_247] : memref<16x100000xf32, #tpu.memory_space<vmem>>, vector<16x896xf32>
    %get3A_249 = arith.constant 0 : index
    %get3A_250 = arith.constant 94976 : index
    %get3A_251 = vector.load %arg1[%get3A_249, %get3A_250] : memref<16x100000xf32, #tpu.memory_space<vmem>>, vector<16x896xf32>
    %concatenate3A_252 = tpu.concatenate %get3A_230, %get3A_233, %get3A_236, %get3A_239, %get3A_242, %get3A_245, %get3A_248, %get3A_251 in 0 : vector<16x896xf32>, vector<16x896xf32>, vector<16x896xf32>, vector<16x896xf32>, vector<16x896xf32>, vector<16x896xf32>, vector<16x896xf32>, vector<16x896xf32> -> vector<128x896xf32>
    %transpose3A_253 = tpu.transpose %concatenate3A_252, [1, 0] : vector<128x896xf32> -> vector<896x128xf32>
    %swap3A_254 = arith.constant 7168 : index
    %swap3A_255 = arith.constant 0 : index
    %swap3A_256 = vector.load %arg2[%swap3A_254, %swap3A_255] : memref<12544x128xf32, #tpu.memory_space<vmem>>, vector<896x128xf32>
    tpu.vector_store %arg2[%swap3A_254, %swap3A_255], %transpose3A_253 {strides = array<i32>} : memref<12544x128xf32, #tpu.memory_space<vmem>>, vector<896x128xf32>,
    %get3A_257 = arith.constant 0 : index
    %get3A_258 = arith.constant 8064 : index
    %get3A_259 = vector.load %arg1[%get3A_257, %get3A_258] : memref<16x100000xf32, #tpu.memory_space<vmem>>, vector<16x896xf32>
    %get3A_260 = arith.constant 0 : index
    %get3A_261 = arith.constant 20608 : index
    %get3A_262 = vector.load %arg1[%get3A_260, %get3A_261] : memref<16x100000xf32, #tpu.memory_space<vmem>>, vector<16x896xf32>
    %get3A_263 = arith.constant 0 : index
    %get3A_264 = arith.constant 33152 : index
    %get3A_265 = vector.load %arg1[%get3A_263, %get3A_264] : memref<16x100000xf32, #tpu.memory_space<vmem>>, vector<16x896xf32>
    %get3A_266 = arith.constant 0 : index
    %get3A_267 = arith.constant 45696 : index
    %get3A_268 = vector.load %arg1[%get3A_266, %get3A_267] : memref<16x100000xf32, #tpu.memory_space<vmem>>, vector<16x896xf32>
    %get3A_269 = arith.constant 0 : index
    %get3A_270 = arith.constant 58240 : index
    %get3A_271 = vector.load %arg1[%get3A_269, %get3A_270] : memref<16x100000xf32, #tpu.memory_space<vmem>>, vector<16x896xf32>
    %get3A_272 = arith.constant 0 : index
    %get3A_273 = arith.constant 70784 : index
    %get3A_274 = vector.load %arg1[%get3A_272, %get3A_273] : memref<16x100000xf32, #tpu.memory_space<vmem>>, vector<16x896xf32>
    %get3A_275 = arith.constant 0 : index
    %get3A_276 = arith.constant 83328 : index
    %get3A_277 = vector.load %arg1[%get3A_275, %get3A_276] : memref<16x100000xf32, #tpu.memory_space<vmem>>, vector<16x896xf32>
    %get3A_278 = arith.constant 0 : index
    %get3A_279 = arith.constant 95872 : index
    %get3A_280 = vector.load %arg1[%get3A_278, %get3A_279] : memref<16x100000xf32, #tpu.memory_space<vmem>>, vector<16x896xf32>
    %concatenate3A_281 = tpu.concatenate %get3A_259, %get3A_262, %get3A_265, %get3A_268, %get3A_271, %get3A_274, %get3A_277, %get3A_280 in 0 : vector<16x896xf32>, vector<16x896xf32>, vector<16x896xf32>, vector<16x896xf32>, vector<16x896xf32>, vector<16x896xf32>, vector<16x896xf32>, vector<16x896xf32> -> vector<128x896xf32>
    %transpose3A_282 = tpu.transpose %concatenate3A_281, [1, 0] : vector<128x896xf32> -> vector<896x128xf32>
    %swap3A_283 = arith.constant 8064 : index
    %swap3A_284 = arith.constant 0 : index
    %swap3A_285 = vector.load %arg2[%swap3A_283, %swap3A_284] : memref<12544x128xf32, #tpu.memory_space<vmem>>, vector<896x128xf32>
    tpu.vector_store %arg2[%swap3A_283, %swap3A_284], %transpose3A_282 {strides = array<i32>} : memref<12544x128xf32, #tpu.memory_space<vmem>>, vector<896x128xf32>,
    %get3A_286 = arith.constant 0 : index
    %get3A_287 = arith.constant 8960 : index
    %get3A_288 = vector.load %arg1[%get3A_286, %get3A_287] : memref<16x100000xf32, #tpu.memory_space<vmem>>, vector<16x896xf32>
    %get3A_289 = arith.constant 0 : index
    %get3A_290 = arith.constant 21504 : index
    %get3A_291 = vector.load %arg1[%get3A_289, %get3A_290] : memref<16x100000xf32, #tpu.memory_space<vmem>>, vector<16x896xf32>
    %get3A_292 = arith.constant 0 : index
    %get3A_293 = arith.constant 34048 : index
    %get3A_294 = vector.load %arg1[%get3A_292, %get3A_293] : memref<16x100000xf32, #tpu.memory_space<vmem>>, vector<16x896xf32>
    %get3A_295 = arith.constant 0 : index
    %get3A_296 = arith.constant 46592 : index
    %get3A_297 = vector.load %arg1[%get3A_295, %get3A_296] : memref<16x100000xf32, #tpu.memory_space<vmem>>, vector<16x896xf32>
    %get3A_298 = arith.constant 0 : index
    %get3A_299 = arith.constant 59136 : index
    %get3A_300 = vector.load %arg1[%get3A_298, %get3A_299] : memref<16x100000xf32, #tpu.memory_space<vmem>>, vector<16x896xf32>
    %get3A_301 = arith.constant 0 : index
    %get3A_302 = arith.constant 71680 : index
    %get3A_303 = vector.load %arg1[%get3A_301, %get3A_302] : memref<16x100000xf32, #tpu.memory_space<vmem>>, vector<16x896xf32>
    %get3A_304 = arith.constant 0 : index
    %get3A_305 = arith.constant 84224 : index
    %get3A_306 = vector.load %arg1[%get3A_304, %get3A_305] : memref<16x100000xf32, #tpu.memory_space<vmem>>, vector<16x896xf32>
    %get3A_307 = arith.constant 0 : index
    %get3A_308 = arith.constant 96768 : index
    %get3A_309 = vector.load %arg1[%get3A_307, %get3A_308] : memref<16x100000xf32, #tpu.memory_space<vmem>>, vector<16x896xf32>
    %concatenate3A_310 = tpu.concatenate %get3A_288, %get3A_291, %get3A_294, %get3A_297, %get3A_300, %get3A_303, %get3A_306, %get3A_309 in 0 : vector<16x896xf32>, vector<16x896xf32>, vector<16x896xf32>, vector<16x896xf32>, vector<16x896xf32>, vector<16x896xf32>, vector<16x896xf32>, vector<16x896xf32> -> vector<128x896xf32>
    %transpose3A_311 = tpu.transpose %concatenate3A_310, [1, 0] : vector<128x896xf32> -> vector<896x128xf32>
    %swap3A_312 = arith.constant 8960 : index
    %swap3A_313 = arith.constant 0 : index
    %swap3A_314 = vector.load %arg2[%swap3A_312, %swap3A_313] : memref<12544x128xf32, #tpu.memory_space<vmem>>, vector<896x128xf32>
    tpu.vector_store %arg2[%swap3A_312, %swap3A_313], %transpose3A_311 {strides = array<i32>} : memref<12544x128xf32, #tpu.memory_space<vmem>>, vector<896x128xf32>,
    %get3A_315 = arith.constant 0 : index
    %get3A_316 = arith.constant 9856 : index
    %get3A_317 = vector.load %arg1[%get3A_315, %get3A_316] : memref<16x100000xf32, #tpu.memory_space<vmem>>, vector<16x896xf32>
    %get3A_318 = arith.constant 0 : index
    %get3A_319 = arith.constant 22400 : index
    %get3A_320 = vector.load %arg1[%get3A_318, %get3A_319] : memref<16x100000xf32, #tpu.memory_space<vmem>>, vector<16x896xf32>
    %get3A_321 = arith.constant 0 : index
    %get3A_322 = arith.constant 34944 : index
    %get3A_323 = vector.load %arg1[%get3A_321, %get3A_322] : memref<16x100000xf32, #tpu.memory_space<vmem>>, vector<16x896xf32>
    %get3A_324 = arith.constant 0 : index
    %get3A_325 = arith.constant 47488 : index
    %get3A_326 = vector.load %arg1[%get3A_324, %get3A_325] : memref<16x100000xf32, #tpu.memory_space<vmem>>, vector<16x896xf32>
    %get3A_327 = arith.constant 0 : index
    %get3A_328 = arith.constant 60032 : index
    %get3A_329 = vector.load %arg1[%get3A_327, %get3A_328] : memref<16x100000xf32, #tpu.memory_space<vmem>>, vector<16x896xf32>
    %get3A_330 = arith.constant 0 : index
    %get3A_331 = arith.constant 72576 : index
    %get3A_332 = vector.load %arg1[%get3A_330, %get3A_331] : memref<16x100000xf32, #tpu.memory_space<vmem>>, vector<16x896xf32>
    %get3A_333 = arith.constant 0 : index
    %get3A_334 = arith.constant 85120 : index
    %get3A_335 = vector.load %arg1[%get3A_333, %get3A_334] : memref<16x100000xf32, #tpu.memory_space<vmem>>, vector<16x896xf32>
    %get3A_336 = arith.constant 0 : index
    %get3A_337 = arith.constant 97664 : index
    %get3A_338 = vector.load %arg1[%get3A_336, %get3A_337] : memref<16x100000xf32, #tpu.memory_space<vmem>>, vector<16x896xf32>
    %concatenate3A_339 = tpu.concatenate %get3A_317, %get3A_320, %get3A_323, %get3A_326, %get3A_329, %get3A_332, %get3A_335, %get3A_338 in 0 : vector<16x896xf32>, vector<16x896xf32>, vector<16x896xf32>, vector<16x896xf32>, vector<16x896xf32>, vector<16x896xf32>, vector<16x896xf32>, vector<16x896xf32> -> vector<128x896xf32>
    %transpose3A_340 = tpu.transpose %concatenate3A_339, [1, 0] : vector<128x896xf32> -> vector<896x128xf32>
    %swap3A_341 = arith.constant 9856 : index
    %swap3A_342 = arith.constant 0 : index
    %swap3A_343 = vector.load %arg2[%swap3A_341, %swap3A_342] : memref<12544x128xf32, #tpu.memory_space<vmem>>, vector<896x128xf32>
    tpu.vector_store %arg2[%swap3A_341, %swap3A_342], %transpose3A_340 {strides = array<i32>} : memref<12544x128xf32, #tpu.memory_space<vmem>>, vector<896x128xf32>,
    %get3A_344 = arith.constant 0 : index
    %get3A_345 = arith.constant 10752 : index
    %get3A_346 = vector.load %arg1[%get3A_344, %get3A_345] : memref<16x100000xf32, #tpu.memory_space<vmem>>, vector<16x896xf32>
    %get3A_347 = arith.constant 0 : index
    %get3A_348 = arith.constant 23296 : index
    %get3A_349 = vector.load %arg1[%get3A_347, %get3A_348] : memref<16x100000xf32, #tpu.memory_space<vmem>>, vector<16x896xf32>
    %get3A_350 = arith.constant 0 : index
    %get3A_351 = arith.constant 35840 : index
    %get3A_352 = vector.load %arg1[%get3A_350, %get3A_351] : memref<16x100000xf32, #tpu.memory_space<vmem>>, vector<16x896xf32>
    %get3A_353 = arith.constant 0 : index
    %get3A_354 = arith.constant 48384 : index
    %get3A_355 = vector.load %arg1[%get3A_353, %get3A_354] : memref<16x100000xf32, #tpu.memory_space<vmem>>, vector<16x896xf32>
    %get3A_356 = arith.constant 0 : index
    %get3A_357 = arith.constant 60928 : index
    %get3A_358 = vector.load %arg1[%get3A_356, %get3A_357] : memref<16x100000xf32, #tpu.memory_space<vmem>>, vector<16x896xf32>
    %get3A_359 = arith.constant 0 : index
    %get3A_360 = arith.constant 73472 : index
    %get3A_361 = vector.load %arg1[%get3A_359, %get3A_360] : memref<16x100000xf32, #tpu.memory_space<vmem>>, vector<16x896xf32>
    %get3A_362 = arith.constant 0 : index
    %get3A_363 = arith.constant 86016 : index
    %get3A_364 = vector.load %arg1[%get3A_362, %get3A_363] : memref<16x100000xf32, #tpu.memory_space<vmem>>, vector<16x896xf32>
    %get3A_365 = arith.constant 0 : index
    %get3A_366 = arith.constant 98560 : index
    %get3A_367 = vector.load %arg1[%get3A_365, %get3A_366] : memref<16x100000xf32, #tpu.memory_space<vmem>>, vector<16x896xf32>
    %concatenate3A_368 = tpu.concatenate %get3A_346, %get3A_349, %get3A_352, %get3A_355, %get3A_358, %get3A_361, %get3A_364, %get3A_367 in 0 : vector<16x896xf32>, vector<16x896xf32>, vector<16x896xf32>, vector<16x896xf32>, vector<16x896xf32>, vector<16x896xf32>, vector<16x896xf32>, vector<16x896xf32> -> vector<128x896xf32>
    %transpose3A_369 = tpu.transpose %concatenate3A_368, [1, 0] : vector<128x896xf32> -> vector<896x128xf32>
    %swap3A_370 = arith.constant 10752 : index
    %swap3A_371 = arith.constant 0 : index
    %swap3A_372 = vector.load %arg2[%swap3A_370, %swap3A_371] : memref<12544x128xf32, #tpu.memory_space<vmem>>, vector<896x128xf32>
    tpu.vector_store %arg2[%swap3A_370, %swap3A_371], %transpose3A_369 {strides = array<i32>} : memref<12544x128xf32, #tpu.memory_space<vmem>>, vector<896x128xf32>,
    %get3A_373 = arith.constant 0 : index
    %get3A_374 = arith.constant 11648 : index
    %get3A_375 = vector.load %arg1[%get3A_373, %get3A_374] : memref<16x100000xf32, #tpu.memory_space<vmem>>, vector<16x896xf32>
    %get3A_376 = arith.constant 0 : index
    %get3A_377 = arith.constant 24192 : index
    %get3A_378 = vector.load %arg1[%get3A_376, %get3A_377] : memref<16x100000xf32, #tpu.memory_space<vmem>>, vector<16x896xf32>
    %get3A_379 = arith.constant 0 : index
    %get3A_380 = arith.constant 36736 : index
    %get3A_381 = vector.load %arg1[%get3A_379, %get3A_380] : memref<16x100000xf32, #tpu.memory_space<vmem>>, vector<16x896xf32>
    %get3A_382 = arith.constant 0 : index
    %get3A_383 = arith.constant 49280 : index
    %get3A_384 = vector.load %arg1[%get3A_382, %get3A_383] : memref<16x100000xf32, #tpu.memory_space<vmem>>, vector<16x896xf32>
    %get3A_385 = arith.constant 0 : index
    %get3A_386 = arith.constant 61824 : index
    %get3A_387 = vector.load %arg1[%get3A_385, %get3A_386] : memref<16x100000xf32, #tpu.memory_space<vmem>>, vector<16x896xf32>
    %get3A_388 = arith.constant 0 : index
    %get3A_389 = arith.constant 74368 : index
    %get3A_390 = vector.load %arg1[%get3A_388, %get3A_389] : memref<16x100000xf32, #tpu.memory_space<vmem>>, vector<16x896xf32>
    %get3A_391 = arith.constant 0 : index
    %get3A_392 = arith.constant 86912 : index
    %get3A_393 = vector.load %arg1[%get3A_391, %get3A_392] : memref<16x100000xf32, #tpu.memory_space<vmem>>, vector<16x896xf32>
    %get3A_394 = arith.constant 0 : index
    %get3A_395 = arith.constant 99456 : index
    %get3A_396 = vector.load %arg1[%get3A_394, %get3A_395] : memref<16x100000xf32, #tpu.memory_space<vmem>>, vector<16x544xf32>
    %broadcast_in_dim3A = arith.constant 0.000000e+00 : f32
    %broadcast_in_dim3A_397 = vector.broadcast %broadcast_in_dim3A : f32 to vector<16x352xf32>
    %concatenate3A_398 = tpu.concatenate %get3A_396, %broadcast_in_dim3A_397 in 1 : vector<16x544xf32>, vector<16x352xf32> -> vector<16x896xf32>
    %concatenate3A_399 = tpu.concatenate %get3A_375, %get3A_378, %get3A_381, %get3A_384, %get3A_387, %get3A_390, %get3A_393, %concatenate3A_398 in 0 : vector<16x896xf32>, vector<16x896xf32>, vector<16x896xf32>, vector<16x896xf32>, vector<16x896xf32>, vector<16x896xf32>, vector<16x896xf32>, vector<16x896xf32> -> vector<128x896xf32>
    %transpose3A_400 = tpu.transpose %concatenate3A_399, [1, 0] : vector<128x896xf32> -> vector<896x128xf32>
    %swap3A_401 = arith.constant 11648 : index
    %swap3A_402 = arith.constant 0 : index
    %swap3A_403 = vector.load %arg2[%swap3A_401, %swap3A_402] : memref<12544x128xf32, #tpu.memory_space<vmem>>, vector<896x128xf32>
    tpu.vector_store %arg2[%swap3A_401, %swap3A_402], %transpose3A_400 {strides = array<i32>} : memref<12544x128xf32, #tpu.memory_space<vmem>>, vector<896x128xf32>,
    return
  }
  func.func @transform_0(%arg0: i32) -> (i32, i32) {
    %c0_i32 = arith.constant 0 : i32
    %c0_i32_0 = arith.constant 0 : i32
    %c0_i32_1 = arith.constant 0 : i32
    return %c0_i32, %c0_i32_0 : i32, i32
  }
  func.func @transform_1(%arg0: i32) -> (i32, i32) {
    %c0_i32 = arith.constant 0 : i32
    %c0_i32_0 = arith.constant 0 : i32
    %c0_i32_1 = arith.constant 0 : i32
    return %c0_i32, %c0_i32_0 : i32, i32
  }
}

module attributes {stable_mosaic.version = 14 : i64} {
  func.func @_tc_body(%arg0: i32, %arg1: memref<512x416xf32, #tpu.memory_space<vmem>>, %arg2: memref<512x800xf32, #tpu.memory_space<vmem>>, %arg3: memref<512x416xf32, #tpu.memory_space<vmem>>, %arg4: memref<512x26xf32, #tpu.memory_space<vmem>>, %arg5: memref<512x26xf32, #tpu.memory_space<vmem>>, %arg6: memref<512x50xf32, #tpu.memory_space<vmem>>, %arg7: memref<512x128xf32, #tpu.memory_space<vmem>>, %arg8: memref<128x16xf32, #tpu.memory_space<vmem>>, %arg9: memref<1x16xf32, #tpu.memory_space<vmem>>, %arg10: memref<416x32xf32, #tpu.memory_space<vmem>>, %arg11: memref<16x32xf32, #tpu.memory_space<vmem>>, %arg12: memref<16x32xf32, #tpu.memory_space<vmem>>, %arg13: memref<1x32xf32, #tpu.memory_space<vmem>>, %arg14: memref<32x32xf32, #tpu.memory_space<vmem>>, %arg15: memref<1x32xf32, #tpu.memory_space<vmem>>, %arg16: memref<26x416xf32, #tpu.memory_space<vmem>>, %arg17: memref<416x16xf32, #tpu.memory_space<vmem>>, %arg18: memref<50x800xf32, #tpu.memory_space<vmem>>, %arg19: memref<800x16xf32, #tpu.memory_space<vmem>>, %arg20: memref<1x416xf32, #tpu.memory_space<vmem>>, %arg21: memref<1x1xf32, #tpu.memory_space<vmem>>, %arg22: memref<512xf32, #tpu.memory_space<vmem>>) attributes {dimension_semantics = [#tpu.dimension_semantics<arbitrary>], iteration_bounds = array<i64: 8>, scalar_prefetch = 0 : i64, scratch_operands = 0 : i64, tpu.core_type = #tpu.core_type<tc>, window_params = [{transform_indices = @transform_0, window_bounds = array<i64: 512, 416>}, {transform_indices = @transform_1, window_bounds = array<i64: 512, 800>}, {transform_indices = @transform_2, window_bounds = array<i64: 512, 416>}, {transform_indices = @transform_3, window_bounds = array<i64: 512, 26>}, {transform_indices = @transform_4, window_bounds = array<i64: 512, 26>}, {transform_indices = @transform_5, window_bounds = array<i64: 512, 50>}, {transform_indices = @transform_6, window_bounds = array<i64: 512, 128>}, {pipeline_mode = #tpu.pipeline_mode<synchronous>, transform_indices = @transform_7, window_bounds = array<i64: 128, 16>}, {pipeline_mode = #tpu.pipeline_mode<synchronous>, transform_indices = @transform_8, window_bounds = array<i64: 1, 16>}, {pipeline_mode = #tpu.pipeline_mode<synchronous>, transform_indices = @transform_9, window_bounds = array<i64: 416, 32>}, {pipeline_mode = #tpu.pipeline_mode<synchronous>, transform_indices = @transform_10, window_bounds = array<i64: 16, 32>}, {pipeline_mode = #tpu.pipeline_mode<synchronous>, transform_indices = @transform_11, window_bounds = array<i64: 16, 32>}, {pipeline_mode = #tpu.pipeline_mode<synchronous>, transform_indices = @transform_12, window_bounds = array<i64: 1, 32>}, {pipeline_mode = #tpu.pipeline_mode<synchronous>, transform_indices = @transform_13, window_bounds = array<i64: 32, 32>}, {pipeline_mode = #tpu.pipeline_mode<synchronous>, transform_indices = @transform_14, window_bounds = array<i64: 1, 32>}, {pipeline_mode = #tpu.pipeline_mode<synchronous>, transform_indices = @transform_15, window_bounds = array<i64: 26, 416>}, {pipeline_mode = #tpu.pipeline_mode<synchronous>, transform_indices = @transform_16, window_bounds = array<i64: 416, 16>}, {pipeline_mode = #tpu.pipeline_mode<synchronous>, transform_indices = @transform_17, window_bounds = array<i64: 50, 800>}, {pipeline_mode = #tpu.pipeline_mode<synchronous>, transform_indices = @transform_18, window_bounds = array<i64: 800, 16>}, {pipeline_mode = #tpu.pipeline_mode<synchronous>, transform_indices = @transform_19, window_bounds = array<i64: 1, 416>}, {pipeline_mode = #tpu.pipeline_mode<synchronous>, transform_indices = @transform_20, window_bounds = array<i64: 1, 1>}, {transform_indices = @transform_21, window_bounds = array<i64: 512>}]} {
    %get3A = arith.constant 0 : index
    %get3A_0 = arith.constant 0 : index
    %get3A_1 = vector.load %arg5[%get3A, %get3A_0] : memref<512x26xf32, #tpu.memory_space<vmem>>, vector<512x26xf32>
    %get3A_2 = arith.constant 0 : index
    %get3A_3 = arith.constant 0 : index
    %get3A_4 = vector.load %arg16[%get3A_2, %get3A_3] : memref<26x416xf32, #tpu.memory_space<vmem>>, vector<26x416xf32>
    %dot_general3A = arith.constant dense<0.000000e+00> : vector<512x416xf32>
    %dot_general3A_5 = tpu.matmul %get3A_1, %get3A_4, %dot_general3A {dimension_numbers = #tpu.dot_dimension_numbers<[1], [0], [0], [1], [0, 0, 1, 1], [], []>, precision = #tpu.contract_precision<fp32>, transpose_lhs_hint = false} : vector<512x26xf32>, vector<26x416xf32>, vector<512x416xf32> -> vector<512x416xf32>
    %get3A_6 = arith.constant 0 : index
    %get3A_7 = arith.constant 0 : index
    %get3A_8 = vector.load %arg4[%get3A_6, %get3A_7] : memref<512x26xf32, #tpu.memory_space<vmem>>, vector<512x26xf32>
    %get3A_9 = arith.constant 0 : index
    %get3A_10 = arith.constant 0 : index
    %get3A_11 = vector.load %arg16[%get3A_9, %get3A_10] : memref<26x416xf32, #tpu.memory_space<vmem>>, vector<26x416xf32>
    %dot_general3A_12 = arith.constant dense<0.000000e+00> : vector<512x416xf32>
    %dot_general3A_13 = tpu.matmul %get3A_8, %get3A_11, %dot_general3A_12 {dimension_numbers = #tpu.dot_dimension_numbers<[1], [0], [0], [1], [0, 0, 1, 1], [], []>, precision = #tpu.contract_precision<fp32>, transpose_lhs_hint = false} : vector<512x26xf32>, vector<26x416xf32>, vector<512x416xf32> -> vector<512x416xf32>
    %get3A_14 = arith.constant 0 : index
    %get3A_15 = arith.constant 0 : index
    %get3A_16 = vector.load %arg20[%get3A_14, %get3A_15] : memref<1x416xf32, #tpu.memory_space<vmem>>, vector<1x416xf32>
    %eq3A = vector.broadcast %get3A_16 : vector<1x416xf32> to vector<512x416xf32>
    %eq3A_17 = arith.cmpf oeq, %dot_general3A_13, %eq3A : vector<512x416xf32>
    %get3A_18 = arith.constant 0 : index
    %get3A_19 = arith.constant 0 : index
    %get3A_20 = vector.load %arg3[%get3A_18, %get3A_19] : memref<512x416xf32, #tpu.memory_space<vmem>>, vector<512x416xf32>
    %jit3A = arith.constant 0.000000e+00 : f32
    %broadcast_in_dim3A = vector.broadcast %jit3A : f32 to vector<512x416xf32>
    %select_n3A = arith.select %eq3A_17, %get3A_20, %broadcast_in_dim3A : vector<512x416xi1>, vector<512x416xf32>
    %mul3A = arith.mulf %select_n3A, %dot_general3A_5 : vector<512x416xf32>
    %reduce_sum3A = arith.constant dense<0.000000e+00> : vector<512xf32>
    %reduce_sum3A_21 = vector.multi_reduction <add>, %mul3A, %reduce_sum3A [1] : vector<512x416xf32> to vector<512xf32>
    %get3A_22 = arith.constant 0 : index
    %get3A_23 = arith.constant 0 : index
    %get3A_24 = vector.load %arg1[%get3A_22, %get3A_23] : memref<512x416xf32, #tpu.memory_space<vmem>>, vector<512x416xf32>
    %mul3A_25 = arith.mulf %get3A_24, %dot_general3A_5 : vector<512x416xf32>
    %get3A_26 = arith.constant 0 : index
    %get3A_27 = arith.constant 0 : index
    %get3A_28 = vector.load %arg6[%get3A_26, %get3A_27] : memref<512x50xf32, #tpu.memory_space<vmem>>, vector<512x50xf32>
    %get3A_29 = arith.constant 0 : index
    %get3A_30 = arith.constant 0 : index
    %get3A_31 = vector.load %arg18[%get3A_29, %get3A_30] : memref<50x800xf32, #tpu.memory_space<vmem>>, vector<50x800xf32>
    %dot_general3A_32 = arith.constant dense<0.000000e+00> : vector<512x800xf32>
    %dot_general3A_33 = tpu.matmul %get3A_28, %get3A_31, %dot_general3A_32 {dimension_numbers = #tpu.dot_dimension_numbers<[1], [0], [0], [1], [0, 0, 1, 1], [], []>, precision = #tpu.contract_precision<fp32>, transpose_lhs_hint = false} : vector<512x50xf32>, vector<50x800xf32>, vector<512x800xf32> -> vector<512x800xf32>
    %get3A_34 = arith.constant 0 : index
    %get3A_35 = arith.constant 0 : index
    %get3A_36 = vector.load %arg2[%get3A_34, %get3A_35] : memref<512x800xf32, #tpu.memory_space<vmem>>, vector<512x800xf32>
    %mul3A_37 = arith.mulf %get3A_36, %dot_general3A_33 : vector<512x800xf32>
    %get3A_38 = arith.constant 0 : index
    %get3A_39 = arith.constant 0 : index
    %get3A_40 = vector.load %arg19[%get3A_38, %get3A_39] : memref<800x16xf32, #tpu.memory_space<vmem>>, vector<800x16xf32>
    %dot_general3A_41 = arith.constant dense<0.000000e+00> : vector<512x16xf32>
    %dot_general3A_42 = tpu.matmul %mul3A_37, %get3A_40, %dot_general3A_41 {dimension_numbers = #tpu.dot_dimension_numbers<[1], [0], [0], [1], [0, 0, 1, 1], [], []>, precision = #tpu.contract_precision<fp32>, transpose_lhs_hint = false} : vector<512x800xf32>, vector<800x16xf32>, vector<512x16xf32> -> vector<512x16xf32>
    %get3A_43 = arith.constant 0 : index
    %get3A_44 = arith.constant 0 : index
    %get3A_45 = vector.load %arg7[%get3A_43, %get3A_44] : memref<512x128xf32, #tpu.memory_space<vmem>>, vector<512x128xf32>
    %get3A_46 = arith.constant 0 : index
    %get3A_47 = arith.constant 0 : index
    %get3A_48 = vector.load %arg8[%get3A_46, %get3A_47] : memref<128x16xf32, #tpu.memory_space<vmem>>, vector<128x16xf32>
    %dot_general3A_49 = arith.constant dense<0.000000e+00> : vector<512x16xf32>
    %dot_general3A_50 = tpu.matmul %get3A_45, %get3A_48, %dot_general3A_49 {dimension_numbers = #tpu.dot_dimension_numbers<[1], [0], [0], [1], [0, 0, 1, 1], [], []>, precision = #tpu.contract_precision<fp32>, transpose_lhs_hint = false} : vector<512x128xf32>, vector<128x16xf32>, vector<512x16xf32> -> vector<512x16xf32>
    %get3A_51 = arith.constant 0 : index
    %get3A_52 = arith.constant 0 : index
    %get3A_53 = vector.load %arg9[%get3A_51, %get3A_52] : memref<1x16xf32, #tpu.memory_space<vmem>>, vector<1x16xf32>
    %add3A = vector.broadcast %get3A_53 : vector<1x16xf32> to vector<512x16xf32>
    %add3A_54 = arith.addf %dot_general3A_50, %add3A : vector<512x16xf32>
    %get3A_55 = arith.constant 0 : index
    %get3A_56 = arith.constant 0 : index
    %get3A_57 = vector.load %arg17[%get3A_55, %get3A_56] : memref<416x16xf32, #tpu.memory_space<vmem>>, vector<416x16xf32>
    %dot_general3A_58 = arith.constant dense<0.000000e+00> : vector<512x16xf32>
    %dot_general3A_59 = tpu.matmul %mul3A_25, %get3A_57, %dot_general3A_58 {dimension_numbers = #tpu.dot_dimension_numbers<[1], [0], [0], [1], [0, 0, 1, 1], [], []>, precision = #tpu.contract_precision<fp32>, transpose_lhs_hint = false} : vector<512x416xf32>, vector<416x16xf32>, vector<512x16xf32> -> vector<512x16xf32>
    %add3A_60 = arith.addf %dot_general3A_59, %dot_general3A_42 : vector<512x16xf32>
    %add3A_61 = arith.addf %add3A_60, %add3A_54 : vector<512x16xf32>
    %mul3A_62 = arith.mulf %mul3A_25, %mul3A_25 : vector<512x416xf32>
    %get3A_63 = arith.constant 0 : index
    %get3A_64 = arith.constant 0 : index
    %get3A_65 = vector.load %arg17[%get3A_63, %get3A_64] : memref<416x16xf32, #tpu.memory_space<vmem>>, vector<416x16xf32>
    %dot_general3A_66 = arith.constant dense<0.000000e+00> : vector<512x16xf32>
    %dot_general3A_67 = tpu.matmul %mul3A_62, %get3A_65, %dot_general3A_66 {dimension_numbers = #tpu.dot_dimension_numbers<[1], [0], [0], [1], [0, 0, 1, 1], [], []>, precision = #tpu.contract_precision<fp32>, transpose_lhs_hint = false} : vector<512x416xf32>, vector<416x16xf32>, vector<512x16xf32> -> vector<512x16xf32>
    %mul3A_68 = arith.mulf %dot_general3A_42, %dot_general3A_42 : vector<512x16xf32>
    %add3A_69 = arith.addf %dot_general3A_67, %mul3A_68 : vector<512x16xf32>
    %mul3A_70 = arith.mulf %add3A_54, %add3A_54 : vector<512x16xf32>
    %add3A_71 = arith.addf %add3A_69, %mul3A_70 : vector<512x16xf32>
    %mul3A_72 = arith.mulf %add3A_61, %add3A_61 : vector<512x16xf32>
    %sub3A = arith.subf %mul3A_72, %add3A_71 : vector<512x16xf32>
    %reduce_sum3A_73 = arith.constant dense<0.000000e+00> : vector<512xf32>
    %reduce_sum3A_74 = vector.multi_reduction <add>, %sub3A, %reduce_sum3A_73 [1] : vector<512x16xf32> to vector<512xf32>
    %mul3A_75 = arith.constant 5.000000e-01 : f32
    %mul3A_76 = vector.broadcast %mul3A_75 : f32 to vector<512xf32>
    %mul3A_77 = arith.mulf %mul3A_76, %reduce_sum3A_74 : vector<512xf32>
    %get3A_78 = arith.constant 0 : index
    %get3A_79 = arith.constant 0 : index
    %get3A_80 = vector.load %arg10[%get3A_78, %get3A_79] : memref<416x32xf32, #tpu.memory_space<vmem>>, vector<416x32xf32>
    %dot_general3A_81 = arith.constant dense<0.000000e+00> : vector<512x32xf32>
    %dot_general3A_82 = tpu.matmul %mul3A_25, %get3A_80, %dot_general3A_81 {dimension_numbers = #tpu.dot_dimension_numbers<[1], [0], [0], [1], [0, 0, 1, 1], [], []>, precision = #tpu.contract_precision<fp32>, transpose_lhs_hint = false} : vector<512x416xf32>, vector<416x32xf32>, vector<512x32xf32> -> vector<512x32xf32>
    %get3A_83 = arith.constant 0 : index
    %get3A_84 = arith.constant 0 : index
    %get3A_85 = vector.load %arg11[%get3A_83, %get3A_84] : memref<16x32xf32, #tpu.memory_space<vmem>>, vector<16x32xf32>
    %dot_general3A_86 = arith.constant dense<0.000000e+00> : vector<512x32xf32>
    %dot_general3A_87 = tpu.matmul %dot_general3A_42, %get3A_85, %dot_general3A_86 {dimension_numbers = #tpu.dot_dimension_numbers<[1], [0], [0], [1], [0, 0, 1, 1], [], []>, precision = #tpu.contract_precision<fp32>, transpose_lhs_hint = false} : vector<512x16xf32>, vector<16x32xf32>, vector<512x32xf32> -> vector<512x32xf32>
    %add3A_88 = arith.addf %dot_general3A_82, %dot_general3A_87 : vector<512x32xf32>
    %get3A_89 = arith.constant 0 : index
    %get3A_90 = arith.constant 0 : index
    %get3A_91 = vector.load %arg12[%get3A_89, %get3A_90] : memref<16x32xf32, #tpu.memory_space<vmem>>, vector<16x32xf32>
    %dot_general3A_92 = arith.constant dense<0.000000e+00> : vector<512x32xf32>
    %dot_general3A_93 = tpu.matmul %add3A_54, %get3A_91, %dot_general3A_92 {dimension_numbers = #tpu.dot_dimension_numbers<[1], [0], [0], [1], [0, 0, 1, 1], [], []>, precision = #tpu.contract_precision<fp32>, transpose_lhs_hint = false} : vector<512x16xf32>, vector<16x32xf32>, vector<512x32xf32> -> vector<512x32xf32>
    %add3A_94 = arith.addf %add3A_88, %dot_general3A_93 : vector<512x32xf32>
    %get3A_95 = arith.constant 0 : index
    %get3A_96 = arith.constant 0 : index
    %get3A_97 = vector.load %arg13[%get3A_95, %get3A_96] : memref<1x32xf32, #tpu.memory_space<vmem>>, vector<1x32xf32>
    %add3A_98 = vector.broadcast %get3A_97 : vector<1x32xf32> to vector<512x32xf32>
    %add3A_99 = arith.addf %add3A_94, %add3A_98 : vector<512x32xf32>
    %max3A = arith.constant 0.000000e+00 : f32
    %max3A_100 = vector.broadcast %max3A : f32 to vector<512x32xf32>
    %max3A_101 = arith.maximumf %add3A_99, %max3A_100 : vector<512x32xf32>
    %get3A_102 = arith.constant 0 : index
    %get3A_103 = arith.constant 0 : index
    %get3A_104 = vector.load %arg14[%get3A_102, %get3A_103] : memref<32x32xf32, #tpu.memory_space<vmem>>, vector<32x32xf32>
    %dot_general3A_105 = arith.constant dense<0.000000e+00> : vector<512x32xf32>
    %dot_general3A_106 = tpu.matmul %max3A_101, %get3A_104, %dot_general3A_105 {dimension_numbers = #tpu.dot_dimension_numbers<[1], [0], [0], [1], [0, 0, 1, 1], [], []>, precision = #tpu.contract_precision<fp32>, transpose_lhs_hint = false} : vector<512x32xf32>, vector<32x32xf32>, vector<512x32xf32> -> vector<512x32xf32>
    %get3A_107 = arith.constant 0 : index
    %get3A_108 = arith.constant 0 : index
    %get3A_109 = vector.load %arg15[%get3A_107, %get3A_108] : memref<1x32xf32, #tpu.memory_space<vmem>>, vector<1x32xf32>
    %add3A_110 = vector.broadcast %get3A_109 : vector<1x32xf32> to vector<512x32xf32>
    %add3A_111 = arith.addf %dot_general3A_106, %add3A_110 : vector<512x32xf32>
    %max3A_112 = arith.constant 0.000000e+00 : f32
    %max3A_113 = vector.broadcast %max3A_112 : f32 to vector<512x32xf32>
    %max3A_114 = arith.maximumf %add3A_111, %max3A_113 : vector<512x32xf32>
    %add3A_115 = arith.addf %reduce_sum3A_21, %mul3A_77 : vector<512xf32>
    %reduce_sum3A_116 = arith.constant dense<0.000000e+00> : vector<512xf32>
    %reduce_sum3A_117 = vector.multi_reduction <add>, %max3A_114, %reduce_sum3A_116 [1] : vector<512x32xf32> to vector<512xf32>
    %add3A_118 = arith.addf %add3A_115, %reduce_sum3A_117 : vector<512xf32>
    %get3A_119 = arith.constant 0 : index
    %get3A_120 = arith.constant 0 : index
    %get3A_121 = vector.load %arg21[%get3A_119, %get3A_120] : memref<1x1xf32, #tpu.memory_space<vmem>>, vector<1x1xf32>
    %get3A_122 = vector.extract %get3A_121[0, 0] : f32 from vector<1x1xf32>
    %add3A_123 = vector.broadcast %get3A_122 : f32 to vector<512xf32>
    %add3A_124 = arith.addf %add3A_118, %add3A_123 : vector<512xf32>
    %swap3A = arith.constant 0 : index
    %swap3A_125 = vector.load %arg22[%swap3A] : memref<512xf32, #tpu.memory_space<vmem>>, vector<512xf32>
    tpu.vector_store %arg22[%swap3A], %add3A_124 {strides = array<i32>} : memref<512xf32, #tpu.memory_space<vmem>>, vector<512xf32>,
    return
  }
  func.func @transform_0(%arg0: i32) -> (i32, i32) {
    %c0_i32 = arith.constant 0 : i32
    %c0_i32_0 = arith.constant 0 : i32
    return %arg0, %c0_i32 : i32, i32
  }
  func.func @transform_1(%arg0: i32) -> (i32, i32) {
    %c0_i32 = arith.constant 0 : i32
    %c0_i32_0 = arith.constant 0 : i32
    return %arg0, %c0_i32 : i32, i32
  }
  func.func @transform_2(%arg0: i32) -> (i32, i32) {
    %c0_i32 = arith.constant 0 : i32
    %c0_i32_0 = arith.constant 0 : i32
    return %arg0, %c0_i32 : i32, i32
  }
  func.func @transform_3(%arg0: i32) -> (i32, i32) {
    %c0_i32 = arith.constant 0 : i32
    %c0_i32_0 = arith.constant 0 : i32
    return %arg0, %c0_i32 : i32, i32
  }
  func.func @transform_4(%arg0: i32) -> (i32, i32) {
    %c0_i32 = arith.constant 0 : i32
    %c0_i32_0 = arith.constant 0 : i32
    return %arg0, %c0_i32 : i32, i32
  }
  func.func @transform_5(%arg0: i32) -> (i32, i32) {
    %c0_i32 = arith.constant 0 : i32
    %c0_i32_0 = arith.constant 0 : i32
    return %arg0, %c0_i32 : i32, i32
  }
  func.func @transform_6(%arg0: i32) -> (i32, i32) {
    %c0_i32 = arith.constant 0 : i32
    %c0_i32_0 = arith.constant 0 : i32
    return %arg0, %c0_i32 : i32, i32
  }
  func.func @transform_7(%arg0: i32) -> (i32, i32) {
    %c0_i32 = arith.constant 0 : i32
    %c0_i32_0 = arith.constant 0 : i32
    %c0_i32_1 = arith.constant 0 : i32
    return %c0_i32, %c0_i32_0 : i32, i32
  }
  func.func @transform_8(%arg0: i32) -> (i32, i32) {
    %c0_i32 = arith.constant 0 : i32
    %c0_i32_0 = arith.constant 0 : i32
    %c0_i32_1 = arith.constant 0 : i32
    return %c0_i32, %c0_i32_0 : i32, i32
  }
  func.func @transform_9(%arg0: i32) -> (i32, i32) {
    %c0_i32 = arith.constant 0 : i32
    %c0_i32_0 = arith.constant 0 : i32
    %c0_i32_1 = arith.constant 0 : i32
    return %c0_i32, %c0_i32_0 : i32, i32
  }
  func.func @transform_10(%arg0: i32) -> (i32, i32) {
    %c0_i32 = arith.constant 0 : i32
    %c0_i32_0 = arith.constant 0 : i32
    %c0_i32_1 = arith.constant 0 : i32
    return %c0_i32, %c0_i32_0 : i32, i32
  }
  func.func @transform_11(%arg0: i32) -> (i32, i32) {
    %c0_i32 = arith.constant 0 : i32
    %c0_i32_0 = arith.constant 0 : i32
    %c0_i32_1 = arith.constant 0 : i32
    return %c0_i32, %c0_i32_0 : i32, i32
  }
  func.func @transform_12(%arg0: i32) -> (i32, i32) {
    %c0_i32 = arith.constant 0 : i32
    %c0_i32_0 = arith.constant 0 : i32
    %c0_i32_1 = arith.constant 0 : i32
    return %c0_i32, %c0_i32_0 : i32, i32
  }
  func.func @transform_13(%arg0: i32) -> (i32, i32) {
    %c0_i32 = arith.constant 0 : i32
    %c0_i32_0 = arith.constant 0 : i32
    %c0_i32_1 = arith.constant 0 : i32
    return %c0_i32, %c0_i32_0 : i32, i32
  }
  func.func @transform_14(%arg0: i32) -> (i32, i32) {
    %c0_i32 = arith.constant 0 : i32
    %c0_i32_0 = arith.constant 0 : i32
    %c0_i32_1 = arith.constant 0 : i32
    return %c0_i32, %c0_i32_0 : i32, i32
  }
  func.func @transform_15(%arg0: i32) -> (i32, i32) {
    %c0_i32 = arith.constant 0 : i32
    %c0_i32_0 = arith.constant 0 : i32
    %c0_i32_1 = arith.constant 0 : i32
    return %c0_i32, %c0_i32_0 : i32, i32
  }
  func.func @transform_16(%arg0: i32) -> (i32, i32) {
    %c0_i32 = arith.constant 0 : i32
    %c0_i32_0 = arith.constant 0 : i32
    %c0_i32_1 = arith.constant 0 : i32
    return %c0_i32, %c0_i32_0 : i32, i32
  }
  func.func @transform_17(%arg0: i32) -> (i32, i32) {
    %c0_i32 = arith.constant 0 : i32
    %c0_i32_0 = arith.constant 0 : i32
    %c0_i32_1 = arith.constant 0 : i32
    return %c0_i32, %c0_i32_0 : i32, i32
  }
  func.func @transform_18(%arg0: i32) -> (i32, i32) {
    %c0_i32 = arith.constant 0 : i32
    %c0_i32_0 = arith.constant 0 : i32
    %c0_i32_1 = arith.constant 0 : i32
    return %c0_i32, %c0_i32_0 : i32, i32
  }
  func.func @transform_19(%arg0: i32) -> (i32, i32) {
    %c0_i32 = arith.constant 0 : i32
    %c0_i32_0 = arith.constant 0 : i32
    %c0_i32_1 = arith.constant 0 : i32
    return %c0_i32, %c0_i32_0 : i32, i32
  }
  func.func @transform_20(%arg0: i32) -> (i32, i32) {
    %c0_i32 = arith.constant 0 : i32
    %c0_i32_0 = arith.constant 0 : i32
    %c0_i32_1 = arith.constant 0 : i32
    return %c0_i32, %c0_i32_0 : i32, i32
  }
  func.func @transform_21(%arg0: i32) -> i32 {
    %c0_i32 = arith.constant 0 : i32
    return %arg0 : i32
  }
}

</mosaic_0001>

<sc_bundles>
// kernel: kernel.6.cloned.1.call-start
scs
__scs_entry_jumppad:
0x0: {  	(pc) =	sbr.rel $0x88, $3  }
0x1: {  	(tag) =	ssettag $0x0;
	lr =	simm.s32 $0x1  }
0x2: {  	[smem:$0x3F92] =	sst lr;
	_ =	strace $0xD0000000  }
0x3: {  	_ = 	snop  }
0x4: {  	_ = 	snop  }
0x5: {  	_ = 	snop  }
0x6: {  	_ = 	snop  }
0x7: {  	_ = 	snop  }
__scs_overlays_trampoline_lowered:
0x8: {  	[smem:$0x3FA1] =	sst s0  }
0x9: {  	[smem:$0x3FA2] =	sst s1  }
0xa: {  	[smem:$0x3FA3] =	sst s2  }
0xb: {  	[smem:$0x3FA4] =	sst s3  }
0xc: {  	[smem:$0x3FA5] =	sst s4  }
0xd: {  	[smem:$0x3FA6] =	sst s5  }
0xe: {  	[smem:$0x3FA7] =	sst s6  }
0xf: {  	[smem:$0x3FA8] =	sst s7  }
0x10: {  	[smem:$0x3FA9] =	sst s8  }
0x11: {  	[smem:$0x3FAA] =	sst s9;
	s0 =	simm.s32 @!p0 $0x0  }
0x12: {  	s1 =	sld [smem:$0x3F90];
	s0 =	simm.s32 @p0 $0x1  }
0x13: {  	[smem:$0x3FAB] =	sst s0;
	s0 =	simm.s32 @!p1 $0x0  }
0x14: {  	s2 =	sld [smem:$0x3F8F];
	s0 =	simm.s32 @p1 $0x1  }
0x15: {  	[smem:$0x3FAC] =	sst s0;
	s0 =	simm.s32 @!p2 $0x0  }
0x16: {  	s3 =	sld [smem:$0x3FDB];
	s0 =	simm.s32 @p2 $0x1  }
0x17: {  	s4 =	simm.s32 $0x1BF5;
	[smem:$0x3FAE] =	sst s0  }
0x18: {  	s0 =	sld [smem:$0x3F91];
	_ =	swait.ge [sflag:s4], $0x0  }
0x19: {  	s7 =	sld [smem:$0x3F92]  }
0x1a: {  	s8 =	sadd.s32 $0xFFFFE003, lr  }
0x1b: {  	s9 =	sadd.s32 $0xFFFFFEF7, lr;
	s5 =	simm.s32 $0xFFFFFFFF;
	p2 =	slt.u32 s8, $0xFFFFF086  }
0x1c: {  	p1 =	slt.u32 s9, $0xF7A;
	s5 =	simm.s32 @!p2 $0x0  }
0x1d: {  	s5 =	simm.s32 @p1 $0x1;
	p0 =	seq.s32 s7, s2  }
0x1e: {  	s7 =	smul.u32 @!p0 $0xF7A, s2;
	p2 =	seq.s32 @!p0 s5, $0x0  }
0x1f: {  	s9 =	smul.u32 $0xF7A, s1;
	s8 =	simm.s32 @!p0 $0x1BF5;
	p2 =	por !p2, p0  }
0x20: {  	[sflag:s8] =	ssyncset.s32 @!p0 $0xFFFFF086;
	s6 =	sadd.s32 @!p0 s3, s7;
	s7 =	simm.s32 @!p0 $0x108  }
0x21: {  	s3 =	sadd.s32 s3, s9;
	s6 =	sadd.s32 @!p0 $0x88, s6;
	s7 =	simm.s32 @p2 $0x1082  }
0x22: {  	[simem:s7], [sflag:s8] =	dma.local @!p0 [hbm:s6], $0xF7A  }
0x23: {  	s9 =	sor.u32 $0xD0000000, s2;
	s6 =	simm.s32 $0x108;
	_ =	swait.ge @!p0 [sflag:s8], $0x0  }
0x24: {  	s3 =	sadd.s32 $0x88, s3;
	s6 =	simm.s32 @!p1 $0x1082;
	[sflag:s4] =	ssyncset.s32 $0xFFFFF086  }
0x25: {  	[simem:s6], [sflag:s4] =	dma.local [hbm:s3], $0xF7A  }
0x26: {  	[smem:$0x3F92] =	sst s1;
	(tag) =	ssettag s2;
	_ =	strace s9  }
0x27: {  	s1 =	sld [smem:$0x3FA2]  }
0x28: {  	s2 =	sld [smem:$0x3FA3]  }
0x29: {  	s4 =	sld [smem:$0x3FA5]  }
0x2a: {  	p0 =	seq.s32 s5, $0x0;
	s5 =	sld [smem:$0x3FA6]  }
0x2b: {  	s6 =	sld [smem:$0x3FA7]  }
0x2c: {  	s7 =	sld [smem:$0x3FA8]  }
0x2d: {  	s3 =	simm.s32 $0x108;
	s8 =	sld [smem:$0x3FA9]  }
0x2e: {  	s3 =	simm.s32 @!p0 $0x1082;
	s9 =	sld [smem:$0x3FAA]  }
0x2f: {  	lr =	sadd.s32 s0, s3;
	s0 =	sld [smem:$0x3FA1]  }
0x30: {  	s3 =	sld [smem:$0x3FA4]  }
0x31: {  	[smem:$0x3FAD] =	sst s10  }
0x32: {  	s10 =	sld [smem:$0x3FAB];
	_ =	sdelay $0x3  }
0x33: {  	p0 =	seq.s32 s10, $0x1;
	s10 =	sld [smem:$0x3FAD];
	_ =	sdelay $0x3  }
0x34: {  	[smem:$0x3FAD] =	sst s10  }
0x35: {  	s10 =	sld [smem:$0x3FAC];
	_ =	sdelay $0x3  }
0x36: {  	p1 =	seq.s32 s10, $0x1;
	s10 =	sld [smem:$0x3FAD];
	_ =	sdelay $0x3  }
0x37: {  	[smem:$0x3FAD] =	sst s10  }
0x38: {  	s10 =	sld [smem:$0x3FAE]  }
0x39: {  	_ = 	snop;
	(pc) =	sbr.ind lr, $3  }
0x3a: {  	_ = 	snop  }
0x3b: {  	_ = 	snop  }
0x3c: {  	p2 =	seq.s32 s10, $0x1;
	s10 =	sld [smem:$0x3FAD]  }
0x3d: {  	_ =	shalt  }
0x3e: {  	_ =	shalt  }
0x3f: {  	_ =	shalt  }
0x40: {  	_ =	shalt  }
0x41: {  	_ =	shalt  }
0x42: {  	_ =	shalt  }
0x43: {  	_ =	shalt  }
0x44: {  	_ =	shalt  }
0x45: {  	_ =	shalt  }
0x46: {  	_ =	shalt  }
0x47: {  	_ =	shalt  }
0x48: {  	_ =	shalt  }
0x49: {  	_ =	shalt  }
0x4a: {  	_ =	shalt  }
0x4b: {  	_ =	shalt  }
0x4c: {  	_ =	shalt  }
0x4d: {  	_ =	shalt  }
0x4e: {  	_ =	shalt  }
0x4f: {  	_ =	shalt  }
0x50: {  	_ =	shalt  }
0x51: {  	_ =	shalt  }
0x52: {  	_ =	shalt  }
0x53: {  	_ =	shalt  }
0x54: {  	_ =	shalt  }
0x55: {  	_ =	shalt  }
0x56: {  	_ =	shalt  }
0x57: {  	_ =	shalt  }
0x58: {  	_ =	shalt  }
0x59: {  	_ =	shalt  }
0x5a: {  	_ =	shalt  }
0x5b: {  	_ =	shalt  }
0x5c: {  	_ =	shalt  }
0x5d: {  	_ =	shalt  }
0x5e: {  	_ =	shalt  }
0x5f: {  	_ =	shalt  }
0x60: {  	_ =	shalt  }
0x61: {  	_ =	shalt  }
0x62: {  	_ =	shalt  }
0x63: {  	_ =	shalt  }
0x64: {  	_ =	shalt  }
0x65: {  	_ =	shalt  }
0x66: {  	_ =	shalt  }
0x67: {  	_ =	shalt  }
0x68: {  	_ =	shalt  }
0x69: {  	_ =	shalt  }
0x6a: {  	_ =	shalt  }
0x6b: {  	_ =	shalt  }
0x6c: {  	_ =	shalt  }
0x6d: {  	_ =	shalt  }
0x6e: {  	_ =	shalt  }
0x6f: {  	_ =	shalt  }
0x70: {  	_ =	shalt  }
0x71: {  	_ =	shalt  }
0x72: {  	_ =	shalt  }
0x73: {  	_ =	shalt  }
0x74: {  	_ =	shalt  }
0x75: {  	_ =	shalt  }
0x76: {  	_ =	shalt  }
0x77: {  	_ =	shalt  }
0x78: {  	_ =	shalt  }
0x79: {  	_ =	shalt  }
0x7a: {  	_ =	shalt  }
0x7b: {  	_ =	shalt  }
0x7c: {  	_ =	shalt  }
0x7d: {  	_ =	shalt  }
0x7e: {  	_ =	shalt  }
0x7f: {  	_ =	shalt  }
0x80: {  	_ =	shalt  }
0x81: {  	_ =	shalt  }
0x82: {  	_ =	shalt  }
0x83: {  	_ =	shalt  }
0x84: {  	_ =	shalt  }
0x85: {  	_ =	shalt  }
0x86: {  	_ =	shalt  }
0x87: {  	_ =	shalt  }
.Lfunc_end0:
.L_simem_size_0:
called_computation_lowered:
.L_overlay_start_0:
0x88: {  	s2 =	sld [smem:$0x3FD9]  }
0x89: {  	s3 =	sld [smem:$0x3FFE];
	_ =	sdelay $0x1  }
0x8a: {  	s1 =	srdreg.scid  }
0x8b: {  	s0 =	sand.u32 $0x1, s1  }
0x8c: {  	s16 =	sshll.u32 s0, $0xA;
	s2 =	sadd.s32 s3, s2  }
0x8d: {  	s2 =	sadd.s32 s2, s16  }
0x8e: {  	[smem:$0x3FB9] =	sst s2  }
0x8f: {  	_ = 	snop  }
0x90: {  	(tm) =	ssettm $0x1  }
0x91: {  	s17 =	sld [smem:$0x3FFB];
	_ =	sdelay $0x3  }
0x92: {  	_ =	strace s17  }
0x93: {  	s2 =	sld [smem:$0x3FFC];
	_ =	sdelay $0x3  }
0x94: {  	_ =	strace s2  }
0x95: {  	s2 =	sld [smem:$0x3FFD];
	_ =	sdelay $0x3  }
0x96: {  	_ =	strace s2  }
0x97: {  	_ =	strace $0x8FFFFFFF  }
0x98: {  	s18 =	sld [smem:$0x3FDB];
	_ =	sdelay $0x1  }
0x99: {  	s19 =	simm.s32 $_scs_section_size  }
0x9a: {  	s4 =	simm.s32 $_size__tile_overlayer_lowered;
	s5 =	simm.s32 $_tile_overlayer_lowered  }
0x9b: {  	s22 =	simm.s32 $0x1BFF;
	s21 =	sshll.u32 s5, $0x1;
	s2 =	sadd.s32 s19, s18  }
0x9c: {  	s6 =	simm.s32 $0x0;
	s20 =	sshll.u32 s4, $0x1;
	s4 =	sadd.s32 s21, s2  }
0x9d: {  	[timem:s6], [sflag:s22] =	dma.local [hbm:s4], s20  }
0x9e: {  	_ =	swait.ge [sflag:s22], s20  }
0x9f: {  	s3 =	ssub.s32 $0x0, s20;
	[sflag:s22] =	ssyncset.done $0x0  }
0xa0: {  	[sflag:s22] =	ssyncadd.s32 s3;
	_ =	sdelay $0x1  }
0xa1: {  	s23 =	simm.s32 $0x1B8B  }
0xa2: {  	_ =	swait.ge [sflag:s23], $0x1  }
0xa3: {  	[sflag:s23] =	ssyncset.done $0x0  }
0xa4: {  	s25 =	simm.s32 $0x1B8E;
	s24 =	sld [smem:$0x3FFE];
	[sflag:s23] =	ssyncadd.s32 $0xFFFFFFFF  }
0xa5: {  	s26 =	simm.s32 $execute0_lowered;
	[smem:$0x3FD2] =	sst s25  }
0xa6: {  	s4 =	sshll.u32 s26, $0x1;
	_ =	strace $0x80000046;
	[dreg:$0x1] =	wrdreg $0xFFFFFFFF  }
0xa7: {  	s28 =	simm.s32 $_size_execute0_lowered;
	s2 =	sadd.s32 s2, s4;
	[dreg:$0x0] =	wrdreg $0x0  }
0xa8: {  	s4 =	sshll.u32 s28, $0x1;
	[dreg:$0x2] =	wrdreg s2  }
0xa9: {  	[dreg:$0x3] =	wrdreg s4  }
0xaa: {  	[dreg:$0x4] =	wrdreg $0xC0  }
0xab: {  	_ =	task [dreg:s6], $0x5FFFF  }
0xac: {  	[dreg:$0x1] =	wrdreg $0xFFFFFFFF  }
0xad: {  	[dreg:$0x0] =	wrdreg $0x60  }
0xae: {  	[dreg:$0x2] =	wrdreg s24  }
0xaf: {  	[dreg:$0x3] =	wrdreg $0x9  }
0xb0: {  	_ =	task.clear_ibuf [dreg:s6], $0x4FFFF;
	_ =	strace $0x90000046  }
0xb1: {  	s29 =	simm.s32 $0x9;
	_ =	strace $0x80000048  }
0xb2: {  	_ =	swait.ge [sflag:s29], $0x1  }
0xb3: {  	[sflag:s29] =	ssyncadd.s32 $0xFFFFFFFF  }
0xb4: {  	_ =	strace $0x90000048  }
0xb5: {  	_ =	sfence  }
0xb6: {  	s30 =	sld [smem:$0x0];
	_ =	sdelay $0x2  }
0xb7: {  	s31 =	sshll.u32 s1, $0xD;
	s1 =	sshrl.u32 s1, $0x2  }
0xb8: {  	s3 =	sand.u32 $0x4000, s31;
	s1 =	sadd.s32 s1, s30  }
0xb9: {  	s0 =	sor.u32 s3, s0;
	s1 =	sshll.u32 s1, $0x11  }
0xba: {  	s0 =	sor.u32 s1, s0  }
0xbb: {  	s0 =	sadd.s32 $0x8F2B, s0  }
0xbc: {  	[sflag:s0] =	ssyncadd.remote.s32 $0x1  }
0xbd: {  	_ =	sfence.sel $0xFFFF  }
0xbe: {  	[dreg:$0x0] =	wrdreg $0xFFFFFFFF;
	(pc) =	sbr.abs _section_cstart, $3  }
0xbf: {  	[dreg:$0x1] =	wrdreg $0xFFFFFFFF  }
0xc0: {  	_ =	task.clear_ibuf [dreg:s6], $0x2FFFF;
	_ =	strace $0x9FFFFFFF  }
0xc1: {  	(tm) =	ssettm $0x7FFFFFFF  }
tec
execute0_lowered:
.L_overlay_start_1:
0x0: {  	(tag) =	ssettag $0x1  }
0x1: {  	s0 =	rddreg [dreg:$0x0];
	s1 =	srdreg.scid  }
0x2: {  	s2 =	simm.s32 $0x0;
	s3 =	stileid.u32;
	s1 =	sand.u32 $0x1, s1  }
0x3: {  	s3 =	sshll.u32 s3, $0x1;
	s4 =	sadd.s32 $0x587600, s0;
	s6 =	sadd.s32 $0x584200, s0  }
0x4: {  	s7 =	sadd.s32 $0x57DE00, s0;
	s9 =	sadd.s32 $0x5EEA00, s0;
	s3 =	sor.u32 s1, s3  }
0x5: {  	[smem:$0x7FF] =	sst s2;
	s10 =	sadd.s32 $0x58AA00, s0;
	s5 =	smul.u32 $0x1A0, s3  }
0x6: {  	p0 =	por $0x0, $0x0;
	_ =	strace $0x80000047;
	s13 =	smul.u32 $0x320, s3  }
0x7: {  	s1 =	ssub.s32 $0x2, s1;
	s14 =	smul.u32 $0x1A00, s3;
	s11 =	sshll.u32 s3, $0x7  }
0x8: {  	s3 =	smul.u32 $0x3200, s3;
	s26 =	sshrl.u32 s1, $0x1;
	s11 =	sor.u32 $0x40, s11  }
0x9: {  	s29 =	ssub.s32 s1, s26;
	s8 =	sadd.s32 s4, s5;
	s12 =	smul.u32 $0x1A, s11  }
0xa: {  	s5 =	sadd.s32 s6, s5;
	s15 =	sadd.s32 s9, s14;
	s19 =	smul.u32 $0x32, s11  }
0xb: {  	s3 =	sadd.s32 s10, s3;
	s21 =	smul.u32 $0x34, s11;
	[dreg:$0x2] =	wrdreg s8  }
0xc: {  	s23 =	smul.u32 $0x64, s11;
	s30 =	smax.u32 s29, $0x1;
	[dreg:$0x3] =	wrdreg s5  }
0xd: {  	s11 =	simm.s32 $0x680;
	s8 =	sadd.s32 s7, s13;
	[dreg:$0x5] =	wrdreg s15  }
0xe: {  	s13 =	sadd.s32 $0x622A00, s0;
	[dreg:$0x6] =	wrdreg s3;
	s3 =	simm.s32 $0x2  }
0xf: {  	p1 =	sne.s32 s30, $0x1;
	s5 =	simm.s32 $0x8180;
	[dreg:$0x4] =	wrdreg s8  }
0x10: {  	s16 =	sadd.s32 s13, s14;
	s17 =	sshrl.u32 s12, $0x3;
	s12 =	sadd.s32 $0x3800, s0  }
0x11: {  	s8 =	sadd.s32 $0x4FD800, s0;
	s24 =	sadd.s32 s9, s21;
	s31 =	rddreg [dreg:$0x2]  }
0x12: {  	s25 =	sadd.s32 s10, s23;
	s28 =	sadd.s32 s13, s21;
	[dreg:$0x7] =	wrdreg s16  }
0x13: {  	s10 =	sadd.s32 $0x54CE00, s0;
	s13 =	simm.s32 $0xD00;
	[dreg:$0xb] =	wrdreg s24  }
.Ltmp0:
0x14: {  	s9 =	simm.s32 $0x80;
	[dreg:$0xc] =	wrdreg s25;
	(pc) =	sbr.rel @!p1 .LBB2_4-.Ltmp0, $4  }
0x15: {  	s14 =	sadd.s32 $0xFFFFFFFF, s30;
	s18 =	sadd.s32 s4, s17;
	[dreg:$0xd] =	wrdreg s28  }
0x16: {  	s20 =	sadd.s32 s6, s17;
	s4 =	sshrl.u32 s19, $0x3;
	[dreg:$0x8] =	wrdreg s18  }
0x17: {  	s6 =	simm.s32 $0x14980;
	[dreg:$0x9] =	wrdreg s20;
	s22 =	sadd.s32 s7, s4  }
0x18: {  	s4 =	simm.s32 $0x1980;
	s7 =	simm.s32 $0x1;
	[dreg:$0xa] =	wrdreg s22  }
0x19: {  	[tilespmem:s2], [sflag:$0x2] =	stream.linear.gather [hbm4b:s31+s2], $0x680, $0x38;
	[tilespmem:$0x1B180] =	vst v63  }
0x1a: {  	_ =	swait.ge [sflag:s3], $0x680  }
0x1b: {  	[sflag:s3] =	ssyncset.done $0x0  }
0x1c: {  	s31 =	rddreg [dreg:$0x3];
	[sflag:s3] =	ssyncadd.s32 $0xFFFFF980  }
0x1d: {  	[tilespmem:s11], [sflag:$0x2] =	stream.linear.gather [hbm4b:s31+s2], $0x680, $0x38;
	[tilespmem:$0x1B180] =	vst v63  }
0x1e: {  	_ =	swait.ge [sflag:s3], $0x680  }
0x1f: {  	[sflag:s3] =	ssyncset.done $0x0  }
0x20: {  	s31 =	rddreg [dreg:$0x4];
	[sflag:s3] =	ssyncadd.s32 $0xFFFFF980  }
0x21: {  	[tilespmem:s13], [sflag:$0x2] =	stream.linear.gather [hbm4b:s31+s2], $0xC80, $0x38;
	[tilespmem:$0x1B180] =	vst v63  }
0x22: {  	_ =	swait.ge [sflag:s3], $0xC80  }
0x23: {  	[sflag:s3] =	ssyncset.done $0x0  }
0x24: {  	[sflag:s3] =	ssyncadd.s32 $0xFFFFF380  }
0x25: {  	[tilespmem:s4], [sflag:$0x1] =	stream.indirect.gather [hbm4b:s12+s9], $0x10, s2, s9, $0xb8;
	[tilespmem:$0x1B180] =	vst v63  }
0x26: {  	s1 =	simm.s32 $0x2180  }
0x27: {  	[tilespmem:s1], [sflag:$0x1] =	stream.indirect.gather [hbm4b:s12+s9], $0x10, s9, s9, $0xb8;
	[tilespmem:$0x1B180] =	vst v63  }
0x28: {  	s11 =	simm.s32 $0x100;
	s13 =	simm.s32 $0x2980  }
0x29: {  	[tilespmem:s13], [sflag:$0x1] =	stream.indirect.gather [hbm4b:s12+s9], $0x10, s11, s9, $0xb8;
	[tilespmem:$0x1B180] =	vst v63  }
0x2a: {  	s15 =	simm.s32 $0x180;
	s16 =	simm.s32 $0x3180  }
0x2b: {  	[tilespmem:s16], [sflag:$0x1] =	stream.indirect.gather [hbm4b:s12+s9], $0x10, s15, s9, $0xb8;
	[tilespmem:$0x1B180] =	vst v63  }
0x2c: {  	s17 =	simm.s32 $0x200;
	s18 =	simm.s32 $0x3980  }
0x2d: {  	[tilespmem:s18], [sflag:$0x1] =	stream.indirect.gather [hbm4b:s12+s9], $0x10, s17, s9, $0xb8;
	[tilespmem:$0x1B180] =	vst v63  }
0x2e: {  	s19 =	simm.s32 $0x280;
	s20 =	simm.s32 $0x4180  }
0x2f: {  	[tilespmem:s20], [sflag:$0x1] =	stream.indirect.gather [hbm4b:s12+s9], $0x10, s19, s9, $0xb8;
	[tilespmem:$0x1B180] =	vst v63  }
0x30: {  	s21 =	simm.s32 $0x300;
	s22 =	simm.s32 $0x4980  }
0x31: {  	[tilespmem:s22], [sflag:$0x1] =	stream.indirect.gather [hbm4b:s12+s9], $0x10, s21, s9, $0xb8;
	[tilespmem:$0x1B180] =	vst v63  }
0x32: {  	s23 =	simm.s32 $0x380;
	s24 =	simm.s32 $0x5180  }
0x33: {  	[tilespmem:s24], [sflag:$0x1] =	stream.indirect.gather [hbm4b:s12+s9], $0x10, s23, s9, $0xb8;
	[tilespmem:$0x1B180] =	vst v63  }
0x34: {  	s25 =	simm.s32 $0x400;
	s26 =	simm.s32 $0x5980  }
0x35: {  	[tilespmem:s26], [sflag:$0x1] =	stream.indirect.gather [hbm4b:s12+s9], $0x10, s25, s9, $0xb8;
	[tilespmem:$0x1B180] =	vst v63  }
0x36: {  	s28 =	simm.s32 $0x480;
	s4 =	simm.s32 $0x6180  }
0x37: {  	[tilespmem:s4], [sflag:$0x1] =	stream.indirect.gather [hbm4b:s12+s9], $0x10, s28, s9, $0xb8;
	[tilespmem:$0x1B180] =	vst v63  }
0x38: {  	s29 =	simm.s32 $0x500;
	s11 =	simm.s32 $0x6980  }
0x39: {  	[tilespmem:s11], [sflag:$0x1] =	stream.indirect.gather [hbm4b:s12+s9], $0x10, s29, s9, $0xb8;
	[tilespmem:$0x1B180] =	vst v63  }
0x3a: {  	s16 =	simm.s32 $0x580;
	s18 =	simm.s32 $0x7180  }
0x3b: {  	[tilespmem:s18], [sflag:$0x1] =	stream.indirect.gather [hbm4b:s12+s9], $0x10, s16, s9, $0xb8;
	[tilespmem:$0x1B180] =	vst v63  }
0x3c: {  	s17 =	simm.s32 $0x600;
	s20 =	simm.s32 $0x7980  }
0x3d: {  	[tilespmem:s20], [sflag:$0x1] =	stream.indirect.gather [hbm4b:s12+s9], $0x10, s17, s9, $0xb8;
	[tilespmem:$0x1B180] =	vst v63  }
0x3e: {  	s6 =	simm.s32 $0x8180;
	s15 =	simm.s32 $0xD00  }
0x3f: {  	[tilespmem:s6], [sflag:$0x1] =	stream.indirect.gather [hbm4b:s10+s9], $0x10, s15, s9, $0xb8;
	[tilespmem:$0x1B180] =	vst v63  }
0x40: {  	s22 =	simm.s32 $0x8980;
	s15 =	simm.s32 $0xD80  }
0x41: {  	[tilespmem:s22], [sflag:$0x1] =	stream.indirect.gather [hbm4b:s10+s9], $0x10, s15, s9, $0xb8;
	[tilespmem:$0x1B180] =	vst v63  }
0x42: {  	s19 =	simm.s32 $0xE00;
	s24 =	simm.s32 $0x9180  }
0x43: {  	[tilespmem:s24], [sflag:$0x1] =	stream.indirect.gather [hbm4b:s10+s9], $0x10, s19, s9, $0xb8;
	[tilespmem:$0x1B180] =	vst v63  }
0x44: {  	s21 =	simm.s32 $0xE80;
	s26 =	simm.s32 $0x9980  }
0x45: {  	[tilespmem:s26], [sflag:$0x1] =	stream.indirect.gather [hbm4b:s10+s9], $0x10, s21, s9, $0xb8;
	[tilespmem:$0x1B180] =	vst v63  }
0x46: {  	s23 =	simm.s32 $0xF00;
	s29 =	simm.s32 $0xA180  }
0x47: {  	[tilespmem:s29], [sflag:$0x1] =	stream.indirect.gather [hbm4b:s10+s9], $0x10, s23, s9, $0xb8;
	[tilespmem:$0x1B180] =	vst v63  }
0x48: {  	s0 =	simm.s32 $0xA980;
	s25 =	simm.s32 $0xF80  }
0x49: {  	[tilespmem:s0], [sflag:$0x1] =	stream.indirect.gather [hbm4b:s10+s9], $0x10, s25, s9, $0xb8;
	[tilespmem:$0x1B180] =	vst v63  }
0x4a: {  	s30 =	simm.s32 $0xB180;
	s28 =	simm.s32 $0x1000  }
0x4b: {  	[tilespmem:s30], [sflag:$0x1] =	stream.indirect.gather [hbm4b:s10+s9], $0x10, s28, s9, $0xb8;
	[tilespmem:$0x1B180] =	vst v63  }
0x4c: {  	s1 =	simm.s32 $0xB980;
	s30 =	simm.s32 $0x1080  }
0x4d: {  	[tilespmem:s1], [sflag:$0x1] =	stream.indirect.gather [hbm4b:s10+s9], $0x10, s30, s9, $0xb8;
	[tilespmem:$0x1B180] =	vst v63  }
0x4e: {  	s0 =	simm.s32 $0xC180;
	s1 =	simm.s32 $0x1100  }
0x4f: {  	[tilespmem:s0], [sflag:$0x1] =	stream.indirect.gather [hbm4b:s10+s9], $0x10, s1, s9, $0xb8;
	[tilespmem:$0x1B180] =	vst v63  }
0x50: {  	s1 =	simm.s32 $0x1180;
	s0 =	simm.s32 $0xC980  }
0x51: {  	[tilespmem:s0], [sflag:$0x1] =	stream.indirect.gather [hbm4b:s10+s9], $0x10, s1, s9, $0xb8;
	[tilespmem:$0x1B180] =	vst v63  }
0x52: {  	s1 =	simm.s32 $0x1200;
	s0 =	simm.s32 $0xD180  }
0x53: {  	[tilespmem:s0], [sflag:$0x1] =	stream.indirect.gather [hbm4b:s10+s9], $0x10, s1, s9, $0xb8;
	[tilespmem:$0x1B180] =	vst v63  }
0x54: {  	s1 =	simm.s32 $0x1280;
	s0 =	simm.s32 $0xD980  }
0x55: {  	[tilespmem:s0], [sflag:$0x1] =	stream.indirect.gather [hbm4b:s10+s9], $0x10, s1, s9, $0xb8;
	[tilespmem:$0x1B180] =	vst v63  }
0x56: {  	s1 =	simm.s32 $0x1300;
	s0 =	simm.s32 $0xE180  }
0x57: {  	[tilespmem:s0], [sflag:$0x1] =	stream.indirect.gather [hbm4b:s10+s9], $0x10, s1, s9, $0xb8;
	[tilespmem:$0x1B180] =	vst v63  }
0x58: {  	s1 =	simm.s32 $0x1380;
	s0 =	simm.s32 $0xE980  }
0x59: {  	[tilespmem:s0], [sflag:$0x1] =	stream.indirect.gather [hbm4b:s10+s9], $0x10, s1, s9, $0xb8;
	[tilespmem:$0x1B180] =	vst v63  }
0x5a: {  	s1 =	simm.s32 $0x1400;
	s0 =	simm.s32 $0xF180  }
0x5b: {  	[tilespmem:s0], [sflag:$0x1] =	stream.indirect.gather [hbm4b:s10+s9], $0x10, s1, s9, $0xb8;
	[tilespmem:$0x1B180] =	vst v63  }
0x5c: {  	s1 =	simm.s32 $0x1480;
	s0 =	simm.s32 $0xF980  }
0x5d: {  	[tilespmem:s0], [sflag:$0x1] =	stream.indirect.gather [hbm4b:s10+s9], $0x10, s1, s9, $0xb8;
	[tilespmem:$0x1B180] =	vst v63  }
0x5e: {  	s1 =	simm.s32 $0x1500;
	s0 =	simm.s32 $0x10180  }
0x5f: {  	[tilespmem:s0], [sflag:$0x1] =	stream.indirect.gather [hbm4b:s10+s9], $0x10, s1, s9, $0xb8;
	[tilespmem:$0x1B180] =	vst v63  }
0x60: {  	s1 =	simm.s32 $0x1580;
	s0 =	simm.s32 $0x10980  }
0x61: {  	[tilespmem:s0], [sflag:$0x1] =	stream.indirect.gather [hbm4b:s10+s9], $0x10, s1, s9, $0xb8;
	[tilespmem:$0x1B180] =	vst v63  }
0x62: {  	s1 =	simm.s32 $0x1600;
	s0 =	simm.s32 $0x11180  }
0x63: {  	[tilespmem:s0], [sflag:$0x1] =	stream.indirect.gather [hbm4b:s10+s9], $0x10, s1, s9, $0xb8;
	[tilespmem:$0x1B180] =	vst v63  }
0x64: {  	s1 =	simm.s32 $0x1680;
	s0 =	simm.s32 $0x11980  }
0x65: {  	[tilespmem:s0], [sflag:$0x1] =	stream.indirect.gather [hbm4b:s10+s9], $0x10, s1, s9, $0xb8;
	[tilespmem:$0x1B180] =	vst v63  }
0x66: {  	s1 =	simm.s32 $0x1700;
	s0 =	simm.s32 $0x12180  }
0x67: {  	[tilespmem:s0], [sflag:$0x1] =	stream.indirect.gather [hbm4b:s10+s9], $0x10, s1, s9, $0xb8;
	[tilespmem:$0x1B180] =	vst v63  }
0x68: {  	s1 =	simm.s32 $0x1780;
	s0 =	simm.s32 $0x12980  }
0x69: {  	[tilespmem:s0], [sflag:$0x1] =	stream.indirect.gather [hbm4b:s10+s9], $0x10, s1, s9, $0xb8;
	[tilespmem:$0x1B180] =	vst v63  }
0x6a: {  	s1 =	simm.s32 $0x1800;
	s0 =	simm.s32 $0x13180  }
0x6b: {  	[tilespmem:s0], [sflag:$0x1] =	stream.indirect.gather [hbm4b:s10+s9], $0x10, s1, s9, $0xb8;
	[tilespmem:$0x1B180] =	vst v63  }
0x6c: {  	s1 =	simm.s32 $0x1880;
	s0 =	simm.s32 $0x13980  }
0x6d: {  	[tilespmem:s0], [sflag:$0x1] =	stream.indirect.gather [hbm4b:s10+s9], $0x10, s1, s9, $0xb8;
	[tilespmem:$0x1B180] =	vst v63  }
0x6e: {  	s1 =	simm.s32 $0x1900;
	s0 =	simm.s32 $0x14180  }
0x6f: {  	[tilespmem:s0], [sflag:$0x1] =	stream.indirect.gather [hbm4b:s10+s9], $0x10, s1, s9, $0xb8;
	[tilespmem:$0x1B180] =	vst v63  }
0x70: {  	s31 =	simm.s32 $0x14980;
	s13 =	simm.s32 $0x680  }
0x71: {  	[tilespmem:s31], [sflag:$0x1] =	stream.indirect.gather [hbm4b:s8+s9], $0x10, s13, s9, $0xb8;
	[tilespmem:$0x1B180] =	vst v63  }
0x72: {  	s1 =	simm.s32 $0x15180;
	s31 =	simm.s32 $0x700  }
0x73: {  	[tilespmem:s1], [sflag:$0x1] =	stream.indirect.gather [hbm4b:s8+s9], $0x10, s31, s9, $0xb8;
	[tilespmem:$0x1B180] =	vst v63  }
0x74: {  	s31 =	simm.s32 $0x780;
	s1 =	simm.s32 $0x15980  }
0x75: {  	[tilespmem:s1], [sflag:$0x1] =	stream.indirect.gather [hbm4b:s8+s9], $0x10, s31, s9, $0xb8;
	[tilespmem:$0x1B180] =	vst v63  }
0x76: {  	s31 =	simm.s32 $0x800;
	s1 =	simm.s32 $0x16180  }
0x77: {  	[tilespmem:s1], [sflag:$0x1] =	stream.indirect.gather [hbm4b:s8+s9], $0x10, s31, s9, $0xb8;
	[tilespmem:$0x1B180] =	vst v63  }
0x78: {  	s31 =	simm.s32 $0x880;
	s1 =	simm.s32 $0x16980  }
0x79: {  	[tilespmem:s1], [sflag:$0x1] =	stream.indirect.gather [hbm4b:s8+s9], $0x10, s31, s9, $0xb8;
	[tilespmem:$0x1B180] =	vst v63  }
0x7a: {  	s31 =	simm.s32 $0x900;
	s1 =	simm.s32 $0x17180  }
0x7b: {  	[tilespmem:s1], [sflag:$0x1] =	stream.indirect.gather [hbm4b:s8+s9], $0x10, s31, s9, $0xb8;
	[tilespmem:$0x1B180] =	vst v63  }
0x7c: {  	s31 =	simm.s32 $0x980;
	s1 =	simm.s32 $0x17980  }
0x7d: {  	[tilespmem:s1], [sflag:$0x1] =	stream.indirect.gather [hbm4b:s8+s9], $0x10, s31, s9, $0xb8;
	[tilespmem:$0x1B180] =	vst v63  }
0x7e: {  	s31 =	simm.s32 $0xA00;
	s1 =	simm.s32 $0x18180  }
0x7f: {  	[tilespmem:s1], [sflag:$0x1] =	stream.indirect.gather [hbm4b:s8+s9], $0x10, s31, s9, $0xb8;
	[tilespmem:$0x1B180] =	vst v63  }
0x80: {  	s31 =	simm.s32 $0xA80;
	s1 =	simm.s32 $0x18980  }
0x81: {  	[tilespmem:s1], [sflag:$0x1] =	stream.indirect.gather [hbm4b:s8+s9], $0x10, s31, s9, $0xb8;
	[tilespmem:$0x1B180] =	vst v63  }
0x82: {  	s31 =	simm.s32 $0xB00;
	s1 =	simm.s32 $0x19180  }
0x83: {  	[tilespmem:s1], [sflag:$0x1] =	stream.indirect.gather [hbm4b:s8+s9], $0x10, s31, s9, $0xb8;
	[tilespmem:$0x1B180] =	vst v63  }
0x84: {  	s1 =	simm.s32 $0xB80;
	s31 =	simm.s32 $0x19980  }
0x85: {  	[tilespmem:s31], [sflag:$0x1] =	stream.indirect.gather [hbm4b:s8+s9], $0x10, s1, s9, $0xb8;
	[tilespmem:$0x1B180] =	vst v63  }
0x86: {  	s1 =	simm.s32 $0xC00;
	s31 =	simm.s32 $0x1A180  }
0x87: {  	[tilespmem:s31], [sflag:$0x1] =	stream.indirect.gather [hbm4b:s8+s9], $0x10, s1, s9, $0xb8;
	[tilespmem:$0x1B180] =	vst v63  }
0x88: {  	s1 =	simm.s32 $0xC80;
	s31 =	simm.s32 $0x1A980  }
0x89: {  	[tilespmem:s31], [sflag:$0x1] =	stream.indirect.gather [hbm4b:s8+s9], $0x10, s1, s9, $0xb8;
	[tilespmem:$0x1B180] =	vst v63  }
0x8a: {  	_ =	swait.ge [sflag:s7], $0x800  }
0x8b: {  	[sflag:s7] =	ssyncset.done $0x0  }
0x8c: {  	[sflag:s7] =	ssyncadd.s32 $0xFFFFF800  }
0x8d: {  	_ =	swait.ge [sflag:s7], $0x800  }
0x8e: {  	[sflag:s7] =	ssyncset.done $0x0  }
0x8f: {  	[sflag:s7] =	ssyncadd.s32 $0xFFFFF800  }
0x90: {  	_ =	swait.ge [sflag:s7], $0x800  }
0x91: {  	[sflag:s7] =	ssyncset.done $0x0  }
0x92: {  	[sflag:s7] =	ssyncadd.s32 $0xFFFFF800  }
0x93: {  	_ =	swait.ge [sflag:s7], $0x800  }
0x94: {  	[sflag:s7] =	ssyncset.done $0x0  }
0x95: {  	[sflag:s7] =	ssyncadd.s32 $0xFFFFF800  }
0x96: {  	_ =	swait.ge [sflag:s7], $0x800  }
0x97: {  	[sflag:s7] =	ssyncset.done $0x0  }
0x98: {  	[sflag:s7] =	ssyncadd.s32 $0xFFFFF800  }
0x99: {  	_ =	swait.ge [sflag:s7], $0x800  }
0x9a: {  	[sflag:s7] =	ssyncset.done $0x0  }
0x9b: {  	[sflag:s7] =	ssyncadd.s32 $0xFFFFF800  }
0x9c: {  	_ =	swait.ge [sflag:s7], $0x800  }
0x9d: {  	[sflag:s7] =	ssyncset.done $0x0  }
0x9e: {  	[sflag:s7] =	ssyncadd.s32 $0xFFFFF800  }
0x9f: {  	_ =	swait.ge [sflag:s7], $0x800  }
0xa0: {  	[sflag:s7] =	ssyncset.done $0x0  }
0xa1: {  	[sflag:s7] =	ssyncadd.s32 $0xFFFFF800  }
0xa2: {  	_ =	swait.ge [sflag:s7], $0x800  }
0xa3: {  	[sflag:s7] =	ssyncset.done $0x0  }
0xa4: {  	[sflag:s7] =	ssyncadd.s32 $0xFFFFF800  }
0xa5: {  	_ =	swait.ge [sflag:s7], $0x800  }
0xa6: {  	[sflag:s7] =	ssyncset.done $0x0  }
0xa7: {  	[sflag:s7] =	ssyncadd.s32 $0xFFFFF800  }
0xa8: {  	_ =	swait.ge [sflag:s7], $0x800  }
0xa9: {  	[sflag:s7] =	ssyncset.done $0x0  }
0xaa: {  	[sflag:s7] =	ssyncadd.s32 $0xFFFFF800  }
0xab: {  	_ =	swait.ge [sflag:s7], $0x800  }
0xac: {  	[sflag:s7] =	ssyncset.done $0x0  }
0xad: {  	[sflag:s7] =	ssyncadd.s32 $0xFFFFF800  }
0xae: {  	_ =	swait.ge [sflag:s7], $0x800  }
0xaf: {  	[sflag:s7] =	ssyncset.done $0x0  }
0xb0: {  	[sflag:s7] =	ssyncadd.s32 $0xFFFFF800  }
0xb1: {  	_ =	swait.ge [sflag:s7], $0x800  }
0xb2: {  	[sflag:s7] =	ssyncset.done $0x0  }
0xb3: {  	[sflag:s7] =	ssyncadd.s32 $0xFFFFF800  }
0xb4: {  	_ =	swait.ge [sflag:s7], $0x800  }
0xb5: {  	[sflag:s7] =	ssyncset.done $0x0  }
0xb6: {  	[sflag:s7] =	ssyncadd.s32 $0xFFFFF800  }
0xb7: {  	_ =	swait.ge [sflag:s7], $0x800  }
0xb8: {  	[sflag:s7] =	ssyncset.done $0x0  }
0xb9: {  	[sflag:s7] =	ssyncadd.s32 $0xFFFFF800  }
0xba: {  	_ =	swait.ge [sflag:s7], $0x800  }
0xbb: {  	[sflag:s7] =	ssyncset.done $0x0  }
0xbc: {  	[sflag:s7] =	ssyncadd.s32 $0xFFFFF800  }
0xbd: {  	_ =	swait.ge [sflag:s7], $0x800  }
0xbe: {  	[sflag:s7] =	ssyncset.done $0x0  }
0xbf: {  	[sflag:s7] =	ssyncadd.s32 $0xFFFFF800  }
0xc0: {  	_ =	swait.ge [sflag:s7], $0x800  }
0xc1: {  	[sflag:s7] =	ssyncset.done $0x0  }
0xc2: {  	[sflag:s7] =	ssyncadd.s32 $0xFFFFF800  }
0xc3: {  	_ =	swait.ge [sflag:s7], $0x800  }
0xc4: {  	[sflag:s7] =	ssyncset.done $0x0  }
0xc5: {  	[sflag:s7] =	ssyncadd.s32 $0xFFFFF800  }
0xc6: {  	_ =	swait.ge [sflag:s7], $0x800  }
0xc7: {  	[sflag:s7] =	ssyncset.done $0x0  }
0xc8: {  	[sflag:s7] =	ssyncadd.s32 $0xFFFFF800  }
0xc9: {  	_ =	swait.ge [sflag:s7], $0x800  }
0xca: {  	[sflag:s7] =	ssyncset.done $0x0  }
0xcb: {  	[sflag:s7] =	ssyncadd.s32 $0xFFFFF800  }
0xcc: {  	_ =	swait.ge [sflag:s7], $0x800  }
0xcd: {  	[sflag:s7] =	ssyncset.done $0x0  }
0xce: {  	[sflag:s7] =	ssyncadd.s32 $0xFFFFF800  }
0xcf: {  	_ =	swait.ge [sflag:s7], $0x800  }
0xd0: {  	[sflag:s7] =	ssyncset.done $0x0  }
0xd1: {  	[sflag:s7] =	ssyncadd.s32 $0xFFFFF800  }
0xd2: {  	_ =	swait.ge [sflag:s7], $0x800  }
0xd3: {  	[sflag:s7] =	ssyncset.done $0x0  }
0xd4: {  	[sflag:s7] =	ssyncadd.s32 $0xFFFFF800  }
0xd5: {  	_ =	swait.ge [sflag:s7], $0x800  }
0xd6: {  	[sflag:s7] =	ssyncset.done $0x0  }
0xd7: {  	[sflag:s7] =	ssyncadd.s32 $0xFFFFF800  }
0xd8: {  	_ =	swait.ge [sflag:s7], $0x800  }
0xd9: {  	[sflag:s7] =	ssyncset.done $0x0  }
0xda: {  	[sflag:s7] =	ssyncadd.s32 $0xFFFFF800  }
0xdb: {  	_ =	swait.ge [sflag:s7], $0x800  }
0xdc: {  	[sflag:s7] =	ssyncset.done $0x0  }
0xdd: {  	[sflag:s7] =	ssyncadd.s32 $0xFFFFF800  }
0xde: {  	_ =	swait.ge [sflag:s7], $0x800  }
0xdf: {  	[sflag:s7] =	ssyncset.done $0x0  }
0xe0: {  	[sflag:s7] =	ssyncadd.s32 $0xFFFFF800  }
0xe1: {  	_ =	swait.ge [sflag:s7], $0x800  }
0xe2: {  	[sflag:s7] =	ssyncset.done $0x0  }
0xe3: {  	[sflag:s7] =	ssyncadd.s32 $0xFFFFF800  }
0xe4: {  	_ =	swait.ge [sflag:s7], $0x800  }
0xe5: {  	[sflag:s7] =	ssyncset.done $0x0  }
0xe6: {  	[sflag:s7] =	ssyncadd.s32 $0xFFFFF800  }
0xe7: {  	_ =	swait.ge [sflag:s7], $0x800  }
0xe8: {  	[sflag:s7] =	ssyncset.done $0x0  }
0xe9: {  	[sflag:s7] =	ssyncadd.s32 $0xFFFFF800  }
0xea: {  	_ =	swait.ge [sflag:s7], $0x800  }
0xeb: {  	[sflag:s7] =	ssyncset.done $0x0  }
0xec: {  	[sflag:s7] =	ssyncadd.s32 $0xFFFFF800  }
0xed: {  	_ =	swait.ge [sflag:s7], $0x800  }
0xee: {  	[sflag:s7] =	ssyncset.done $0x0  }
0xef: {  	[sflag:s7] =	ssyncadd.s32 $0xFFFFF800  }
0xf0: {  	_ =	swait.ge [sflag:s7], $0x800  }
0xf1: {  	[sflag:s7] =	ssyncset.done $0x0  }
0xf2: {  	[sflag:s7] =	ssyncadd.s32 $0xFFFFF800  }
0xf3: {  	_ =	swait.ge [sflag:s7], $0x800  }
0xf4: {  	[sflag:s7] =	ssyncset.done $0x0  }
0xf5: {  	[sflag:s7] =	ssyncadd.s32 $0xFFFFF800  }
0xf6: {  	_ =	swait.ge [sflag:s7], $0x800  }
0xf7: {  	[sflag:s7] =	ssyncset.done $0x0  }
0xf8: {  	[sflag:s7] =	ssyncadd.s32 $0xFFFFF800  }
0xf9: {  	_ =	swait.ge [sflag:s7], $0x800  }
0xfa: {  	[sflag:s7] =	ssyncset.done $0x0  }
0xfb: {  	[sflag:s7] =	ssyncadd.s32 $0xFFFFF800  }
0xfc: {  	_ =	swait.ge [sflag:s7], $0x800  }
0xfd: {  	[sflag:s7] =	ssyncset.done $0x0  }
0xfe: {  	[sflag:s7] =	ssyncadd.s32 $0xFFFFF800  }
0xff: {  	_ =	swait.ge [sflag:s7], $0x800  }
0x100: {  	[sflag:s7] =	ssyncset.done $0x0  }
0x101: {  	[sflag:s7] =	ssyncadd.s32 $0xFFFFF800  }
0x102: {  	_ =	swait.ge [sflag:s7], $0x800  }
0x103: {  	[sflag:s7] =	ssyncset.done $0x0  }
0x104: {  	[sflag:s7] =	ssyncadd.s32 $0xFFFFF800  }
0x105: {  	_ =	swait.ge [sflag:s7], $0x800  }
0x106: {  	[sflag:s7] =	ssyncset.done $0x0  }
0x107: {  	[sflag:s7] =	ssyncadd.s32 $0xFFFFF800  }
0x108: {  	_ =	swait.ge [sflag:s7], $0x800  }
0x109: {  	[sflag:s7] =	ssyncset.done $0x0  }
0x10a: {  	[sflag:s7] =	ssyncadd.s32 $0xFFFFF800  }
0x10b: {  	_ =	swait.ge [sflag:s7], $0x800  }
0x10c: {  	[sflag:s7] =	ssyncset.done $0x0  }
0x10d: {  	[sflag:s7] =	ssyncadd.s32 $0xFFFFF800  }
0x10e: {  	_ =	swait.ge [sflag:s7], $0x800  }
0x10f: {  	[sflag:s7] =	ssyncset.done $0x0  }
0x110: {  	[sflag:s7] =	ssyncadd.s32 $0xFFFFF800  }
0x111: {  	_ =	swait.ge [sflag:s7], $0x800  }
0x112: {  	[sflag:s7] =	ssyncset.done $0x0  }
0x113: {  	[sflag:s7] =	ssyncadd.s32 $0xFFFFF800  }
0x114: {  	_ =	swait.ge [sflag:s7], $0x800  }
0x115: {  	[sflag:s7] =	ssyncset.done $0x0  }
0x116: {  	[sflag:s7] =	ssyncadd.s32 $0xFFFFF800  }
0x117: {  	_ =	swait.ge [sflag:s7], $0x800  }
0x118: {  	[sflag:s7] =	ssyncset.done $0x0  }
0x119: {  	[sflag:s7] =	ssyncadd.s32 $0xFFFFF800  }
0x11a: {  	_ =	swait.ge [sflag:s7], $0x800  }
0x11b: {  	[sflag:s7] =	ssyncset.done $0x0  }
0x11c: {  	[sflag:s7] =	ssyncadd.s32 $0xFFFFF800  }
0x11d: {  	_ =	swait.ge [sflag:s7], $0x800  }
0x11e: {  	[sflag:s7] =	ssyncset.done $0x0  }
0x11f: {  	[sflag:s7] =	ssyncadd.s32 $0xFFFFF800  }
0x120: {  	_ =	swait.ge [sflag:s7], $0x800  }
0x121: {  	[sflag:s7] =	ssyncset.done $0x0  }
0x122: {  	s5 =	simm.s32 $0x1980;
	s31 =	rddreg [dreg:$0x5];
	[sflag:s7] =	ssyncadd.s32 $0xFFFFF800  }
0x123: {  	[hbm4b:s31+s2] =	stream.linear.scatter [tilespmem:s5], [sflag:$0x2], $0x6800, $0x38;
	[tilespmem:$0x1B180] =	vst v63  }
0x124: {  	_ =	swait.ge [sflag:s3], $0x6800  }
0x125: {  	[sflag:s3] =	ssyncset.done $0x0  }
0x126: {  	s31 =	rddreg [dreg:$0x6];
	[sflag:s3] =	ssyncadd.s32 $0xFFFF9800  }
0x127: {  	[hbm4b:s31+s2] =	stream.linear.scatter [tilespmem:s6], [sflag:$0x2], $0xC800, $0x38;
	[tilespmem:$0x1B180] =	vst v63  }
0x128: {  	_ =	swait.ge [sflag:s3], $0xC800  }
0x129: {  	[sflag:s3] =	ssyncset.done $0x0  }
0x12a: {  	s6 =	simm.s32 $0x14980;
	s31 =	rddreg [dreg:$0x7];
	[sflag:s3] =	ssyncadd.s32 $0xFFFF3800  }
0x12b: {  	[hbm4b:s31+s2] =	stream.linear.scatter [tilespmem:s6], [sflag:$0x2], $0x6800, $0x38;
	[tilespmem:$0x1B180] =	vst v63  }
0x12c: {  	_ =	swait.ge [sflag:s3], $0x6800  }
0x12d: {  	[sflag:s3] =	ssyncset.done $0x0  }
0x12e: {  	s31 =	rddreg [dreg:$0x8];
	[sflag:s3] =	ssyncadd.s32 $0xFFFF9800  }
0x12f: {  	[tilespmem:s2], [sflag:$0x2] =	stream.linear.gather [hbm4b:s31+s2], $0x680, $0x38;
	[tilespmem:$0x1B180] =	vst v63  }
0x130: {  	_ =	swait.ge [sflag:s3], $0x680  }
0x131: {  	[sflag:s3] =	ssyncset.done $0x0  }
0x132: {  	s31 =	rddreg [dreg:$0x9];
	[sflag:s3] =	ssyncadd.s32 $0xFFFFF980  }
0x133: {  	[tilespmem:s13], [sflag:$0x2] =	stream.linear.gather [hbm4b:s31+s2], $0x680, $0x38;
	[tilespmem:$0x1B180] =	vst v63  }
0x134: {  	_ =	swait.ge [sflag:s3], $0x680  }
0x135: {  	[sflag:s3] =	ssyncset.done $0x0  }
0x136: {  	s13 =	simm.s32 $0xD00;
	s31 =	rddreg [dreg:$0xa];
	[sflag:s3] =	ssyncadd.s32 $0xFFFFF980  }
0x137: {  	[tilespmem:s13], [sflag:$0x2] =	stream.linear.gather [hbm4b:s31+s2], $0xC80, $0x38;
	[tilespmem:$0x1B180] =	vst v63  }
0x138: {  	_ =	swait.ge [sflag:s3], $0xC80  }
0x139: {  	[sflag:s3] =	ssyncset.done $0x0  }
0x13a: {  	[sflag:s3] =	ssyncadd.s32 $0xFFFFF380  }
0x13b: {  	[tilespmem:s5], [sflag:$0x1] =	stream.indirect.gather [hbm4b:s12+s9], $0x10, s2, s9, $0xb8;
	[tilespmem:$0x1B180] =	vst v63  }
0x13c: {  	s1 =	simm.s32 $0x2180  }
0x13d: {  	[tilespmem:s1], [sflag:$0x1] =	stream.indirect.gather [hbm4b:s12+s9], $0x10, s9, s9, $0xb8;
	[tilespmem:$0x1B180] =	vst v63  }
0x13e: {  	s0 =	simm.s32 $0x100;
	s1 =	simm.s32 $0x2980  }
0x13f: {  	[tilespmem:s1], [sflag:$0x1] =	stream.indirect.gather [hbm4b:s12+s9], $0x10, s0, s9, $0xb8;
	[tilespmem:$0x1B180] =	vst v63  }
0x140: {  	s0 =	simm.s32 $0x180;
	s1 =	simm.s32 $0x3180  }
0x141: {  	[tilespmem:s1], [sflag:$0x1] =	stream.indirect.gather [hbm4b:s12+s9], $0x10, s0, s9, $0xb8;
	[tilespmem:$0x1B180] =	vst v63  }
0x142: {  	s0 =	simm.s32 $0x200;
	s1 =	simm.s32 $0x3980  }
0x143: {  	[tilespmem:s1], [sflag:$0x1] =	stream.indirect.gather [hbm4b:s12+s9], $0x10, s0, s9, $0xb8;
	[tilespmem:$0x1B180] =	vst v63  }
0x144: {  	s0 =	simm.s32 $0x280;
	s1 =	simm.s32 $0x4180  }
0x145: {  	[tilespmem:s1], [sflag:$0x1] =	stream.indirect.gather [hbm4b:s12+s9], $0x10, s0, s9, $0xb8;
	[tilespmem:$0x1B180] =	vst v63  }
0x146: {  	s0 =	simm.s32 $0x4980;
	s1 =	simm.s32 $0x300  }
0x147: {  	[tilespmem:s0], [sflag:$0x1] =	stream.indirect.gather [hbm4b:s12+s9], $0x10, s1, s9, $0xb8;
	[tilespmem:$0x1B180] =	vst v63  }
0x148: {  	s0 =	simm.s32 $0x5180;
	s1 =	simm.s32 $0x380  }
0x149: {  	[tilespmem:s0], [sflag:$0x1] =	stream.indirect.gather [hbm4b:s12+s9], $0x10, s1, s9, $0xb8;
	[tilespmem:$0x1B180] =	vst v63  }
0x14a: {  	s0 =	simm.s32 $0x400;
	s1 =	simm.s32 $0x5980  }
0x14b: {  	[tilespmem:s1], [sflag:$0x1] =	stream.indirect.gather [hbm4b:s12+s9], $0x10, s0, s9, $0xb8;
	[tilespmem:$0x1B180] =	vst v63  }
0x14c: {  	s1 =	simm.s32 $0x480  }
0x14d: {  	[tilespmem:s4], [sflag:$0x1] =	stream.indirect.gather [hbm4b:s12+s9], $0x10, s1, s9, $0xb8;
	[tilespmem:$0x1B180] =	vst v63  }
0x14e: {  	s4 =	simm.s32 $0x500  }
0x14f: {  	[tilespmem:s11], [sflag:$0x1] =	stream.indirect.gather [hbm4b:s12+s9], $0x10, s4, s9, $0xb8;
	[tilespmem:$0x1B180] =	vst v63  }
0x150: {  	_ = 	snop  }
0x151: {  	[tilespmem:s18], [sflag:$0x1] =	stream.indirect.gather [hbm4b:s12+s9], $0x10, s16, s9, $0xb8;
	[tilespmem:$0x1B180] =	vst v63  }
0x152: {  	_ = 	snop  }
0x153: {  	[tilespmem:s20], [sflag:$0x1] =	stream.indirect.gather [hbm4b:s12+s9], $0x10, s17, s9, $0xb8;
	[tilespmem:$0x1B180] =	vst v63  }
0x154: {  	s5 =	simm.s32 $0x8180  }
0x155: {  	[tilespmem:s5], [sflag:$0x1] =	stream.indirect.gather [hbm4b:s10+s9], $0x10, s13, s9, $0xb8;
	[tilespmem:$0x1B180] =	vst v63  }
0x156: {  	_ = 	snop  }
0x157: {  	[tilespmem:s22], [sflag:$0x1] =	stream.indirect.gather [hbm4b:s10+s9], $0x10, s15, s9, $0xb8;
	[tilespmem:$0x1B180] =	vst v63  }
0x158: {  	_ = 	snop  }
0x159: {  	[tilespmem:s24], [sflag:$0x1] =	stream.indirect.gather [hbm4b:s10+s9], $0x10, s19, s9, $0xb8;
	[tilespmem:$0x1B180] =	vst v63  }
0x15a: {  	_ = 	snop  }
0x15b: {  	[tilespmem:s26], [sflag:$0x1] =	stream.indirect.gather [hbm4b:s10+s9], $0x10, s21, s9, $0xb8;
	[tilespmem:$0x1B180] =	vst v63  }
0x15c: {  	_ = 	snop  }
0x15d: {  	[tilespmem:s29], [sflag:$0x1] =	stream.indirect.gather [hbm4b:s10+s9], $0x10, s23, s9, $0xb8;
	[tilespmem:$0x1B180] =	vst v63  }
0x15e: {  	s17 =	simm.s32 $0xA980  }
0x15f: {  	[tilespmem:s17], [sflag:$0x1] =	stream.indirect.gather [hbm4b:s10+s9], $0x10, s25, s9, $0xb8;
	[tilespmem:$0x1B180] =	vst v63  }
0x160: {  	s18 =	simm.s32 $0xB180  }
0x161: {  	[tilespmem:s18], [sflag:$0x1] =	stream.indirect.gather [hbm4b:s10+s9], $0x10, s28, s9, $0xb8;
	[tilespmem:$0x1B180] =	vst v63  }
0x162: {  	s19 =	simm.s32 $0xB980  }
0x163: {  	[tilespmem:s19], [sflag:$0x1] =	stream.indirect.gather [hbm4b:s10+s9], $0x10, s30, s9, $0xb8;
	[tilespmem:$0x1B180] =	vst v63  }
0x164: {  	s20 =	simm.s32 $0xC180;
	s21 =	simm.s32 $0x1100  }
0x165: {  	[tilespmem:s20], [sflag:$0x1] =	stream.indirect.gather [hbm4b:s10+s9], $0x10, s21, s9, $0xb8;
	[tilespmem:$0x1B180] =	vst v63  }
0x166: {  	s22 =	simm.s32 $0x1180;
	s23 =	simm.s32 $0xC980  }
0x167: {  	[tilespmem:s23], [sflag:$0x1] =	stream.indirect.gather [hbm4b:s10+s9], $0x10, s22, s9, $0xb8;
	[tilespmem:$0x1B180] =	vst v63  }
0x168: {  	s24 =	simm.s32 $0x1200;
	s25 =	simm.s32 $0xD180  }
0x169: {  	[tilespmem:s25], [sflag:$0x1] =	stream.indirect.gather [hbm4b:s10+s9], $0x10, s24, s9, $0xb8;
	[tilespmem:$0x1B180] =	vst v63  }
0x16a: {  	s26 =	simm.s32 $0x1280;
	s28 =	simm.s32 $0xD980  }
0x16b: {  	[tilespmem:s28], [sflag:$0x1] =	stream.indirect.gather [hbm4b:s10+s9], $0x10, s26, s9, $0xb8;
	[tilespmem:$0x1B180] =	vst v63  }
0x16c: {  	s29 =	simm.s32 $0xE180;
	s30 =	simm.s32 $0x1300  }
0x16d: {  	[tilespmem:s29], [sflag:$0x1] =	stream.indirect.gather [hbm4b:s10+s9], $0x10, s30, s9, $0xb8;
	[tilespmem:$0x1B180] =	vst v63  }
0x16e: {  	s1 =	simm.s32 $0xE980;
	s15 =	simm.s32 $0x1380  }
0x16f: {  	[tilespmem:s1], [sflag:$0x1] =	stream.indirect.gather [hbm4b:s10+s9], $0x10, s15, s9, $0xb8;
	[tilespmem:$0x1B180] =	vst v63  }
0x170: {  	s16 =	simm.s32 $0xF180;
	s17 =	simm.s32 $0x1400  }
0x171: {  	[tilespmem:s16], [sflag:$0x1] =	stream.indirect.gather [hbm4b:s10+s9], $0x10, s17, s9, $0xb8;
	[tilespmem:$0x1B180] =	vst v63  }
0x172: {  	s18 =	simm.s32 $0xF980;
	s19 =	simm.s32 $0x1480  }
0x173: {  	[tilespmem:s18], [sflag:$0x1] =	stream.indirect.gather [hbm4b:s10+s9], $0x10, s19, s9, $0xb8;
	[tilespmem:$0x1B180] =	vst v63  }
0x174: {  	s20 =	simm.s32 $0x10180;
	s21 =	simm.s32 $0x1500  }
0x175: {  	[tilespmem:s20], [sflag:$0x1] =	stream.indirect.gather [hbm4b:s10+s9], $0x10, s21, s9, $0xb8;
	[tilespmem:$0x1B180] =	vst v63  }
0x176: {  	s22 =	simm.s32 $0x10980;
	s23 =	simm.s32 $0x1580  }
0x177: {  	[tilespmem:s22], [sflag:$0x1] =	stream.indirect.gather [hbm4b:s10+s9], $0x10, s23, s9, $0xb8;
	[tilespmem:$0x1B180] =	vst v63  }
0x178: {  	s24 =	simm.s32 $0x11180;
	s25 =	simm.s32 $0x1600  }
0x179: {  	[tilespmem:s24], [sflag:$0x1] =	stream.indirect.gather [hbm4b:s10+s9], $0x10, s25, s9, $0xb8;
	[tilespmem:$0x1B180] =	vst v63  }
0x17a: {  	s26 =	simm.s32 $0x11980;
	s28 =	simm.s32 $0x1680  }
0x17b: {  	[tilespmem:s26], [sflag:$0x1] =	stream.indirect.gather [hbm4b:s10+s9], $0x10, s28, s9, $0xb8;
	[tilespmem:$0x1B180] =	vst v63  }
0x17c: {  	s29 =	simm.s32 $0x12180;
	s30 =	simm.s32 $0x1700  }
0x17d: {  	[tilespmem:s29], [sflag:$0x1] =	stream.indirect.gather [hbm4b:s10+s9], $0x10, s30, s9, $0xb8;
	[tilespmem:$0x1B180] =	vst v63  }
0x17e: {  	s1 =	simm.s32 $0x12980;
	s15 =	simm.s32 $0x1780  }
0x17f: {  	[tilespmem:s1], [sflag:$0x1] =	stream.indirect.gather [hbm4b:s10+s9], $0x10, s15, s9, $0xb8;
	[tilespmem:$0x1B180] =	vst v63  }
0x180: {  	s16 =	simm.s32 $0x13180;
	s17 =	simm.s32 $0x1800  }
0x181: {  	[tilespmem:s16], [sflag:$0x1] =	stream.indirect.gather [hbm4b:s10+s9], $0x10, s17, s9, $0xb8;
	[tilespmem:$0x1B180] =	vst v63  }
0x182: {  	s18 =	simm.s32 $0x13980;
	s19 =	simm.s32 $0x1880  }
0x183: {  	[tilespmem:s18], [sflag:$0x1] =	stream.indirect.gather [hbm4b:s10+s9], $0x10, s19, s9, $0xb8;
	[tilespmem:$0x1B180] =	vst v63  }
0x184: {  	s20 =	simm.s32 $0x14180;
	s21 =	simm.s32 $0x1900  }
0x185: {  	[tilespmem:s20], [sflag:$0x1] =	stream.indirect.gather [hbm4b:s10+s9], $0x10, s21, s9, $0xb8;
	[tilespmem:$0x1B180] =	vst v63  }
0x186: {  	s11 =	simm.s32 $0x680  }
0x187: {  	[tilespmem:s6], [sflag:$0x1] =	stream.indirect.gather [hbm4b:s8+s9], $0x10, s11, s9, $0xb8;
	[tilespmem:$0x1B180] =	vst v63  }
0x188: {  	s22 =	simm.s32 $0x15180;
	s23 =	simm.s32 $0x700  }
0x189: {  	[tilespmem:s22], [sflag:$0x1] =	stream.indirect.gather [hbm4b:s8+s9], $0x10, s23, s9, $0xb8;
	[tilespmem:$0x1B180] =	vst v63  }
0x18a: {  	s24 =	simm.s32 $0x15980;
	s25 =	simm.s32 $0x780  }
0x18b: {  	[tilespmem:s24], [sflag:$0x1] =	stream.indirect.gather [hbm4b:s8+s9], $0x10, s25, s9, $0xb8;
	[tilespmem:$0x1B180] =	vst v63  }
0x18c: {  	s26 =	simm.s32 $0x16180;
	s28 =	simm.s32 $0x800  }
0x18d: {  	[tilespmem:s26], [sflag:$0x1] =	stream.indirect.gather [hbm4b:s8+s9], $0x10, s28, s9, $0xb8;
	[tilespmem:$0x1B180] =	vst v63  }
0x18e: {  	s29 =	simm.s32 $0x16980;
	s30 =	simm.s32 $0x880  }
0x18f: {  	[tilespmem:s29], [sflag:$0x1] =	stream.indirect.gather [hbm4b:s8+s9], $0x10, s30, s9, $0xb8;
	[tilespmem:$0x1B180] =	vst v63  }
0x190: {  	s1 =	simm.s32 $0x17180;
	s15 =	simm.s32 $0x900  }
0x191: {  	[tilespmem:s1], [sflag:$0x1] =	stream.indirect.gather [hbm4b:s8+s9], $0x10, s15, s9, $0xb8;
	[tilespmem:$0x1B180] =	vst v63  }
0x192: {  	s16 =	simm.s32 $0x17980;
	s17 =	simm.s32 $0x980  }
0x193: {  	[tilespmem:s16], [sflag:$0x1] =	stream.indirect.gather [hbm4b:s8+s9], $0x10, s17, s9, $0xb8;
	[tilespmem:$0x1B180] =	vst v63  }
0x194: {  	s18 =	simm.s32 $0x18180;
	s19 =	simm.s32 $0xA00  }
0x195: {  	[tilespmem:s18], [sflag:$0x1] =	stream.indirect.gather [hbm4b:s8+s9], $0x10, s19, s9, $0xb8;
	[tilespmem:$0x1B180] =	vst v63  }
0x196: {  	s20 =	simm.s32 $0x18980;
	s21 =	simm.s32 $0xA80  }
0x197: {  	[tilespmem:s20], [sflag:$0x1] =	stream.indirect.gather [hbm4b:s8+s9], $0x10, s21, s9, $0xb8;
	[tilespmem:$0x1B180] =	vst v63  }
0x198: {  	s22 =	simm.s32 $0x19180;
	s23 =	simm.s32 $0xB00  }
0x199: {  	[tilespmem:s22], [sflag:$0x1] =	stream.indirect.gather [hbm4b:s8+s9], $0x10, s23, s9, $0xb8;
	[tilespmem:$0x1B180] =	vst v63  }
0x19a: {  	s24 =	simm.s32 $0x19980;
	s25 =	simm.s32 $0xB80  }
0x19b: {  	[tilespmem:s24], [sflag:$0x1] =	stream.indirect.gather [hbm4b:s8+s9], $0x10, s25, s9, $0xb8;
	[tilespmem:$0x1B180] =	vst v63  }
0x19c: {  	s26 =	simm.s32 $0x1A180;
	s28 =	simm.s32 $0xC00  }
0x19d: {  	[tilespmem:s26], [sflag:$0x1] =	stream.indirect.gather [hbm4b:s8+s9], $0x10, s28, s9, $0xb8;
	[tilespmem:$0x1B180] =	vst v63  }
0x19e: {  	s29 =	simm.s32 $0x1A980;
	s30 =	simm.s32 $0xC80  }
0x19f: {  	[tilespmem:s29], [sflag:$0x1] =	stream.indirect.gather [hbm4b:s8+s9], $0x10, s30, s9, $0xb8;
	[tilespmem:$0x1B180] =	vst v63  }
0x1a0: {  	_ =	swait.ge [sflag:s7], $0x800  }
0x1a1: {  	[sflag:s7] =	ssyncset.done $0x0  }
0x1a2: {  	[sflag:s7] =	ssyncadd.s32 $0xFFFFF800  }
0x1a3: {  	_ =	swait.ge [sflag:s7], $0x800  }
0x1a4: {  	[sflag:s7] =	ssyncset.done $0x0  }
0x1a5: {  	[sflag:s7] =	ssyncadd.s32 $0xFFFFF800  }
0x1a6: {  	_ =	swait.ge [sflag:s7], $0x800  }
0x1a7: {  	[sflag:s7] =	ssyncset.done $0x0  }
0x1a8: {  	[sflag:s7] =	ssyncadd.s32 $0xFFFFF800  }
0x1a9: {  	_ =	swait.ge [sflag:s7], $0x800  }
0x1aa: {  	[sflag:s7] =	ssyncset.done $0x0  }
0x1ab: {  	[sflag:s7] =	ssyncadd.s32 $0xFFFFF800  }
0x1ac: {  	_ =	swait.ge [sflag:s7], $0x800  }
0x1ad: {  	[sflag:s7] =	ssyncset.done $0x0  }
0x1ae: {  	[sflag:s7] =	ssyncadd.s32 $0xFFFFF800  }
0x1af: {  	_ =	swait.ge [sflag:s7], $0x800  }
0x1b0: {  	[sflag:s7] =	ssyncset.done $0x0  }
0x1b1: {  	[sflag:s7] =	ssyncadd.s32 $0xFFFFF800  }
0x1b2: {  	_ =	swait.ge [sflag:s7], $0x800  }
0x1b3: {  	[sflag:s7] =	ssyncset.done $0x0  }
0x1b4: {  	[sflag:s7] =	ssyncadd.s32 $0xFFFFF800  }
0x1b5: {  	_ =	swait.ge [sflag:s7], $0x800  }
0x1b6: {  	[sflag:s7] =	ssyncset.done $0x0  }
0x1b7: {  	[sflag:s7] =	ssyncadd.s32 $0xFFFFF800  }
0x1b8: {  	_ =	swait.ge [sflag:s7], $0x800  }
0x1b9: {  	[sflag:s7] =	ssyncset.done $0x0  }
0x1ba: {  	[sflag:s7] =	ssyncadd.s32 $0xFFFFF800  }
0x1bb: {  	_ =	swait.ge [sflag:s7], $0x800  }
0x1bc: {  	[sflag:s7] =	ssyncset.done $0x0  }
0x1bd: {  	[sflag:s7] =	ssyncadd.s32 $0xFFFFF800  }
0x1be: {  	_ =	swait.ge [sflag:s7], $0x800  }
0x1bf: {  	[sflag:s7] =	ssyncset.done $0x0  }
0x1c0: {  	[sflag:s7] =	ssyncadd.s32 $0xFFFFF800  }
0x1c1: {  	_ =	swait.ge [sflag:s7], $0x800  }
0x1c2: {  	[sflag:s7] =	ssyncset.done $0x0  }
0x1c3: {  	[sflag:s7] =	ssyncadd.s32 $0xFFFFF800  }
0x1c4: {  	_ =	swait.ge [sflag:s7], $0x800  }
0x1c5: {  	[sflag:s7] =	ssyncset.done $0x0  }
0x1c6: {  	[sflag:s7] =	ssyncadd.s32 $0xFFFFF800  }
0x1c7: {  	_ =	swait.ge [sflag:s7], $0x800  }
0x1c8: {  	[sflag:s7] =	ssyncset.done $0x0  }
0x1c9: {  	[sflag:s7] =	ssyncadd.s32 $0xFFFFF800  }
0x1ca: {  	_ =	swait.ge [sflag:s7], $0x800  }
0x1cb: {  	[sflag:s7] =	ssyncset.done $0x0  }
0x1cc: {  	[sflag:s7] =	ssyncadd.s32 $0xFFFFF800  }
0x1cd: {  	_ =	swait.ge [sflag:s7], $0x800  }
0x1ce: {  	[sflag:s7] =	ssyncset.done $0x0  }
0x1cf: {  	[sflag:s7] =	ssyncadd.s32 $0xFFFFF800  }
0x1d0: {  	_ =	swait.ge [sflag:s7], $0x800  }
0x1d1: {  	[sflag:s7] =	ssyncset.done $0x0  }
0x1d2: {  	[sflag:s7] =	ssyncadd.s32 $0xFFFFF800  }
0x1d3: {  	_ =	swait.ge [sflag:s7], $0x800  }
0x1d4: {  	[sflag:s7] =	ssyncset.done $0x0  }
0x1d5: {  	[sflag:s7] =	ssyncadd.s32 $0xFFFFF800  }
0x1d6: {  	_ =	swait.ge [sflag:s7], $0x800  }
0x1d7: {  	[sflag:s7] =	ssyncset.done $0x0  }
0x1d8: {  	[sflag:s7] =	ssyncadd.s32 $0xFFFFF800  }
0x1d9: {  	_ =	swait.ge [sflag:s7], $0x800  }
0x1da: {  	[sflag:s7] =	ssyncset.done $0x0  }
0x1db: {  	[sflag:s7] =	ssyncadd.s32 $0xFFFFF800  }
0x1dc: {  	_ =	swait.ge [sflag:s7], $0x800  }
0x1dd: {  	[sflag:s7] =	ssyncset.done $0x0  }
0x1de: {  	[sflag:s7] =	ssyncadd.s32 $0xFFFFF800  }
0x1df: {  	_ =	swait.ge [sflag:s7], $0x800  }
0x1e0: {  	[sflag:s7] =	ssyncset.done $0x0  }
0x1e1: {  	[sflag:s7] =	ssyncadd.s32 $0xFFFFF800  }
0x1e2: {  	_ =	swait.ge [sflag:s7], $0x800  }
0x1e3: {  	[sflag:s7] =	ssyncset.done $0x0  }
0x1e4: {  	[sflag:s7] =	ssyncadd.s32 $0xFFFFF800  }
0x1e5: {  	_ =	swait.ge [sflag:s7], $0x800  }
0x1e6: {  	[sflag:s7] =	ssyncset.done $0x0  }
0x1e7: {  	[sflag:s7] =	ssyncadd.s32 $0xFFFFF800  }
0x1e8: {  	_ =	swait.ge [sflag:s7], $0x800  }
0x1e9: {  	[sflag:s7] =	ssyncset.done $0x0  }
0x1ea: {  	[sflag:s7] =	ssyncadd.s32 $0xFFFFF800  }
0x1eb: {  	_ =	swait.ge [sflag:s7], $0x800  }
0x1ec: {  	[sflag:s7] =	ssyncset.done $0x0  }
0x1ed: {  	[sflag:s7] =	ssyncadd.s32 $0xFFFFF800  }
0x1ee: {  	_ =	swait.ge [sflag:s7], $0x800  }
0x1ef: {  	[sflag:s7] =	ssyncset.done $0x0  }
0x1f0: {  	[sflag:s7] =	ssyncadd.s32 $0xFFFFF800  }
0x1f1: {  	_ =	swait.ge [sflag:s7], $0x800  }
0x1f2: {  	[sflag:s7] =	ssyncset.done $0x0  }
0x1f3: {  	[sflag:s7] =	ssyncadd.s32 $0xFFFFF800  }
0x1f4: {  	_ =	swait.ge [sflag:s7], $0x800  }
0x1f5: {  	[sflag:s7] =	ssyncset.done $0x0  }
0x1f6: {  	[sflag:s7] =	ssyncadd.s32 $0xFFFFF800  }
0x1f7: {  	_ =	swait.ge [sflag:s7], $0x800  }
0x1f8: {  	[sflag:s7] =	ssyncset.done $0x0  }
0x1f9: {  	[sflag:s7] =	ssyncadd.s32 $0xFFFFF800  }
0x1fa: {  	_ =	swait.ge [sflag:s7], $0x800  }
0x1fb: {  	[sflag:s7] =	ssyncset.done $0x0  }
0x1fc: {  	[sflag:s7] =	ssyncadd.s32 $0xFFFFF800  }
0x1fd: {  	_ =	swait.ge [sflag:s7], $0x800  }
0x1fe: {  	[sflag:s7] =	ssyncset.done $0x0  }
0x1ff: {  	[sflag:s7] =	ssyncadd.s32 $0xFFFFF800  }
0x200: {  	_ =	swait.ge [sflag:s7], $0x800  }
0x201: {  	[sflag:s7] =	ssyncset.done $0x0  }
0x202: {  	[sflag:s7] =	ssyncadd.s32 $0xFFFFF800  }
0x203: {  	_ =	swait.ge [sflag:s7], $0x800  }
0x204: {  	[sflag:s7] =	ssyncset.done $0x0  }
0x205: {  	[sflag:s7] =	ssyncadd.s32 $0xFFFFF800  }
0x206: {  	_ =	swait.ge [sflag:s7], $0x800  }
0x207: {  	[sflag:s7] =	ssyncset.done $0x0  }
0x208: {  	[sflag:s7] =	ssyncadd.s32 $0xFFFFF800  }
0x209: {  	_ =	swait.ge [sflag:s7], $0x800  }
0x20a: {  	[sflag:s7] =	ssyncset.done $0x0  }
0x20b: {  	[sflag:s7] =	ssyncadd.s32 $0xFFFFF800  }
0x20c: {  	_ =	swait.ge [sflag:s7], $0x800  }
0x20d: {  	[sflag:s7] =	ssyncset.done $0x0  }
0x20e: {  	[sflag:s7] =	ssyncadd.s32 $0xFFFFF800  }
0x20f: {  	_ =	swait.ge [sflag:s7], $0x800  }
0x210: {  	[sflag:s7] =	ssyncset.done $0x0  }
0x211: {  	[sflag:s7] =	ssyncadd.s32 $0xFFFFF800  }
0x212: {  	_ =	swait.ge [sflag:s7], $0x800  }
0x213: {  	[sflag:s7] =	ssyncset.done $0x0  }
0x214: {  	[sflag:s7] =	ssyncadd.s32 $0xFFFFF800  }
0x215: {  	_ =	swait.ge [sflag:s7], $0x800  }
0x216: {  	[sflag:s7] =	ssyncset.done $0x0  }
0x217: {  	[sflag:s7] =	ssyncadd.s32 $0xFFFFF800  }
0x218: {  	_ =	swait.ge [sflag:s7], $0x800  }
0x219: {  	[sflag:s7] =	ssyncset.done $0x0  }
0x21a: {  	[sflag:s7] =	ssyncadd.s32 $0xFFFFF800  }
0x21b: {  	_ =	swait.ge [sflag:s7], $0x800  }
0x21c: {  	[sflag:s7] =	ssyncset.done $0x0  }
0x21d: {  	[sflag:s7] =	ssyncadd.s32 $0xFFFFF800  }
0x21e: {  	_ =	swait.ge [sflag:s7], $0x800  }
0x21f: {  	[sflag:s7] =	ssyncset.done $0x0  }
0x220: {  	[sflag:s7] =	ssyncadd.s32 $0xFFFFF800  }
0x221: {  	_ =	swait.ge [sflag:s7], $0x800  }
0x222: {  	[sflag:s7] =	ssyncset.done $0x0  }
0x223: {  	[sflag:s7] =	ssyncadd.s32 $0xFFFFF800  }
0x224: {  	_ =	swait.ge [sflag:s7], $0x800  }
0x225: {  	[sflag:s7] =	ssyncset.done $0x0  }
0x226: {  	[sflag:s7] =	ssyncadd.s32 $0xFFFFF800  }
0x227: {  	_ =	swait.ge [sflag:s7], $0x800  }
0x228: {  	[sflag:s7] =	ssyncset.done $0x0  }
0x229: {  	[sflag:s7] =	ssyncadd.s32 $0xFFFFF800  }
0x22a: {  	_ =	swait.ge [sflag:s7], $0x800  }
0x22b: {  	[sflag:s7] =	ssyncset.done $0x0  }
0x22c: {  	[sflag:s7] =	ssyncadd.s32 $0xFFFFF800  }
0x22d: {  	_ =	swait.ge [sflag:s7], $0x800  }
0x22e: {  	[sflag:s7] =	ssyncset.done $0x0  }
0x22f: {  	[sflag:s7] =	ssyncadd.s32 $0xFFFFF800  }
0x230: {  	_ =	swait.ge [sflag:s7], $0x800  }
0x231: {  	[sflag:s7] =	ssyncset.done $0x0  }
0x232: {  	[sflag:s7] =	ssyncadd.s32 $0xFFFFF800  }
0x233: {  	_ =	swait.ge [sflag:s7], $0x800  }
0x234: {  	[sflag:s7] =	ssyncset.done $0x0  }
0x235: {  	[sflag:s7] =	ssyncadd.s32 $0xFFFFF800  }
0x236: {  	_ =	swait.ge [sflag:s7], $0x800  }
0x237: {  	[sflag:s7] =	ssyncset.done $0x0  }
0x238: {  	s4 =	simm.s32 $0x1980;
	s31 =	rddreg [dreg:$0xb];
	[sflag:s7] =	ssyncadd.s32 $0xFFFFF800  }
0x239: {  	[hbm4b:s31+s2] =	stream.linear.scatter [tilespmem:s4], [sflag:$0x2], $0x6800, $0x38;
	[tilespmem:$0x1B180] =	vst v63  }
0x23a: {  	_ =	swait.ge [sflag:s3], $0x6800  }
0x23b: {  	[sflag:s3] =	ssyncset.done $0x0  }
0x23c: {  	s31 =	rddreg [dreg:$0xc];
	[sflag:s3] =	ssyncadd.s32 $0xFFFF9800  }
0x23d: {  	[hbm4b:s31+s2] =	stream.linear.scatter [tilespmem:s5], [sflag:$0x2], $0xC800, $0x38;
	[tilespmem:$0x1B180] =	vst v63  }
0x23e: {  	p1 =	sne.s32 s14, $0x1;
	_ =	swait.ge [sflag:s3], $0xC800  }
.Ltmp1:
0x23f: {  	[sflag:s3] =	ssyncset.done $0x0;
	(pc) =	sbr.rel @!p1 .LBB2_4-.Ltmp1, $4  }
0x240: {  	s31 =	rddreg [dreg:$0xd];
	[sflag:s3] =	ssyncadd.s32 $0xFFFF3800  }
0x241: {  	[hbm4b:s31+s2] =	stream.linear.scatter [tilespmem:s6], [sflag:$0x2], $0x6800, $0x38;
	[tilespmem:$0x1B180] =	vst v63  }
0x242: {  	p0 =	por $0x1, $0x1;
	_ =	swait.ge [sflag:s3], $0x6800  }
0x243: {  	s15 =	sadd.s32 $0xFFFFFFFF, s14;
	s31 =	rddreg [dreg:$0x2];
	[sflag:s3] =	ssyncset.done $0x0  }
0x244: {  	s26 =	simm.s32 $0x100;
	s28 =	simm.s32 $0x180  }
0x245: {  	s29 =	simm.s32 $0x200;
	s30 =	simm.s32 $0x3980;
	s16 =	simm.s32 $0x280  }
0x246: {  	s17 =	simm.s32 $0x4180;
	s18 =	simm.s32 $0x300;
	s19 =	simm.s32 $0x4980  }
0x247: {  	s20 =	simm.s32 $0x380;
	s21 =	simm.s32 $0x5180;
	s23 =	simm.s32 $0x5980  }
.LBB2_3:
0x248: {  	[sflag:s3] =	ssyncadd.s32 $0xFFFF9800  }
0x249: {  	[tilespmem:s2], [sflag:$0x2] =	stream.linear.gather [hbm4b:s31+s2], $0x680, $0x38;
	[tilespmem:$0x1B180] =	vst v63  }
0x24a: {  	_ =	swait.ge [sflag:s3], $0x680  }
0x24b: {  	[sflag:s3] =	ssyncset.done $0x0  }
0x24c: {  	s31 =	rddreg [dreg:$0x3];
	[sflag:s3] =	ssyncadd.s32 $0xFFFFF980  }
0x24d: {  	[tilespmem:s11], [sflag:$0x2] =	stream.linear.gather [hbm4b:s31+s2], $0x680, $0x38;
	[tilespmem:$0x1B180] =	vst v63  }
0x24e: {  	_ =	swait.ge [sflag:s3], $0x680  }
0x24f: {  	[sflag:s3] =	ssyncset.done $0x0  }
0x250: {  	s31 =	rddreg [dreg:$0x4];
	[sflag:s3] =	ssyncadd.s32 $0xFFFFF980  }
0x251: {  	[tilespmem:s13], [sflag:$0x2] =	stream.linear.gather [hbm4b:s31+s2], $0xC80, $0x38;
	[tilespmem:$0x1B180] =	vst v63  }
0x252: {  	_ =	swait.ge [sflag:s3], $0xC80  }
0x253: {  	[sflag:s3] =	ssyncset.done $0x0  }
0x254: {  	[sflag:s3] =	ssyncadd.s32 $0xFFFFF380  }
0x255: {  	[tilespmem:s4], [sflag:$0x1] =	stream.indirect.gather [hbm4b:s12+s9], $0x10, s2, s9, $0xb8;
	[tilespmem:$0x1B180] =	vst v63  }
0x256: {  	s1 =	simm.s32 $0x2180  }
0x257: {  	[tilespmem:s1], [sflag:$0x1] =	stream.indirect.gather [hbm4b:s12+s9], $0x10, s9, s9, $0xb8;
	[tilespmem:$0x1B180] =	vst v63  }
0x258: {  	s4 =	simm.s32 $0x2980  }
0x259: {  	[tilespmem:s4], [sflag:$0x1] =	stream.indirect.gather [hbm4b:s12+s9], $0x10, s26, s9, $0xb8;
	[tilespmem:$0x1B180] =	vst v63  }
0x25a: {  	s14 =	simm.s32 $0x3180  }
0x25b: {  	[tilespmem:s14], [sflag:$0x1] =	stream.indirect.gather [hbm4b:s12+s9], $0x10, s28, s9, $0xb8;
	[tilespmem:$0x1B180] =	vst v63  }
0x25c: {  	_ = 	snop  }
0x25d: {  	[tilespmem:s30], [sflag:$0x1] =	stream.indirect.gather [hbm4b:s12+s9], $0x10, s29, s9, $0xb8;
	[tilespmem:$0x1B180] =	vst v63  }
0x25e: {  	_ = 	snop  }
0x25f: {  	[tilespmem:s17], [sflag:$0x1] =	stream.indirect.gather [hbm4b:s12+s9], $0x10, s16, s9, $0xb8;
	[tilespmem:$0x1B180] =	vst v63  }
0x260: {  	_ = 	snop  }
0x261: {  	[tilespmem:s19], [sflag:$0x1] =	stream.indirect.gather [hbm4b:s12+s9], $0x10, s18, s9, $0xb8;
	[tilespmem:$0x1B180] =	vst v63  }
0x262: {  	_ = 	snop  }
0x263: {  	[tilespmem:s21], [sflag:$0x1] =	stream.indirect.gather [hbm4b:s12+s9], $0x10, s20, s9, $0xb8;
	[tilespmem:$0x1B180] =	vst v63  }
0x264: {  	s0 =	simm.s32 $0x400  }
0x265: {  	[tilespmem:s23], [sflag:$0x1] =	stream.indirect.gather [hbm4b:s12+s9], $0x10, s0, s9, $0xb8;
	[tilespmem:$0x1B180] =	vst v63  }
0x266: {  	s5 =	simm.s32 $0x6180;
	s13 =	simm.s32 $0x480  }
0x267: {  	[tilespmem:s5], [sflag:$0x1] =	stream.indirect.gather [hbm4b:s12+s9], $0x10, s13, s9, $0xb8;
	[tilespmem:$0x1B180] =	vst v63  }
0x268: {  	s22 =	simm.s32 $0x500;
	s11 =	simm.s32 $0x6980  }
0x269: {  	[tilespmem:s11], [sflag:$0x1] =	stream.indirect.gather [hbm4b:s12+s9], $0x10, s22, s9, $0xb8;
	[tilespmem:$0x1B180] =	vst v63  }
0x26a: {  	s24 =	simm.s32 $0x580;
	s22 =	simm.s32 $0x7180  }
0x26b: {  	[tilespmem:s22], [sflag:$0x1] =	stream.indirect.gather [hbm4b:s12+s9], $0x10, s24, s9, $0xb8;
	[tilespmem:$0x1B180] =	vst v63  }
0x26c: {  	s25 =	simm.s32 $0x7980;
	s24 =	simm.s32 $0x600  }
0x26d: {  	[tilespmem:s25], [sflag:$0x1] =	stream.indirect.gather [hbm4b:s12+s9], $0x10, s24, s9, $0xb8;
	[tilespmem:$0x1B180] =	vst v63  }
0x26e: {  	s6 =	simm.s32 $0x8180;
	s0 =	simm.s32 $0xD00  }
0x26f: {  	[tilespmem:s6], [sflag:$0x1] =	stream.indirect.gather [hbm4b:s10+s9], $0x10, s0, s9, $0xb8;
	[tilespmem:$0x1B180] =	vst v63  }
0x270: {  	s24 =	simm.s32 $0x8980;
	s0 =	simm.s32 $0xD80  }
0x271: {  	[tilespmem:s24], [sflag:$0x1] =	stream.indirect.gather [hbm4b:s10+s9], $0x10, s0, s9, $0xb8;
	[tilespmem:$0x1B180] =	vst v63  }
0x272: {  	s0 =	simm.s32 $0xE00;
	s24 =	simm.s32 $0x9180  }
0x273: {  	[tilespmem:s24], [sflag:$0x1] =	stream.indirect.gather [hbm4b:s10+s9], $0x10, s0, s9, $0xb8;
	[tilespmem:$0x1B180] =	vst v63  }
0x274: {  	s0 =	simm.s32 $0xE80;
	s24 =	simm.s32 $0x9980  }
0x275: {  	[tilespmem:s24], [sflag:$0x1] =	stream.indirect.gather [hbm4b:s10+s9], $0x10, s0, s9, $0xb8;
	[tilespmem:$0x1B180] =	vst v63  }
0x276: {  	s0 =	simm.s32 $0xF00;
	s24 =	simm.s32 $0xA180  }
0x277: {  	[tilespmem:s24], [sflag:$0x1] =	stream.indirect.gather [hbm4b:s10+s9], $0x10, s0, s9, $0xb8;
	[tilespmem:$0x1B180] =	vst v63  }
0x278: {  	s0 =	simm.s32 $0xF80;
	s24 =	simm.s32 $0xA980  }
0x279: {  	[tilespmem:s24], [sflag:$0x1] =	stream.indirect.gather [hbm4b:s10+s9], $0x10, s0, s9, $0xb8;
	[tilespmem:$0x1B180] =	vst v63  }
0x27a: {  	s0 =	simm.s32 $0x1000;
	s24 =	simm.s32 $0xB180  }
0x27b: {  	[tilespmem:s24], [sflag:$0x1] =	stream.indirect.gather [hbm4b:s10+s9], $0x10, s0, s9, $0xb8;
	[tilespmem:$0x1B180] =	vst v63  }
0x27c: {  	s0 =	simm.s32 $0x1080;
	s24 =	simm.s32 $0xB980  }
0x27d: {  	[tilespmem:s24], [sflag:$0x1] =	stream.indirect.gather [hbm4b:s10+s9], $0x10, s0, s9, $0xb8;
	[tilespmem:$0x1B180] =	vst v63  }
0x27e: {  	s0 =	simm.s32 $0x1100;
	s24 =	simm.s32 $0xC180  }
0x27f: {  	[tilespmem:s24], [sflag:$0x1] =	stream.indirect.gather [hbm4b:s10+s9], $0x10, s0, s9, $0xb8;
	[tilespmem:$0x1B180] =	vst v63  }
0x280: {  	s0 =	simm.s32 $0x1180;
	s24 =	simm.s32 $0xC980  }
0x281: {  	[tilespmem:s24], [sflag:$0x1] =	stream.indirect.gather [hbm4b:s10+s9], $0x10, s0, s9, $0xb8;
	[tilespmem:$0x1B180] =	vst v63  }
0x282: {  	s0 =	simm.s32 $0x1200;
	s24 =	simm.s32 $0xD180  }
0x283: {  	[tilespmem:s24], [sflag:$0x1] =	stream.indirect.gather [hbm4b:s10+s9], $0x10, s0, s9, $0xb8;
	[tilespmem:$0x1B180] =	vst v63  }
0x284: {  	s0 =	simm.s32 $0x1280;
	s24 =	simm.s32 $0xD980  }
0x285: {  	[tilespmem:s24], [sflag:$0x1] =	stream.indirect.gather [hbm4b:s10+s9], $0x10, s0, s9, $0xb8;
	[tilespmem:$0x1B180] =	vst v63  }
0x286: {  	s0 =	simm.s32 $0x1300;
	s24 =	simm.s32 $0xE180  }
0x287: {  	[tilespmem:s24], [sflag:$0x1] =	stream.indirect.gather [hbm4b:s10+s9], $0x10, s0, s9, $0xb8;
	[tilespmem:$0x1B180] =	vst v63  }
0x288: {  	s0 =	simm.s32 $0x1380;
	s24 =	simm.s32 $0xE980  }
0x289: {  	[tilespmem:s24], [sflag:$0x1] =	stream.indirect.gather [hbm4b:s10+s9], $0x10, s0, s9, $0xb8;
	[tilespmem:$0x1B180] =	vst v63  }
0x28a: {  	s0 =	simm.s32 $0x1400;
	s24 =	simm.s32 $0xF180  }
0x28b: {  	[tilespmem:s24], [sflag:$0x1] =	stream.indirect.gather [hbm4b:s10+s9], $0x10, s0, s9, $0xb8;
	[tilespmem:$0x1B180] =	vst v63  }
0x28c: {  	s0 =	simm.s32 $0x1480;
	s24 =	simm.s32 $0xF980  }
0x28d: {  	[tilespmem:s24], [sflag:$0x1] =	stream.indirect.gather [hbm4b:s10+s9], $0x10, s0, s9, $0xb8;
	[tilespmem:$0x1B180] =	vst v63  }
0x28e: {  	s0 =	simm.s32 $0x1500;
	s24 =	simm.s32 $0x10180  }
0x28f: {  	[tilespmem:s24], [sflag:$0x1] =	stream.indirect.gather [hbm4b:s10+s9], $0x10, s0, s9, $0xb8;
	[tilespmem:$0x1B180] =	vst v63  }
0x290: {  	s0 =	simm.s32 $0x1580;
	s24 =	simm.s32 $0x10980  }
0x291: {  	[tilespmem:s24], [sflag:$0x1] =	stream.indirect.gather [hbm4b:s10+s9], $0x10, s0, s9, $0xb8;
	[tilespmem:$0x1B180] =	vst v63  }
0x292: {  	s0 =	simm.s32 $0x1600;
	s24 =	simm.s32 $0x11180  }
0x293: {  	[tilespmem:s24], [sflag:$0x1] =	stream.indirect.gather [hbm4b:s10+s9], $0x10, s0, s9, $0xb8;
	[tilespmem:$0x1B180] =	vst v63  }
0x294: {  	s0 =	simm.s32 $0x1680;
	s24 =	simm.s32 $0x11980  }
0x295: {  	[tilespmem:s24], [sflag:$0x1] =	stream.indirect.gather [hbm4b:s10+s9], $0x10, s0, s9, $0xb8;
	[tilespmem:$0x1B180] =	vst v63  }
0x296: {  	s0 =	simm.s32 $0x1700;
	s24 =	simm.s32 $0x12180  }
0x297: {  	[tilespmem:s24], [sflag:$0x1] =	stream.indirect.gather [hbm4b:s10+s9], $0x10, s0, s9, $0xb8;
	[tilespmem:$0x1B180] =	vst v63  }
0x298: {  	s0 =	simm.s32 $0x1780;
	s24 =	simm.s32 $0x12980  }
0x299: {  	[tilespmem:s24], [sflag:$0x1] =	stream.indirect.gather [hbm4b:s10+s9], $0x10, s0, s9, $0xb8;
	[tilespmem:$0x1B180] =	vst v63  }
0x29a: {  	s0 =	simm.s32 $0x1800;
	s24 =	simm.s32 $0x13180  }
0x29b: {  	[tilespmem:s24], [sflag:$0x1] =	stream.indirect.gather [hbm4b:s10+s9], $0x10, s0, s9, $0xb8;
	[tilespmem:$0x1B180] =	vst v63  }
0x29c: {  	s0 =	simm.s32 $0x1880;
	s24 =	simm.s32 $0x13980  }
0x29d: {  	[tilespmem:s24], [sflag:$0x1] =	stream.indirect.gather [hbm4b:s10+s9], $0x10, s0, s9, $0xb8;
	[tilespmem:$0x1B180] =	vst v63  }
0x29e: {  	s0 =	simm.s32 $0x1900;
	s24 =	simm.s32 $0x14180  }
0x29f: {  	[tilespmem:s24], [sflag:$0x1] =	stream.indirect.gather [hbm4b:s10+s9], $0x10, s0, s9, $0xb8;
	[tilespmem:$0x1B180] =	vst v63  }
0x2a0: {  	s31 =	simm.s32 $0x14980;
	s13 =	simm.s32 $0x680  }
0x2a1: {  	[tilespmem:s31], [sflag:$0x1] =	stream.indirect.gather [hbm4b:s8+s9], $0x10, s13, s9, $0xb8;
	[tilespmem:$0x1B180] =	vst v63  }
0x2a2: {  	s0 =	simm.s32 $0x15180;
	s31 =	simm.s32 $0x700  }
0x2a3: {  	[tilespmem:s0], [sflag:$0x1] =	stream.indirect.gather [hbm4b:s8+s9], $0x10, s31, s9, $0xb8;
	[tilespmem:$0x1B180] =	vst v63  }
0x2a4: {  	s31 =	simm.s32 $0x780;
	s0 =	simm.s32 $0x15980  }
0x2a5: {  	[tilespmem:s0], [sflag:$0x1] =	stream.indirect.gather [hbm4b:s8+s9], $0x10, s31, s9, $0xb8;
	[tilespmem:$0x1B180] =	vst v63  }
0x2a6: {  	s31 =	simm.s32 $0x800;
	s0 =	simm.s32 $0x16180  }
0x2a7: {  	[tilespmem:s0], [sflag:$0x1] =	stream.indirect.gather [hbm4b:s8+s9], $0x10, s31, s9, $0xb8;
	[tilespmem:$0x1B180] =	vst v63  }
0x2a8: {  	s31 =	simm.s32 $0x880;
	s0 =	simm.s32 $0x16980  }
0x2a9: {  	[tilespmem:s0], [sflag:$0x1] =	stream.indirect.gather [hbm4b:s8+s9], $0x10, s31, s9, $0xb8;
	[tilespmem:$0x1B180] =	vst v63  }
0x2aa: {  	s31 =	simm.s32 $0x900;
	s0 =	simm.s32 $0x17180  }
0x2ab: {  	[tilespmem:s0], [sflag:$0x1] =	stream.indirect.gather [hbm4b:s8+s9], $0x10, s31, s9, $0xb8;
	[tilespmem:$0x1B180] =	vst v63  }
0x2ac: {  	s31 =	simm.s32 $0x980;
	s0 =	simm.s32 $0x17980  }
0x2ad: {  	[tilespmem:s0], [sflag:$0x1] =	stream.indirect.gather [hbm4b:s8+s9], $0x10, s31, s9, $0xb8;
	[tilespmem:$0x1B180] =	vst v63  }
0x2ae: {  	s31 =	simm.s32 $0xA00;
	s0 =	simm.s32 $0x18180  }
0x2af: {  	[tilespmem:s0], [sflag:$0x1] =	stream.indirect.gather [hbm4b:s8+s9], $0x10, s31, s9, $0xb8;
	[tilespmem:$0x1B180] =	vst v63  }
0x2b0: {  	s31 =	simm.s32 $0xA80;
	s0 =	simm.s32 $0x18980  }
0x2b1: {  	[tilespmem:s0], [sflag:$0x1] =	stream.indirect.gather [hbm4b:s8+s9], $0x10, s31, s9, $0xb8;
	[tilespmem:$0x1B180] =	vst v63  }
0x2b2: {  	s31 =	simm.s32 $0xB00;
	s0 =	simm.s32 $0x19180  }
0x2b3: {  	[tilespmem:s0], [sflag:$0x1] =	stream.indirect.gather [hbm4b:s8+s9], $0x10, s31, s9, $0xb8;
	[tilespmem:$0x1B180] =	vst v63  }
0x2b4: {  	s31 =	simm.s32 $0xB80;
	s0 =	simm.s32 $0x19980  }
0x2b5: {  	[tilespmem:s0], [sflag:$0x1] =	stream.indirect.gather [hbm4b:s8+s9], $0x10, s31, s9, $0xb8;
	[tilespmem:$0x1B180] =	vst v63  }
0x2b6: {  	s31 =	simm.s32 $0xC00;
	s0 =	simm.s32 $0x1A180  }
0x2b7: {  	[tilespmem:s0], [sflag:$0x1] =	stream.indirect.gather [hbm4b:s8+s9], $0x10, s31, s9, $0xb8;
	[tilespmem:$0x1B180] =	vst v63  }
0x2b8: {  	s31 =	simm.s32 $0xC80;
	s0 =	simm.s32 $0x1A980  }
0x2b9: {  	[tilespmem:s0], [sflag:$0x1] =	stream.indirect.gather [hbm4b:s8+s9], $0x10, s31, s9, $0xb8;
	[tilespmem:$0x1B180] =	vst v63  }
0x2ba: {  	_ =	swait.ge [sflag:s7], $0x800  }
0x2bb: {  	[sflag:s7] =	ssyncset.done $0x0  }
0x2bc: {  	[sflag:s7] =	ssyncadd.s32 $0xFFFFF800  }
0x2bd: {  	_ =	swait.ge [sflag:s7], $0x800  }
0x2be: {  	[sflag:s7] =	ssyncset.done $0x0  }
0x2bf: {  	[sflag:s7] =	ssyncadd.s32 $0xFFFFF800  }
0x2c0: {  	_ =	swait.ge [sflag:s7], $0x800  }
0x2c1: {  	[sflag:s7] =	ssyncset.done $0x0  }
0x2c2: {  	[sflag:s7] =	ssyncadd.s32 $0xFFFFF800  }
0x2c3: {  	_ =	swait.ge [sflag:s7], $0x800  }
0x2c4: {  	[sflag:s7] =	ssyncset.done $0x0  }
0x2c5: {  	[sflag:s7] =	ssyncadd.s32 $0xFFFFF800  }
0x2c6: {  	_ =	swait.ge [sflag:s7], $0x800  }
0x2c7: {  	[sflag:s7] =	ssyncset.done $0x0  }
0x2c8: {  	[sflag:s7] =	ssyncadd.s32 $0xFFFFF800  }
0x2c9: {  	_ =	swait.ge [sflag:s7], $0x800  }
0x2ca: {  	[sflag:s7] =	ssyncset.done $0x0  }
0x2cb: {  	[sflag:s7] =	ssyncadd.s32 $0xFFFFF800  }
0x2cc: {  	_ =	swait.ge [sflag:s7], $0x800  }
0x2cd: {  	[sflag:s7] =	ssyncset.done $0x0  }
0x2ce: {  	[sflag:s7] =	ssyncadd.s32 $0xFFFFF800  }
0x2cf: {  	_ =	swait.ge [sflag:s7], $0x800  }
0x2d0: {  	[sflag:s7] =	ssyncset.done $0x0  }
0x2d1: {  	[sflag:s7] =	ssyncadd.s32 $0xFFFFF800  }
0x2d2: {  	_ =	swait.ge [sflag:s7], $0x800  }
0x2d3: {  	[sflag:s7] =	ssyncset.done $0x0  }
0x2d4: {  	[sflag:s7] =	ssyncadd.s32 $0xFFFFF800  }
0x2d5: {  	_ =	swait.ge [sflag:s7], $0x800  }
0x2d6: {  	[sflag:s7] =	ssyncset.done $0x0  }
0x2d7: {  	[sflag:s7] =	ssyncadd.s32 $0xFFFFF800  }
0x2d8: {  	_ =	swait.ge [sflag:s7], $0x800  }
0x2d9: {  	[sflag:s7] =	ssyncset.done $0x0  }
0x2da: {  	[sflag:s7] =	ssyncadd.s32 $0xFFFFF800  }
0x2db: {  	_ =	swait.ge [sflag:s7], $0x800  }
0x2dc: {  	[sflag:s7] =	ssyncset.done $0x0  }
0x2dd: {  	[sflag:s7] =	ssyncadd.s32 $0xFFFFF800  }
0x2de: {  	_ =	swait.ge [sflag:s7], $0x800  }
0x2df: {  	[sflag:s7] =	ssyncset.done $0x0  }
0x2e0: {  	[sflag:s7] =	ssyncadd.s32 $0xFFFFF800  }
0x2e1: {  	_ =	swait.ge [sflag:s7], $0x800  }
0x2e2: {  	[sflag:s7] =	ssyncset.done $0x0  }
0x2e3: {  	[sflag:s7] =	ssyncadd.s32 $0xFFFFF800  }
0x2e4: {  	_ =	swait.ge [sflag:s7], $0x800  }
0x2e5: {  	[sflag:s7] =	ssyncset.done $0x0  }
0x2e6: {  	[sflag:s7] =	ssyncadd.s32 $0xFFFFF800  }
0x2e7: {  	_ =	swait.ge [sflag:s7], $0x800  }
0x2e8: {  	[sflag:s7] =	ssyncset.done $0x0  }
0x2e9: {  	[sflag:s7] =	ssyncadd.s32 $0xFFFFF800  }
0x2ea: {  	_ =	swait.ge [sflag:s7], $0x800  }
0x2eb: {  	[sflag:s7] =	ssyncset.done $0x0  }
0x2ec: {  	[sflag:s7] =	ssyncadd.s32 $0xFFFFF800  }
0x2ed: {  	_ =	swait.ge [sflag:s7], $0x800  }
0x2ee: {  	[sflag:s7] =	ssyncset.done $0x0  }
0x2ef: {  	[sflag:s7] =	ssyncadd.s32 $0xFFFFF800  }
0x2f0: {  	_ =	swait.ge [sflag:s7], $0x800  }
0x2f1: {  	[sflag:s7] =	ssyncset.done $0x0  }
0x2f2: {  	[sflag:s7] =	ssyncadd.s32 $0xFFFFF800  }
0x2f3: {  	_ =	swait.ge [sflag:s7], $0x800  }
0x2f4: {  	[sflag:s7] =	ssyncset.done $0x0  }
0x2f5: {  	[sflag:s7] =	ssyncadd.s32 $0xFFFFF800  }
0x2f6: {  	_ =	swait.ge [sflag:s7], $0x800  }
0x2f7: {  	[sflag:s7] =	ssyncset.done $0x0  }
0x2f8: {  	[sflag:s7] =	ssyncadd.s32 $0xFFFFF800  }
0x2f9: {  	_ =	swait.ge [sflag:s7], $0x800  }
0x2fa: {  	[sflag:s7] =	ssyncset.done $0x0  }
0x2fb: {  	[sflag:s7] =	ssyncadd.s32 $0xFFFFF800  }
0x2fc: {  	_ =	swait.ge [sflag:s7], $0x800  }
0x2fd: {  	[sflag:s7] =	ssyncset.done $0x0  }
0x2fe: {  	[sflag:s7] =	ssyncadd.s32 $0xFFFFF800  }
0x2ff: {  	_ =	swait.ge [sflag:s7], $0x800  }
0x300: {  	[sflag:s7] =	ssyncset.done $0x0  }
0x301: {  	[sflag:s7] =	ssyncadd.s32 $0xFFFFF800  }
0x302: {  	_ =	swait.ge [sflag:s7], $0x800  }
0x303: {  	[sflag:s7] =	ssyncset.done $0x0  }
0x304: {  	[sflag:s7] =	ssyncadd.s32 $0xFFFFF800  }
0x305: {  	_ =	swait.ge [sflag:s7], $0x800  }
0x306: {  	[sflag:s7] =	ssyncset.done $0x0  }
0x307: {  	[sflag:s7] =	ssyncadd.s32 $0xFFFFF800  }
0x308: {  	_ =	swait.ge [sflag:s7], $0x800  }
0x309: {  	[sflag:s7] =	ssyncset.done $0x0  }
0x30a: {  	[sflag:s7] =	ssyncadd.s32 $0xFFFFF800  }
0x30b: {  	_ =	swait.ge [sflag:s7], $0x800  }
0x30c: {  	[sflag:s7] =	ssyncset.done $0x0  }
0x30d: {  	[sflag:s7] =	ssyncadd.s32 $0xFFFFF800  }
0x30e: {  	_ =	swait.ge [sflag:s7], $0x800  }
0x30f: {  	[sflag:s7] =	ssyncset.done $0x0  }
0x310: {  	[sflag:s7] =	ssyncadd.s32 $0xFFFFF800  }
0x311: {  	_ =	swait.ge [sflag:s7], $0x800  }
0x312: {  	[sflag:s7] =	ssyncset.done $0x0  }
0x313: {  	[sflag:s7] =	ssyncadd.s32 $0xFFFFF800  }
0x314: {  	_ =	swait.ge [sflag:s7], $0x800  }
0x315: {  	[sflag:s7] =	ssyncset.done $0x0  }
0x316: {  	[sflag:s7] =	ssyncadd.s32 $0xFFFFF800  }
0x317: {  	_ =	swait.ge [sflag:s7], $0x800  }
0x318: {  	[sflag:s7] =	ssyncset.done $0x0  }
0x319: {  	[sflag:s7] =	ssyncadd.s32 $0xFFFFF800  }
0x31a: {  	_ =	swait.ge [sflag:s7], $0x800  }
0x31b: {  	[sflag:s7] =	ssyncset.done $0x0  }
0x31c: {  	[sflag:s7] =	ssyncadd.s32 $0xFFFFF800  }
0x31d: {  	_ =	swait.ge [sflag:s7], $0x800  }
0x31e: {  	[sflag:s7] =	ssyncset.done $0x0  }
0x31f: {  	[sflag:s7] =	ssyncadd.s32 $0xFFFFF800  }
0x320: {  	_ =	swait.ge [sflag:s7], $0x800  }
0x321: {  	[sflag:s7] =	ssyncset.done $0x0  }
0x322: {  	[sflag:s7] =	ssyncadd.s32 $0xFFFFF800  }
0x323: {  	_ =	swait.ge [sflag:s7], $0x800  }
0x324: {  	[sflag:s7] =	ssyncset.done $0x0  }
0x325: {  	[sflag:s7] =	ssyncadd.s32 $0xFFFFF800  }
0x326: {  	_ =	swait.ge [sflag:s7], $0x800  }
0x327: {  	[sflag:s7] =	ssyncset.done $0x0  }
0x328: {  	[sflag:s7] =	ssyncadd.s32 $0xFFFFF800  }
0x329: {  	_ =	swait.ge [sflag:s7], $0x800  }
0x32a: {  	[sflag:s7] =	ssyncset.done $0x0  }
0x32b: {  	[sflag:s7] =	ssyncadd.s32 $0xFFFFF800  }
0x32c: {  	_ =	swait.ge [sflag:s7], $0x800  }
0x32d: {  	[sflag:s7] =	ssyncset.done $0x0  }
0x32e: {  	[sflag:s7] =	ssyncadd.s32 $0xFFFFF800  }
0x32f: {  	_ =	swait.ge [sflag:s7], $0x800  }
0x330: {  	[sflag:s7] =	ssyncset.done $0x0  }
0x331: {  	[sflag:s7] =	ssyncadd.s32 $0xFFFFF800  }
0x332: {  	_ =	swait.ge [sflag:s7], $0x800  }
0x333: {  	[sflag:s7] =	ssyncset.done $0x0  }
0x334: {  	[sflag:s7] =	ssyncadd.s32 $0xFFFFF800  }
0x335: {  	_ =	swait.ge [sflag:s7], $0x800  }
0x336: {  	[sflag:s7] =	ssyncset.done $0x0  }
0x337: {  	[sflag:s7] =	ssyncadd.s32 $0xFFFFF800  }
0x338: {  	_ =	swait.ge [sflag:s7], $0x800  }
0x339: {  	[sflag:s7] =	ssyncset.done $0x0  }
0x33a: {  	[sflag:s7] =	ssyncadd.s32 $0xFFFFF800  }
0x33b: {  	_ =	swait.ge [sflag:s7], $0x800  }
0x33c: {  	[sflag:s7] =	ssyncset.done $0x0  }
0x33d: {  	[sflag:s7] =	ssyncadd.s32 $0xFFFFF800  }
0x33e: {  	_ =	swait.ge [sflag:s7], $0x800  }
0x33f: {  	[sflag:s7] =	ssyncset.done $0x0  }
0x340: {  	[sflag:s7] =	ssyncadd.s32 $0xFFFFF800  }
0x341: {  	_ =	swait.ge [sflag:s7], $0x800  }
0x342: {  	[sflag:s7] =	ssyncset.done $0x0  }
0x343: {  	[sflag:s7] =	ssyncadd.s32 $0xFFFFF800  }
0x344: {  	_ =	swait.ge [sflag:s7], $0x800  }
0x345: {  	[sflag:s7] =	ssyncset.done $0x0  }
0x346: {  	[sflag:s7] =	ssyncadd.s32 $0xFFFFF800  }
0x347: {  	_ =	swait.ge [sflag:s7], $0x800  }
0x348: {  	[sflag:s7] =	ssyncset.done $0x0  }
0x349: {  	[sflag:s7] =	ssyncadd.s32 $0xFFFFF800  }
0x34a: {  	_ =	swait.ge [sflag:s7], $0x800  }
0x34b: {  	[sflag:s7] =	ssyncset.done $0x0  }
0x34c: {  	[sflag:s7] =	ssyncadd.s32 $0xFFFFF800  }
0x34d: {  	_ =	swait.ge [sflag:s7], $0x800  }
0x34e: {  	[sflag:s7] =	ssyncset.done $0x0  }
0x34f: {  	[sflag:s7] =	ssyncadd.s32 $0xFFFFF800  }
0x350: {  	_ =	swait.ge [sflag:s7], $0x800  }
0x351: {  	[sflag:s7] =	ssyncset.done $0x0  }
0x352: {  	s5 =	simm.s32 $0x1980;
	s31 =	rddreg [dreg:$0x5];
	[sflag:s7] =	ssyncadd.s32 $0xFFFFF800  }
0x353: {  	[hbm4b:s31+s2] =	stream.linear.scatter [tilespmem:s5], [sflag:$0x2], $0x6800, $0x38;
	[tilespmem:$0x1B180] =	vst v63  }
0x354: {  	_ =	swait.ge [sflag:s3], $0x6800  }
0x355: {  	[sflag:s3] =	ssyncset.done $0x0  }
0x356: {  	s31 =	rddreg [dreg:$0x6];
	[sflag:s3] =	ssyncadd.s32 $0xFFFF9800  }
0x357: {  	[hbm4b:s31+s2] =	stream.linear.scatter [tilespmem:s6], [sflag:$0x2], $0xC800, $0x38;
	[tilespmem:$0x1B180] =	vst v63  }
0x358: {  	_ =	swait.ge [sflag:s3], $0xC800  }
0x359: {  	[sflag:s3] =	ssyncset.done $0x0  }
0x35a: {  	s6 =	simm.s32 $0x14980;
	s31 =	rddreg [dreg:$0x7];
	[sflag:s3] =	ssyncadd.s32 $0xFFFF3800  }
0x35b: {  	[hbm4b:s31+s2] =	stream.linear.scatter [tilespmem:s6], [sflag:$0x2], $0x6800, $0x38;
	[tilespmem:$0x1B180] =	vst v63  }
0x35c: {  	_ =	swait.ge [sflag:s3], $0x6800  }
0x35d: {  	[sflag:s3] =	ssyncset.done $0x0  }
0x35e: {  	s31 =	rddreg [dreg:$0x8];
	[sflag:s3] =	ssyncadd.s32 $0xFFFF9800  }
0x35f: {  	[tilespmem:s2], [sflag:$0x2] =	stream.linear.gather [hbm4b:s31+s2], $0x680, $0x38;
	[tilespmem:$0x1B180] =	vst v63  }
0x360: {  	_ =	swait.ge [sflag:s3], $0x680  }
0x361: {  	[sflag:s3] =	ssyncset.done $0x0  }
0x362: {  	s31 =	rddreg [dreg:$0x9];
	[sflag:s3] =	ssyncadd.s32 $0xFFFFF980  }
0x363: {  	[tilespmem:s13], [sflag:$0x2] =	stream.linear.gather [hbm4b:s31+s2], $0x680, $0x38;
	[tilespmem:$0x1B180] =	vst v63  }
0x364: {  	_ =	swait.ge [sflag:s3], $0x680  }
0x365: {  	[sflag:s3] =	ssyncset.done $0x0  }
0x366: {  	s13 =	simm.s32 $0xD00;
	s31 =	rddreg [dreg:$0xa];
	[sflag:s3] =	ssyncadd.s32 $0xFFFFF980  }
0x367: {  	[tilespmem:s13], [sflag:$0x2] =	stream.linear.gather [hbm4b:s31+s2], $0xC80, $0x38;
	[tilespmem:$0x1B180] =	vst v63  }
0x368: {  	_ =	swait.ge [sflag:s3], $0xC80  }
0x369: {  	[sflag:s3] =	ssyncset.done $0x0  }
0x36a: {  	[sflag:s3] =	ssyncadd.s32 $0xFFFFF380  }
0x36b: {  	[tilespmem:s5], [sflag:$0x1] =	stream.indirect.gather [hbm4b:s12+s9], $0x10, s2, s9, $0xb8;
	[tilespmem:$0x1B180] =	vst v63  }
0x36c: {  	_ = 	snop  }
0x36d: {  	[tilespmem:s1], [sflag:$0x1] =	stream.indirect.gather [hbm4b:s12+s9], $0x10, s9, s9, $0xb8;
	[tilespmem:$0x1B180] =	vst v63  }
0x36e: {  	_ = 	snop  }
0x36f: {  	[tilespmem:s4], [sflag:$0x1] =	stream.indirect.gather [hbm4b:s12+s9], $0x10, s26, s9, $0xb8;
	[tilespmem:$0x1B180] =	vst v63  }
0x370: {  	_ = 	snop  }
0x371: {  	[tilespmem:s14], [sflag:$0x1] =	stream.indirect.gather [hbm4b:s12+s9], $0x10, s28, s9, $0xb8;
	[tilespmem:$0x1B180] =	vst v63  }
0x372: {  	_ = 	snop  }
0x373: {  	[tilespmem:s30], [sflag:$0x1] =	stream.indirect.gather [hbm4b:s12+s9], $0x10, s29, s9, $0xb8;
	[tilespmem:$0x1B180] =	vst v63  }
0x374: {  	_ = 	snop  }
0x375: {  	[tilespmem:s17], [sflag:$0x1] =	stream.indirect.gather [hbm4b:s12+s9], $0x10, s16, s9, $0xb8;
	[tilespmem:$0x1B180] =	vst v63  }
0x376: {  	_ = 	snop  }
0x377: {  	[tilespmem:s19], [sflag:$0x1] =	stream.indirect.gather [hbm4b:s12+s9], $0x10, s18, s9, $0xb8;
	[tilespmem:$0x1B180] =	vst v63  }
0x378: {  	_ = 	snop  }
0x379: {  	[tilespmem:s21], [sflag:$0x1] =	stream.indirect.gather [hbm4b:s12+s9], $0x10, s20, s9, $0xb8;
	[tilespmem:$0x1B180] =	vst v63  }
0x37a: {  	s14 =	simm.s32 $0x400  }
0x37b: {  	[tilespmem:s23], [sflag:$0x1] =	stream.indirect.gather [hbm4b:s12+s9], $0x10, s14, s9, $0xb8;
	[tilespmem:$0x1B180] =	vst v63  }
0x37c: {  	s4 =	simm.s32 $0x480;
	s14 =	simm.s32 $0x6180  }
0x37d: {  	[tilespmem:s14], [sflag:$0x1] =	stream.indirect.gather [hbm4b:s12+s9], $0x10, s4, s9, $0xb8;
	[tilespmem:$0x1B180] =	vst v63  }
0x37e: {  	s4 =	simm.s32 $0x500  }
0x37f: {  	[tilespmem:s11], [sflag:$0x1] =	stream.indirect.gather [hbm4b:s12+s9], $0x10, s4, s9, $0xb8;
	[tilespmem:$0x1B180] =	vst v63  }
0x380: {  	s14 =	simm.s32 $0x580  }
0x381: {  	[tilespmem:s22], [sflag:$0x1] =	stream.indirect.gather [hbm4b:s12+s9], $0x10, s14, s9, $0xb8;
	[tilespmem:$0x1B180] =	vst v63  }
0x382: {  	s25 =	simm.s32 $0x600;
	s14 =	simm.s32 $0x7980  }
0x383: {  	[tilespmem:s14], [sflag:$0x1] =	stream.indirect.gather [hbm4b:s12+s9], $0x10, s25, s9, $0xb8;
	[tilespmem:$0x1B180] =	vst v63  }
0x384: {  	s5 =	simm.s32 $0x8180  }
0x385: {  	[tilespmem:s5], [sflag:$0x1] =	stream.indirect.gather [hbm4b:s10+s9], $0x10, s13, s9, $0xb8;
	[tilespmem:$0x1B180] =	vst v63  }
0x386: {  	s22 =	simm.s32 $0xD80;
	s25 =	simm.s32 $0x8980  }
0x387: {  	[tilespmem:s25], [sflag:$0x1] =	stream.indirect.gather [hbm4b:s10+s9], $0x10, s22, s9, $0xb8;
	[tilespmem:$0x1B180] =	vst v63  }
0x388: {  	s22 =	simm.s32 $0xE00;
	s25 =	simm.s32 $0x9180  }
0x389: {  	[tilespmem:s25], [sflag:$0x1] =	stream.indirect.gather [hbm4b:s10+s9], $0x10, s22, s9, $0xb8;
	[tilespmem:$0x1B180] =	vst v63  }
0x38a: {  	s22 =	simm.s32 $0xE80;
	s25 =	simm.s32 $0x9980  }
0x38b: {  	[tilespmem:s25], [sflag:$0x1] =	stream.indirect.gather [hbm4b:s10+s9], $0x10, s22, s9, $0xb8;
	[tilespmem:$0x1B180] =	vst v63  }
0x38c: {  	s22 =	simm.s32 $0xF00;
	s25 =	simm.s32 $0xA180  }
0x38d: {  	[tilespmem:s25], [sflag:$0x1] =	stream.indirect.gather [hbm4b:s10+s9], $0x10, s22, s9, $0xb8;
	[tilespmem:$0x1B180] =	vst v63  }
0x38e: {  	s22 =	simm.s32 $0xF80;
	s25 =	simm.s32 $0xA980  }
0x38f: {  	[tilespmem:s25], [sflag:$0x1] =	stream.indirect.gather [hbm4b:s10+s9], $0x10, s22, s9, $0xb8;
	[tilespmem:$0x1B180] =	vst v63  }
0x390: {  	s22 =	simm.s32 $0x1000;
	s25 =	simm.s32 $0xB180  }
0x391: {  	[tilespmem:s25], [sflag:$0x1] =	stream.indirect.gather [hbm4b:s10+s9], $0x10, s22, s9, $0xb8;
	[tilespmem:$0x1B180] =	vst v63  }
0x392: {  	s22 =	simm.s32 $0x1080;
	s25 =	simm.s32 $0xB980  }
0x393: {  	[tilespmem:s25], [sflag:$0x1] =	stream.indirect.gather [hbm4b:s10+s9], $0x10, s22, s9, $0xb8;
	[tilespmem:$0x1B180] =	vst v63  }
0x394: {  	s22 =	simm.s32 $0x1100;
	s25 =	simm.s32 $0xC180  }
0x395: {  	[tilespmem:s25], [sflag:$0x1] =	stream.indirect.gather [hbm4b:s10+s9], $0x10, s22, s9, $0xb8;
	[tilespmem:$0x1B180] =	vst v63  }
0x396: {  	s22 =	simm.s32 $0x1180;
	s25 =	simm.s32 $0xC980  }
0x397: {  	[tilespmem:s25], [sflag:$0x1] =	stream.indirect.gather [hbm4b:s10+s9], $0x10, s22, s9, $0xb8;
	[tilespmem:$0x1B180] =	vst v63  }
0x398: {  	s22 =	simm.s32 $0x1200;
	s25 =	simm.s32 $0xD180  }
0x399: {  	[tilespmem:s25], [sflag:$0x1] =	stream.indirect.gather [hbm4b:s10+s9], $0x10, s22, s9, $0xb8;
	[tilespmem:$0x1B180] =	vst v63  }
0x39a: {  	s22 =	simm.s32 $0x1280;
	s25 =	simm.s32 $0xD980  }
0x39b: {  	[tilespmem:s25], [sflag:$0x1] =	stream.indirect.gather [hbm4b:s10+s9], $0x10, s22, s9, $0xb8;
	[tilespmem:$0x1B180] =	vst v63  }
0x39c: {  	s22 =	simm.s32 $0x1300;
	s25 =	simm.s32 $0xE180  }
0x39d: {  	[tilespmem:s25], [sflag:$0x1] =	stream.indirect.gather [hbm4b:s10+s9], $0x10, s22, s9, $0xb8;
	[tilespmem:$0x1B180] =	vst v63  }
0x39e: {  	s22 =	simm.s32 $0x1380;
	s25 =	simm.s32 $0xE980  }
0x39f: {  	[tilespmem:s25], [sflag:$0x1] =	stream.indirect.gather [hbm4b:s10+s9], $0x10, s22, s9, $0xb8;
	[tilespmem:$0x1B180] =	vst v63  }
0x3a0: {  	s22 =	simm.s32 $0x1400;
	s25 =	simm.s32 $0xF180  }
0x3a1: {  	[tilespmem:s25], [sflag:$0x1] =	stream.indirect.gather [hbm4b:s10+s9], $0x10, s22, s9, $0xb8;
	[tilespmem:$0x1B180] =	vst v63  }
0x3a2: {  	s22 =	simm.s32 $0x1480;
	s25 =	simm.s32 $0xF980  }
0x3a3: {  	[tilespmem:s25], [sflag:$0x1] =	stream.indirect.gather [hbm4b:s10+s9], $0x10, s22, s9, $0xb8;
	[tilespmem:$0x1B180] =	vst v63  }
0x3a4: {  	s22 =	simm.s32 $0x1500;
	s25 =	simm.s32 $0x10180  }
0x3a5: {  	[tilespmem:s25], [sflag:$0x1] =	stream.indirect.gather [hbm4b:s10+s9], $0x10, s22, s9, $0xb8;
	[tilespmem:$0x1B180] =	vst v63  }
0x3a6: {  	s22 =	simm.s32 $0x1580;
	s25 =	simm.s32 $0x10980  }
0x3a7: {  	[tilespmem:s25], [sflag:$0x1] =	stream.indirect.gather [hbm4b:s10+s9], $0x10, s22, s9, $0xb8;
	[tilespmem:$0x1B180] =	vst v63  }
0x3a8: {  	s22 =	simm.s32 $0x1600;
	s25 =	simm.s32 $0x11180  }
0x3a9: {  	[tilespmem:s25], [sflag:$0x1] =	stream.indirect.gather [hbm4b:s10+s9], $0x10, s22, s9, $0xb8;
	[tilespmem:$0x1B180] =	vst v63  }
0x3aa: {  	s22 =	simm.s32 $0x1680;
	s25 =	simm.s32 $0x11980  }
0x3ab: {  	[tilespmem:s25], [sflag:$0x1] =	stream.indirect.gather [hbm4b:s10+s9], $0x10, s22, s9, $0xb8;
	[tilespmem:$0x1B180] =	vst v63  }
0x3ac: {  	s22 =	simm.s32 $0x1700;
	s25 =	simm.s32 $0x12180  }
0x3ad: {  	[tilespmem:s25], [sflag:$0x1] =	stream.indirect.gather [hbm4b:s10+s9], $0x10, s22, s9, $0xb8;
	[tilespmem:$0x1B180] =	vst v63  }
0x3ae: {  	s22 =	simm.s32 $0x1780;
	s25 =	simm.s32 $0x12980  }
0x3af: {  	[tilespmem:s25], [sflag:$0x1] =	stream.indirect.gather [hbm4b:s10+s9], $0x10, s22, s9, $0xb8;
	[tilespmem:$0x1B180] =	vst v63  }
0x3b0: {  	s22 =	simm.s32 $0x1800;
	s25 =	simm.s32 $0x13180  }
0x3b1: {  	[tilespmem:s25], [sflag:$0x1] =	stream.indirect.gather [hbm4b:s10+s9], $0x10, s22, s9, $0xb8;
	[tilespmem:$0x1B180] =	vst v63  }
0x3b2: {  	s14 =	simm.s32 $0x1880;
	s22 =	simm.s32 $0x13980  }
0x3b3: {  	[tilespmem:s22], [sflag:$0x1] =	stream.indirect.gather [hbm4b:s10+s9], $0x10, s14, s9, $0xb8;
	[tilespmem:$0x1B180] =	vst v63  }
0x3b4: {  	s24 =	simm.s32 $0x1900;
	s25 =	simm.s32 $0x14180  }
0x3b5: {  	[tilespmem:s25], [sflag:$0x1] =	stream.indirect.gather [hbm4b:s10+s9], $0x10, s24, s9, $0xb8;
	[tilespmem:$0x1B180] =	vst v63  }
0x3b6: {  	s11 =	simm.s32 $0x680  }
0x3b7: {  	[tilespmem:s6], [sflag:$0x1] =	stream.indirect.gather [hbm4b:s8+s9], $0x10, s11, s9, $0xb8;
	[tilespmem:$0x1B180] =	vst v63  }
0x3b8: {  	s14 =	simm.s32 $0x15180;
	s22 =	simm.s32 $0x700  }
0x3b9: {  	[tilespmem:s14], [sflag:$0x1] =	stream.indirect.gather [hbm4b:s8+s9], $0x10, s22, s9, $0xb8;
	[tilespmem:$0x1B180] =	vst v63  }
0x3ba: {  	s24 =	simm.s32 $0x15980;
	s25 =	simm.s32 $0x780  }
0x3bb: {  	[tilespmem:s24], [sflag:$0x1] =	stream.indirect.gather [hbm4b:s8+s9], $0x10, s25, s9, $0xb8;
	[tilespmem:$0x1B180] =	vst v63  }
0x3bc: {  	s14 =	simm.s32 $0x16180;
	s22 =	simm.s32 $0x800  }
0x3bd: {  	[tilespmem:s14], [sflag:$0x1] =	stream.indirect.gather [hbm4b:s8+s9], $0x10, s22, s9, $0xb8;
	[tilespmem:$0x1B180] =	vst v63  }
0x3be: {  	s24 =	simm.s32 $0x16980;
	s25 =	simm.s32 $0x880  }
0x3bf: {  	[tilespmem:s24], [sflag:$0x1] =	stream.indirect.gather [hbm4b:s8+s9], $0x10, s25, s9, $0xb8;
	[tilespmem:$0x1B180] =	vst v63  }
0x3c0: {  	s14 =	simm.s32 $0x17180;
	s22 =	simm.s32 $0x900  }
0x3c1: {  	[tilespmem:s14], [sflag:$0x1] =	stream.indirect.gather [hbm4b:s8+s9], $0x10, s22, s9, $0xb8;
	[tilespmem:$0x1B180] =	vst v63  }
0x3c2: {  	s24 =	simm.s32 $0x17980;
	s25 =	simm.s32 $0x980  }
0x3c3: {  	[tilespmem:s24], [sflag:$0x1] =	stream.indirect.gather [hbm4b:s8+s9], $0x10, s25, s9, $0xb8;
	[tilespmem:$0x1B180] =	vst v63  }
0x3c4: {  	s14 =	simm.s32 $0x18180;
	s22 =	simm.s32 $0xA00  }
0x3c5: {  	[tilespmem:s14], [sflag:$0x1] =	stream.indirect.gather [hbm4b:s8+s9], $0x10, s22, s9, $0xb8;
	[tilespmem:$0x1B180] =	vst v63  }
0x3c6: {  	s24 =	simm.s32 $0x18980;
	s25 =	simm.s32 $0xA80  }
0x3c7: {  	[tilespmem:s24], [sflag:$0x1] =	stream.indirect.gather [hbm4b:s8+s9], $0x10, s25, s9, $0xb8;
	[tilespmem:$0x1B180] =	vst v63  }
0x3c8: {  	s14 =	simm.s32 $0x19180;
	s22 =	simm.s32 $0xB00  }
0x3c9: {  	[tilespmem:s14], [sflag:$0x1] =	stream.indirect.gather [hbm4b:s8+s9], $0x10, s22, s9, $0xb8;
	[tilespmem:$0x1B180] =	vst v63  }
0x3ca: {  	s24 =	simm.s32 $0x19980;
	s25 =	simm.s32 $0xB80  }
0x3cb: {  	[tilespmem:s24], [sflag:$0x1] =	stream.indirect.gather [hbm4b:s8+s9], $0x10, s25, s9, $0xb8;
	[tilespmem:$0x1B180] =	vst v63  }
0x3cc: {  	s22 =	simm.s32 $0x1A180;
	s24 =	simm.s32 $0xC00  }
0x3cd: {  	[tilespmem:s22], [sflag:$0x1] =	stream.indirect.gather [hbm4b:s8+s9], $0x10, s24, s9, $0xb8;
	[tilespmem:$0x1B180] =	vst v63  }
0x3ce: {  	s25 =	simm.s32 $0xC80  }
0x3cf: {  	[tilespmem:s0], [sflag:$0x1] =	stream.indirect.gather [hbm4b:s8+s9], $0x10, s25, s9, $0xb8;
	[tilespmem:$0x1B180] =	vst v63  }
0x3d0: {  	_ =	swait.ge [sflag:s7], $0x800  }
0x3d1: {  	[sflag:s7] =	ssyncset.done $0x0  }
0x3d2: {  	[sflag:s7] =	ssyncadd.s32 $0xFFFFF800  }
0x3d3: {  	_ =	swait.ge [sflag:s7], $0x800  }
0x3d4: {  	[sflag:s7] =	ssyncset.done $0x0  }
0x3d5: {  	[sflag:s7] =	ssyncadd.s32 $0xFFFFF800  }
0x3d6: {  	_ =	swait.ge [sflag:s7], $0x800  }
0x3d7: {  	[sflag:s7] =	ssyncset.done $0x0  }
0x3d8: {  	[sflag:s7] =	ssyncadd.s32 $0xFFFFF800  }
0x3d9: {  	_ =	swait.ge [sflag:s7], $0x800  }
0x3da: {  	[sflag:s7] =	ssyncset.done $0x0  }
0x3db: {  	[sflag:s7] =	ssyncadd.s32 $0xFFFFF800  }
0x3dc: {  	_ =	swait.ge [sflag:s7], $0x800  }
0x3dd: {  	[sflag:s7] =	ssyncset.done $0x0  }
0x3de: {  	[sflag:s7] =	ssyncadd.s32 $0xFFFFF800  }
0x3df: {  	_ =	swait.ge [sflag:s7], $0x800  }
0x3e0: {  	[sflag:s7] =	ssyncset.done $0x0  }
0x3e1: {  	[sflag:s7] =	ssyncadd.s32 $0xFFFFF800  }
0x3e2: {  	_ =	swait.ge [sflag:s7], $0x800  }
0x3e3: {  	[sflag:s7] =	ssyncset.done $0x0  }
0x3e4: {  	[sflag:s7] =	ssyncadd.s32 $0xFFFFF800  }
0x3e5: {  	_ =	swait.ge [sflag:s7], $0x800  }
0x3e6: {  	[sflag:s7] =	ssyncset.done $0x0  }
0x3e7: {  	[sflag:s7] =	ssyncadd.s32 $0xFFFFF800  }
0x3e8: {  	_ =	swait.ge [sflag:s7], $0x800  }
0x3e9: {  	[sflag:s7] =	ssyncset.done $0x0  }
0x3ea: {  	[sflag:s7] =	ssyncadd.s32 $0xFFFFF800  }
0x3eb: {  	_ =	swait.ge [sflag:s7], $0x800  }
0x3ec: {  	[sflag:s7] =	ssyncset.done $0x0  }
0x3ed: {  	[sflag:s7] =	ssyncadd.s32 $0xFFFFF800  }
0x3ee: {  	_ =	swait.ge [sflag:s7], $0x800  }
0x3ef: {  	[sflag:s7] =	ssyncset.done $0x0  }
0x3f0: {  	[sflag:s7] =	ssyncadd.s32 $0xFFFFF800  }
0x3f1: {  	_ =	swait.ge [sflag:s7], $0x800  }
0x3f2: {  	[sflag:s7] =	ssyncset.done $0x0  }
0x3f3: {  	[sflag:s7] =	ssyncadd.s32 $0xFFFFF800  }
0x3f4: {  	_ =	swait.ge [sflag:s7], $0x800  }
0x3f5: {  	[sflag:s7] =	ssyncset.done $0x0  }
0x3f6: {  	[sflag:s7] =	ssyncadd.s32 $0xFFFFF800  }
0x3f7: {  	_ =	swait.ge [sflag:s7], $0x800  }
0x3f8: {  	[sflag:s7] =	ssyncset.done $0x0  }
0x3f9: {  	[sflag:s7] =	ssyncadd.s32 $0xFFFFF800  }
0x3fa: {  	_ =	swait.ge [sflag:s7], $0x800  }
0x3fb: {  	[sflag:s7] =	ssyncset.done $0x0  }
0x3fc: {  	[sflag:s7] =	ssyncadd.s32 $0xFFFFF800  }
0x3fd: {  	_ =	swait.ge [sflag:s7], $0x800  }
0x3fe: {  	[sflag:s7] =	ssyncset.done $0x0  }
0x3ff: {  	[sflag:s7] =	ssyncadd.s32 $0xFFFFF800  }
0x400: {  	_ =	swait.ge [sflag:s7], $0x800  }
0x401: {  	[sflag:s7] =	ssyncset.done $0x0  }
0x402: {  	[sflag:s7] =	ssyncadd.s32 $0xFFFFF800  }
0x403: {  	_ =	swait.ge [sflag:s7], $0x800  }
0x404: {  	[sflag:s7] =	ssyncset.done $0x0  }
0x405: {  	[sflag:s7] =	ssyncadd.s32 $0xFFFFF800  }
0x406: {  	_ =	swait.ge [sflag:s7], $0x800  }
0x407: {  	[sflag:s7] =	ssyncset.done $0x0  }
0x408: {  	[sflag:s7] =	ssyncadd.s32 $0xFFFFF800  }
0x409: {  	_ =	swait.ge [sflag:s7], $0x800  }
0x40a: {  	[sflag:s7] =	ssyncset.done $0x0  }
0x40b: {  	[sflag:s7] =	ssyncadd.s32 $0xFFFFF800  }
0x40c: {  	_ =	swait.ge [sflag:s7], $0x800  }
0x40d: {  	[sflag:s7] =	ssyncset.done $0x0  }
0x40e: {  	[sflag:s7] =	ssyncadd.s32 $0xFFFFF800  }
0x40f: {  	_ =	swait.ge [sflag:s7], $0x800  }
0x410: {  	[sflag:s7] =	ssyncset.done $0x0  }
0x411: {  	[sflag:s7] =	ssyncadd.s32 $0xFFFFF800  }
0x412: {  	_ =	swait.ge [sflag:s7], $0x800  }
0x413: {  	[sflag:s7] =	ssyncset.done $0x0  }
0x414: {  	[sflag:s7] =	ssyncadd.s32 $0xFFFFF800  }
0x415: {  	_ =	swait.ge [sflag:s7], $0x800  }
0x416: {  	[sflag:s7] =	ssyncset.done $0x0  }
0x417: {  	[sflag:s7] =	ssyncadd.s32 $0xFFFFF800  }
0x418: {  	_ =	swait.ge [sflag:s7], $0x800  }
0x419: {  	[sflag:s7] =	ssyncset.done $0x0  }
0x41a: {  	[sflag:s7] =	ssyncadd.s32 $0xFFFFF800  }
0x41b: {  	_ =	swait.ge [sflag:s7], $0x800  }
0x41c: {  	[sflag:s7] =	ssyncset.done $0x0  }
0x41d: {  	[sflag:s7] =	ssyncadd.s32 $0xFFFFF800  }
0x41e: {  	_ =	swait.ge [sflag:s7], $0x800  }
0x41f: {  	[sflag:s7] =	ssyncset.done $0x0  }
0x420: {  	[sflag:s7] =	ssyncadd.s32 $0xFFFFF800  }
0x421: {  	_ =	swait.ge [sflag:s7], $0x800  }
0x422: {  	[sflag:s7] =	ssyncset.done $0x0  }
0x423: {  	[sflag:s7] =	ssyncadd.s32 $0xFFFFF800  }
0x424: {  	_ =	swait.ge [sflag:s7], $0x800  }
0x425: {  	[sflag:s7] =	ssyncset.done $0x0  }
0x426: {  	[sflag:s7] =	ssyncadd.s32 $0xFFFFF800  }
0x427: {  	_ =	swait.ge [sflag:s7], $0x800  }
0x428: {  	[sflag:s7] =	ssyncset.done $0x0  }
0x429: {  	[sflag:s7] =	ssyncadd.s32 $0xFFFFF800  }
0x42a: {  	_ =	swait.ge [sflag:s7], $0x800  }
0x42b: {  	[sflag:s7] =	ssyncset.done $0x0  }
0x42c: {  	[sflag:s7] =	ssyncadd.s32 $0xFFFFF800  }
0x42d: {  	_ =	swait.ge [sflag:s7], $0x800  }
0x42e: {  	[sflag:s7] =	ssyncset.done $0x0  }
0x42f: {  	[sflag:s7] =	ssyncadd.s32 $0xFFFFF800  }
0x430: {  	_ =	swait.ge [sflag:s7], $0x800  }
0x431: {  	[sflag:s7] =	ssyncset.done $0x0  }
0x432: {  	[sflag:s7] =	ssyncadd.s32 $0xFFFFF800  }
0x433: {  	_ =	swait.ge [sflag:s7], $0x800  }
0x434: {  	[sflag:s7] =	ssyncset.done $0x0  }
0x435: {  	[sflag:s7] =	ssyncadd.s32 $0xFFFFF800  }
0x436: {  	_ =	swait.ge [sflag:s7], $0x800  }
0x437: {  	[sflag:s7] =	ssyncset.done $0x0  }
0x438: {  	[sflag:s7] =	ssyncadd.s32 $0xFFFFF800  }
0x439: {  	_ =	swait.ge [sflag:s7], $0x800  }
0x43a: {  	[sflag:s7] =	ssyncset.done $0x0  }
0x43b: {  	[sflag:s7] =	ssyncadd.s32 $0xFFFFF800  }
0x43c: {  	_ =	swait.ge [sflag:s7], $0x800  }
0x43d: {  	[sflag:s7] =	ssyncset.done $0x0  }
0x43e: {  	[sflag:s7] =	ssyncadd.s32 $0xFFFFF800  }
0x43f: {  	_ =	swait.ge [sflag:s7], $0x800  }
0x440: {  	[sflag:s7] =	ssyncset.done $0x0  }
0x441: {  	[sflag:s7] =	ssyncadd.s32 $0xFFFFF800  }
0x442: {  	_ =	swait.ge [sflag:s7], $0x800  }
0x443: {  	[sflag:s7] =	ssyncset.done $0x0  }
0x444: {  	[sflag:s7] =	ssyncadd.s32 $0xFFFFF800  }
0x445: {  	_ =	swait.ge [sflag:s7], $0x800  }
0x446: {  	[sflag:s7] =	ssyncset.done $0x0  }
0x447: {  	[sflag:s7] =	ssyncadd.s32 $0xFFFFF800  }
0x448: {  	_ =	swait.ge [sflag:s7], $0x800  }
0x449: {  	[sflag:s7] =	ssyncset.done $0x0  }
0x44a: {  	[sflag:s7] =	ssyncadd.s32 $0xFFFFF800  }
0x44b: {  	_ =	swait.ge [sflag:s7], $0x800  }
0x44c: {  	[sflag:s7] =	ssyncset.done $0x0  }
0x44d: {  	[sflag:s7] =	ssyncadd.s32 $0xFFFFF800  }
0x44e: {  	_ =	swait.ge [sflag:s7], $0x800  }
0x44f: {  	[sflag:s7] =	ssyncset.done $0x0  }
0x450: {  	[sflag:s7] =	ssyncadd.s32 $0xFFFFF800  }
0x451: {  	_ =	swait.ge [sflag:s7], $0x800  }
0x452: {  	[sflag:s7] =	ssyncset.done $0x0  }
0x453: {  	[sflag:s7] =	ssyncadd.s32 $0xFFFFF800  }
0x454: {  	_ =	swait.ge [sflag:s7], $0x800  }
0x455: {  	[sflag:s7] =	ssyncset.done $0x0  }
0x456: {  	[sflag:s7] =	ssyncadd.s32 $0xFFFFF800  }
0x457: {  	_ =	swait.ge [sflag:s7], $0x800  }
0x458: {  	[sflag:s7] =	ssyncset.done $0x0  }
0x459: {  	[sflag:s7] =	ssyncadd.s32 $0xFFFFF800  }
0x45a: {  	_ =	swait.ge [sflag:s7], $0x800  }
0x45b: {  	[sflag:s7] =	ssyncset.done $0x0  }
0x45c: {  	[sflag:s7] =	ssyncadd.s32 $0xFFFFF800  }
0x45d: {  	_ =	swait.ge [sflag:s7], $0x800  }
0x45e: {  	[sflag:s7] =	ssyncset.done $0x0  }
0x45f: {  	[sflag:s7] =	ssyncadd.s32 $0xFFFFF800  }
0x460: {  	_ =	swait.ge [sflag:s7], $0x800  }
0x461: {  	[sflag:s7] =	ssyncset.done $0x0  }
0x462: {  	[sflag:s7] =	ssyncadd.s32 $0xFFFFF800  }
0x463: {  	_ =	swait.ge [sflag:s7], $0x800  }
0x464: {  	[sflag:s7] =	ssyncset.done $0x0  }
0x465: {  	[sflag:s7] =	ssyncadd.s32 $0xFFFFF800  }
0x466: {  	_ =	swait.ge [sflag:s7], $0x800  }
0x467: {  	[sflag:s7] =	ssyncset.done $0x0  }
0x468: {  	s4 =	simm.s32 $0x1980;
	s31 =	rddreg [dreg:$0xb];
	[sflag:s7] =	ssyncadd.s32 $0xFFFFF800  }
0x469: {  	[hbm4b:s31+s2] =	stream.linear.scatter [tilespmem:s4], [sflag:$0x2], $0x6800, $0x38;
	[tilespmem:$0x1B180] =	vst v63  }
0x46a: {  	_ =	swait.ge [sflag:s3], $0x6800  }
0x46b: {  	[sflag:s3] =	ssyncset.done $0x0  }
0x46c: {  	s31 =	rddreg [dreg:$0xc];
	[sflag:s3] =	ssyncadd.s32 $0xFFFF9800  }
0x46d: {  	[hbm4b:s31+s2] =	stream.linear.scatter [tilespmem:s5], [sflag:$0x2], $0xC800, $0x38;
	[tilespmem:$0x1B180] =	vst v63  }
0x46e: {  	p1 =	sne.s32 s15, $0x1;
	_ =	swait.ge [sflag:s3], $0xC800  }
.Ltmp2:
0x46f: {  	[sflag:s3] =	ssyncset.done $0x0;
	(pc) =	sbr.rel @p1 .LBB2_3-.Ltmp2, $4  }
0x470: {  	s31 =	rddreg [dreg:$0xd];
	[sflag:s3] =	ssyncadd.s32 $0xFFFF3800  }
0x471: {  	[hbm4b:s31+s2] =	stream.linear.scatter [tilespmem:s6], [sflag:$0x2], $0x6800, $0x38;
	[tilespmem:$0x1B180] =	vst v63  }
0x472: {  	_ =	swait.ge [sflag:s3], $0x6800  }
0x473: {  	s15 =	sadd.s32 $0xFFFFFFFF, s15;
	s31 =	rddreg [dreg:$0x2];
	[sflag:s3] =	ssyncset.done $0x0  }
.LBB2_4:
0x474: {  	[sflag:s3] =	ssyncadd.s32 @p0 $0xFFFF9800  }
0x475: {  	[tilespmem:s2], [sflag:$0x2] =	stream.linear.gather [hbm4b:s31+s2], $0x680, $0x38;
	[tilespmem:$0x1B180] =	vst v63  }
0x476: {  	_ =	swait.ge [sflag:s3], $0x680  }
0x477: {  	[sflag:s3] =	ssyncset.done $0x0  }
0x478: {  	s15 =	rddreg [dreg:$0x3];
	[sflag:s3] =	ssyncadd.s32 $0xFFFFF980  }
0x479: {  	[tilespmem:s11], [sflag:$0x2] =	stream.linear.gather [hbm4b:s15+s2], $0x680, $0x38;
	[tilespmem:$0x1B180] =	vst v63  }
0x47a: {  	_ =	swait.ge [sflag:s3], $0x680  }
0x47b: {  	[sflag:s3] =	ssyncset.done $0x0  }
0x47c: {  	s25 =	rddreg [dreg:$0x4];
	[sflag:s3] =	ssyncadd.s32 $0xFFFFF980  }
0x47d: {  	[tilespmem:s13], [sflag:$0x2] =	stream.linear.gather [hbm4b:s25+s2], $0xC80, $0x38;
	[tilespmem:$0x1B180] =	vst v63  }
0x47e: {  	_ =	swait.ge [sflag:s3], $0xC80  }
0x47f: {  	[sflag:s3] =	ssyncset.done $0x0  }
0x480: {  	[sflag:s3] =	ssyncadd.s32 $0xFFFFF380  }
0x481: {  	[tilespmem:s4], [sflag:$0x1] =	stream.indirect.gather [hbm4b:s12+s9], $0x10, s2, s9, $0xb8;
	[tilespmem:$0x1B180] =	vst v63  }
0x482: {  	s0 =	simm.s32 $0x2180  }
0x483: {  	[tilespmem:s0], [sflag:$0x1] =	stream.indirect.gather [hbm4b:s12+s9], $0x10, s9, s9, $0xb8;
	[tilespmem:$0x1B180] =	vst v63  }
0x484: {  	s26 =	simm.s32 $0x100;
	s1 =	simm.s32 $0x2980  }
0x485: {  	[tilespmem:s1], [sflag:$0x1] =	stream.indirect.gather [hbm4b:s12+s9], $0x10, s26, s9, $0xb8;
	[tilespmem:$0x1B180] =	vst v63  }
0x486: {  	s28 =	simm.s32 $0x180;
	s29 =	simm.s32 $0x3180  }
0x487: {  	[tilespmem:s29], [sflag:$0x1] =	stream.indirect.gather [hbm4b:s12+s9], $0x10, s28, s9, $0xb8;
	[tilespmem:$0x1B180] =	vst v63  }
0x488: {  	s30 =	simm.s32 $0x200;
	s31 =	simm.s32 $0x3980  }
0x489: {  	[tilespmem:s31], [sflag:$0x1] =	stream.indirect.gather [hbm4b:s12+s9], $0x10, s30, s9, $0xb8;
	[tilespmem:$0x1B180] =	vst v63  }
0x48a: {  	s14 =	simm.s32 $0x4180;
	s1 =	simm.s32 $0x280  }
0x48b: {  	[tilespmem:s14], [sflag:$0x1] =	stream.indirect.gather [hbm4b:s12+s9], $0x10, s1, s9, $0xb8;
	[tilespmem:$0x1B180] =	vst v63  }
0x48c: {  	s16 =	simm.s32 $0x4980;
	s15 =	simm.s32 $0x300  }
0x48d: {  	[tilespmem:s16], [sflag:$0x1] =	stream.indirect.gather [hbm4b:s12+s9], $0x10, s15, s9, $0xb8;
	[tilespmem:$0x1B180] =	vst v63  }
0x48e: {  	s17 =	simm.s32 $0x380;
	s18 =	simm.s32 $0x5180  }
0x48f: {  	[tilespmem:s18], [sflag:$0x1] =	stream.indirect.gather [hbm4b:s12+s9], $0x10, s17, s9, $0xb8;
	[tilespmem:$0x1B180] =	vst v63  }
0x490: {  	s19 =	simm.s32 $0x400;
	s20 =	simm.s32 $0x5980  }
0x491: {  	[tilespmem:s20], [sflag:$0x1] =	stream.indirect.gather [hbm4b:s12+s9], $0x10, s19, s9, $0xb8;
	[tilespmem:$0x1B180] =	vst v63  }
0x492: {  	s21 =	simm.s32 $0x480;
	s22 =	simm.s32 $0x6180  }
0x493: {  	[tilespmem:s22], [sflag:$0x1] =	stream.indirect.gather [hbm4b:s12+s9], $0x10, s21, s9, $0xb8;
	[tilespmem:$0x1B180] =	vst v63  }
0x494: {  	s23 =	simm.s32 $0x500;
	s24 =	simm.s32 $0x6980  }
0x495: {  	[tilespmem:s24], [sflag:$0x1] =	stream.indirect.gather [hbm4b:s12+s9], $0x10, s23, s9, $0xb8;
	[tilespmem:$0x1B180] =	vst v63  }
0x496: {  	s25 =	simm.s32 $0x580;
	s26 =	simm.s32 $0x7180  }
0x497: {  	[tilespmem:s26], [sflag:$0x1] =	stream.indirect.gather [hbm4b:s12+s9], $0x10, s25, s9, $0xb8;
	[tilespmem:$0x1B180] =	vst v63  }
0x498: {  	s28 =	simm.s32 $0x600;
	s29 =	simm.s32 $0x7980  }
0x499: {  	[tilespmem:s29], [sflag:$0x1] =	stream.indirect.gather [hbm4b:s12+s9], $0x10, s28, s9, $0xb8;
	[tilespmem:$0x1B180] =	vst v63  }
0x49a: {  	_ = 	snop  }
0x49b: {  	[tilespmem:s5], [sflag:$0x1] =	stream.indirect.gather [hbm4b:s10+s9], $0x10, s13, s9, $0xb8;
	[tilespmem:$0x1B180] =	vst v63  }
0x49c: {  	s30 =	simm.s32 $0xD80;
	s31 =	simm.s32 $0x8980  }
0x49d: {  	[tilespmem:s31], [sflag:$0x1] =	stream.indirect.gather [hbm4b:s10+s9], $0x10, s30, s9, $0xb8;
	[tilespmem:$0x1B180] =	vst v63  }
0x49e: {  	s1 =	simm.s32 $0xE00;
	s14 =	simm.s32 $0x9180  }
0x49f: {  	[tilespmem:s14], [sflag:$0x1] =	stream.indirect.gather [hbm4b:s10+s9], $0x10, s1, s9, $0xb8;
	[tilespmem:$0x1B180] =	vst v63  }
0x4a0: {  	s15 =	simm.s32 $0xE80;
	s16 =	simm.s32 $0x9980  }
0x4a1: {  	[tilespmem:s16], [sflag:$0x1] =	stream.indirect.gather [hbm4b:s10+s9], $0x10, s15, s9, $0xb8;
	[tilespmem:$0x1B180] =	vst v63  }
0x4a2: {  	s17 =	simm.s32 $0xF00;
	s18 =	simm.s32 $0xA180  }
0x4a3: {  	[tilespmem:s18], [sflag:$0x1] =	stream.indirect.gather [hbm4b:s10+s9], $0x10, s17, s9, $0xb8;
	[tilespmem:$0x1B180] =	vst v63  }
0x4a4: {  	s19 =	simm.s32 $0xF80;
	s20 =	simm.s32 $0xA980  }
0x4a5: {  	[tilespmem:s20], [sflag:$0x1] =	stream.indirect.gather [hbm4b:s10+s9], $0x10, s19, s9, $0xb8;
	[tilespmem:$0x1B180] =	vst v63  }
0x4a6: {  	s21 =	simm.s32 $0x1000;
	s22 =	simm.s32 $0xB180  }
0x4a7: {  	[tilespmem:s22], [sflag:$0x1] =	stream.indirect.gather [hbm4b:s10+s9], $0x10, s21, s9, $0xb8;
	[tilespmem:$0x1B180] =	vst v63  }
0x4a8: {  	s23 =	simm.s32 $0x1080;
	s24 =	simm.s32 $0xB980  }
0x4a9: {  	[tilespmem:s24], [sflag:$0x1] =	stream.indirect.gather [hbm4b:s10+s9], $0x10, s23, s9, $0xb8;
	[tilespmem:$0x1B180] =	vst v63  }
0x4aa: {  	s25 =	simm.s32 $0x1100;
	s26 =	simm.s32 $0xC180  }
0x4ab: {  	[tilespmem:s26], [sflag:$0x1] =	stream.indirect.gather [hbm4b:s10+s9], $0x10, s25, s9, $0xb8;
	[tilespmem:$0x1B180] =	vst v63  }
0x4ac: {  	s28 =	simm.s32 $0x1180;
	s29 =	simm.s32 $0xC980  }
0x4ad: {  	[tilespmem:s29], [sflag:$0x1] =	stream.indirect.gather [hbm4b:s10+s9], $0x10, s28, s9, $0xb8;
	[tilespmem:$0x1B180] =	vst v63  }
0x4ae: {  	s30 =	simm.s32 $0x1200;
	s31 =	simm.s32 $0xD180  }
0x4af: {  	[tilespmem:s31], [sflag:$0x1] =	stream.indirect.gather [hbm4b:s10+s9], $0x10, s30, s9, $0xb8;
	[tilespmem:$0x1B180] =	vst v63  }
0x4b0: {  	s1 =	simm.s32 $0x1280;
	s14 =	simm.s32 $0xD980  }
0x4b1: {  	[tilespmem:s14], [sflag:$0x1] =	stream.indirect.gather [hbm4b:s10+s9], $0x10, s1, s9, $0xb8;
	[tilespmem:$0x1B180] =	vst v63  }
0x4b2: {  	s15 =	simm.s32 $0x1300;
	s16 =	simm.s32 $0xE180  }
0x4b3: {  	[tilespmem:s16], [sflag:$0x1] =	stream.indirect.gather [hbm4b:s10+s9], $0x10, s15, s9, $0xb8;
	[tilespmem:$0x1B180] =	vst v63  }
0x4b4: {  	s17 =	simm.s32 $0x1380;
	s18 =	simm.s32 $0xE980  }
0x4b5: {  	[tilespmem:s18], [sflag:$0x1] =	stream.indirect.gather [hbm4b:s10+s9], $0x10, s17, s9, $0xb8;
	[tilespmem:$0x1B180] =	vst v63  }
0x4b6: {  	s19 =	simm.s32 $0x1400;
	s20 =	simm.s32 $0xF180  }
0x4b7: {  	[tilespmem:s20], [sflag:$0x1] =	stream.indirect.gather [hbm4b:s10+s9], $0x10, s19, s9, $0xb8;
	[tilespmem:$0x1B180] =	vst v63  }
0x4b8: {  	s21 =	simm.s32 $0x1480;
	s22 =	simm.s32 $0xF980  }
0x4b9: {  	[tilespmem:s22], [sflag:$0x1] =	stream.indirect.gather [hbm4b:s10+s9], $0x10, s21, s9, $0xb8;
	[tilespmem:$0x1B180] =	vst v63  }
0x4ba: {  	s23 =	simm.s32 $0x1500;
	s24 =	simm.s32 $0x10180  }
0x4bb: {  	[tilespmem:s24], [sflag:$0x1] =	stream.indirect.gather [hbm4b:s10+s9], $0x10, s23, s9, $0xb8;
	[tilespmem:$0x1B180] =	vst v63  }
0x4bc: {  	s25 =	simm.s32 $0x1580;
	s26 =	simm.s32 $0x10980  }
0x4bd: {  	[tilespmem:s26], [sflag:$0x1] =	stream.indirect.gather [hbm4b:s10+s9], $0x10, s25, s9, $0xb8;
	[tilespmem:$0x1B180] =	vst v63  }
0x4be: {  	s28 =	simm.s32 $0x1600;
	s29 =	simm.s32 $0x11180  }
0x4bf: {  	[tilespmem:s29], [sflag:$0x1] =	stream.indirect.gather [hbm4b:s10+s9], $0x10, s28, s9, $0xb8;
	[tilespmem:$0x1B180] =	vst v63  }
0x4c0: {  	s30 =	simm.s32 $0x1680;
	s31 =	simm.s32 $0x11980  }
0x4c1: {  	[tilespmem:s31], [sflag:$0x1] =	stream.indirect.gather [hbm4b:s10+s9], $0x10, s30, s9, $0xb8;
	[tilespmem:$0x1B180] =	vst v63  }
0x4c2: {  	s1 =	simm.s32 $0x1700;
	s14 =	simm.s32 $0x12180  }
0x4c3: {  	[tilespmem:s14], [sflag:$0x1] =	stream.indirect.gather [hbm4b:s10+s9], $0x10, s1, s9, $0xb8;
	[tilespmem:$0x1B180] =	vst v63  }
0x4c4: {  	s15 =	simm.s32 $0x1780;
	s16 =	simm.s32 $0x12980  }
0x4c5: {  	[tilespmem:s16], [sflag:$0x1] =	stream.indirect.gather [hbm4b:s10+s9], $0x10, s15, s9, $0xb8;
	[tilespmem:$0x1B180] =	vst v63  }
0x4c6: {  	s17 =	simm.s32 $0x1800;
	s18 =	simm.s32 $0x13180  }
0x4c7: {  	[tilespmem:s18], [sflag:$0x1] =	stream.indirect.gather [hbm4b:s10+s9], $0x10, s17, s9, $0xb8;
	[tilespmem:$0x1B180] =	vst v63  }
0x4c8: {  	s19 =	simm.s32 $0x1880;
	s20 =	simm.s32 $0x13980  }
0x4c9: {  	[tilespmem:s20], [sflag:$0x1] =	stream.indirect.gather [hbm4b:s10+s9], $0x10, s19, s9, $0xb8;
	[tilespmem:$0x1B180] =	vst v63  }
0x4ca: {  	s21 =	simm.s32 $0x1900;
	s22 =	simm.s32 $0x14180  }
0x4cb: {  	[tilespmem:s22], [sflag:$0x1] =	stream.indirect.gather [hbm4b:s10+s9], $0x10, s21, s9, $0xb8;
	[tilespmem:$0x1B180] =	vst v63  }
0x4cc: {  	_ = 	snop  }
0x4cd: {  	[tilespmem:s6], [sflag:$0x1] =	stream.indirect.gather [hbm4b:s8+s9], $0x10, s11, s9, $0xb8;
	[tilespmem:$0x1B180] =	vst v63  }
0x4ce: {  	s23 =	simm.s32 $0x700;
	s24 =	simm.s32 $0x15180  }
0x4cf: {  	[tilespmem:s24], [sflag:$0x1] =	stream.indirect.gather [hbm4b:s8+s9], $0x10, s23, s9, $0xb8;
	[tilespmem:$0x1B180] =	vst v63  }
0x4d0: {  	s25 =	simm.s32 $0x780;
	s26 =	simm.s32 $0x15980  }
0x4d1: {  	[tilespmem:s26], [sflag:$0x1] =	stream.indirect.gather [hbm4b:s8+s9], $0x10, s25, s9, $0xb8;
	[tilespmem:$0x1B180] =	vst v63  }
0x4d2: {  	s28 =	simm.s32 $0x800;
	s29 =	simm.s32 $0x16180  }
0x4d3: {  	[tilespmem:s29], [sflag:$0x1] =	stream.indirect.gather [hbm4b:s8+s9], $0x10, s28, s9, $0xb8;
	[tilespmem:$0x1B180] =	vst v63  }
0x4d4: {  	s30 =	simm.s32 $0x880;
	s29 =	simm.s32 $0x16980  }
0x4d5: {  	[tilespmem:s29], [sflag:$0x1] =	stream.indirect.gather [hbm4b:s8+s9], $0x10, s30, s9, $0xb8;
	[tilespmem:$0x1B180] =	vst v63  }
0x4d6: {  	s26 =	simm.s32 $0x17180;
	s30 =	simm.s32 $0x900  }
0x4d7: {  	[tilespmem:s26], [sflag:$0x1] =	stream.indirect.gather [hbm4b:s8+s9], $0x10, s30, s9, $0xb8;
	[tilespmem:$0x1B180] =	vst v63  }
0x4d8: {  	s24 =	simm.s32 $0x17980;
	s28 =	simm.s32 $0x980  }
0x4d9: {  	[tilespmem:s24], [sflag:$0x1] =	stream.indirect.gather [hbm4b:s8+s9], $0x10, s28, s9, $0xb8;
	[tilespmem:$0x1B180] =	vst v63  }
0x4da: {  	s22 =	simm.s32 $0x18180;
	s25 =	simm.s32 $0xA00  }
0x4db: {  	[tilespmem:s22], [sflag:$0x1] =	stream.indirect.gather [hbm4b:s8+s9], $0x10, s25, s9, $0xb8;
	[tilespmem:$0x1B180] =	vst v63  }
0x4dc: {  	s20 =	simm.s32 $0x18980;
	s23 =	simm.s32 $0xA80  }
0x4dd: {  	[tilespmem:s20], [sflag:$0x1] =	stream.indirect.gather [hbm4b:s8+s9], $0x10, s23, s9, $0xb8;
	[tilespmem:$0x1B180] =	vst v63  }
0x4de: {  	s18 =	simm.s32 $0x19180;
	s21 =	simm.s32 $0xB00  }
0x4df: {  	[tilespmem:s18], [sflag:$0x1] =	stream.indirect.gather [hbm4b:s8+s9], $0x10, s21, s9, $0xb8;
	[tilespmem:$0x1B180] =	vst v63  }
0x4e0: {  	s16 =	simm.s32 $0x19980;
	s19 =	simm.s32 $0xB80  }
0x4e1: {  	[tilespmem:s16], [sflag:$0x1] =	stream.indirect.gather [hbm4b:s8+s9], $0x10, s19, s9, $0xb8;
	[tilespmem:$0x1B180] =	vst v63  }
0x4e2: {  	s1 =	simm.s32 $0x1A180;
	s17 =	simm.s32 $0xC00  }
0x4e3: {  	[tilespmem:s1], [sflag:$0x1] =	stream.indirect.gather [hbm4b:s8+s9], $0x10, s17, s9, $0xb8;
	[tilespmem:$0x1B180] =	vst v63  }
0x4e4: {  	s0 =	simm.s32 $0x1A980;
	s14 =	simm.s32 $0xC80  }
0x4e5: {  	[tilespmem:s0], [sflag:$0x1] =	stream.indirect.gather [hbm4b:s8+s9], $0x10, s14, s9, $0xb8;
	[tilespmem:$0x1B180] =	vst v63  }
0x4e6: {  	_ =	swait.ge [sflag:s7], $0x800  }
0x4e7: {  	[sflag:s7] =	ssyncset.done $0x0  }
0x4e8: {  	[sflag:s7] =	ssyncadd.s32 $0xFFFFF800  }
0x4e9: {  	_ =	swait.ge [sflag:s7], $0x800  }
0x4ea: {  	[sflag:s7] =	ssyncset.done $0x0  }
0x4eb: {  	[sflag:s7] =	ssyncadd.s32 $0xFFFFF800  }
0x4ec: {  	_ =	swait.ge [sflag:s7], $0x800  }
0x4ed: {  	[sflag:s7] =	ssyncset.done $0x0  }
0x4ee: {  	[sflag:s7] =	ssyncadd.s32 $0xFFFFF800  }
0x4ef: {  	_ =	swait.ge [sflag:s7], $0x800  }
0x4f0: {  	[sflag:s7] =	ssyncset.done $0x0  }
0x4f1: {  	[sflag:s7] =	ssyncadd.s32 $0xFFFFF800  }
0x4f2: {  	_ =	swait.ge [sflag:s7], $0x800  }
0x4f3: {  	[sflag:s7] =	ssyncset.done $0x0  }
0x4f4: {  	[sflag:s7] =	ssyncadd.s32 $0xFFFFF800  }
0x4f5: {  	_ =	swait.ge [sflag:s7], $0x800  }
0x4f6: {  	[sflag:s7] =	ssyncset.done $0x0  }
0x4f7: {  	[sflag:s7] =	ssyncadd.s32 $0xFFFFF800  }
0x4f8: {  	_ =	swait.ge [sflag:s7], $0x800  }
0x4f9: {  	[sflag:s7] =	ssyncset.done $0x0  }
0x4fa: {  	[sflag:s7] =	ssyncadd.s32 $0xFFFFF800  }
0x4fb: {  	_ =	swait.ge [sflag:s7], $0x800  }
0x4fc: {  	[sflag:s7] =	ssyncset.done $0x0  }
0x4fd: {  	[sflag:s7] =	ssyncadd.s32 $0xFFFFF800  }
0x4fe: {  	_ =	swait.ge [sflag:s7], $0x800  }
0x4ff: {  	[sflag:s7] =	ssyncset.done $0x0  }
0x500: {  	[sflag:s7] =	ssyncadd.s32 $0xFFFFF800  }
0x501: {  	_ =	swait.ge [sflag:s7], $0x800  }
0x502: {  	[sflag:s7] =	ssyncset.done $0x0  }
0x503: {  	[sflag:s7] =	ssyncadd.s32 $0xFFFFF800  }
0x504: {  	_ =	swait.ge [sflag:s7], $0x800  }
0x505: {  	[sflag:s7] =	ssyncset.done $0x0  }
0x506: {  	[sflag:s7] =	ssyncadd.s32 $0xFFFFF800  }
0x507: {  	_ =	swait.ge [sflag:s7], $0x800  }
0x508: {  	[sflag:s7] =	ssyncset.done $0x0  }
0x509: {  	[sflag:s7] =	ssyncadd.s32 $0xFFFFF800  }
0x50a: {  	_ =	swait.ge [sflag:s7], $0x800  }
0x50b: {  	[sflag:s7] =	ssyncset.done $0x0  }
0x50c: {  	[sflag:s7] =	ssyncadd.s32 $0xFFFFF800  }
0x50d: {  	_ =	swait.ge [sflag:s7], $0x800  }
0x50e: {  	[sflag:s7] =	ssyncset.done $0x0  }
0x50f: {  	[sflag:s7] =	ssyncadd.s32 $0xFFFFF800  }
0x510: {  	_ =	swait.ge [sflag:s7], $0x800  }
0x511: {  	[sflag:s7] =	ssyncset.done $0x0  }
0x512: {  	[sflag:s7] =	ssyncadd.s32 $0xFFFFF800  }
0x513: {  	_ =	swait.ge [sflag:s7], $0x800  }
0x514: {  	[sflag:s7] =	ssyncset.done $0x0  }
0x515: {  	[sflag:s7] =	ssyncadd.s32 $0xFFFFF800  }
0x516: {  	_ =	swait.ge [sflag:s7], $0x800  }
0x517: {  	[sflag:s7] =	ssyncset.done $0x0  }
0x518: {  	[sflag:s7] =	ssyncadd.s32 $0xFFFFF800  }
0x519: {  	_ =	swait.ge [sflag:s7], $0x800  }
0x51a: {  	[sflag:s7] =	ssyncset.done $0x0  }
0x51b: {  	[sflag:s7] =	ssyncadd.s32 $0xFFFFF800  }
0x51c: {  	_ =	swait.ge [sflag:s7], $0x800  }
0x51d: {  	[sflag:s7] =	ssyncset.done $0x0  }
0x51e: {  	[sflag:s7] =	ssyncadd.s32 $0xFFFFF800  }
0x51f: {  	_ =	swait.ge [sflag:s7], $0x800  }
0x520: {  	[sflag:s7] =	ssyncset.done $0x0  }
0x521: {  	[sflag:s7] =	ssyncadd.s32 $0xFFFFF800  }
0x522: {  	_ =	swait.ge [sflag:s7], $0x800  }
0x523: {  	[sflag:s7] =	ssyncset.done $0x0  }
0x524: {  	[sflag:s7] =	ssyncadd.s32 $0xFFFFF800  }
0x525: {  	_ =	swait.ge [sflag:s7], $0x800  }
0x526: {  	[sflag:s7] =	ssyncset.done $0x0  }
0x527: {  	[sflag:s7] =	ssyncadd.s32 $0xFFFFF800  }
0x528: {  	_ =	swait.ge [sflag:s7], $0x800  }
0x529: {  	[sflag:s7] =	ssyncset.done $0x0  }
0x52a: {  	[sflag:s7] =	ssyncadd.s32 $0xFFFFF800  }
0x52b: {  	_ =	swait.ge [sflag:s7], $0x800  }
0x52c: {  	[sflag:s7] =	ssyncset.done $0x0  }
0x52d: {  	[sflag:s7] =	ssyncadd.s32 $0xFFFFF800  }
0x52e: {  	_ =	swait.ge [sflag:s7], $0x800  }
0x52f: {  	[sflag:s7] =	ssyncset.done $0x0  }
0x530: {  	[sflag:s7] =	ssyncadd.s32 $0xFFFFF800  }
0x531: {  	_ =	swait.ge [sflag:s7], $0x800  }
0x532: {  	[sflag:s7] =	ssyncset.done $0x0  }
0x533: {  	[sflag:s7] =	ssyncadd.s32 $0xFFFFF800  }
0x534: {  	_ =	swait.ge [sflag:s7], $0x800  }
0x535: {  	[sflag:s7] =	ssyncset.done $0x0  }
0x536: {  	[sflag:s7] =	ssyncadd.s32 $0xFFFFF800  }
0x537: {  	_ =	swait.ge [sflag:s7], $0x800  }
0x538: {  	[sflag:s7] =	ssyncset.done $0x0  }
0x539: {  	[sflag:s7] =	ssyncadd.s32 $0xFFFFF800  }
0x53a: {  	_ =	swait.ge [sflag:s7], $0x800  }
0x53b: {  	[sflag:s7] =	ssyncset.done $0x0  }
0x53c: {  	[sflag:s7] =	ssyncadd.s32 $0xFFFFF800  }
0x53d: {  	_ =	swait.ge [sflag:s7], $0x800  }
0x53e: {  	[sflag:s7] =	ssyncset.done $0x0  }
0x53f: {  	[sflag:s7] =	ssyncadd.s32 $0xFFFFF800  }
0x540: {  	_ =	swait.ge [sflag:s7], $0x800  }
0x541: {  	[sflag:s7] =	ssyncset.done $0x0  }
0x542: {  	[sflag:s7] =	ssyncadd.s32 $0xFFFFF800  }
0x543: {  	_ =	swait.ge [sflag:s7], $0x800  }
0x544: {  	[sflag:s7] =	ssyncset.done $0x0  }
0x545: {  	[sflag:s7] =	ssyncadd.s32 $0xFFFFF800  }
0x546: {  	_ =	swait.ge [sflag:s7], $0x800  }
0x547: {  	[sflag:s7] =	ssyncset.done $0x0  }
0x548: {  	[sflag:s7] =	ssyncadd.s32 $0xFFFFF800  }
0x549: {  	_ =	swait.ge [sflag:s7], $0x800  }
0x54a: {  	[sflag:s7] =	ssyncset.done $0x0  }
0x54b: {  	[sflag:s7] =	ssyncadd.s32 $0xFFFFF800  }
0x54c: {  	_ =	swait.ge [sflag:s7], $0x800  }
0x54d: {  	[sflag:s7] =	ssyncset.done $0x0  }
0x54e: {  	[sflag:s7] =	ssyncadd.s32 $0xFFFFF800  }
0x54f: {  	_ =	swait.ge [sflag:s7], $0x800  }
0x550: {  	[sflag:s7] =	ssyncset.done $0x0  }
0x551: {  	[sflag:s7] =	ssyncadd.s32 $0xFFFFF800  }
0x552: {  	_ =	swait.ge [sflag:s7], $0x800  }
0x553: {  	[sflag:s7] =	ssyncset.done $0x0  }
0x554: {  	[sflag:s7] =	ssyncadd.s32 $0xFFFFF800  }
0x555: {  	_ =	swait.ge [sflag:s7], $0x800  }
0x556: {  	[sflag:s7] =	ssyncset.done $0x0  }
0x557: {  	[sflag:s7] =	ssyncadd.s32 $0xFFFFF800  }
0x558: {  	_ =	swait.ge [sflag:s7], $0x800  }
0x559: {  	[sflag:s7] =	ssyncset.done $0x0  }
0x55a: {  	[sflag:s7] =	ssyncadd.s32 $0xFFFFF800  }
0x55b: {  	_ =	swait.ge [sflag:s7], $0x800  }
0x55c: {  	[sflag:s7] =	ssyncset.done $0x0  }
0x55d: {  	[sflag:s7] =	ssyncadd.s32 $0xFFFFF800  }
0x55e: {  	_ =	swait.ge [sflag:s7], $0x800  }
0x55f: {  	[sflag:s7] =	ssyncset.done $0x0  }
0x560: {  	[sflag:s7] =	ssyncadd.s32 $0xFFFFF800  }
0x561: {  	_ =	swait.ge [sflag:s7], $0x800  }
0x562: {  	[sflag:s7] =	ssyncset.done $0x0  }
0x563: {  	[sflag:s7] =	ssyncadd.s32 $0xFFFFF800  }
0x564: {  	_ =	swait.ge [sflag:s7], $0x800  }
0x565: {  	[sflag:s7] =	ssyncset.done $0x0  }
0x566: {  	[sflag:s7] =	ssyncadd.s32 $0xFFFFF800  }
0x567: {  	_ =	swait.ge [sflag:s7], $0x800  }
0x568: {  	[sflag:s7] =	ssyncset.done $0x0  }
0x569: {  	[sflag:s7] =	ssyncadd.s32 $0xFFFFF800  }
0x56a: {  	_ =	swait.ge [sflag:s7], $0x800  }
0x56b: {  	[sflag:s7] =	ssyncset.done $0x0  }
0x56c: {  	[sflag:s7] =	ssyncadd.s32 $0xFFFFF800  }
0x56d: {  	_ =	swait.ge [sflag:s7], $0x800  }
0x56e: {  	[sflag:s7] =	ssyncset.done $0x0  }
0x56f: {  	[sflag:s7] =	ssyncadd.s32 $0xFFFFF800  }
0x570: {  	_ =	swait.ge [sflag:s7], $0x800  }
0x571: {  	[sflag:s7] =	ssyncset.done $0x0  }
0x572: {  	[sflag:s7] =	ssyncadd.s32 $0xFFFFF800  }
0x573: {  	_ =	swait.ge [sflag:s7], $0x800  }
0x574: {  	[sflag:s7] =	ssyncset.done $0x0  }
0x575: {  	[sflag:s7] =	ssyncadd.s32 $0xFFFFF800  }
0x576: {  	_ =	swait.ge [sflag:s7], $0x800  }
0x577: {  	[sflag:s7] =	ssyncset.done $0x0  }
0x578: {  	[sflag:s7] =	ssyncadd.s32 $0xFFFFF800  }
0x579: {  	_ =	swait.ge [sflag:s7], $0x800  }
0x57a: {  	[sflag:s7] =	ssyncset.done $0x0  }
0x57b: {  	[sflag:s7] =	ssyncadd.s32 $0xFFFFF800  }
0x57c: {  	_ =	swait.ge [sflag:s7], $0x800  }
0x57d: {  	[sflag:s7] =	ssyncset.done $0x0  }
0x57e: {  	s31 =	rddreg [dreg:$0x5];
	[sflag:s7] =	ssyncadd.s32 $0xFFFFF800  }
0x57f: {  	[hbm4b:s31+s2] =	stream.linear.scatter [tilespmem:s4], [sflag:$0x2], $0x6800, $0x38;
	[tilespmem:$0x1B180] =	vst v63  }
0x580: {  	_ =	swait.ge [sflag:s3], $0x6800  }
0x581: {  	[sflag:s3] =	ssyncset.done $0x0  }
0x582: {  	s31 =	rddreg [dreg:$0x6];
	[sflag:s3] =	ssyncadd.s32 $0xFFFF9800  }
0x583: {  	[hbm4b:s31+s2] =	stream.linear.scatter [tilespmem:s5], [sflag:$0x2], $0xC800, $0x38;
	[tilespmem:$0x1B180] =	vst v63  }
0x584: {  	_ =	swait.ge [sflag:s3], $0xC800  }
0x585: {  	[sflag:s3] =	ssyncset.done $0x0  }
0x586: {  	s31 =	rddreg [dreg:$0x7];
	[sflag:s3] =	ssyncadd.s32 $0xFFFF3800  }
0x587: {  	[hbm4b:s31+s2] =	stream.linear.scatter [tilespmem:s6], [sflag:$0x2], $0x6800, $0x38;
	[tilespmem:$0x1B180] =	vst v63  }
0x588: {  	_ =	swait.ge [sflag:s3], $0x6800  }
0x589: {  	[sflag:s3] =	ssyncset.done $0x0  }
0x58a: {  	s31 =	rddreg [dreg:$0x8];
	[sflag:s3] =	ssyncadd.s32 $0xFFFF9800  }
0x58b: {  	[tilespmem:s2], [sflag:$0x2] =	stream.linear.gather [hbm4b:s31+s2], $0x680, $0x38;
	[tilespmem:$0x1B180] =	vst v63  }
0x58c: {  	_ =	swait.ge [sflag:s3], $0x680  }
0x58d: {  	[sflag:s3] =	ssyncset.done $0x0  }
0x58e: {  	s31 =	rddreg [dreg:$0x9];
	[sflag:s3] =	ssyncadd.s32 $0xFFFFF980  }
0x58f: {  	[tilespmem:s11], [sflag:$0x2] =	stream.linear.gather [hbm4b:s31+s2], $0x680, $0x38;
	[tilespmem:$0x1B180] =	vst v63  }
0x590: {  	_ =	swait.ge [sflag:s3], $0x680  }
0x591: {  	[sflag:s3] =	ssyncset.done $0x0  }
0x592: {  	s31 =	rddreg [dreg:$0xa];
	[sflag:s3] =	ssyncadd.s32 $0xFFFFF980  }
0x593: {  	[tilespmem:s13], [sflag:$0x2] =	stream.linear.gather [hbm4b:s31+s2], $0xC80, $0x38;
	[tilespmem:$0x1B180] =	vst v63  }
0x594: {  	_ =	swait.ge [sflag:s3], $0xC80  }
0x595: {  	[sflag:s3] =	ssyncset.done $0x0  }
0x596: {  	[sflag:s3] =	ssyncadd.s32 $0xFFFFF380  }
0x597: {  	[tilespmem:s4], [sflag:$0x1] =	stream.indirect.gather [hbm4b:s12+s9], $0x10, s2, s9, $0xb8;
	[tilespmem:$0x1B180] =	vst v63  }
0x598: {  	s31 =	simm.s32 $0x2180  }
0x599: {  	[tilespmem:s31], [sflag:$0x1] =	stream.indirect.gather [hbm4b:s12+s9], $0x10, s9, s9, $0xb8;
	[tilespmem:$0x1B180] =	vst v63  }
0x59a: {  	s15 =	simm.s32 $0x100;
	s31 =	simm.s32 $0x2980  }
0x59b: {  	[tilespmem:s31], [sflag:$0x1] =	stream.indirect.gather [hbm4b:s12+s9], $0x10, s15, s9, $0xb8;
	[tilespmem:$0x1B180] =	vst v63  }
0x59c: {  	s15 =	simm.s32 $0x180;
	s31 =	simm.s32 $0x3180  }
0x59d: {  	[tilespmem:s31], [sflag:$0x1] =	stream.indirect.gather [hbm4b:s12+s9], $0x10, s15, s9, $0xb8;
	[tilespmem:$0x1B180] =	vst v63  }
0x59e: {  	s15 =	simm.s32 $0x200;
	s31 =	simm.s32 $0x3980  }
0x59f: {  	[tilespmem:s31], [sflag:$0x1] =	stream.indirect.gather [hbm4b:s12+s9], $0x10, s15, s9, $0xb8;
	[tilespmem:$0x1B180] =	vst v63  }
0x5a0: {  	s15 =	simm.s32 $0x280;
	s31 =	simm.s32 $0x4180  }
0x5a1: {  	[tilespmem:s31], [sflag:$0x1] =	stream.indirect.gather [hbm4b:s12+s9], $0x10, s15, s9, $0xb8;
	[tilespmem:$0x1B180] =	vst v63  }
0x5a2: {  	s15 =	simm.s32 $0x300;
	s31 =	simm.s32 $0x4980  }
0x5a3: {  	[tilespmem:s31], [sflag:$0x1] =	stream.indirect.gather [hbm4b:s12+s9], $0x10, s15, s9, $0xb8;
	[tilespmem:$0x1B180] =	vst v63  }
0x5a4: {  	s15 =	simm.s32 $0x380;
	s31 =	simm.s32 $0x5180  }
0x5a5: {  	[tilespmem:s31], [sflag:$0x1] =	stream.indirect.gather [hbm4b:s12+s9], $0x10, s15, s9, $0xb8;
	[tilespmem:$0x1B180] =	vst v63  }
0x5a6: {  	s15 =	simm.s32 $0x400;
	s31 =	simm.s32 $0x5980  }
0x5a7: {  	[tilespmem:s31], [sflag:$0x1] =	stream.indirect.gather [hbm4b:s12+s9], $0x10, s15, s9, $0xb8;
	[tilespmem:$0x1B180] =	vst v63  }
0x5a8: {  	s15 =	simm.s32 $0x480;
	s31 =	simm.s32 $0x6180  }
0x5a9: {  	[tilespmem:s31], [sflag:$0x1] =	stream.indirect.gather [hbm4b:s12+s9], $0x10, s15, s9, $0xb8;
	[tilespmem:$0x1B180] =	vst v63  }
0x5aa: {  	s15 =	simm.s32 $0x500;
	s31 =	simm.s32 $0x6980  }
0x5ab: {  	[tilespmem:s31], [sflag:$0x1] =	stream.indirect.gather [hbm4b:s12+s9], $0x10, s15, s9, $0xb8;
	[tilespmem:$0x1B180] =	vst v63  }
0x5ac: {  	s15 =	simm.s32 $0x580;
	s31 =	simm.s32 $0x7180  }
0x5ad: {  	[tilespmem:s31], [sflag:$0x1] =	stream.indirect.gather [hbm4b:s12+s9], $0x10, s15, s9, $0xb8;
	[tilespmem:$0x1B180] =	vst v63  }
0x5ae: {  	s15 =	simm.s32 $0x600;
	s31 =	simm.s32 $0x7980  }
0x5af: {  	[tilespmem:s31], [sflag:$0x1] =	stream.indirect.gather [hbm4b:s12+s9], $0x10, s15, s9, $0xb8;
	[tilespmem:$0x1B180] =	vst v63  }
0x5b0: {  	_ = 	snop  }
0x5b1: {  	[tilespmem:s5], [sflag:$0x1] =	stream.indirect.gather [hbm4b:s10+s9], $0x10, s13, s9, $0xb8;
	[tilespmem:$0x1B180] =	vst v63  }
0x5b2: {  	s15 =	simm.s32 $0xD80;
	s31 =	simm.s32 $0x8980  }
0x5b3: {  	[tilespmem:s31], [sflag:$0x1] =	stream.indirect.gather [hbm4b:s10+s9], $0x10, s15, s9, $0xb8;
	[tilespmem:$0x1B180] =	vst v63  }
0x5b4: {  	s15 =	simm.s32 $0xE00;
	s31 =	simm.s32 $0x9180  }
0x5b5: {  	[tilespmem:s31], [sflag:$0x1] =	stream.indirect.gather [hbm4b:s10+s9], $0x10, s15, s9, $0xb8;
	[tilespmem:$0x1B180] =	vst v63  }
0x5b6: {  	s15 =	simm.s32 $0xE80;
	s31 =	simm.s32 $0x9980  }
0x5b7: {  	[tilespmem:s31], [sflag:$0x1] =	stream.indirect.gather [hbm4b:s10+s9], $0x10, s15, s9, $0xb8;
	[tilespmem:$0x1B180] =	vst v63  }
0x5b8: {  	s15 =	simm.s32 $0xF00;
	s31 =	simm.s32 $0xA180  }
0x5b9: {  	[tilespmem:s31], [sflag:$0x1] =	stream.indirect.gather [hbm4b:s10+s9], $0x10, s15, s9, $0xb8;
	[tilespmem:$0x1B180] =	vst v63  }
0x5ba: {  	s15 =	simm.s32 $0xF80;
	s31 =	simm.s32 $0xA980  }
0x5bb: {  	[tilespmem:s31], [sflag:$0x1] =	stream.indirect.gather [hbm4b:s10+s9], $0x10, s15, s9, $0xb8;
	[tilespmem:$0x1B180] =	vst v63  }
0x5bc: {  	s15 =	simm.s32 $0x1000;
	s31 =	simm.s32 $0xB180  }
0x5bd: {  	[tilespmem:s31], [sflag:$0x1] =	stream.indirect.gather [hbm4b:s10+s9], $0x10, s15, s9, $0xb8;
	[tilespmem:$0x1B180] =	vst v63  }
0x5be: {  	s15 =	simm.s32 $0x1080;
	s31 =	simm.s32 $0xB980  }
0x5bf: {  	[tilespmem:s31], [sflag:$0x1] =	stream.indirect.gather [hbm4b:s10+s9], $0x10, s15, s9, $0xb8;
	[tilespmem:$0x1B180] =	vst v63  }
0x5c0: {  	s15 =	simm.s32 $0x1100;
	s31 =	simm.s32 $0xC180  }
0x5c1: {  	[tilespmem:s31], [sflag:$0x1] =	stream.indirect.gather [hbm4b:s10+s9], $0x10, s15, s9, $0xb8;
	[tilespmem:$0x1B180] =	vst v63  }
0x5c2: {  	s15 =	simm.s32 $0x1180;
	s31 =	simm.s32 $0xC980  }
0x5c3: {  	[tilespmem:s31], [sflag:$0x1] =	stream.indirect.gather [hbm4b:s10+s9], $0x10, s15, s9, $0xb8;
	[tilespmem:$0x1B180] =	vst v63  }
0x5c4: {  	s15 =	simm.s32 $0x1200;
	s31 =	simm.s32 $0xD180  }
0x5c5: {  	[tilespmem:s31], [sflag:$0x1] =	stream.indirect.gather [hbm4b:s10+s9], $0x10, s15, s9, $0xb8;
	[tilespmem:$0x1B180] =	vst v63  }
0x5c6: {  	s15 =	simm.s32 $0x1280;
	s31 =	simm.s32 $0xD980  }
0x5c7: {  	[tilespmem:s31], [sflag:$0x1] =	stream.indirect.gather [hbm4b:s10+s9], $0x10, s15, s9, $0xb8;
	[tilespmem:$0x1B180] =	vst v63  }
0x5c8: {  	s15 =	simm.s32 $0x1300;
	s31 =	simm.s32 $0xE180  }
0x5c9: {  	[tilespmem:s31], [sflag:$0x1] =	stream.indirect.gather [hbm4b:s10+s9], $0x10, s15, s9, $0xb8;
	[tilespmem:$0x1B180] =	vst v63  }
0x5ca: {  	s15 =	simm.s32 $0x1380;
	s31 =	simm.s32 $0xE980  }
0x5cb: {  	[tilespmem:s31], [sflag:$0x1] =	stream.indirect.gather [hbm4b:s10+s9], $0x10, s15, s9, $0xb8;
	[tilespmem:$0x1B180] =	vst v63  }
0x5cc: {  	s15 =	simm.s32 $0x1400;
	s31 =	simm.s32 $0xF180  }
0x5cd: {  	[tilespmem:s31], [sflag:$0x1] =	stream.indirect.gather [hbm4b:s10+s9], $0x10, s15, s9, $0xb8;
	[tilespmem:$0x1B180] =	vst v63  }
0x5ce: {  	s15 =	simm.s32 $0x1480;
	s31 =	simm.s32 $0xF980  }
0x5cf: {  	[tilespmem:s31], [sflag:$0x1] =	stream.indirect.gather [hbm4b:s10+s9], $0x10, s15, s9, $0xb8;
	[tilespmem:$0x1B180] =	vst v63  }
0x5d0: {  	s15 =	simm.s32 $0x1500;
	s31 =	simm.s32 $0x10180  }
0x5d1: {  	[tilespmem:s31], [sflag:$0x1] =	stream.indirect.gather [hbm4b:s10+s9], $0x10, s15, s9, $0xb8;
	[tilespmem:$0x1B180] =	vst v63  }
0x5d2: {  	s15 =	simm.s32 $0x1580;
	s31 =	simm.s32 $0x10980  }
0x5d3: {  	[tilespmem:s31], [sflag:$0x1] =	stream.indirect.gather [hbm4b:s10+s9], $0x10, s15, s9, $0xb8;
	[tilespmem:$0x1B180] =	vst v63  }
0x5d4: {  	s15 =	simm.s32 $0x1600;
	s31 =	simm.s32 $0x11180  }
0x5d5: {  	[tilespmem:s31], [sflag:$0x1] =	stream.indirect.gather [hbm4b:s10+s9], $0x10, s15, s9, $0xb8;
	[tilespmem:$0x1B180] =	vst v63  }
0x5d6: {  	s15 =	simm.s32 $0x1680;
	s31 =	simm.s32 $0x11980  }
0x5d7: {  	[tilespmem:s31], [sflag:$0x1] =	stream.indirect.gather [hbm4b:s10+s9], $0x10, s15, s9, $0xb8;
	[tilespmem:$0x1B180] =	vst v63  }
0x5d8: {  	s15 =	simm.s32 $0x1700;
	s31 =	simm.s32 $0x12180  }
0x5d9: {  	[tilespmem:s31], [sflag:$0x1] =	stream.indirect.gather [hbm4b:s10+s9], $0x10, s15, s9, $0xb8;
	[tilespmem:$0x1B180] =	vst v63  }
0x5da: {  	s15 =	simm.s32 $0x1780;
	s31 =	simm.s32 $0x12980  }
0x5db: {  	[tilespmem:s31], [sflag:$0x1] =	stream.indirect.gather [hbm4b:s10+s9], $0x10, s15, s9, $0xb8;
	[tilespmem:$0x1B180] =	vst v63  }
0x5dc: {  	s15 =	simm.s32 $0x1800;
	s31 =	simm.s32 $0x13180  }
0x5dd: {  	[tilespmem:s31], [sflag:$0x1] =	stream.indirect.gather [hbm4b:s10+s9], $0x10, s15, s9, $0xb8;
	[tilespmem:$0x1B180] =	vst v63  }
0x5de: {  	s15 =	simm.s32 $0x1880;
	s31 =	simm.s32 $0x13980  }
0x5df: {  	[tilespmem:s31], [sflag:$0x1] =	stream.indirect.gather [hbm4b:s10+s9], $0x10, s15, s9, $0xb8;
	[tilespmem:$0x1B180] =	vst v63  }
0x5e0: {  	s15 =	simm.s32 $0x1900;
	s31 =	simm.s32 $0x14180  }
0x5e1: {  	[tilespmem:s31], [sflag:$0x1] =	stream.indirect.gather [hbm4b:s10+s9], $0x10, s15, s9, $0xb8;
	[tilespmem:$0x1B180] =	vst v63  }
0x5e2: {  	_ = 	snop  }
0x5e3: {  	[tilespmem:s6], [sflag:$0x1] =	stream.indirect.gather [hbm4b:s8+s9], $0x10, s11, s9, $0xb8;
	[tilespmem:$0x1B180] =	vst v63  }
0x5e4: {  	s12 =	simm.s32 $0x700;
	s13 =	simm.s32 $0x15180  }
0x5e5: {  	[tilespmem:s13], [sflag:$0x1] =	stream.indirect.gather [hbm4b:s8+s9], $0x10, s12, s9, $0xb8;
	[tilespmem:$0x1B180] =	vst v63  }
0x5e6: {  	s15 =	simm.s32 $0x780;
	s31 =	simm.s32 $0x15980  }
0x5e7: {  	[tilespmem:s31], [sflag:$0x1] =	stream.indirect.gather [hbm4b:s8+s9], $0x10, s15, s9, $0xb8;
	[tilespmem:$0x1B180] =	vst v63  }
0x5e8: {  	s12 =	simm.s32 $0x16180;
	s13 =	simm.s32 $0x800  }
0x5e9: {  	[tilespmem:s12], [sflag:$0x1] =	stream.indirect.gather [hbm4b:s8+s9], $0x10, s13, s9, $0xb8;
	[tilespmem:$0x1B180] =	vst v63  }
0x5ea: {  	s15 =	simm.s32 $0x880  }
0x5eb: {  	[tilespmem:s29], [sflag:$0x1] =	stream.indirect.gather [hbm4b:s8+s9], $0x10, s15, s9, $0xb8;
	[tilespmem:$0x1B180] =	vst v63  }
0x5ec: {  	_ = 	snop  }
0x5ed: {  	[tilespmem:s26], [sflag:$0x1] =	stream.indirect.gather [hbm4b:s8+s9], $0x10, s30, s9, $0xb8;
	[tilespmem:$0x1B180] =	vst v63  }
0x5ee: {  	_ = 	snop  }
0x5ef: {  	[tilespmem:s24], [sflag:$0x1] =	stream.indirect.gather [hbm4b:s8+s9], $0x10, s28, s9, $0xb8;
	[tilespmem:$0x1B180] =	vst v63  }
0x5f0: {  	_ = 	snop  }
0x5f1: {  	[tilespmem:s22], [sflag:$0x1] =	stream.indirect.gather [hbm4b:s8+s9], $0x10, s25, s9, $0xb8;
	[tilespmem:$0x1B180] =	vst v63  }
0x5f2: {  	_ = 	snop  }
0x5f3: {  	[tilespmem:s20], [sflag:$0x1] =	stream.indirect.gather [hbm4b:s8+s9], $0x10, s23, s9, $0xb8;
	[tilespmem:$0x1B180] =	vst v63  }
0x5f4: {  	_ = 	snop  }
0x5f5: {  	[tilespmem:s18], [sflag:$0x1] =	stream.indirect.gather [hbm4b:s8+s9], $0x10, s21, s9, $0xb8;
	[tilespmem:$0x1B180] =	vst v63  }
0x5f6: {  	_ = 	snop  }
0x5f7: {  	[tilespmem:s16], [sflag:$0x1] =	stream.indirect.gather [hbm4b:s8+s9], $0x10, s19, s9, $0xb8;
	[tilespmem:$0x1B180] =	vst v63  }
0x5f8: {  	_ = 	snop  }
0x5f9: {  	[tilespmem:s1], [sflag:$0x1] =	stream.indirect.gather [hbm4b:s8+s9], $0x10, s17, s9, $0xb8;
	[tilespmem:$0x1B180] =	vst v63  }
0x5fa: {  	_ = 	snop  }
0x5fb: {  	[tilespmem:s0], [sflag:$0x1] =	stream.indirect.gather [hbm4b:s8+s9], $0x10, s14, s9, $0xb8;
	[tilespmem:$0x1B180] =	vst v63  }
0x5fc: {  	_ =	swait.ge [sflag:s7], $0x800  }
0x5fd: {  	[sflag:s7] =	ssyncset.done $0x0  }
0x5fe: {  	[sflag:s7] =	ssyncadd.s32 $0xFFFFF800  }
0x5ff: {  	_ =	swait.ge [sflag:s7], $0x800  }
0x600: {  	[sflag:s7] =	ssyncset.done $0x0  }
0x601: {  	[sflag:s7] =	ssyncadd.s32 $0xFFFFF800  }
0x602: {  	_ =	swait.ge [sflag:s7], $0x800  }
0x603: {  	[sflag:s7] =	ssyncset.done $0x0  }
0x604: {  	[sflag:s7] =	ssyncadd.s32 $0xFFFFF800  }
0x605: {  	_ =	swait.ge [sflag:s7], $0x800  }
0x606: {  	[sflag:s7] =	ssyncset.done $0x0  }
0x607: {  	[sflag:s7] =	ssyncadd.s32 $0xFFFFF800  }
0x608: {  	_ =	swait.ge [sflag:s7], $0x800  }
0x609: {  	[sflag:s7] =	ssyncset.done $0x0  }
0x60a: {  	[sflag:s7] =	ssyncadd.s32 $0xFFFFF800  }
0x60b: {  	_ =	swait.ge [sflag:s7], $0x800  }
0x60c: {  	[sflag:s7] =	ssyncset.done $0x0  }
0x60d: {  	[sflag:s7] =	ssyncadd.s32 $0xFFFFF800  }
0x60e: {  	_ =	swait.ge [sflag:s7], $0x800  }
0x60f: {  	[sflag:s7] =	ssyncset.done $0x0  }
0x610: {  	[sflag:s7] =	ssyncadd.s32 $0xFFFFF800  }
0x611: {  	_ =	swait.ge [sflag:s7], $0x800  }
0x612: {  	[sflag:s7] =	ssyncset.done $0x0  }
0x613: {  	[sflag:s7] =	ssyncadd.s32 $0xFFFFF800  }
0x614: {  	_ =	swait.ge [sflag:s7], $0x800  }
0x615: {  	[sflag:s7] =	ssyncset.done $0x0  }
0x616: {  	[sflag:s7] =	ssyncadd.s32 $0xFFFFF800  }
0x617: {  	_ =	swait.ge [sflag:s7], $0x800  }
0x618: {  	[sflag:s7] =	ssyncset.done $0x0  }
0x619: {  	[sflag:s7] =	ssyncadd.s32 $0xFFFFF800  }
0x61a: {  	_ =	swait.ge [sflag:s7], $0x800  }
0x61b: {  	[sflag:s7] =	ssyncset.done $0x0  }
0x61c: {  	[sflag:s7] =	ssyncadd.s32 $0xFFFFF800  }
0x61d: {  	_ =	swait.ge [sflag:s7], $0x800  }
0x61e: {  	[sflag:s7] =	ssyncset.done $0x0  }
0x61f: {  	[sflag:s7] =	ssyncadd.s32 $0xFFFFF800  }
0x620: {  	_ =	swait.ge [sflag:s7], $0x800  }
0x621: {  	[sflag:s7] =	ssyncset.done $0x0  }
0x622: {  	[sflag:s7] =	ssyncadd.s32 $0xFFFFF800  }
0x623: {  	_ =	swait.ge [sflag:s7], $0x800  }
0x624: {  	[sflag:s7] =	ssyncset.done $0x0  }
0x625: {  	[sflag:s7] =	ssyncadd.s32 $0xFFFFF800  }
0x626: {  	_ =	swait.ge [sflag:s7], $0x800  }
0x627: {  	[sflag:s7] =	ssyncset.done $0x0  }
0x628: {  	[sflag:s7] =	ssyncadd.s32 $0xFFFFF800  }
0x629: {  	_ =	swait.ge [sflag:s7], $0x800  }
0x62a: {  	[sflag:s7] =	ssyncset.done $0x0  }
0x62b: {  	[sflag:s7] =	ssyncadd.s32 $0xFFFFF800  }
0x62c: {  	_ =	swait.ge [sflag:s7], $0x800  }
0x62d: {  	[sflag:s7] =	ssyncset.done $0x0  }
0x62e: {  	[sflag:s7] =	ssyncadd.s32 $0xFFFFF800  }
0x62f: {  	_ =	swait.ge [sflag:s7], $0x800  }
0x630: {  	[sflag:s7] =	ssyncset.done $0x0  }
0x631: {  	[sflag:s7] =	ssyncadd.s32 $0xFFFFF800  }
0x632: {  	_ =	swait.ge [sflag:s7], $0x800  }
0x633: {  	[sflag:s7] =	ssyncset.done $0x0  }
0x634: {  	[sflag:s7] =	ssyncadd.s32 $0xFFFFF800  }
0x635: {  	_ =	swait.ge [sflag:s7], $0x800  }
0x636: {  	[sflag:s7] =	ssyncset.done $0x0  }
0x637: {  	[sflag:s7] =	ssyncadd.s32 $0xFFFFF800  }
0x638: {  	_ =	swait.ge [sflag:s7], $0x800  }
0x639: {  	[sflag:s7] =	ssyncset.done $0x0  }
0x63a: {  	[sflag:s7] =	ssyncadd.s32 $0xFFFFF800  }
0x63b: {  	_ =	swait.ge [sflag:s7], $0x800  }
0x63c: {  	[sflag:s7] =	ssyncset.done $0x0  }
0x63d: {  	[sflag:s7] =	ssyncadd.s32 $0xFFFFF800  }
0x63e: {  	_ =	swait.ge [sflag:s7], $0x800  }
0x63f: {  	[sflag:s7] =	ssyncset.done $0x0  }
0x640: {  	[sflag:s7] =	ssyncadd.s32 $0xFFFFF800  }
0x641: {  	_ =	swait.ge [sflag:s7], $0x800  }
0x642: {  	[sflag:s7] =	ssyncset.done $0x0  }
0x643: {  	[sflag:s7] =	ssyncadd.s32 $0xFFFFF800  }
0x644: {  	_ =	swait.ge [sflag:s7], $0x800  }
0x645: {  	[sflag:s7] =	ssyncset.done $0x0  }
0x646: {  	[sflag:s7] =	ssyncadd.s32 $0xFFFFF800  }
0x647: {  	_ =	swait.ge [sflag:s7], $0x800  }
0x648: {  	[sflag:s7] =	ssyncset.done $0x0  }
0x649: {  	[sflag:s7] =	ssyncadd.s32 $0xFFFFF800  }
0x64a: {  	_ =	swait.ge [sflag:s7], $0x800  }
0x64b: {  	[sflag:s7] =	ssyncset.done $0x0  }
0x64c: {  	[sflag:s7] =	ssyncadd.s32 $0xFFFFF800  }
0x64d: {  	_ =	swait.ge [sflag:s7], $0x800  }
0x64e: {  	[sflag:s7] =	ssyncset.done $0x0  }
0x64f: {  	[sflag:s7] =	ssyncadd.s32 $0xFFFFF800  }
0x650: {  	_ =	swait.ge [sflag:s7], $0x800  }
0x651: {  	[sflag:s7] =	ssyncset.done $0x0  }
0x652: {  	[sflag:s7] =	ssyncadd.s32 $0xFFFFF800  }
0x653: {  	_ =	swait.ge [sflag:s7], $0x800  }
0x654: {  	[sflag:s7] =	ssyncset.done $0x0  }
0x655: {  	[sflag:s7] =	ssyncadd.s32 $0xFFFFF800  }
0x656: {  	_ =	swait.ge [sflag:s7], $0x800  }
0x657: {  	[sflag:s7] =	ssyncset.done $0x0  }
0x658: {  	[sflag:s7] =	ssyncadd.s32 $0xFFFFF800  }
0x659: {  	_ =	swait.ge [sflag:s7], $0x800  }
0x65a: {  	[sflag:s7] =	ssyncset.done $0x0  }
0x65b: {  	[sflag:s7] =	ssyncadd.s32 $0xFFFFF800  }
0x65c: {  	_ =	swait.ge [sflag:s7], $0x800  }
0x65d: {  	[sflag:s7] =	ssyncset.done $0x0  }
0x65e: {  	[sflag:s7] =	ssyncadd.s32 $0xFFFFF800  }
0x65f: {  	_ =	swait.ge [sflag:s7], $0x800  }
0x660: {  	[sflag:s7] =	ssyncset.done $0x0  }
0x661: {  	[sflag:s7] =	ssyncadd.s32 $0xFFFFF800  }
0x662: {  	_ =	swait.ge [sflag:s7], $0x800  }
0x663: {  	[sflag:s7] =	ssyncset.done $0x0  }
0x664: {  	[sflag:s7] =	ssyncadd.s32 $0xFFFFF800  }
0x665: {  	_ =	swait.ge [sflag:s7], $0x800  }
0x666: {  	[sflag:s7] =	ssyncset.done $0x0  }
0x667: {  	[sflag:s7] =	ssyncadd.s32 $0xFFFFF800  }
0x668: {  	_ =	swait.ge [sflag:s7], $0x800  }
0x669: {  	[sflag:s7] =	ssyncset.done $0x0  }
0x66a: {  	[sflag:s7] =	ssyncadd.s32 $0xFFFFF800  }
0x66b: {  	_ =	swait.ge [sflag:s7], $0x800  }
0x66c: {  	[sflag:s7] =	ssyncset.done $0x0  }
0x66d: {  	[sflag:s7] =	ssyncadd.s32 $0xFFFFF800  }
0x66e: {  	_ =	swait.ge [sflag:s7], $0x800  }
0x66f: {  	[sflag:s7] =	ssyncset.done $0x0  }
0x670: {  	[sflag:s7] =	ssyncadd.s32 $0xFFFFF800  }
0x671: {  	_ =	swait.ge [sflag:s7], $0x800  }
0x672: {  	[sflag:s7] =	ssyncset.done $0x0  }
0x673: {  	[sflag:s7] =	ssyncadd.s32 $0xFFFFF800  }
0x674: {  	_ =	swait.ge [sflag:s7], $0x800  }
0x675: {  	[sflag:s7] =	ssyncset.done $0x0  }
0x676: {  	[sflag:s7] =	ssyncadd.s32 $0xFFFFF800  }
0x677: {  	_ =	swait.ge [sflag:s7], $0x800  }
0x678: {  	[sflag:s7] =	ssyncset.done $0x0  }
0x679: {  	[sflag:s7] =	ssyncadd.s32 $0xFFFFF800  }
0x67a: {  	_ =	swait.ge [sflag:s7], $0x800  }
0x67b: {  	[sflag:s7] =	ssyncset.done $0x0  }
0x67c: {  	[sflag:s7] =	ssyncadd.s32 $0xFFFFF800  }
0x67d: {  	_ =	swait.ge [sflag:s7], $0x800  }
0x67e: {  	[sflag:s7] =	ssyncset.done $0x0  }
0x67f: {  	[sflag:s7] =	ssyncadd.s32 $0xFFFFF800  }
0x680: {  	_ =	swait.ge [sflag:s7], $0x800  }
0x681: {  	[sflag:s7] =	ssyncset.done $0x0  }
0x682: {  	[sflag:s7] =	ssyncadd.s32 $0xFFFFF800  }
0x683: {  	_ =	swait.ge [sflag:s7], $0x800  }
0x684: {  	[sflag:s7] =	ssyncset.done $0x0  }
0x685: {  	[sflag:s7] =	ssyncadd.s32 $0xFFFFF800  }
0x686: {  	_ =	swait.ge [sflag:s7], $0x800  }
0x687: {  	[sflag:s7] =	ssyncset.done $0x0  }
0x688: {  	[sflag:s7] =	ssyncadd.s32 $0xFFFFF800  }
0x689: {  	_ =	swait.ge [sflag:s7], $0x800  }
0x68a: {  	[sflag:s7] =	ssyncset.done $0x0  }
0x68b: {  	[sflag:s7] =	ssyncadd.s32 $0xFFFFF800  }
0x68c: {  	_ =	swait.ge [sflag:s7], $0x800  }
0x68d: {  	[sflag:s7] =	ssyncset.done $0x0  }
0x68e: {  	[sflag:s7] =	ssyncadd.s32 $0xFFFFF800  }
0x68f: {  	_ =	swait.ge [sflag:s7], $0x800  }
0x690: {  	[sflag:s7] =	ssyncset.done $0x0  }
0x691: {  	[sflag:s7] =	ssyncadd.s32 $0xFFFFF800  }
0x692: {  	_ =	swait.ge [sflag:s7], $0x800  }
0x693: {  	[sflag:s7] =	ssyncset.done $0x0  }
0x694: {  	s28 =	rddreg [dreg:$0xb];
	[sflag:s7] =	ssyncadd.s32 $0xFFFFF800  }
0x695: {  	[hbm4b:s28+s2] =	stream.linear.scatter [tilespmem:s4], [sflag:$0x2], $0x6800, $0x38;
	[tilespmem:$0x1B180] =	vst v63  }
0x696: {  	_ =	swait.ge [sflag:s3], $0x6800  }
0x697: {  	[sflag:s3] =	ssyncset.done $0x0  }
0x698: {  	s29 =	rddreg [dreg:$0xc];
	[sflag:s3] =	ssyncadd.s32 $0xFFFF9800  }
0x699: {  	[hbm4b:s29+s2] =	stream.linear.scatter [tilespmem:s5], [sflag:$0x2], $0xC800, $0x38;
	[tilespmem:$0x1B180] =	vst v63  }
0x69a: {  	_ =	swait.ge [sflag:s3], $0xC800  }
0x69b: {  	[sflag:s3] =	ssyncset.done $0x0  }
0x69c: {  	s30 =	rddreg [dreg:$0xd];
	[sflag:s3] =	ssyncadd.s32 $0xFFFF3800  }
0x69d: {  	[hbm4b:s30+s2] =	stream.linear.scatter [tilespmem:s6], [sflag:$0x2], $0x6800, $0x38;
	[tilespmem:$0x1B180] =	vst v63  }
0x69e: {  	_ =	swait.ge [sflag:s3], $0x6800  }
0x69f: {  	[sflag:s3] =	ssyncset.done $0x0  }
0x6a0: {  	[sflag:s3] =	ssyncadd.s32 $0xFFFF9800  }
0x6a1: {  	_ =	sfence.sel $0x180000  }
0x6a2: {  	[bflag:$0x0] =	sbarrier.arrive $0xFFFF  }
0x6a3: {  	_ =	strace $0x90000047  }
0x6a4: {  	s31 =	stileid.u32;
	[bflag:$0x2] =	sbarrier.arrive $0xFFFF  }
0x6a5: {  	p0 =	sne.s32 s31, $0x0;
	s0 =	rddreg [dreg:$0x1]  }
0x6a6: {  	s0 =	sadd.s32 @!p0 $0x100000, s0  }
0x6a7: {  	[sflag:s0] =	ssyncadd.tile.s32 @!p0 $0x1;
	_ =	shalt  }
.Lfunc_end2:
_tile_overlayer_lowered:
.L_overlay_start_2:
0x6a8: {  	(tag) =	ssettag $0x2  }
0x6a9: {  	s0 =	rddreg [dreg:$0x0];
	s2 =	stileid.u32  }
0x6aa: {  	s1 =	rddreg [dreg:$0x1];
	p0 =	sne.s32 s2, $0x0  }
0x6ab: {  	s3 =	rddreg [dreg:$0x2];
	[bflag:$0x3] =	sbarrier.arrive $0xFFFF;
	s2 =	simm.s32 @!p0 $0x1C02  }
0x6ac: {  	[timem:s3], [sflag:s2] =	dma.local @!p0 [hbm:s0], s1  }
0x6ad: {  	s0 =	simm.s32 @!p0 $0x2  }
0x6ae: {  	_ =	swait.ge @!p0 [sflag:s0], s1  }
0x6af: {  	s1 =	ssub.s32 @!p0 $0x0, s1;
	[sflag:s0] =	ssyncset.done @!p0 $0x0  }
0x6b0: {  	[sflag:s0] =	ssyncadd.s32 @!p0 s1  }
0x6b1: {  	[bflag:$0x3] =	sbarrier.arrive $0xFFFF  }
0x6b2: {  	_ =	shalt  }

</sc_bundles>
